<compile_context>
chip_gen: v7x
topology: tpu7x:2x2x1
jax: 0.10.2.dev20260603
libtpu: 0.0.44.dev20260713+nightly
codegen_flags: <defaults>
</compile_context>

<pallas_src>
import jax
import jax.numpy as jnp
from jax import lax
from jax.experimental import pallas as pl
from jax.experimental.pallas import tpu as pltpu
from jax.experimental.pallas import tpu_sc as plsc

N = 10000
D = 128
E = 320000
L = 3

NC, NS = 2, 16
NW = NC * NS
EPW = E // NW
CHUNK = 128
NFULL = EPW // CHUNK
TAIL = EPW - NFULL * CHUNK
RPT = 624
RREM = N - NS * RPT

NB = 3
NI = 6
ROWS_BLK = 2000
GRID = N // ROWS_BLK



def _mm_body(x_ref, w_ref, o_ref):
    o_ref[...] = jnp.dot(x_ref[...], w_ref[...],
                         preferred_element_type=jnp.float32)


def _mm(x, w):
    return pl.pallas_call(
        _mm_body,
        grid=(GRID,),
        in_specs=[
            pl.BlockSpec((ROWS_BLK, D), lambda i: (i, 0)),
            pl.BlockSpec((D, D), lambda i: (0, 0)),
        ],
        out_specs=pl.BlockSpec((ROWS_BLK, D), lambda i: (i, 0)),
        out_shape=jax.ShapeDtypeStruct((N, D), jnp.float32),
    )(x, w)



def _gru_math(a0_ref, a1_ref, h_ref, wih_ref, whh_ref, bih_ref, bhh_ref):
    agg = a0_ref[...] + a1_ref[...]
    h = h_ref[...]
    gi = jnp.dot(agg, wih_ref[...], preferred_element_type=jnp.float32)
    gi = gi + bih_ref[...]
    gh = jnp.dot(h, whh_ref[...], preferred_element_type=jnp.float32)
    gh = gh + bhh_ref[...]
    r = jax.nn.sigmoid(gi[:, :D] + gh[:, :D])
    z = jax.nn.sigmoid(gi[:, D:2 * D] + gh[:, D:2 * D])
    n = jnp.tanh(gi[:, 2 * D:] + r * gh[:, 2 * D:])
    return (1.0 - z) * n + z * h


def _gru_body(a0_ref, a1_ref, h_ref, wih_ref, whh_ref, bih_ref, bhh_ref,
              o_ref):
    o_ref[...] = _gru_math(a0_ref, a1_ref, h_ref, wih_ref, whh_ref,
                           bih_ref, bhh_ref)


def _gru_mm_body(a0_ref, a1_ref, h_ref, wih_ref, whh_ref, bih_ref,
                 bhh_ref, wn_ref, o_ref, m_ref):
    hnew = _gru_math(a0_ref, a1_ref, h_ref, wih_ref, whh_ref, bih_ref,
                     bhh_ref)
    o_ref[...] = hnew
    m_ref[...] = jnp.dot(hnew, wn_ref[...],
                         preferred_element_type=jnp.float32)


_ROW_SPECS = [
    pl.BlockSpec((ROWS_BLK, D), lambda i: (i, 0)),
    pl.BlockSpec((ROWS_BLK, D), lambda i: (i, 0)),
    pl.BlockSpec((ROWS_BLK, D), lambda i: (i, 0)),
    pl.BlockSpec((D, 3 * D), lambda i: (0, 0)),
    pl.BlockSpec((D, 3 * D), lambda i: (0, 0)),
    pl.BlockSpec((1, 3 * D), lambda i: (0, 0)),
    pl.BlockSpec((1, 3 * D), lambda i: (0, 0)),
]


def _gru(a0, a1, h, wihT, whhT, bih, bhh):
    return pl.pallas_call(
        _gru_body,
        grid=(GRID,),
        in_specs=list(_ROW_SPECS),
        out_specs=pl.BlockSpec((ROWS_BLK, D), lambda i: (i, 0)),
        out_shape=jax.ShapeDtypeStruct((N, D), jnp.float32),
    )(a0, a1, h, wihT, whhT, bih, bhh)


def _gru_mm(a0, a1, h, wihT, whhT, bih, bhh, wnext):
    return pl.pallas_call(
        _gru_mm_body,
        grid=(GRID,),
        in_specs=list(_ROW_SPECS) + [pl.BlockSpec((D, D), lambda i: (0, 0))],
        out_specs=[
            pl.BlockSpec((ROWS_BLK, D), lambda i: (i, 0)),
            pl.BlockSpec((ROWS_BLK, D), lambda i: (i, 0)),
        ],
        out_shape=[
            jax.ShapeDtypeStruct((N, D), jnp.float32),
            jax.ShapeDtypeStruct((N, D), jnp.float32),
        ],
    )(a0, a1, h, wihT, whhT, bih, bhh, wnext)



def _sc_body(m_hbm, idx_hbm, idxt_hbm, zeros_hbm, out_hbm,
             agg_sh, idx0, idx1, idx2, idx3, idx4, idx5, idxt,
             rows0, rows1, rows2,
             isem0, isem1, isem2, isem3, isem4, isem5,
             gsem0, gsem1, gsem2, ssem0, ssem1, ssem2):
    cid = lax.axis_index("c")
    sid = lax.axis_index("s")
    w = cid * NS + sid

    pltpu.sync_copy(zeros_hbm.at[pl.ds(sid * RPT, RPT)],
                    agg_sh.at[pl.ds(sid * RPT, RPT)])

    @pl.when(sid == NS - 1)
    def _():
        pltpu.sync_copy(zeros_hbm.at[pl.ds(NS * RPT, RREM)],
                        agg_sh.at[pl.ds(NS * RPT, RREM)])

    plsc.subcore_barrier()

    idx = (idx0, idx1, idx2, idx3, idx4, idx5)
    isem = (isem0, isem1, isem2, isem3, isem4, isem5)
    rows = (rows0, rows1, rows2)
    gsem = (gsem0, gsem1, gsem2)
    ssem = (ssem0, ssem1, ssem2)

    def fire_idx(j, ib):
        pltpu.async_copy(idx_hbm.at[w, j], idx[ib], isem[ib])

    def wait_idx(ib):
        pltpu.make_async_copy(idx_hbm.at[w, 0], idx[ib], isem[ib]).wait()

    def fire_gather(j, ib, rb):
        pltpu.async_copy(m_hbm.at[idx[ib].at[0]], rows[rb], gsem[rb])

    def wait_gather(ib, rb):
        pltpu.make_async_copy(m_hbm.at[idx[ib].at[0]], rows[rb],
                              gsem[rb]).wait()

    def fire_scatter(ib, rb):
        pltpu.async_copy(rows[rb], agg_sh.at[idx[ib].at[1]], ssem[rb],
                         add=True)

    def wait_scatter(ib, rb):
        pltpu.make_async_copy(rows[rb], agg_sh.at[idx[ib].at[1]],
                              ssem[rb]).wait()

    for b in range(4):
        fire_idx(b, b)
    wait_idx(0)
    fire_gather(0, 0, 0)
    wait_idx(1)
    fire_gather(1, 1, 1)

    def step6(t, carry):
        j6 = 6 * t
        for b in range(6):
            j = j6 + b
            rb = b % NB
            wait_gather(b, rb)
            fire_scatter(b, rb)

            @pl.when(j >= 1)
            def _():
                wait_scatter((b - 1) % NI, (b - 1) % NB)

            @pl.when(j + 4 < NFULL)
            def _():
                fire_idx(j + 4, (b + 4) % NI)

            @pl.when(j + 2 < NFULL)
            def _():
                wait_idx((b + 2) % NI)
                fire_gather(j + 2, (b + 2) % NI, (b + 2) % NB)
        return carry

    lax.fori_loop(0, NFULL // 6, step6, 0)

    wait_scatter((NFULL - 1) % NI, (NFULL - 1) % NB)

    rows_t = rows0.at[pl.ds(0, TAIL)]
    pltpu.sync_copy(idxt_hbm.at[w], idxt)
    pltpu.async_copy(m_hbm.at[idxt.at[0]], rows_t, gsem0).wait()
    pltpu.sync_copy(rows_t, agg_sh.at[idxt.at[1]], add=True)

    plsc.subcore_barrier()
    pltpu.sync_copy(agg_sh.at[pl.ds(sid * RPT, RPT)],
                    out_hbm.at[cid, pl.ds(sid * RPT, RPT)])

    @pl.when(sid == NS - 1)
    def _():
        pltpu.sync_copy(agg_sh.at[pl.ds(NS * RPT, RREM)],
                        out_hbm.at[cid, pl.ds(NS * RPT, RREM)])


_SC_CACHE = {}


def _sc_segsum_call():
    if "k" not in _SC_CACHE:
        _SC_CACHE["k"] = pl.kernel(
            _sc_body,
            out_type=jax.ShapeDtypeStruct((NC, N, D), jnp.float32),
            mesh=plsc.VectorSubcoreMesh(core_axis_name="c",
                                        subcore_axis_name="s",
                                        num_cores=NC, num_subcores=NS),
            scratch_types=[
                pltpu.VMEM_SHARED((N, D), jnp.float32),
                pltpu.VMEM((2, CHUNK), jnp.int32),
                pltpu.VMEM((2, CHUNK), jnp.int32),
                pltpu.VMEM((2, CHUNK), jnp.int32),
                pltpu.VMEM((2, CHUNK), jnp.int32),
                pltpu.VMEM((2, CHUNK), jnp.int32),
                pltpu.VMEM((2, CHUNK), jnp.int32),
                pltpu.VMEM((2, TAIL), jnp.int32),
                pltpu.VMEM((CHUNK, D), jnp.float32),
                pltpu.VMEM((CHUNK, D), jnp.float32),
                pltpu.VMEM((CHUNK, D), jnp.float32),
                pltpu.SemaphoreType.DMA,
                pltpu.SemaphoreType.DMA,
                pltpu.SemaphoreType.DMA,
                pltpu.SemaphoreType.DMA,
                pltpu.SemaphoreType.DMA,
                pltpu.SemaphoreType.DMA,
                pltpu.SemaphoreType.DMA,
                pltpu.SemaphoreType.DMA,
                pltpu.SemaphoreType.DMA,
                pltpu.SemaphoreType.DMA,
                pltpu.SemaphoreType.DMA,
                pltpu.SemaphoreType.DMA,
            ],
        )
    return _SC_CACHE["k"]


def kernel(x_encoded, edge_index, mapping_idx, weight, w_ih, w_hh, b_ih,
           b_hh):
    del mapping_idx
    src = edge_index[0].reshape(NW, EPW)
    dst = edge_index[1].reshape(NW, EPW)
    idx_main = jnp.stack(
        [src[:, :NFULL * CHUNK].reshape(NW, NFULL, CHUNK),
         dst[:, :NFULL * CHUNK].reshape(NW, NFULL, CHUNK)], axis=2)
    idx_tail = jnp.stack([src[:, NFULL * CHUNK:], dst[:, NFULL * CHUNK:]],
                         axis=1)

    wihT = w_ih.T
    whhT = w_hh.T
    bih = b_ih.reshape(1, 3 * D)
    bhh = b_hh.reshape(1, 3 * D)
    zeros = jnp.zeros((N, D), jnp.float32)

    h = x_encoded
    m = _mm(h, weight[0])
    for i in range(L):
        parts = _sc_segsum_call()(m, idx_main, idx_tail, zeros)
        if i + 1 < L:
            h, m = _gru_mm(parts[0], parts[1], h, wihT, whhT, bih, bhh,
                           weight[i + 1])
        else:
            h = _gru(parts[0], parts[1], h, wihT, whhT, bih, bhh)
    return h

# --- scband reference (transcript-rebuilt; emitter-appended) ---
"""Pipeline reference for scband-gloryserver-25494925869146 (READ-ONLY COPY).

The authoritative reference and input builder live on the scoring server;
editing this copy changes nothing except your own understanding.
"""

import jax, jax.numpy as jnp
import numpy as np

N = 10000
E = 320000
D = 128  # news_dim = head_num * head_dim = 16 * 8
L = 3    # GatedGraphConv num_layers


def setup_inputs(seed: int = 0) -> dict:
    key = jax.random.key(seed)
    ks = jax.random.split(key, 8)
    x_encoded = jax.random.normal(ks[0], (N, D), dtype=jnp.float32)
    edge_index = jax.random.randint(ks[1], (2, E), 0, N, dtype=jnp.int32)
    mapping_idx = jax.random.randint(ks[2], (N,), 0, N, dtype=jnp.int32)
    # GatedGraphConv parameters
    weight = jax.random.normal(ks[3], (L, D, D), dtype=jnp.float32) * (1.0 / np.sqrt(D))
    # GRUCell parameters (torch layout: [3*hidden, in] with gate order r, z, n)
    w_ih = jax.random.normal(ks[4], (3 * D, D), dtype=jnp.float32) * (1.0 / np.sqrt(D))
    w_hh = jax.random.normal(ks[5], (3 * D, D), dtype=jnp.float32) * (1.0 / np.sqrt(D))
    b_ih = jnp.zeros((3 * D,), dtype=jnp.float32)
    b_hh = jnp.zeros((3 * D,), dtype=jnp.float32)
    return {
        "x_encoded": x_encoded,
        "edge_index": edge_index,
        "mapping_idx": mapping_idx,
        "weight": weight,
        "w_ih": w_ih,
        "w_hh": w_hh,
        "b_ih": b_ih,
        "b_hh": b_hh,
    }


def _gru_cell(m, h, w_ih, w_hh, b_ih, b_hh):
    gi = m @ w_ih.T + b_ih
    gh = h @ w_hh.T + b_hh
    i_r, i_z, i_n = jnp.split(gi, 3, axis=-1)
    h_r, h_z, h_n = jnp.split(gh, 3, axis=-1)
    r = jax.nn.sigmoid(i_r + h_r)
    z = jax.nn.sigmoid(i_z + h_z)
    n = jnp.tanh(i_n + r * h_n)
    return (1.0 - z) * n + z * h


def reference(x_encoded, edge_index, mapping_idx, weight, w_ih, w_hh, b_ih, b_hh):
    # GatedGraphConv(out_channels=D, num_layers=3, aggr='add')
    # PyG flow source_to_target: x_j = x[edge_index[0]], aggregate at edge_index[1]
    src = edge_index[0]
    dst = edge_index[1]
    h = x_encoded  # in_channels == out_channels, no zero-padding needed
    for i in range(L):
        m = h @ weight[i]
        agg = jax.ops.segment_sum(m[src], dst, num_segments=N)
        h = _gru_cell(agg, h, w_ih, w_hh, b_ih, b_hh)
    graph_emb = h
    return graph_emb

if __name__ == "__main__":
    import jax
    _d = setup_inputs()
    print(jax.jit(kernel)(*tuple(_d.values())))

</pallas_src>

<mosaic_0001>
#map = affine_map<(d0, d1) -> (0, 0)>
#map1 = affine_map<(d0, d1) -> (0, 0, 0, 0)>
#map2 = affine_map<(d0, d1) -> (0, 0, 0)>
module attributes {stable_mosaic.version = 14 : i64} {
  func.func @_sc_body(%arg0: i32, %arg1: i32, %arg2: memref<10000x128xf32, #tpu.memory_space<hbm>>, %arg3: memref<32x78x2x128xi32, #tpu.memory_space<hbm>>, %arg4: memref<32x2x16xi32, #tpu.memory_space<hbm>>, %arg5: memref<10000x128xf32, #tpu.memory_space<hbm>>, %arg6: memref<2x10000x128xf32, #tpu.memory_space<hbm>>, %arg7: memref<10000x128xf32, #tpu.memory_space<vmem_shared>>, %arg8: memref<2x128xi32, #tpu.memory_space<vmem>>, %arg9: memref<2x128xi32, #tpu.memory_space<vmem>>, %arg10: memref<2x128xi32, #tpu.memory_space<vmem>>, %arg11: memref<2x128xi32, #tpu.memory_space<vmem>>, %arg12: memref<2x128xi32, #tpu.memory_space<vmem>>, %arg13: memref<2x128xi32, #tpu.memory_space<vmem>>, %arg14: memref<2x16xi32, #tpu.memory_space<vmem>>, %arg15: memref<128x128xf32, #tpu.memory_space<vmem>>, %arg16: memref<128x128xf32, #tpu.memory_space<vmem>>, %arg17: memref<128x128xf32, #tpu.memory_space<vmem>>, %arg18: memref<!tpu.dma_semaphore, #tpu.memory_space<semaphore_mem>>, %arg19: memref<!tpu.dma_semaphore, #tpu.memory_space<semaphore_mem>>, %arg20: memref<!tpu.dma_semaphore, #tpu.memory_space<semaphore_mem>>, %arg21: memref<!tpu.dma_semaphore, #tpu.memory_space<semaphore_mem>>, %arg22: memref<!tpu.dma_semaphore, #tpu.memory_space<semaphore_mem>>, %arg23: memref<!tpu.dma_semaphore, #tpu.memory_space<semaphore_mem>>, %arg24: memref<!tpu.dma_semaphore, #tpu.memory_space<semaphore_mem>>, %arg25: memref<!tpu.dma_semaphore, #tpu.memory_space<semaphore_mem>>, %arg26: memref<!tpu.dma_semaphore, #tpu.memory_space<semaphore_mem>>, %arg27: memref<!tpu.dma_semaphore, #tpu.memory_space<semaphore_mem>>, %arg28: memref<!tpu.dma_semaphore, #tpu.memory_space<semaphore_mem>>, %arg29: memref<!tpu.dma_semaphore, #tpu.memory_space<semaphore_mem>>) attributes {dimension_semantics = [#tpu.dimension_semantics<core_parallel>, #tpu.dimension_semantics<subcore_parallel>], iteration_bounds = array<i64: 2, 16>, scalar_prefetch = 0 : i64, scratch_operands = 23 : i64, tpu.core_type = #tpu.core_type<sc_vector_subcore>, window_params = [{transform_indices = #map}, {transform_indices = #map1}, {transform_indices = #map2}, {transform_indices = #map}, {transform_indices = #map2}]} {
    %mul3A = arith.constant 16 : i32
    %mul3A_0 = arith.muli %arg0, %mul3A : i32
    %add3A = arith.addi %mul3A_0, %arg1 : i32
    %mul3A_1 = arith.constant 624 : i32
    %mul3A_2 = arith.muli %arg1, %mul3A_1 : i32
    %mul3A_3 = arith.constant 624 : i32
    %mul3A_4 = arith.muli %arg1, %mul3A_3 : i32
    "tpu.region"() ({
      %run_scoped3A_115 = tpu.sem_alloc : memref<!tpu.dma_semaphore, #tpu.memory_space<semaphore_mem>>
      %dma_start3A_116 = arith.constant 0 : i32
      %dma_start3A_117 = tpu.memref_slice %arg7[%mul3A_4, %dma_start3A_116] : memref<10000x128xf32, #tpu.memory_space<vmem_shared>> -> memref<624x128xf32, #tpu.memory_space<vmem_shared>>
      %dma_start3A_118 = arith.constant 0 : i32
      %dma_start3A_119 = tpu.memref_slice %arg5[%mul3A_2, %dma_start3A_118] : memref<10000x128xf32, #tpu.memory_space<hbm>> -> memref<624x128xf32, #tpu.memory_space<hbm>>
      tpu.enqueue_dma source(%dma_start3A_119 : memref<624x128xf32, #tpu.memory_space<hbm>>) target(%dma_start3A_117 : memref<624x128xf32, #tpu.memory_space<vmem_shared>>) target_semaphore(%run_scoped3A_115 : memref<!tpu.dma_semaphore, #tpu.memory_space<semaphore_mem>>)
      %dma_wait3A_120 = arith.constant 0 : i32
      %dma_wait3A_121 = tpu.memref_slice %arg7[%mul3A_4, %dma_wait3A_120] : memref<10000x128xf32, #tpu.memory_space<vmem_shared>> -> memref<624x128xf32, #tpu.memory_space<vmem_shared>>
      %dma_wait3A_122 = arith.constant 0 : i32
      %dma_wait3A_123 = tpu.memref_slice %arg5[%mul3A_2, %dma_wait3A_122] : memref<10000x128xf32, #tpu.memory_space<hbm>> -> memref<624x128xf32, #tpu.memory_space<hbm>>
      tpu.wait_dma2 semaphore(%run_scoped3A_115 : memref<!tpu.dma_semaphore, #tpu.memory_space<semaphore_mem>>) src(%dma_wait3A_123 : memref<624x128xf32, #tpu.memory_space<hbm>>) dst(%dma_wait3A_121 : memref<624x128xf32, #tpu.memory_space<vmem_shared>>)
      tpu.yield
    }) : () -> ()
    %eq3A = arith.constant 15 : i32
    %eq3A_5 = arith.cmpi eq, %arg1, %eq3A : i32
    %convert_element_type3A = arith.extui %eq3A_5 : i1 to i32
    %cond3A = arith.constant 0 : i32
    %cond3A_6 = arith.cmpi ne, %convert_element_type3A, %cond3A : i32
    scf.if %cond3A_6 {
      "tpu.region"() ({
        %run_scoped3A_115 = tpu.sem_alloc : memref<!tpu.dma_semaphore, #tpu.memory_space<semaphore_mem>>
        %dma_start3A_116 = arith.constant 9984 : i32
        %dma_start3A_117 = arith.constant 0 : i32
        %dma_start3A_118 = tpu.memref_slice %arg7[%dma_start3A_116, %dma_start3A_117] : memref<10000x128xf32, #tpu.memory_space<vmem_shared>> -> memref<16x128xf32, #tpu.memory_space<vmem_shared>>
        %dma_start3A_119 = arith.constant 9984 : i32
        %dma_start3A_120 = arith.constant 0 : i32
        %dma_start3A_121 = tpu.memref_slice %arg5[%dma_start3A_119, %dma_start3A_120] : memref<10000x128xf32, #tpu.memory_space<hbm>> -> memref<16x128xf32, #tpu.memory_space<hbm>>
        tpu.enqueue_dma source(%dma_start3A_121 : memref<16x128xf32, #tpu.memory_space<hbm>>) target(%dma_start3A_118 : memref<16x128xf32, #tpu.memory_space<vmem_shared>>) target_semaphore(%run_scoped3A_115 : memref<!tpu.dma_semaphore, #tpu.memory_space<semaphore_mem>>)
        %dma_wait3A_122 = arith.constant 9984 : i32
        %dma_wait3A_123 = arith.constant 0 : i32
        %dma_wait3A_124 = tpu.memref_slice %arg7[%dma_wait3A_122, %dma_wait3A_123] : memref<10000x128xf32, #tpu.memory_space<vmem_shared>> -> memref<16x128xf32, #tpu.memory_space<vmem_shared>>
        %dma_wait3A_125 = arith.constant 9984 : i32
        %dma_wait3A_126 = arith.constant 0 : i32
        %dma_wait3A_127 = tpu.memref_slice %arg5[%dma_wait3A_125, %dma_wait3A_126] : memref<10000x128xf32, #tpu.memory_space<hbm>> -> memref<16x128xf32, #tpu.memory_space<hbm>>
        tpu.wait_dma2 semaphore(%run_scoped3A_115 : memref<!tpu.dma_semaphore, #tpu.memory_space<semaphore_mem>>) src(%dma_wait3A_127 : memref<16x128xf32, #tpu.memory_space<hbm>>) dst(%dma_wait3A_124 : memref<16x128xf32, #tpu.memory_space<vmem_shared>>)
        tpu.yield
      }) : () -> ()
    } else {
    }
    %barrier3A = arith.constant 0 : index
    tpu.barrier barrier_id(%barrier3A)
    %dma_start3A = arith.constant 0 : i32
    %dma_start3A_7 = arith.constant 0 : i32
    %dma_start3A_8 = arith.constant 0 : i32
    %dma_start3A_9 = tpu.memref_slice %arg3[%add3A, %dma_start3A, %dma_start3A_7, %dma_start3A_8] : memref<32x78x2x128xi32, #tpu.memory_space<hbm>> -> memref<1x1x2x128xi32, #tpu.memory_space<hbm>>
    %dma_start3A_10 = tpu.memref_squeeze %dma_start3A_9 : memref<1x1x2x128xi32, #tpu.memory_space<hbm>> -> memref<2x128xi32, #tpu.memory_space<hbm>>
    %dma_start3A_11 = arith.constant 0 : i32
    %dma_start3A_12 = arith.constant 0 : i32
    %dma_start3A_13 = tpu.memref_slice %arg3[%add3A, %dma_start3A, %dma_start3A_11, %dma_start3A_12] : memref<32x78x2x128xi32, #tpu.memory_space<hbm>> -> memref<1x1x2x128xi32, #tpu.memory_space<hbm>>
    %dma_start3A_14 = tpu.memref_squeeze %dma_start3A_13 : memref<1x1x2x128xi32, #tpu.memory_space<hbm>> -> memref<2x128xi32, #tpu.memory_space<hbm>>
    tpu.enqueue_dma source(%dma_start3A_14 : memref<2x128xi32, #tpu.memory_space<hbm>>) target(%arg8 : memref<2x128xi32, #tpu.memory_space<vmem>>) target_semaphore(%arg18 : memref<!tpu.dma_semaphore, #tpu.memory_space<semaphore_mem>>)
    %dma_start3A_15 = arith.constant 1 : i32
    %dma_start3A_16 = arith.constant 0 : i32
    %dma_start3A_17 = arith.constant 0 : i32
    %dma_start3A_18 = tpu.memref_slice %arg3[%add3A, %dma_start3A_15, %dma_start3A_16, %dma_start3A_17] : memref<32x78x2x128xi32, #tpu.memory_space<hbm>> -> memref<1x1x2x128xi32, #tpu.memory_space<hbm>>
    %dma_start3A_19 = tpu.memref_squeeze %dma_start3A_18 : memref<1x1x2x128xi32, #tpu.memory_space<hbm>> -> memref<2x128xi32, #tpu.memory_space<hbm>>
    %dma_start3A_20 = arith.constant 0 : i32
    %dma_start3A_21 = arith.constant 0 : i32
    %dma_start3A_22 = tpu.memref_slice %arg3[%add3A, %dma_start3A_15, %dma_start3A_20, %dma_start3A_21] : memref<32x78x2x128xi32, #tpu.memory_space<hbm>> -> memref<1x1x2x128xi32, #tpu.memory_space<hbm>>
    %dma_start3A_23 = tpu.memref_squeeze %dma_start3A_22 : memref<1x1x2x128xi32, #tpu.memory_space<hbm>> -> memref<2x128xi32, #tpu.memory_space<hbm>>
    tpu.enqueue_dma source(%dma_start3A_23 : memref<2x128xi32, #tpu.memory_space<hbm>>) target(%arg9 : memref<2x128xi32, #tpu.memory_space<vmem>>) target_semaphore(%arg19 : memref<!tpu.dma_semaphore, #tpu.memory_space<semaphore_mem>>)
    %dma_start3A_24 = arith.constant 2 : i32
    %dma_start3A_25 = arith.constant 0 : i32
    %dma_start3A_26 = arith.constant 0 : i32
    %dma_start3A_27 = tpu.memref_slice %arg3[%add3A, %dma_start3A_24, %dma_start3A_25, %dma_start3A_26] : memref<32x78x2x128xi32, #tpu.memory_space<hbm>> -> memref<1x1x2x128xi32, #tpu.memory_space<hbm>>
    %dma_start3A_28 = tpu.memref_squeeze %dma_start3A_27 : memref<1x1x2x128xi32, #tpu.memory_space<hbm>> -> memref<2x128xi32, #tpu.memory_space<hbm>>
    %dma_start3A_29 = arith.constant 0 : i32
    %dma_start3A_30 = arith.constant 0 : i32
    %dma_start3A_31 = tpu.memref_slice %arg3[%add3A, %dma_start3A_24, %dma_start3A_29, %dma_start3A_30] : memref<32x78x2x128xi32, #tpu.memory_space<hbm>> -> memref<1x1x2x128xi32, #tpu.memory_space<hbm>>
    %dma_start3A_32 = tpu.memref_squeeze %dma_start3A_31 : memref<1x1x2x128xi32, #tpu.memory_space<hbm>> -> memref<2x128xi32, #tpu.memory_space<hbm>>
    tpu.enqueue_dma source(%dma_start3A_32 : memref<2x128xi32, #tpu.memory_space<hbm>>) target(%arg10 : memref<2x128xi32, #tpu.memory_space<vmem>>) target_semaphore(%arg20 : memref<!tpu.dma_semaphore, #tpu.memory_space<semaphore_mem>>)
    %dma_start3A_33 = arith.constant 3 : i32
    %dma_start3A_34 = arith.constant 0 : i32
    %dma_start3A_35 = arith.constant 0 : i32
    %dma_start3A_36 = tpu.memref_slice %arg3[%add3A, %dma_start3A_33, %dma_start3A_34, %dma_start3A_35] : memref<32x78x2x128xi32, #tpu.memory_space<hbm>> -> memref<1x1x2x128xi32, #tpu.memory_space<hbm>>
    %dma_start3A_37 = tpu.memref_squeeze %dma_start3A_36 : memref<1x1x2x128xi32, #tpu.memory_space<hbm>> -> memref<2x128xi32, #tpu.memory_space<hbm>>
    %dma_start3A_38 = arith.constant 0 : i32
    %dma_start3A_39 = arith.constant 0 : i32
    %dma_start3A_40 = tpu.memref_slice %arg3[%add3A, %dma_start3A_33, %dma_start3A_38, %dma_start3A_39] : memref<32x78x2x128xi32, #tpu.memory_space<hbm>> -> memref<1x1x2x128xi32, #tpu.memory_space<hbm>>
    %dma_start3A_41 = tpu.memref_squeeze %dma_start3A_40 : memref<1x1x2x128xi32, #tpu.memory_space<hbm>> -> memref<2x128xi32, #tpu.memory_space<hbm>>
    tpu.enqueue_dma source(%dma_start3A_41 : memref<2x128xi32, #tpu.memory_space<hbm>>) target(%arg11 : memref<2x128xi32, #tpu.memory_space<vmem>>) target_semaphore(%arg21 : memref<!tpu.dma_semaphore, #tpu.memory_space<semaphore_mem>>)
    %dma_wait3A = arith.constant 0 : i32
    %dma_wait3A_42 = arith.constant 0 : i32
    %dma_wait3A_43 = arith.constant 0 : i32
    %dma_wait3A_44 = tpu.memref_slice %arg3[%add3A, %dma_wait3A, %dma_wait3A_42, %dma_wait3A_43] : memref<32x78x2x128xi32, #tpu.memory_space<hbm>> -> memref<1x1x2x128xi32, #tpu.memory_space<hbm>>
    %dma_wait3A_45 = tpu.memref_squeeze %dma_wait3A_44 : memref<1x1x2x128xi32, #tpu.memory_space<hbm>> -> memref<2x128xi32, #tpu.memory_space<hbm>>
    %dma_wait3A_46 = arith.constant 0 : i32
    %dma_wait3A_47 = arith.constant 0 : i32
    %dma_wait3A_48 = tpu.memref_slice %arg3[%add3A, %dma_wait3A, %dma_wait3A_46, %dma_wait3A_47] : memref<32x78x2x128xi32, #tpu.memory_space<hbm>> -> memref<1x1x2x128xi32, #tpu.memory_space<hbm>>
    %dma_wait3A_49 = tpu.memref_squeeze %dma_wait3A_48 : memref<1x1x2x128xi32, #tpu.memory_space<hbm>> -> memref<2x128xi32, #tpu.memory_space<hbm>>
    tpu.wait_dma2 semaphore(%arg18 : memref<!tpu.dma_semaphore, #tpu.memory_space<semaphore_mem>>) src(%dma_wait3A_49 : memref<2x128xi32, #tpu.memory_space<hbm>>) dst(%arg8 : memref<2x128xi32, #tpu.memory_space<vmem>>)
    %dma_start3A_50 = arith.constant 0 : i32
    %dma_start3A_51 = arith.constant 0 : i32
    %dma_start3A_52 = tpu.memref_slice %arg8[%dma_start3A_50, %dma_start3A_51] : memref<2x128xi32, #tpu.memory_space<vmem>> -> memref<1x128xi32, #tpu.memory_space<vmem>>
    %dma_start3A_53 = tpu.memref_squeeze %dma_start3A_52 : memref<1x128xi32, #tpu.memory_space<vmem>> -> memref<128xi32, #tpu.memory_space<vmem>>
    %dma_start3A_54 = arith.constant 0 : i32
    %dma_start3A_55 = arith.constant 0 : i32
    %dma_start3A_56 = tpu.memref_slice %arg2[%dma_start3A_54, %dma_start3A_55] : memref<10000x128xf32, #tpu.memory_space<hbm>> -> memref<10000x128xf32, #tpu.memory_space<hbm>>
    tpu.enqueue_indirect_dma source(%dma_start3A_56 : memref<10000x128xf32, #tpu.memory_space<hbm>>) target(%arg15 : memref<128x128xf32, #tpu.memory_space<vmem>>) offsets(%dma_start3A_53 : memref<128xi32, #tpu.memory_space<vmem>>) semaphore(%arg24 : memref<!tpu.dma_semaphore, #tpu.memory_space<semaphore_mem>>)
    %dma_wait3A_57 = arith.constant 0 : i32
    %dma_wait3A_58 = arith.constant 0 : i32
    %dma_wait3A_59 = arith.constant 0 : i32
    %dma_wait3A_60 = tpu.memref_slice %arg3[%add3A, %dma_wait3A_57, %dma_wait3A_58, %dma_wait3A_59] : memref<32x78x2x128xi32, #tpu.memory_space<hbm>> -> memref<1x1x2x128xi32, #tpu.memory_space<hbm>>
    %dma_wait3A_61 = tpu.memref_squeeze %dma_wait3A_60 : memref<1x1x2x128xi32, #tpu.memory_space<hbm>> -> memref<2x128xi32, #tpu.memory_space<hbm>>
    %dma_wait3A_62 = arith.constant 0 : i32
    %dma_wait3A_63 = arith.constant 0 : i32
    %dma_wait3A_64 = tpu.memref_slice %arg3[%add3A, %dma_wait3A_57, %dma_wait3A_62, %dma_wait3A_63] : memref<32x78x2x128xi32, #tpu.memory_space<hbm>> -> memref<1x1x2x128xi32, #tpu.memory_space<hbm>>
    %dma_wait3A_65 = tpu.memref_squeeze %dma_wait3A_64 : memref<1x1x2x128xi32, #tpu.memory_space<hbm>> -> memref<2x128xi32, #tpu.memory_space<hbm>>
    tpu.wait_dma2 semaphore(%arg19 : memref<!tpu.dma_semaphore, #tpu.memory_space<semaphore_mem>>) src(%dma_wait3A_65 : memref<2x128xi32, #tpu.memory_space<hbm>>) dst(%arg9 : memref<2x128xi32, #tpu.memory_space<vmem>>)
    %dma_start3A_66 = arith.constant 0 : i32
    %dma_start3A_67 = arith.constant 0 : i32
    %dma_start3A_68 = tpu.memref_slice %arg9[%dma_start3A_66, %dma_start3A_67] : memref<2x128xi32, #tpu.memory_space<vmem>> -> memref<1x128xi32, #tpu.memory_space<vmem>>
    %dma_start3A_69 = tpu.memref_squeeze %dma_start3A_68 : memref<1x128xi32, #tpu.memory_space<vmem>> -> memref<128xi32, #tpu.memory_space<vmem>>
    %dma_start3A_70 = arith.constant 0 : i32
    %dma_start3A_71 = arith.constant 0 : i32
    %dma_start3A_72 = tpu.memref_slice %arg2[%dma_start3A_70, %dma_start3A_71] : memref<10000x128xf32, #tpu.memory_space<hbm>> -> memref<10000x128xf32, #tpu.memory_space<hbm>>
    tpu.enqueue_indirect_dma source(%dma_start3A_72 : memref<10000x128xf32, #tpu.memory_space<hbm>>) target(%arg16 : memref<128x128xf32, #tpu.memory_space<vmem>>) offsets(%dma_start3A_69 : memref<128xi32, #tpu.memory_space<vmem>>) semaphore(%arg25 : memref<!tpu.dma_semaphore, #tpu.memory_space<semaphore_mem>>)
    %scan3A = arith.constant 0 : i32
    %scan3A_73 = arith.constant 0 : i32
    %scan3A_74 = arith.constant 13 : i32
    %scan3A_75 = arith.addi %scan3A_73, %scan3A_74 : i32
    %scan3A_76 = arith.constant 1 : i32
    scf.for %scan3A_115 = %scan3A_73 to %scan3A_75 step %scan3A_76  : i32 {
      %mul3A_116 = arith.constant 6 : i32
      %mul3A_117 = arith.muli %mul3A_116, %scan3A_115 : i32
      %add3A_118 = arith.constant 0 : i32
      %add3A_119 = arith.addi %mul3A_117, %add3A_118 : i32
      %dma_wait3A_120 = arith.constant 0 : i32
      %dma_wait3A_121 = arith.constant 0 : i32
      %dma_wait3A_122 = tpu.memref_slice %arg8[%dma_wait3A_120, %dma_wait3A_121] : memref<2x128xi32, #tpu.memory_space<vmem>> -> memref<1x128xi32, #tpu.memory_space<vmem>>
      %dma_wait3A_123 = tpu.memref_squeeze %dma_wait3A_122 : memref<1x128xi32, #tpu.memory_space<vmem>> -> memref<128xi32, #tpu.memory_space<vmem>>
      %dma_wait3A_124 = arith.constant 0 : i32
      %dma_wait3A_125 = arith.constant 0 : i32
      %dma_wait3A_126 = tpu.memref_slice %arg2[%dma_wait3A_124, %dma_wait3A_125] : memref<10000x128xf32, #tpu.memory_space<hbm>> -> memref<10000x128xf32, #tpu.memory_space<hbm>>
      tpu.wait_indirect_dma semaphore(%arg24 : memref<!tpu.dma_semaphore, #tpu.memory_space<semaphore_mem>>) src(%dma_wait3A_126 : memref<10000x128xf32, #tpu.memory_space<hbm>>) dst(%arg15 : memref<128x128xf32, #tpu.memory_space<vmem>>)
      %dma_start3A_127 = arith.constant 1 : i32
      %dma_start3A_128 = arith.constant 0 : i32
      %dma_start3A_129 = tpu.memref_slice %arg8[%dma_start3A_127, %dma_start3A_128] : memref<2x128xi32, #tpu.memory_space<vmem>> -> memref<1x128xi32, #tpu.memory_space<vmem>>
      %dma_start3A_130 = tpu.memref_squeeze %dma_start3A_129 : memref<1x128xi32, #tpu.memory_space<vmem>> -> memref<128xi32, #tpu.memory_space<vmem>>
      %dma_start3A_131 = arith.constant 0 : i32
      %dma_start3A_132 = arith.constant 0 : i32
      %dma_start3A_133 = tpu.memref_slice %arg7[%dma_start3A_131, %dma_start3A_132] : memref<10000x128xf32, #tpu.memory_space<vmem_shared>> -> memref<10000x128xf32, #tpu.memory_space<vmem_shared>>
      tpu.enqueue_indirect_dma source(%arg15 : memref<128x128xf32, #tpu.memory_space<vmem>>) target(%dma_start3A_133 : memref<10000x128xf32, #tpu.memory_space<vmem_shared>>) offsets(%dma_start3A_130 : memref<128xi32, #tpu.memory_space<vmem>>) semaphore(%arg27 : memref<!tpu.dma_semaphore, #tpu.memory_space<semaphore_mem>>) {add = true}
      %ge3A = arith.constant 1 : i32
      %ge3A_134 = arith.cmpi sge, %add3A_119, %ge3A : i32
      %convert_element_type3A_135 = arith.extui %ge3A_134 : i1 to i32
      %cond3A_136 = arith.constant 0 : i32
      %cond3A_137 = arith.cmpi ne, %convert_element_type3A_135, %cond3A_136 : i32
      scf.if %cond3A_137 {
        %dma_wait3A_326 = arith.constant 1 : i32
        %dma_wait3A_327 = arith.constant 0 : i32
        %dma_wait3A_328 = tpu.memref_slice %arg13[%dma_wait3A_326, %dma_wait3A_327] : memref<2x128xi32, #tpu.memory_space<vmem>> -> memref<1x128xi32, #tpu.memory_space<vmem>>
        %dma_wait3A_329 = tpu.memref_squeeze %dma_wait3A_328 : memref<1x128xi32, #tpu.memory_space<vmem>> -> memref<128xi32, #tpu.memory_space<vmem>>
        %dma_wait3A_330 = arith.constant 0 : i32
        %dma_wait3A_331 = arith.constant 0 : i32
        %dma_wait3A_332 = tpu.memref_slice %arg7[%dma_wait3A_330, %dma_wait3A_331] : memref<10000x128xf32, #tpu.memory_space<vmem_shared>> -> memref<10000x128xf32, #tpu.memory_space<vmem_shared>>
        tpu.wait_indirect_dma semaphore(%arg29 : memref<!tpu.dma_semaphore, #tpu.memory_space<semaphore_mem>>) src(%arg17 : memref<128x128xf32, #tpu.memory_space<vmem>>) dst(%dma_wait3A_332 : memref<10000x128xf32, #tpu.memory_space<vmem_shared>>)
      } else {
      }
      %add3A_138 = arith.constant 4 : i32
      %add3A_139 = arith.addi %add3A_119, %add3A_138 : i32
      %lt3A = arith.constant 78 : i32
      %lt3A_140 = arith.cmpi slt, %add3A_139, %lt3A : i32
      %convert_element_type3A_141 = arith.extui %lt3A_140 : i1 to i32
      %cond3A_142 = arith.constant 0 : i32
      %cond3A_143 = arith.cmpi ne, %convert_element_type3A_141, %cond3A_142 : i32
      scf.if %cond3A_143 {
        %add3A_326 = arith.constant 4 : i32
        %add3A_327 = arith.addi %add3A_119, %add3A_326 : i32
        %dma_start3A_328 = arith.constant 0 : i32
        %dma_start3A_329 = arith.constant 0 : i32
        %dma_start3A_330 = tpu.memref_slice %arg3[%add3A, %add3A_327, %dma_start3A_328, %dma_start3A_329] : memref<32x78x2x128xi32, #tpu.memory_space<hbm>> -> memref<1x1x2x128xi32, #tpu.memory_space<hbm>>
        %dma_start3A_331 = tpu.memref_squeeze %dma_start3A_330 : memref<1x1x2x128xi32, #tpu.memory_space<hbm>> -> memref<2x128xi32, #tpu.memory_space<hbm>>
        %dma_start3A_332 = arith.constant 0 : i32
        %dma_start3A_333 = arith.constant 0 : i32
        %dma_start3A_334 = tpu.memref_slice %arg3[%add3A, %add3A_327, %dma_start3A_332, %dma_start3A_333] : memref<32x78x2x128xi32, #tpu.memory_space<hbm>> -> memref<1x1x2x128xi32, #tpu.memory_space<hbm>>
        %dma_start3A_335 = tpu.memref_squeeze %dma_start3A_334 : memref<1x1x2x128xi32, #tpu.memory_space<hbm>> -> memref<2x128xi32, #tpu.memory_space<hbm>>
        tpu.enqueue_dma source(%dma_start3A_335 : memref<2x128xi32, #tpu.memory_space<hbm>>) target(%arg12 : memref<2x128xi32, #tpu.memory_space<vmem>>) target_semaphore(%arg22 : memref<!tpu.dma_semaphore, #tpu.memory_space<semaphore_mem>>)
      } else {
      }
      %add3A_144 = arith.constant 2 : i32
      %add3A_145 = arith.addi %add3A_119, %add3A_144 : i32
      %lt3A_146 = arith.constant 78 : i32
      %lt3A_147 = arith.cmpi slt, %add3A_145, %lt3A_146 : i32
      %convert_element_type3A_148 = arith.extui %lt3A_147 : i1 to i32
      %cond3A_149 = arith.constant 0 : i32
      %cond3A_150 = arith.cmpi ne, %convert_element_type3A_148, %cond3A_149 : i32
      scf.if %cond3A_150 {
        %dma_wait3A_326 = arith.constant 0 : i32
        %dma_wait3A_327 = arith.constant 0 : i32
        %dma_wait3A_328 = arith.constant 0 : i32
        %dma_wait3A_329 = tpu.memref_slice %arg3[%add3A, %dma_wait3A_326, %dma_wait3A_327, %dma_wait3A_328] : memref<32x78x2x128xi32, #tpu.memory_space<hbm>> -> memref<1x1x2x128xi32, #tpu.memory_space<hbm>>
        %dma_wait3A_330 = tpu.memref_squeeze %dma_wait3A_329 : memref<1x1x2x128xi32, #tpu.memory_space<hbm>> -> memref<2x128xi32, #tpu.memory_space<hbm>>
        %dma_wait3A_331 = arith.constant 0 : i32
        %dma_wait3A_332 = arith.constant 0 : i32
        %dma_wait3A_333 = tpu.memref_slice %arg3[%add3A, %dma_wait3A_326, %dma_wait3A_331, %dma_wait3A_332] : memref<32x78x2x128xi32, #tpu.memory_space<hbm>> -> memref<1x1x2x128xi32, #tpu.memory_space<hbm>>
        %dma_wait3A_334 = tpu.memref_squeeze %dma_wait3A_333 : memref<1x1x2x128xi32, #tpu.memory_space<hbm>> -> memref<2x128xi32, #tpu.memory_space<hbm>>
        tpu.wait_dma2 semaphore(%arg20 : memref<!tpu.dma_semaphore, #tpu.memory_space<semaphore_mem>>) src(%dma_wait3A_334 : memref<2x128xi32, #tpu.memory_space<hbm>>) dst(%arg10 : memref<2x128xi32, #tpu.memory_space<vmem>>)
        %add3A_335 = arith.constant 2 : i32
        %add3A_336 = arith.addi %add3A_119, %add3A_335 : i32
        %dma_start3A_337 = arith.constant 0 : i32
        %dma_start3A_338 = arith.constant 0 : i32
        %dma_start3A_339 = tpu.memref_slice %arg10[%dma_start3A_337, %dma_start3A_338] : memref<2x128xi32, #tpu.memory_space<vmem>> -> memref<1x128xi32, #tpu.memory_space<vmem>>
        %dma_start3A_340 = tpu.memref_squeeze %dma_start3A_339 : memref<1x128xi32, #tpu.memory_space<vmem>> -> memref<128xi32, #tpu.memory_space<vmem>>
        %dma_start3A_341 = arith.constant 0 : i32
        %dma_start3A_342 = arith.constant 0 : i32
        %dma_start3A_343 = tpu.memref_slice %arg2[%dma_start3A_341, %dma_start3A_342] : memref<10000x128xf32, #tpu.memory_space<hbm>> -> memref<10000x128xf32, #tpu.memory_space<hbm>>
        tpu.enqueue_indirect_dma source(%dma_start3A_343 : memref<10000x128xf32, #tpu.memory_space<hbm>>) target(%arg17 : memref<128x128xf32, #tpu.memory_space<vmem>>) offsets(%dma_start3A_340 : memref<128xi32, #tpu.memory_space<vmem>>) semaphore(%arg26 : memref<!tpu.dma_semaphore, #tpu.memory_space<semaphore_mem>>)
      } else {
      }
      %add3A_151 = arith.constant 1 : i32
      %add3A_152 = arith.addi %mul3A_117, %add3A_151 : i32
      %dma_wait3A_153 = arith.constant 0 : i32
      %dma_wait3A_154 = arith.constant 0 : i32
      %dma_wait3A_155 = tpu.memref_slice %arg9[%dma_wait3A_153, %dma_wait3A_154] : memref<2x128xi32, #tpu.memory_space<vmem>> -> memref<1x128xi32, #tpu.memory_space<vmem>>
      %dma_wait3A_156 = tpu.memref_squeeze %dma_wait3A_155 : memref<1x128xi32, #tpu.memory_space<vmem>> -> memref<128xi32, #tpu.memory_space<vmem>>
      %dma_wait3A_157 = arith.constant 0 : i32
      %dma_wait3A_158 = arith.constant 0 : i32
      %dma_wait3A_159 = tpu.memref_slice %arg2[%dma_wait3A_157, %dma_wait3A_158] : memref<10000x128xf32, #tpu.memory_space<hbm>> -> memref<10000x128xf32, #tpu.memory_space<hbm>>
      tpu.wait_indirect_dma semaphore(%arg25 : memref<!tpu.dma_semaphore, #tpu.memory_space<semaphore_mem>>) src(%dma_wait3A_159 : memref<10000x128xf32, #tpu.memory_space<hbm>>) dst(%arg16 : memref<128x128xf32, #tpu.memory_space<vmem>>)
      %dma_start3A_160 = arith.constant 1 : i32
      %dma_start3A_161 = arith.constant 0 : i32
      %dma_start3A_162 = tpu.memref_slice %arg9[%dma_start3A_160, %dma_start3A_161] : memref<2x128xi32, #tpu.memory_space<vmem>> -> memref<1x128xi32, #tpu.memory_space<vmem>>
      %dma_start3A_163 = tpu.memref_squeeze %dma_start3A_162 : memref<1x128xi32, #tpu.memory_space<vmem>> -> memref<128xi32, #tpu.memory_space<vmem>>
      %dma_start3A_164 = arith.constant 0 : i32
      %dma_start3A_165 = arith.constant 0 : i32
      %dma_start3A_166 = tpu.memref_slice %arg7[%dma_start3A_164, %dma_start3A_165] : memref<10000x128xf32, #tpu.memory_space<vmem_shared>> -> memref<10000x128xf32, #tpu.memory_space<vmem_shared>>
      tpu.enqueue_indirect_dma source(%arg16 : memref<128x128xf32, #tpu.memory_space<vmem>>) target(%dma_start3A_166 : memref<10000x128xf32, #tpu.memory_space<vmem_shared>>) offsets(%dma_start3A_163 : memref<128xi32, #tpu.memory_space<vmem>>) semaphore(%arg28 : memref<!tpu.dma_semaphore, #tpu.memory_space<semaphore_mem>>) {add = true}
      %ge3A_167 = arith.constant 1 : i32
      %ge3A_168 = arith.cmpi sge, %add3A_152, %ge3A_167 : i32
      %convert_element_type3A_169 = arith.extui %ge3A_168 : i1 to i32
      %cond3A_170 = arith.constant 0 : i32
      %cond3A_171 = arith.cmpi ne, %convert_element_type3A_169, %cond3A_170 : i32
      scf.if %cond3A_171 {
        %dma_wait3A_326 = arith.constant 1 : i32
        %dma_wait3A_327 = arith.constant 0 : i32
        %dma_wait3A_328 = tpu.memref_slice %arg8[%dma_wait3A_326, %dma_wait3A_327] : memref<2x128xi32, #tpu.memory_space<vmem>> -> memref<1x128xi32, #tpu.memory_space<vmem>>
        %dma_wait3A_329 = tpu.memref_squeeze %dma_wait3A_328 : memref<1x128xi32, #tpu.memory_space<vmem>> -> memref<128xi32, #tpu.memory_space<vmem>>
        %dma_wait3A_330 = arith.constant 0 : i32
        %dma_wait3A_331 = arith.constant 0 : i32
        %dma_wait3A_332 = tpu.memref_slice %arg7[%dma_wait3A_330, %dma_wait3A_331] : memref<10000x128xf32, #tpu.memory_space<vmem_shared>> -> memref<10000x128xf32, #tpu.memory_space<vmem_shared>>
        tpu.wait_indirect_dma semaphore(%arg27 : memref<!tpu.dma_semaphore, #tpu.memory_space<semaphore_mem>>) src(%arg15 : memref<128x128xf32, #tpu.memory_space<vmem>>) dst(%dma_wait3A_332 : memref<10000x128xf32, #tpu.memory_space<vmem_shared>>)
      } else {
      }
      %add3A_172 = arith.constant 4 : i32
      %add3A_173 = arith.addi %add3A_152, %add3A_172 : i32
      %lt3A_174 = arith.constant 78 : i32
      %lt3A_175 = arith.cmpi slt, %add3A_173, %lt3A_174 : i32
      %convert_element_type3A_176 = arith.extui %lt3A_175 : i1 to i32
      %cond3A_177 = arith.constant 0 : i32
      %cond3A_178 = arith.cmpi ne, %convert_element_type3A_176, %cond3A_177 : i32
      scf.if %cond3A_178 {
        %add3A_326 = arith.constant 4 : i32
        %add3A_327 = arith.addi %add3A_152, %add3A_326 : i32
        %dma_start3A_328 = arith.constant 0 : i32
        %dma_start3A_329 = arith.constant 0 : i32
        %dma_start3A_330 = tpu.memref_slice %arg3[%add3A, %add3A_327, %dma_start3A_328, %dma_start3A_329] : memref<32x78x2x128xi32, #tpu.memory_space<hbm>> -> memref<1x1x2x128xi32, #tpu.memory_space<hbm>>
        %dma_start3A_331 = tpu.memref_squeeze %dma_start3A_330 : memref<1x1x2x128xi32, #tpu.memory_space<hbm>> -> memref<2x128xi32, #tpu.memory_space<hbm>>
        %dma_start3A_332 = arith.constant 0 : i32
        %dma_start3A_333 = arith.constant 0 : i32
        %dma_start3A_334 = tpu.memref_slice %arg3[%add3A, %add3A_327, %dma_start3A_332, %dma_start3A_333] : memref<32x78x2x128xi32, #tpu.memory_space<hbm>> -> memref<1x1x2x128xi32, #tpu.memory_space<hbm>>
        %dma_start3A_335 = tpu.memref_squeeze %dma_start3A_334 : memref<1x1x2x128xi32, #tpu.memory_space<hbm>> -> memref<2x128xi32, #tpu.memory_space<hbm>>
        tpu.enqueue_dma source(%dma_start3A_335 : memref<2x128xi32, #tpu.memory_space<hbm>>) target(%arg13 : memref<2x128xi32, #tpu.memory_space<vmem>>) target_semaphore(%arg23 : memref<!tpu.dma_semaphore, #tpu.memory_space<semaphore_mem>>)
      } else {
      }
      %add3A_179 = arith.constant 2 : i32
      %add3A_180 = arith.addi %add3A_152, %add3A_179 : i32
      %lt3A_181 = arith.constant 78 : i32
      %lt3A_182 = arith.cmpi slt, %add3A_180, %lt3A_181 : i32
      %convert_element_type3A_183 = arith.extui %lt3A_182 : i1 to i32
      %cond3A_184 = arith.constant 0 : i32
      %cond3A_185 = arith.cmpi ne, %convert_element_type3A_183, %cond3A_184 : i32
      scf.if %cond3A_185 {
        %dma_wait3A_326 = arith.constant 0 : i32
        %dma_wait3A_327 = arith.constant 0 : i32
        %dma_wait3A_328 = arith.constant 0 : i32
        %dma_wait3A_329 = tpu.memref_slice %arg3[%add3A, %dma_wait3A_326, %dma_wait3A_327, %dma_wait3A_328] : memref<32x78x2x128xi32, #tpu.memory_space<hbm>> -> memref<1x1x2x128xi32, #tpu.memory_space<hbm>>
        %dma_wait3A_330 = tpu.memref_squeeze %dma_wait3A_329 : memref<1x1x2x128xi32, #tpu.memory_space<hbm>> -> memref<2x128xi32, #tpu.memory_space<hbm>>
        %dma_wait3A_331 = arith.constant 0 : i32
        %dma_wait3A_332 = arith.constant 0 : i32
        %dma_wait3A_333 = tpu.memref_slice %arg3[%add3A, %dma_wait3A_326, %dma_wait3A_331, %dma_wait3A_332] : memref<32x78x2x128xi32, #tpu.memory_space<hbm>> -> memref<1x1x2x128xi32, #tpu.memory_space<hbm>>
        %dma_wait3A_334 = tpu.memref_squeeze %dma_wait3A_333 : memref<1x1x2x128xi32, #tpu.memory_space<hbm>> -> memref<2x128xi32, #tpu.memory_space<hbm>>
        tpu.wait_dma2 semaphore(%arg21 : memref<!tpu.dma_semaphore, #tpu.memory_space<semaphore_mem>>) src(%dma_wait3A_334 : memref<2x128xi32, #tpu.memory_space<hbm>>) dst(%arg11 : memref<2x128xi32, #tpu.memory_space<vmem>>)
        %add3A_335 = arith.constant 2 : i32
        %add3A_336 = arith.addi %add3A_152, %add3A_335 : i32
        %dma_start3A_337 = arith.constant 0 : i32
        %dma_start3A_338 = arith.constant 0 : i32
        %dma_start3A_339 = tpu.memref_slice %arg11[%dma_start3A_337, %dma_start3A_338] : memref<2x128xi32, #tpu.memory_space<vmem>> -> memref<1x128xi32, #tpu.memory_space<vmem>>
        %dma_start3A_340 = tpu.memref_squeeze %dma_start3A_339 : memref<1x128xi32, #tpu.memory_space<vmem>> -> memref<128xi32, #tpu.memory_space<vmem>>
        %dma_start3A_341 = arith.constant 0 : i32
        %dma_start3A_342 = arith.constant 0 : i32
        %dma_start3A_343 = tpu.memref_slice %arg2[%dma_start3A_341, %dma_start3A_342] : memref<10000x128xf32, #tpu.memory_space<hbm>> -> memref<10000x128xf32, #tpu.memory_space<hbm>>
        tpu.enqueue_indirect_dma source(%dma_start3A_343 : memref<10000x128xf32, #tpu.memory_space<hbm>>) target(%arg15 : memref<128x128xf32, #tpu.memory_space<vmem>>) offsets(%dma_start3A_340 : memref<128xi32, #tpu.memory_space<vmem>>) semaphore(%arg24 : memref<!tpu.dma_semaphore, #tpu.memory_space<semaphore_mem>>)
      } else {
      }
      %add3A_186 = arith.constant 2 : i32
      %add3A_187 = arith.addi %mul3A_117, %add3A_186 : i32
      %dma_wait3A_188 = arith.constant 0 : i32
      %dma_wait3A_189 = arith.constant 0 : i32
      %dma_wait3A_190 = tpu.memref_slice %arg10[%dma_wait3A_188, %dma_wait3A_189] : memref<2x128xi32, #tpu.memory_space<vmem>> -> memref<1x128xi32, #tpu.memory_space<vmem>>
      %dma_wait3A_191 = tpu.memref_squeeze %dma_wait3A_190 : memref<1x128xi32, #tpu.memory_space<vmem>> -> memref<128xi32, #tpu.memory_space<vmem>>
      %dma_wait3A_192 = arith.constant 0 : i32
      %dma_wait3A_193 = arith.constant 0 : i32
      %dma_wait3A_194 = tpu.memref_slice %arg2[%dma_wait3A_192, %dma_wait3A_193] : memref<10000x128xf32, #tpu.memory_space<hbm>> -> memref<10000x128xf32, #tpu.memory_space<hbm>>
      tpu.wait_indirect_dma semaphore(%arg26 : memref<!tpu.dma_semaphore, #tpu.memory_space<semaphore_mem>>) src(%dma_wait3A_194 : memref<10000x128xf32, #tpu.memory_space<hbm>>) dst(%arg17 : memref<128x128xf32, #tpu.memory_space<vmem>>)
      %dma_start3A_195 = arith.constant 1 : i32
      %dma_start3A_196 = arith.constant 0 : i32
      %dma_start3A_197 = tpu.memref_slice %arg10[%dma_start3A_195, %dma_start3A_196] : memref<2x128xi32, #tpu.memory_space<vmem>> -> memref<1x128xi32, #tpu.memory_space<vmem>>
      %dma_start3A_198 = tpu.memref_squeeze %dma_start3A_197 : memref<1x128xi32, #tpu.memory_space<vmem>> -> memref<128xi32, #tpu.memory_space<vmem>>
      %dma_start3A_199 = arith.constant 0 : i32
      %dma_start3A_200 = arith.constant 0 : i32
      %dma_start3A_201 = tpu.memref_slice %arg7[%dma_start3A_199, %dma_start3A_200] : memref<10000x128xf32, #tpu.memory_space<vmem_shared>> -> memref<10000x128xf32, #tpu.memory_space<vmem_shared>>
      tpu.enqueue_indirect_dma source(%arg17 : memref<128x128xf32, #tpu.memory_space<vmem>>) target(%dma_start3A_201 : memref<10000x128xf32, #tpu.memory_space<vmem_shared>>) offsets(%dma_start3A_198 : memref<128xi32, #tpu.memory_space<vmem>>) semaphore(%arg29 : memref<!tpu.dma_semaphore, #tpu.memory_space<semaphore_mem>>) {add = true}
      %ge3A_202 = arith.constant 1 : i32
      %ge3A_203 = arith.cmpi sge, %add3A_187, %ge3A_202 : i32
      %convert_element_type3A_204 = arith.extui %ge3A_203 : i1 to i32
      %cond3A_205 = arith.constant 0 : i32
      %cond3A_206 = arith.cmpi ne, %convert_element_type3A_204, %cond3A_205 : i32
      scf.if %cond3A_206 {
        %dma_wait3A_326 = arith.constant 1 : i32
        %dma_wait3A_327 = arith.constant 0 : i32
        %dma_wait3A_328 = tpu.memref_slice %arg9[%dma_wait3A_326, %dma_wait3A_327] : memref<2x128xi32, #tpu.memory_space<vmem>> -> memref<1x128xi32, #tpu.memory_space<vmem>>
        %dma_wait3A_329 = tpu.memref_squeeze %dma_wait3A_328 : memref<1x128xi32, #tpu.memory_space<vmem>> -> memref<128xi32, #tpu.memory_space<vmem>>
        %dma_wait3A_330 = arith.constant 0 : i32
        %dma_wait3A_331 = arith.constant 0 : i32
        %dma_wait3A_332 = tpu.memref_slice %arg7[%dma_wait3A_330, %dma_wait3A_331] : memref<10000x128xf32, #tpu.memory_space<vmem_shared>> -> memref<10000x128xf32, #tpu.memory_space<vmem_shared>>
        tpu.wait_indirect_dma semaphore(%arg28 : memref<!tpu.dma_semaphore, #tpu.memory_space<semaphore_mem>>) src(%arg16 : memref<128x128xf32, #tpu.memory_space<vmem>>) dst(%dma_wait3A_332 : memref<10000x128xf32, #tpu.memory_space<vmem_shared>>)
      } else {
      }
      %add3A_207 = arith.constant 4 : i32
      %add3A_208 = arith.addi %add3A_187, %add3A_207 : i32
      %lt3A_209 = arith.constant 78 : i32
      %lt3A_210 = arith.cmpi slt, %add3A_208, %lt3A_209 : i32
      %convert_element_type3A_211 = arith.extui %lt3A_210 : i1 to i32
      %cond3A_212 = arith.constant 0 : i32
      %cond3A_213 = arith.cmpi ne, %convert_element_type3A_211, %cond3A_212 : i32
      scf.if %cond3A_213 {
        %add3A_326 = arith.constant 4 : i32
        %add3A_327 = arith.addi %add3A_187, %add3A_326 : i32
        %dma_start3A_328 = arith.constant 0 : i32
        %dma_start3A_329 = arith.constant 0 : i32
        %dma_start3A_330 = tpu.memref_slice %arg3[%add3A, %add3A_327, %dma_start3A_328, %dma_start3A_329] : memref<32x78x2x128xi32, #tpu.memory_space<hbm>> -> memref<1x1x2x128xi32, #tpu.memory_space<hbm>>
        %dma_start3A_331 = tpu.memref_squeeze %dma_start3A_330 : memref<1x1x2x128xi32, #tpu.memory_space<hbm>> -> memref<2x128xi32, #tpu.memory_space<hbm>>
        %dma_start3A_332 = arith.constant 0 : i32
        %dma_start3A_333 = arith.constant 0 : i32
        %dma_start3A_334 = tpu.memref_slice %arg3[%add3A, %add3A_327, %dma_start3A_332, %dma_start3A_333] : memref<32x78x2x128xi32, #tpu.memory_space<hbm>> -> memref<1x1x2x128xi32, #tpu.memory_space<hbm>>
        %dma_start3A_335 = tpu.memref_squeeze %dma_start3A_334 : memref<1x1x2x128xi32, #tpu.memory_space<hbm>> -> memref<2x128xi32, #tpu.memory_space<hbm>>
        tpu.enqueue_dma source(%dma_start3A_335 : memref<2x128xi32, #tpu.memory_space<hbm>>) target(%arg8 : memref<2x128xi32, #tpu.memory_space<vmem>>) target_semaphore(%arg18 : memref<!tpu.dma_semaphore, #tpu.memory_space<semaphore_mem>>)
      } else {
      }
      %add3A_214 = arith.constant 2 : i32
      %add3A_215 = arith.addi %add3A_187, %add3A_214 : i32
      %lt3A_216 = arith.constant 78 : i32
      %lt3A_217 = arith.cmpi slt, %add3A_215, %lt3A_216 : i32
      %convert_element_type3A_218 = arith.extui %lt3A_217 : i1 to i32
      %cond3A_219 = arith.constant 0 : i32
      %cond3A_220 = arith.cmpi ne, %convert_element_type3A_218, %cond3A_219 : i32
      scf.if %cond3A_220 {
        %dma_wait3A_326 = arith.constant 0 : i32
        %dma_wait3A_327 = arith.constant 0 : i32
        %dma_wait3A_328 = arith.constant 0 : i32
        %dma_wait3A_329 = tpu.memref_slice %arg3[%add3A, %dma_wait3A_326, %dma_wait3A_327, %dma_wait3A_328] : memref<32x78x2x128xi32, #tpu.memory_space<hbm>> -> memref<1x1x2x128xi32, #tpu.memory_space<hbm>>
        %dma_wait3A_330 = tpu.memref_squeeze %dma_wait3A_329 : memref<1x1x2x128xi32, #tpu.memory_space<hbm>> -> memref<2x128xi32, #tpu.memory_space<hbm>>
        %dma_wait3A_331 = arith.constant 0 : i32
        %dma_wait3A_332 = arith.constant 0 : i32
        %dma_wait3A_333 = tpu.memref_slice %arg3[%add3A, %dma_wait3A_326, %dma_wait3A_331, %dma_wait3A_332] : memref<32x78x2x128xi32, #tpu.memory_space<hbm>> -> memref<1x1x2x128xi32, #tpu.memory_space<hbm>>
        %dma_wait3A_334 = tpu.memref_squeeze %dma_wait3A_333 : memref<1x1x2x128xi32, #tpu.memory_space<hbm>> -> memref<2x128xi32, #tpu.memory_space<hbm>>
        tpu.wait_dma2 semaphore(%arg22 : memref<!tpu.dma_semaphore, #tpu.memory_space<semaphore_mem>>) src(%dma_wait3A_334 : memref<2x128xi32, #tpu.memory_space<hbm>>) dst(%arg12 : memref<2x128xi32, #tpu.memory_space<vmem>>)
        %add3A_335 = arith.constant 2 : i32
        %add3A_336 = arith.addi %add3A_187, %add3A_335 : i32
        %dma_start3A_337 = arith.constant 0 : i32
        %dma_start3A_338 = arith.constant 0 : i32
        %dma_start3A_339 = tpu.memref_slice %arg12[%dma_start3A_337, %dma_start3A_338] : memref<2x128xi32, #tpu.memory_space<vmem>> -> memref<1x128xi32, #tpu.memory_space<vmem>>
        %dma_start3A_340 = tpu.memref_squeeze %dma_start3A_339 : memref<1x128xi32, #tpu.memory_space<vmem>> -> memref<128xi32, #tpu.memory_space<vmem>>
        %dma_start3A_341 = arith.constant 0 : i32
        %dma_start3A_342 = arith.constant 0 : i32
        %dma_start3A_343 = tpu.memref_slice %arg2[%dma_start3A_341, %dma_start3A_342] : memref<10000x128xf32, #tpu.memory_space<hbm>> -> memref<10000x128xf32, #tpu.memory_space<hbm>>
        tpu.enqueue_indirect_dma source(%dma_start3A_343 : memref<10000x128xf32, #tpu.memory_space<hbm>>) target(%arg16 : memref<128x128xf32, #tpu.memory_space<vmem>>) offsets(%dma_start3A_340 : memref<128xi32, #tpu.memory_space<vmem>>) semaphore(%arg25 : memref<!tpu.dma_semaphore, #tpu.memory_space<semaphore_mem>>)
      } else {
      }
      %add3A_221 = arith.constant 3 : i32
      %add3A_222 = arith.addi %mul3A_117, %add3A_221 : i32
      %dma_wait3A_223 = arith.constant 0 : i32
      %dma_wait3A_224 = arith.constant 0 : i32
      %dma_wait3A_225 = tpu.memref_slice %arg11[%dma_wait3A_223, %dma_wait3A_224] : memref<2x128xi32, #tpu.memory_space<vmem>> -> memref<1x128xi32, #tpu.memory_space<vmem>>
      %dma_wait3A_226 = tpu.memref_squeeze %dma_wait3A_225 : memref<1x128xi32, #tpu.memory_space<vmem>> -> memref<128xi32, #tpu.memory_space<vmem>>
      %dma_wait3A_227 = arith.constant 0 : i32
      %dma_wait3A_228 = arith.constant 0 : i32
      %dma_wait3A_229 = tpu.memref_slice %arg2[%dma_wait3A_227, %dma_wait3A_228] : memref<10000x128xf32, #tpu.memory_space<hbm>> -> memref<10000x128xf32, #tpu.memory_space<hbm>>
      tpu.wait_indirect_dma semaphore(%arg24 : memref<!tpu.dma_semaphore, #tpu.memory_space<semaphore_mem>>) src(%dma_wait3A_229 : memref<10000x128xf32, #tpu.memory_space<hbm>>) dst(%arg15 : memref<128x128xf32, #tpu.memory_space<vmem>>)
      %dma_start3A_230 = arith.constant 1 : i32
      %dma_start3A_231 = arith.constant 0 : i32
      %dma_start3A_232 = tpu.memref_slice %arg11[%dma_start3A_230, %dma_start3A_231] : memref<2x128xi32, #tpu.memory_space<vmem>> -> memref<1x128xi32, #tpu.memory_space<vmem>>
      %dma_start3A_233 = tpu.memref_squeeze %dma_start3A_232 : memref<1x128xi32, #tpu.memory_space<vmem>> -> memref<128xi32, #tpu.memory_space<vmem>>
      %dma_start3A_234 = arith.constant 0 : i32
      %dma_start3A_235 = arith.constant 0 : i32
      %dma_start3A_236 = tpu.memref_slice %arg7[%dma_start3A_234, %dma_start3A_235] : memref<10000x128xf32, #tpu.memory_space<vmem_shared>> -> memref<10000x128xf32, #tpu.memory_space<vmem_shared>>
      tpu.enqueue_indirect_dma source(%arg15 : memref<128x128xf32, #tpu.memory_space<vmem>>) target(%dma_start3A_236 : memref<10000x128xf32, #tpu.memory_space<vmem_shared>>) offsets(%dma_start3A_233 : memref<128xi32, #tpu.memory_space<vmem>>) semaphore(%arg27 : memref<!tpu.dma_semaphore, #tpu.memory_space<semaphore_mem>>) {add = true}
      %ge3A_237 = arith.constant 1 : i32
      %ge3A_238 = arith.cmpi sge, %add3A_222, %ge3A_237 : i32
      %convert_element_type3A_239 = arith.extui %ge3A_238 : i1 to i32
      %cond3A_240 = arith.constant 0 : i32
      %cond3A_241 = arith.cmpi ne, %convert_element_type3A_239, %cond3A_240 : i32
      scf.if %cond3A_241 {
        %dma_wait3A_326 = arith.constant 1 : i32
        %dma_wait3A_327 = arith.constant 0 : i32
        %dma_wait3A_328 = tpu.memref_slice %arg10[%dma_wait3A_326, %dma_wait3A_327] : memref<2x128xi32, #tpu.memory_space<vmem>> -> memref<1x128xi32, #tpu.memory_space<vmem>>
        %dma_wait3A_329 = tpu.memref_squeeze %dma_wait3A_328 : memref<1x128xi32, #tpu.memory_space<vmem>> -> memref<128xi32, #tpu.memory_space<vmem>>
        %dma_wait3A_330 = arith.constant 0 : i32
        %dma_wait3A_331 = arith.constant 0 : i32
        %dma_wait3A_332 = tpu.memref_slice %arg7[%dma_wait3A_330, %dma_wait3A_331] : memref<10000x128xf32, #tpu.memory_space<vmem_shared>> -> memref<10000x128xf32, #tpu.memory_space<vmem_shared>>
        tpu.wait_indirect_dma semaphore(%arg29 : memref<!tpu.dma_semaphore, #tpu.memory_space<semaphore_mem>>) src(%arg17 : memref<128x128xf32, #tpu.memory_space<vmem>>) dst(%dma_wait3A_332 : memref<10000x128xf32, #tpu.memory_space<vmem_shared>>)
      } else {
      }
      %add3A_242 = arith.constant 4 : i32
      %add3A_243 = arith.addi %add3A_222, %add3A_242 : i32
      %lt3A_244 = arith.constant 78 : i32
      %lt3A_245 = arith.cmpi slt, %add3A_243, %lt3A_244 : i32
      %convert_element_type3A_246 = arith.extui %lt3A_245 : i1 to i32
      %cond3A_247 = arith.constant 0 : i32
      %cond3A_248 = arith.cmpi ne, %convert_element_type3A_246, %cond3A_247 : i32
      scf.if %cond3A_248 {
        %add3A_326 = arith.constant 4 : i32
        %add3A_327 = arith.addi %add3A_222, %add3A_326 : i32
        %dma_start3A_328 = arith.constant 0 : i32
        %dma_start3A_329 = arith.constant 0 : i32
        %dma_start3A_330 = tpu.memref_slice %arg3[%add3A, %add3A_327, %dma_start3A_328, %dma_start3A_329] : memref<32x78x2x128xi32, #tpu.memory_space<hbm>> -> memref<1x1x2x128xi32, #tpu.memory_space<hbm>>
        %dma_start3A_331 = tpu.memref_squeeze %dma_start3A_330 : memref<1x1x2x128xi32, #tpu.memory_space<hbm>> -> memref<2x128xi32, #tpu.memory_space<hbm>>
        %dma_start3A_332 = arith.constant 0 : i32
        %dma_start3A_333 = arith.constant 0 : i32
        %dma_start3A_334 = tpu.memref_slice %arg3[%add3A, %add3A_327, %dma_start3A_332, %dma_start3A_333] : memref<32x78x2x128xi32, #tpu.memory_space<hbm>> -> memref<1x1x2x128xi32, #tpu.memory_space<hbm>>
        %dma_start3A_335 = tpu.memref_squeeze %dma_start3A_334 : memref<1x1x2x128xi32, #tpu.memory_space<hbm>> -> memref<2x128xi32, #tpu.memory_space<hbm>>
        tpu.enqueue_dma source(%dma_start3A_335 : memref<2x128xi32, #tpu.memory_space<hbm>>) target(%arg9 : memref<2x128xi32, #tpu.memory_space<vmem>>) target_semaphore(%arg19 : memref<!tpu.dma_semaphore, #tpu.memory_space<semaphore_mem>>)
      } else {
      }
      %add3A_249 = arith.constant 2 : i32
      %add3A_250 = arith.addi %add3A_222, %add3A_249 : i32
      %lt3A_251 = arith.constant 78 : i32
      %lt3A_252 = arith.cmpi slt, %add3A_250, %lt3A_251 : i32
      %convert_element_type3A_253 = arith.extui %lt3A_252 : i1 to i32
      %cond3A_254 = arith.constant 0 : i32
      %cond3A_255 = arith.cmpi ne, %convert_element_type3A_253, %cond3A_254 : i32
      scf.if %cond3A_255 {
        %dma_wait3A_326 = arith.constant 0 : i32
        %dma_wait3A_327 = arith.constant 0 : i32
        %dma_wait3A_328 = arith.constant 0 : i32
        %dma_wait3A_329 = tpu.memref_slice %arg3[%add3A, %dma_wait3A_326, %dma_wait3A_327, %dma_wait3A_328] : memref<32x78x2x128xi32, #tpu.memory_space<hbm>> -> memref<1x1x2x128xi32, #tpu.memory_space<hbm>>
        %dma_wait3A_330 = tpu.memref_squeeze %dma_wait3A_329 : memref<1x1x2x128xi32, #tpu.memory_space<hbm>> -> memref<2x128xi32, #tpu.memory_space<hbm>>
        %dma_wait3A_331 = arith.constant 0 : i32
        %dma_wait3A_332 = arith.constant 0 : i32
        %dma_wait3A_333 = tpu.memref_slice %arg3[%add3A, %dma_wait3A_326, %dma_wait3A_331, %dma_wait3A_332] : memref<32x78x2x128xi32, #tpu.memory_space<hbm>> -> memref<1x1x2x128xi32, #tpu.memory_space<hbm>>
        %dma_wait3A_334 = tpu.memref_squeeze %dma_wait3A_333 : memref<1x1x2x128xi32, #tpu.memory_space<hbm>> -> memref<2x128xi32, #tpu.memory_space<hbm>>
        tpu.wait_dma2 semaphore(%arg23 : memref<!tpu.dma_semaphore, #tpu.memory_space<semaphore_mem>>) src(%dma_wait3A_334 : memref<2x128xi32, #tpu.memory_space<hbm>>) dst(%arg13 : memref<2x128xi32, #tpu.memory_space<vmem>>)
        %add3A_335 = arith.constant 2 : i32
        %add3A_336 = arith.addi %add3A_222, %add3A_335 : i32
        %dma_start3A_337 = arith.constant 0 : i32
        %dma_start3A_338 = arith.constant 0 : i32
        %dma_start3A_339 = tpu.memref_slice %arg13[%dma_start3A_337, %dma_start3A_338] : memref<2x128xi32, #tpu.memory_space<vmem>> -> memref<1x128xi32, #tpu.memory_space<vmem>>
        %dma_start3A_340 = tpu.memref_squeeze %dma_start3A_339 : memref<1x128xi32, #tpu.memory_space<vmem>> -> memref<128xi32, #tpu.memory_space<vmem>>
        %dma_start3A_341 = arith.constant 0 : i32
        %dma_start3A_342 = arith.constant 0 : i32
        %dma_start3A_343 = tpu.memref_slice %arg2[%dma_start3A_341, %dma_start3A_342] : memref<10000x128xf32, #tpu.memory_space<hbm>> -> memref<10000x128xf32, #tpu.memory_space<hbm>>
        tpu.enqueue_indirect_dma source(%dma_start3A_343 : memref<10000x128xf32, #tpu.memory_space<hbm>>) target(%arg17 : memref<128x128xf32, #tpu.memory_space<vmem>>) offsets(%dma_start3A_340 : memref<128xi32, #tpu.memory_space<vmem>>) semaphore(%arg26 : memref<!tpu.dma_semaphore, #tpu.memory_space<semaphore_mem>>)
      } else {
      }
      %add3A_256 = arith.constant 4 : i32
      %add3A_257 = arith.addi %mul3A_117, %add3A_256 : i32
      %dma_wait3A_258 = arith.constant 0 : i32
      %dma_wait3A_259 = arith.constant 0 : i32
      %dma_wait3A_260 = tpu.memref_slice %arg12[%dma_wait3A_258, %dma_wait3A_259] : memref<2x128xi32, #tpu.memory_space<vmem>> -> memref<1x128xi32, #tpu.memory_space<vmem>>
      %dma_wait3A_261 = tpu.memref_squeeze %dma_wait3A_260 : memref<1x128xi32, #tpu.memory_space<vmem>> -> memref<128xi32, #tpu.memory_space<vmem>>
      %dma_wait3A_262 = arith.constant 0 : i32
      %dma_wait3A_263 = arith.constant 0 : i32
      %dma_wait3A_264 = tpu.memref_slice %arg2[%dma_wait3A_262, %dma_wait3A_263] : memref<10000x128xf32, #tpu.memory_space<hbm>> -> memref<10000x128xf32, #tpu.memory_space<hbm>>
      tpu.wait_indirect_dma semaphore(%arg25 : memref<!tpu.dma_semaphore, #tpu.memory_space<semaphore_mem>>) src(%dma_wait3A_264 : memref<10000x128xf32, #tpu.memory_space<hbm>>) dst(%arg16 : memref<128x128xf32, #tpu.memory_space<vmem>>)
      %dma_start3A_265 = arith.constant 1 : i32
      %dma_start3A_266 = arith.constant 0 : i32
      %dma_start3A_267 = tpu.memref_slice %arg12[%dma_start3A_265, %dma_start3A_266] : memref<2x128xi32, #tpu.memory_space<vmem>> -> memref<1x128xi32, #tpu.memory_space<vmem>>
      %dma_start3A_268 = tpu.memref_squeeze %dma_start3A_267 : memref<1x128xi32, #tpu.memory_space<vmem>> -> memref<128xi32, #tpu.memory_space<vmem>>
      %dma_start3A_269 = arith.constant 0 : i32
      %dma_start3A_270 = arith.constant 0 : i32
      %dma_start3A_271 = tpu.memref_slice %arg7[%dma_start3A_269, %dma_start3A_270] : memref<10000x128xf32, #tpu.memory_space<vmem_shared>> -> memref<10000x128xf32, #tpu.memory_space<vmem_shared>>
      tpu.enqueue_indirect_dma source(%arg16 : memref<128x128xf32, #tpu.memory_space<vmem>>) target(%dma_start3A_271 : memref<10000x128xf32, #tpu.memory_space<vmem_shared>>) offsets(%dma_start3A_268 : memref<128xi32, #tpu.memory_space<vmem>>) semaphore(%arg28 : memref<!tpu.dma_semaphore, #tpu.memory_space<semaphore_mem>>) {add = true}
      %ge3A_272 = arith.constant 1 : i32
      %ge3A_273 = arith.cmpi sge, %add3A_257, %ge3A_272 : i32
      %convert_element_type3A_274 = arith.extui %ge3A_273 : i1 to i32
      %cond3A_275 = arith.constant 0 : i32
      %cond3A_276 = arith.cmpi ne, %convert_element_type3A_274, %cond3A_275 : i32
      scf.if %cond3A_276 {
        %dma_wait3A_326 = arith.constant 1 : i32
        %dma_wait3A_327 = arith.constant 0 : i32
        %dma_wait3A_328 = tpu.memref_slice %arg11[%dma_wait3A_326, %dma_wait3A_327] : memref<2x128xi32, #tpu.memory_space<vmem>> -> memref<1x128xi32, #tpu.memory_space<vmem>>
        %dma_wait3A_329 = tpu.memref_squeeze %dma_wait3A_328 : memref<1x128xi32, #tpu.memory_space<vmem>> -> memref<128xi32, #tpu.memory_space<vmem>>
        %dma_wait3A_330 = arith.constant 0 : i32
        %dma_wait3A_331 = arith.constant 0 : i32
        %dma_wait3A_332 = tpu.memref_slice %arg7[%dma_wait3A_330, %dma_wait3A_331] : memref<10000x128xf32, #tpu.memory_space<vmem_shared>> -> memref<10000x128xf32, #tpu.memory_space<vmem_shared>>
        tpu.wait_indirect_dma semaphore(%arg27 : memref<!tpu.dma_semaphore, #tpu.memory_space<semaphore_mem>>) src(%arg15 : memref<128x128xf32, #tpu.memory_space<vmem>>) dst(%dma_wait3A_332 : memref<10000x128xf32, #tpu.memory_space<vmem_shared>>)
      } else {
      }
      %add3A_277 = arith.constant 4 : i32
      %add3A_278 = arith.addi %add3A_257, %add3A_277 : i32
      %lt3A_279 = arith.constant 78 : i32
      %lt3A_280 = arith.cmpi slt, %add3A_278, %lt3A_279 : i32
      %convert_element_type3A_281 = arith.extui %lt3A_280 : i1 to i32
      %cond3A_282 = arith.constant 0 : i32
      %cond3A_283 = arith.cmpi ne, %convert_element_type3A_281, %cond3A_282 : i32
      scf.if %cond3A_283 {
        %add3A_326 = arith.constant 4 : i32
        %add3A_327 = arith.addi %add3A_257, %add3A_326 : i32
        %dma_start3A_328 = arith.constant 0 : i32
        %dma_start3A_329 = arith.constant 0 : i32
        %dma_start3A_330 = tpu.memref_slice %arg3[%add3A, %add3A_327, %dma_start3A_328, %dma_start3A_329] : memref<32x78x2x128xi32, #tpu.memory_space<hbm>> -> memref<1x1x2x128xi32, #tpu.memory_space<hbm>>
        %dma_start3A_331 = tpu.memref_squeeze %dma_start3A_330 : memref<1x1x2x128xi32, #tpu.memory_space<hbm>> -> memref<2x128xi32, #tpu.memory_space<hbm>>
        %dma_start3A_332 = arith.constant 0 : i32
        %dma_start3A_333 = arith.constant 0 : i32
        %dma_start3A_334 = tpu.memref_slice %arg3[%add3A, %add3A_327, %dma_start3A_332, %dma_start3A_333] : memref<32x78x2x128xi32, #tpu.memory_space<hbm>> -> memref<1x1x2x128xi32, #tpu.memory_space<hbm>>
        %dma_start3A_335 = tpu.memref_squeeze %dma_start3A_334 : memref<1x1x2x128xi32, #tpu.memory_space<hbm>> -> memref<2x128xi32, #tpu.memory_space<hbm>>
        tpu.enqueue_dma source(%dma_start3A_335 : memref<2x128xi32, #tpu.memory_space<hbm>>) target(%arg10 : memref<2x128xi32, #tpu.memory_space<vmem>>) target_semaphore(%arg20 : memref<!tpu.dma_semaphore, #tpu.memory_space<semaphore_mem>>)
      } else {
      }
      %add3A_284 = arith.constant 2 : i32
      %add3A_285 = arith.addi %add3A_257, %add3A_284 : i32
      %lt3A_286 = arith.constant 78 : i32
      %lt3A_287 = arith.cmpi slt, %add3A_285, %lt3A_286 : i32
      %convert_element_type3A_288 = arith.extui %lt3A_287 : i1 to i32
      %cond3A_289 = arith.constant 0 : i32
      %cond3A_290 = arith.cmpi ne, %convert_element_type3A_288, %cond3A_289 : i32
      scf.if %cond3A_290 {
        %dma_wait3A_326 = arith.constant 0 : i32
        %dma_wait3A_327 = arith.constant 0 : i32
        %dma_wait3A_328 = arith.constant 0 : i32
        %dma_wait3A_329 = tpu.memref_slice %arg3[%add3A, %dma_wait3A_326, %dma_wait3A_327, %dma_wait3A_328] : memref<32x78x2x128xi32, #tpu.memory_space<hbm>> -> memref<1x1x2x128xi32, #tpu.memory_space<hbm>>
        %dma_wait3A_330 = tpu.memref_squeeze %dma_wait3A_329 : memref<1x1x2x128xi32, #tpu.memory_space<hbm>> -> memref<2x128xi32, #tpu.memory_space<hbm>>
        %dma_wait3A_331 = arith.constant 0 : i32
        %dma_wait3A_332 = arith.constant 0 : i32
        %dma_wait3A_333 = tpu.memref_slice %arg3[%add3A, %dma_wait3A_326, %dma_wait3A_331, %dma_wait3A_332] : memref<32x78x2x128xi32, #tpu.memory_space<hbm>> -> memref<1x1x2x128xi32, #tpu.memory_space<hbm>>
        %dma_wait3A_334 = tpu.memref_squeeze %dma_wait3A_333 : memref<1x1x2x128xi32, #tpu.memory_space<hbm>> -> memref<2x128xi32, #tpu.memory_space<hbm>>
        tpu.wait_dma2 semaphore(%arg18 : memref<!tpu.dma_semaphore, #tpu.memory_space<semaphore_mem>>) src(%dma_wait3A_334 : memref<2x128xi32, #tpu.memory_space<hbm>>) dst(%arg8 : memref<2x128xi32, #tpu.memory_space<vmem>>)
        %add3A_335 = arith.constant 2 : i32
        %add3A_336 = arith.addi %add3A_257, %add3A_335 : i32
        %dma_start3A_337 = arith.constant 0 : i32
        %dma_start3A_338 = arith.constant 0 : i32
        %dma_start3A_339 = tpu.memref_slice %arg8[%dma_start3A_337, %dma_start3A_338] : memref<2x128xi32, #tpu.memory_space<vmem>> -> memref<1x128xi32, #tpu.memory_space<vmem>>
        %dma_start3A_340 = tpu.memref_squeeze %dma_start3A_339 : memref<1x128xi32, #tpu.memory_space<vmem>> -> memref<128xi32, #tpu.memory_space<vmem>>
        %dma_start3A_341 = arith.constant 0 : i32
        %dma_start3A_342 = arith.constant 0 : i32
        %dma_start3A_343 = tpu.memref_slice %arg2[%dma_start3A_341, %dma_start3A_342] : memref<10000x128xf32, #tpu.memory_space<hbm>> -> memref<10000x128xf32, #tpu.memory_space<hbm>>
        tpu.enqueue_indirect_dma source(%dma_start3A_343 : memref<10000x128xf32, #tpu.memory_space<hbm>>) target(%arg15 : memref<128x128xf32, #tpu.memory_space<vmem>>) offsets(%dma_start3A_340 : memref<128xi32, #tpu.memory_space<vmem>>) semaphore(%arg24 : memref<!tpu.dma_semaphore, #tpu.memory_space<semaphore_mem>>)
      } else {
      }
      %add3A_291 = arith.constant 5 : i32
      %add3A_292 = arith.addi %mul3A_117, %add3A_291 : i32
      %dma_wait3A_293 = arith.constant 0 : i32
      %dma_wait3A_294 = arith.constant 0 : i32
      %dma_wait3A_295 = tpu.memref_slice %arg13[%dma_wait3A_293, %dma_wait3A_294] : memref<2x128xi32, #tpu.memory_space<vmem>> -> memref<1x128xi32, #tpu.memory_space<vmem>>
      %dma_wait3A_296 = tpu.memref_squeeze %dma_wait3A_295 : memref<1x128xi32, #tpu.memory_space<vmem>> -> memref<128xi32, #tpu.memory_space<vmem>>
      %dma_wait3A_297 = arith.constant 0 : i32
      %dma_wait3A_298 = arith.constant 0 : i32
      %dma_wait3A_299 = tpu.memref_slice %arg2[%dma_wait3A_297, %dma_wait3A_298] : memref<10000x128xf32, #tpu.memory_space<hbm>> -> memref<10000x128xf32, #tpu.memory_space<hbm>>
      tpu.wait_indirect_dma semaphore(%arg26 : memref<!tpu.dma_semaphore, #tpu.memory_space<semaphore_mem>>) src(%dma_wait3A_299 : memref<10000x128xf32, #tpu.memory_space<hbm>>) dst(%arg17 : memref<128x128xf32, #tpu.memory_space<vmem>>)
      %dma_start3A_300 = arith.constant 1 : i32
      %dma_start3A_301 = arith.constant 0 : i32
      %dma_start3A_302 = tpu.memref_slice %arg13[%dma_start3A_300, %dma_start3A_301] : memref<2x128xi32, #tpu.memory_space<vmem>> -> memref<1x128xi32, #tpu.memory_space<vmem>>
      %dma_start3A_303 = tpu.memref_squeeze %dma_start3A_302 : memref<1x128xi32, #tpu.memory_space<vmem>> -> memref<128xi32, #tpu.memory_space<vmem>>
      %dma_start3A_304 = arith.constant 0 : i32
      %dma_start3A_305 = arith.constant 0 : i32
      %dma_start3A_306 = tpu.memref_slice %arg7[%dma_start3A_304, %dma_start3A_305] : memref<10000x128xf32, #tpu.memory_space<vmem_shared>> -> memref<10000x128xf32, #tpu.memory_space<vmem_shared>>
      tpu.enqueue_indirect_dma source(%arg17 : memref<128x128xf32, #tpu.memory_space<vmem>>) target(%dma_start3A_306 : memref<10000x128xf32, #tpu.memory_space<vmem_shared>>) offsets(%dma_start3A_303 : memref<128xi32, #tpu.memory_space<vmem>>) semaphore(%arg29 : memref<!tpu.dma_semaphore, #tpu.memory_space<semaphore_mem>>) {add = true}
      %ge3A_307 = arith.constant 1 : i32
      %ge3A_308 = arith.cmpi sge, %add3A_292, %ge3A_307 : i32
      %convert_element_type3A_309 = arith.extui %ge3A_308 : i1 to i32
      %cond3A_310 = arith.constant 0 : i32
      %cond3A_311 = arith.cmpi ne, %convert_element_type3A_309, %cond3A_310 : i32
      scf.if %cond3A_311 {
        %dma_wait3A_326 = arith.constant 1 : i32
        %dma_wait3A_327 = arith.constant 0 : i32
        %dma_wait3A_328 = tpu.memref_slice %arg12[%dma_wait3A_326, %dma_wait3A_327] : memref<2x128xi32, #tpu.memory_space<vmem>> -> memref<1x128xi32, #tpu.memory_space<vmem>>
        %dma_wait3A_329 = tpu.memref_squeeze %dma_wait3A_328 : memref<1x128xi32, #tpu.memory_space<vmem>> -> memref<128xi32, #tpu.memory_space<vmem>>
        %dma_wait3A_330 = arith.constant 0 : i32
        %dma_wait3A_331 = arith.constant 0 : i32
        %dma_wait3A_332 = tpu.memref_slice %arg7[%dma_wait3A_330, %dma_wait3A_331] : memref<10000x128xf32, #tpu.memory_space<vmem_shared>> -> memref<10000x128xf32, #tpu.memory_space<vmem_shared>>
        tpu.wait_indirect_dma semaphore(%arg28 : memref<!tpu.dma_semaphore, #tpu.memory_space<semaphore_mem>>) src(%arg16 : memref<128x128xf32, #tpu.memory_space<vmem>>) dst(%dma_wait3A_332 : memref<10000x128xf32, #tpu.memory_space<vmem_shared>>)
      } else {
      }
      %add3A_312 = arith.constant 4 : i32
      %add3A_313 = arith.addi %add3A_292, %add3A_312 : i32
      %lt3A_314 = arith.constant 78 : i32
      %lt3A_315 = arith.cmpi slt, %add3A_313, %lt3A_314 : i32
      %convert_element_type3A_316 = arith.extui %lt3A_315 : i1 to i32
      %cond3A_317 = arith.constant 0 : i32
      %cond3A_318 = arith.cmpi ne, %convert_element_type3A_316, %cond3A_317 : i32
      scf.if %cond3A_318 {
        %add3A_326 = arith.constant 4 : i32
        %add3A_327 = arith.addi %add3A_292, %add3A_326 : i32
        %dma_start3A_328 = arith.constant 0 : i32
        %dma_start3A_329 = arith.constant 0 : i32
        %dma_start3A_330 = tpu.memref_slice %arg3[%add3A, %add3A_327, %dma_start3A_328, %dma_start3A_329] : memref<32x78x2x128xi32, #tpu.memory_space<hbm>> -> memref<1x1x2x128xi32, #tpu.memory_space<hbm>>
        %dma_start3A_331 = tpu.memref_squeeze %dma_start3A_330 : memref<1x1x2x128xi32, #tpu.memory_space<hbm>> -> memref<2x128xi32, #tpu.memory_space<hbm>>
        %dma_start3A_332 = arith.constant 0 : i32
        %dma_start3A_333 = arith.constant 0 : i32
        %dma_start3A_334 = tpu.memref_slice %arg3[%add3A, %add3A_327, %dma_start3A_332, %dma_start3A_333] : memref<32x78x2x128xi32, #tpu.memory_space<hbm>> -> memref<1x1x2x128xi32, #tpu.memory_space<hbm>>
        %dma_start3A_335 = tpu.memref_squeeze %dma_start3A_334 : memref<1x1x2x128xi32, #tpu.memory_space<hbm>> -> memref<2x128xi32, #tpu.memory_space<hbm>>
        tpu.enqueue_dma source(%dma_start3A_335 : memref<2x128xi32, #tpu.memory_space<hbm>>) target(%arg11 : memref<2x128xi32, #tpu.memory_space<vmem>>) target_semaphore(%arg21 : memref<!tpu.dma_semaphore, #tpu.memory_space<semaphore_mem>>)
      } else {
      }
      %add3A_319 = arith.constant 2 : i32
      %add3A_320 = arith.addi %add3A_292, %add3A_319 : i32
      %lt3A_321 = arith.constant 78 : i32
      %lt3A_322 = arith.cmpi slt, %add3A_320, %lt3A_321 : i32
      %convert_element_type3A_323 = arith.extui %lt3A_322 : i1 to i32
      %cond3A_324 = arith.constant 0 : i32
      %cond3A_325 = arith.cmpi ne, %convert_element_type3A_323, %cond3A_324 : i32
      scf.if %cond3A_325 {
        %dma_wait3A_326 = arith.constant 0 : i32
        %dma_wait3A_327 = arith.constant 0 : i32
        %dma_wait3A_328 = arith.constant 0 : i32
        %dma_wait3A_329 = tpu.memref_slice %arg3[%add3A, %dma_wait3A_326, %dma_wait3A_327, %dma_wait3A_328] : memref<32x78x2x128xi32, #tpu.memory_space<hbm>> -> memref<1x1x2x128xi32, #tpu.memory_space<hbm>>
        %dma_wait3A_330 = tpu.memref_squeeze %dma_wait3A_329 : memref<1x1x2x128xi32, #tpu.memory_space<hbm>> -> memref<2x128xi32, #tpu.memory_space<hbm>>
        %dma_wait3A_331 = arith.constant 0 : i32
        %dma_wait3A_332 = arith.constant 0 : i32
        %dma_wait3A_333 = tpu.memref_slice %arg3[%add3A, %dma_wait3A_326, %dma_wait3A_331, %dma_wait3A_332] : memref<32x78x2x128xi32, #tpu.memory_space<hbm>> -> memref<1x1x2x128xi32, #tpu.memory_space<hbm>>
        %dma_wait3A_334 = tpu.memref_squeeze %dma_wait3A_333 : memref<1x1x2x128xi32, #tpu.memory_space<hbm>> -> memref<2x128xi32, #tpu.memory_space<hbm>>
        tpu.wait_dma2 semaphore(%arg19 : memref<!tpu.dma_semaphore, #tpu.memory_space<semaphore_mem>>) src(%dma_wait3A_334 : memref<2x128xi32, #tpu.memory_space<hbm>>) dst(%arg9 : memref<2x128xi32, #tpu.memory_space<vmem>>)
        %add3A_335 = arith.constant 2 : i32
        %add3A_336 = arith.addi %add3A_292, %add3A_335 : i32
        %dma_start3A_337 = arith.constant 0 : i32
        %dma_start3A_338 = arith.constant 0 : i32
        %dma_start3A_339 = tpu.memref_slice %arg9[%dma_start3A_337, %dma_start3A_338] : memref<2x128xi32, #tpu.memory_space<vmem>> -> memref<1x128xi32, #tpu.memory_space<vmem>>
        %dma_start3A_340 = tpu.memref_squeeze %dma_start3A_339 : memref<1x128xi32, #tpu.memory_space<vmem>> -> memref<128xi32, #tpu.memory_space<vmem>>
        %dma_start3A_341 = arith.constant 0 : i32
        %dma_start3A_342 = arith.constant 0 : i32
        %dma_start3A_343 = tpu.memref_slice %arg2[%dma_start3A_341, %dma_start3A_342] : memref<10000x128xf32, #tpu.memory_space<hbm>> -> memref<10000x128xf32, #tpu.memory_space<hbm>>
        tpu.enqueue_indirect_dma source(%dma_start3A_343 : memref<10000x128xf32, #tpu.memory_space<hbm>>) target(%arg16 : memref<128x128xf32, #tpu.memory_space<vmem>>) offsets(%dma_start3A_340 : memref<128xi32, #tpu.memory_space<vmem>>) semaphore(%arg25 : memref<!tpu.dma_semaphore, #tpu.memory_space<semaphore_mem>>)
      } else {
      }
    }
    %scan3A_77 = arith.constant 13 : i32
    %dma_wait3A_78 = arith.constant 1 : i32
    %dma_wait3A_79 = arith.constant 0 : i32
    %dma_wait3A_80 = tpu.memref_slice %arg13[%dma_wait3A_78, %dma_wait3A_79] : memref<2x128xi32, #tpu.memory_space<vmem>> -> memref<1x128xi32, #tpu.memory_space<vmem>>
    %dma_wait3A_81 = tpu.memref_squeeze %dma_wait3A_80 : memref<1x128xi32, #tpu.memory_space<vmem>> -> memref<128xi32, #tpu.memory_space<vmem>>
    %dma_wait3A_82 = arith.constant 0 : i32
    %dma_wait3A_83 = arith.constant 0 : i32
    %dma_wait3A_84 = tpu.memref_slice %arg7[%dma_wait3A_82, %dma_wait3A_83] : memref<10000x128xf32, #tpu.memory_space<vmem_shared>> -> memref<10000x128xf32, #tpu.memory_space<vmem_shared>>
    tpu.wait_indirect_dma semaphore(%arg29 : memref<!tpu.dma_semaphore, #tpu.memory_space<semaphore_mem>>) src(%arg17 : memref<128x128xf32, #tpu.memory_space<vmem>>) dst(%dma_wait3A_84 : memref<10000x128xf32, #tpu.memory_space<vmem_shared>>)
    "tpu.region"() ({
      %run_scoped3A_115 = tpu.sem_alloc : memref<!tpu.dma_semaphore, #tpu.memory_space<semaphore_mem>>
      %dma_start3A_116 = arith.constant 0 : i32
      %dma_start3A_117 = arith.constant 0 : i32
      %dma_start3A_118 = tpu.memref_slice %arg4[%add3A, %dma_start3A_116, %dma_start3A_117] : memref<32x2x16xi32, #tpu.memory_space<hbm>> -> memref<1x2x16xi32, #tpu.memory_space<hbm>>
      %dma_start3A_119 = tpu.memref_squeeze %dma_start3A_118 : memref<1x2x16xi32, #tpu.memory_space<hbm>> -> memref<2x16xi32, #tpu.memory_space<hbm>>
      %dma_start3A_120 = arith.constant 0 : i32
      %dma_start3A_121 = arith.constant 0 : i32
      %dma_start3A_122 = tpu.memref_slice %arg4[%add3A, %dma_start3A_120, %dma_start3A_121] : memref<32x2x16xi32, #tpu.memory_space<hbm>> -> memref<1x2x16xi32, #tpu.memory_space<hbm>>
      %dma_start3A_123 = tpu.memref_squeeze %dma_start3A_122 : memref<1x2x16xi32, #tpu.memory_space<hbm>> -> memref<2x16xi32, #tpu.memory_space<hbm>>
      tpu.enqueue_dma source(%dma_start3A_123 : memref<2x16xi32, #tpu.memory_space<hbm>>) target(%arg14 : memref<2x16xi32, #tpu.memory_space<vmem>>) target_semaphore(%run_scoped3A_115 : memref<!tpu.dma_semaphore, #tpu.memory_space<semaphore_mem>>)
      %dma_wait3A_124 = arith.constant 0 : i32
      %dma_wait3A_125 = arith.constant 0 : i32
      %dma_wait3A_126 = tpu.memref_slice %arg4[%add3A, %dma_wait3A_124, %dma_wait3A_125] : memref<32x2x16xi32, #tpu.memory_space<hbm>> -> memref<1x2x16xi32, #tpu.memory_space<hbm>>
      %dma_wait3A_127 = tpu.memref_squeeze %dma_wait3A_126 : memref<1x2x16xi32, #tpu.memory_space<hbm>> -> memref<2x16xi32, #tpu.memory_space<hbm>>
      %dma_wait3A_128 = arith.constant 0 : i32
      %dma_wait3A_129 = arith.constant 0 : i32
      %dma_wait3A_130 = tpu.memref_slice %arg4[%add3A, %dma_wait3A_128, %dma_wait3A_129] : memref<32x2x16xi32, #tpu.memory_space<hbm>> -> memref<1x2x16xi32, #tpu.memory_space<hbm>>
      %dma_wait3A_131 = tpu.memref_squeeze %dma_wait3A_130 : memref<1x2x16xi32, #tpu.memory_space<hbm>> -> memref<2x16xi32, #tpu.memory_space<hbm>>
      tpu.wait_dma2 semaphore(%run_scoped3A_115 : memref<!tpu.dma_semaphore, #tpu.memory_space<semaphore_mem>>) src(%dma_wait3A_131 : memref<2x16xi32, #tpu.memory_space<hbm>>) dst(%arg14 : memref<2x16xi32, #tpu.memory_space<vmem>>)
      tpu.yield
    }) : () -> ()
    %dma_start3A_85 = arith.constant 0 : i32
    %dma_start3A_86 = arith.constant 0 : i32
    %dma_start3A_87 = arith.constant 0 : i32
    %dma_start3A_88 = tpu.memref_slice %arg15[%dma_start3A_86, %dma_start3A_87] : memref<128x128xf32, #tpu.memory_space<vmem>> -> memref<16x128xf32, #tpu.memory_space<vmem>>
    %dma_start3A_89 = arith.constant 0 : i32
    %dma_start3A_90 = tpu.memref_slice %arg14[%dma_start3A_85, %dma_start3A_89] : memref<2x16xi32, #tpu.memory_space<vmem>> -> memref<1x16xi32, #tpu.memory_space<vmem>>
    %dma_start3A_91 = tpu.memref_squeeze %dma_start3A_90 : memref<1x16xi32, #tpu.memory_space<vmem>> -> memref<16xi32, #tpu.memory_space<vmem>>
    %dma_start3A_92 = arith.constant 0 : i32
    %dma_start3A_93 = arith.constant 0 : i32
    %dma_start3A_94 = tpu.memref_slice %arg2[%dma_start3A_92, %dma_start3A_93] : memref<10000x128xf32, #tpu.memory_space<hbm>> -> memref<10000x128xf32, #tpu.memory_space<hbm>>
    tpu.enqueue_indirect_dma source(%dma_start3A_94 : memref<10000x128xf32, #tpu.memory_space<hbm>>) target(%dma_start3A_88 : memref<16x128xf32, #tpu.memory_space<vmem>>) offsets(%dma_start3A_91 : memref<16xi32, #tpu.memory_space<vmem>>) semaphore(%arg24 : memref<!tpu.dma_semaphore, #tpu.memory_space<semaphore_mem>>)
    %dma_wait3A_95 = arith.constant 0 : i32
    %dma_wait3A_96 = arith.constant 0 : i32
    %dma_wait3A_97 = arith.constant 0 : i32
    %dma_wait3A_98 = tpu.memref_slice %arg15[%dma_wait3A_96, %dma_wait3A_97] : memref<128x128xf32, #tpu.memory_space<vmem>> -> memref<16x128xf32, #tpu.memory_space<vmem>>
    %dma_wait3A_99 = arith.constant 0 : i32
    %dma_wait3A_100 = tpu.memref_slice %arg14[%dma_wait3A_95, %dma_wait3A_99] : memref<2x16xi32, #tpu.memory_space<vmem>> -> memref<1x16xi32, #tpu.memory_space<vmem>>
    %dma_wait3A_101 = tpu.memref_squeeze %dma_wait3A_100 : memref<1x16xi32, #tpu.memory_space<vmem>> -> memref<16xi32, #tpu.memory_space<vmem>>
    %dma_wait3A_102 = arith.constant 0 : i32
    %dma_wait3A_103 = arith.constant 0 : i32
    %dma_wait3A_104 = tpu.memref_slice %arg2[%dma_wait3A_102, %dma_wait3A_103] : memref<10000x128xf32, #tpu.memory_space<hbm>> -> memref<10000x128xf32, #tpu.memory_space<hbm>>
    tpu.wait_indirect_dma semaphore(%arg24 : memref<!tpu.dma_semaphore, #tpu.memory_space<semaphore_mem>>) src(%dma_wait3A_104 : memref<10000x128xf32, #tpu.memory_space<hbm>>) dst(%dma_wait3A_98 : memref<16x128xf32, #tpu.memory_space<vmem>>)
    %run_scoped3A = arith.constant 1 : i32
    "tpu.region"() ({
      %run_scoped3A_115 = tpu.sem_alloc : memref<!tpu.dma_semaphore, #tpu.memory_space<semaphore_mem>>
      %dma_start3A_116 = arith.constant 0 : i32
      %dma_start3A_117 = arith.constant 0 : i32
      %dma_start3A_118 = tpu.memref_slice %arg15[%dma_start3A_116, %dma_start3A_117] : memref<128x128xf32, #tpu.memory_space<vmem>> -> memref<16x128xf32, #tpu.memory_space<vmem>>
      %dma_start3A_119 = arith.constant 0 : i32
      %dma_start3A_120 = tpu.memref_slice %arg14[%run_scoped3A, %dma_start3A_119] : memref<2x16xi32, #tpu.memory_space<vmem>> -> memref<1x16xi32, #tpu.memory_space<vmem>>
      %dma_start3A_121 = tpu.memref_squeeze %dma_start3A_120 : memref<1x16xi32, #tpu.memory_space<vmem>> -> memref<16xi32, #tpu.memory_space<vmem>>
      %dma_start3A_122 = arith.constant 0 : i32
      %dma_start3A_123 = arith.constant 0 : i32
      %dma_start3A_124 = tpu.memref_slice %arg7[%dma_start3A_122, %dma_start3A_123] : memref<10000x128xf32, #tpu.memory_space<vmem_shared>> -> memref<10000x128xf32, #tpu.memory_space<vmem_shared>>
      tpu.enqueue_indirect_dma source(%dma_start3A_118 : memref<16x128xf32, #tpu.memory_space<vmem>>) target(%dma_start3A_124 : memref<10000x128xf32, #tpu.memory_space<vmem_shared>>) offsets(%dma_start3A_121 : memref<16xi32, #tpu.memory_space<vmem>>) semaphore(%run_scoped3A_115 : memref<!tpu.dma_semaphore, #tpu.memory_space<semaphore_mem>>) {add = true}
      %dma_wait3A_125 = arith.constant 0 : i32
      %dma_wait3A_126 = arith.constant 0 : i32
      %dma_wait3A_127 = tpu.memref_slice %arg15[%dma_wait3A_125, %dma_wait3A_126] : memref<128x128xf32, #tpu.memory_space<vmem>> -> memref<16x128xf32, #tpu.memory_space<vmem>>
      %dma_wait3A_128 = arith.constant 0 : i32
      %dma_wait3A_129 = tpu.memref_slice %arg14[%run_scoped3A, %dma_wait3A_128] : memref<2x16xi32, #tpu.memory_space<vmem>> -> memref<1x16xi32, #tpu.memory_space<vmem>>
      %dma_wait3A_130 = tpu.memref_squeeze %dma_wait3A_129 : memref<1x16xi32, #tpu.memory_space<vmem>> -> memref<16xi32, #tpu.memory_space<vmem>>
      %dma_wait3A_131 = arith.constant 0 : i32
      %dma_wait3A_132 = arith.constant 0 : i32
      %dma_wait3A_133 = tpu.memref_slice %arg7[%dma_wait3A_131, %dma_wait3A_132] : memref<10000x128xf32, #tpu.memory_space<vmem_shared>> -> memref<10000x128xf32, #tpu.memory_space<vmem_shared>>
      tpu.wait_indirect_dma semaphore(%run_scoped3A_115 : memref<!tpu.dma_semaphore, #tpu.memory_space<semaphore_mem>>) src(%dma_wait3A_127 : memref<16x128xf32, #tpu.memory_space<vmem>>) dst(%dma_wait3A_133 : memref<10000x128xf32, #tpu.memory_space<vmem_shared>>)
      tpu.yield
    }) : () -> ()
    %barrier3A_105 = arith.constant 0 : index
    tpu.barrier barrier_id(%barrier3A_105)
    %mul3A_106 = arith.constant 624 : i32
    %mul3A_107 = arith.muli %arg1, %mul3A_106 : i32
    %mul3A_108 = arith.constant 624 : i32
    %mul3A_109 = arith.muli %arg1, %mul3A_108 : i32
    "tpu.region"() ({
      %run_scoped3A_115 = tpu.sem_alloc : memref<!tpu.dma_semaphore, #tpu.memory_space<semaphore_mem>>
      %dma_start3A_116 = arith.constant 0 : i32
      %dma_start3A_117 = tpu.memref_slice %arg6[%arg0, %mul3A_109, %dma_start3A_116] : memref<2x10000x128xf32, #tpu.memory_space<hbm>> -> memref<1x624x128xf32, #tpu.memory_space<hbm>>
      %dma_start3A_118 = tpu.memref_squeeze %dma_start3A_117 : memref<1x624x128xf32, #tpu.memory_space<hbm>> -> memref<624x128xf32, #tpu.memory_space<hbm>>
      %dma_start3A_119 = arith.constant 0 : i32
      %dma_start3A_120 = tpu.memref_slice %arg7[%mul3A_107, %dma_start3A_119] : memref<10000x128xf32, #tpu.memory_space<vmem_shared>> -> memref<624x128xf32, #tpu.memory_space<vmem_shared>>
      tpu.enqueue_dma source(%dma_start3A_120 : memref<624x128xf32, #tpu.memory_space<vmem_shared>>) target(%dma_start3A_118 : memref<624x128xf32, #tpu.memory_space<hbm>>) target_semaphore(%run_scoped3A_115 : memref<!tpu.dma_semaphore, #tpu.memory_space<semaphore_mem>>)
      %dma_wait3A_121 = arith.constant 0 : i32
      %dma_wait3A_122 = tpu.memref_slice %arg6[%arg0, %mul3A_109, %dma_wait3A_121] : memref<2x10000x128xf32, #tpu.memory_space<hbm>> -> memref<1x624x128xf32, #tpu.memory_space<hbm>>
      %dma_wait3A_123 = tpu.memref_squeeze %dma_wait3A_122 : memref<1x624x128xf32, #tpu.memory_space<hbm>> -> memref<624x128xf32, #tpu.memory_space<hbm>>
      %dma_wait3A_124 = arith.constant 0 : i32
      %dma_wait3A_125 = tpu.memref_slice %arg7[%mul3A_107, %dma_wait3A_124] : memref<10000x128xf32, #tpu.memory_space<vmem_shared>> -> memref<624x128xf32, #tpu.memory_space<vmem_shared>>
      tpu.wait_dma2 semaphore(%run_scoped3A_115 : memref<!tpu.dma_semaphore, #tpu.memory_space<semaphore_mem>>) src(%dma_wait3A_125 : memref<624x128xf32, #tpu.memory_space<vmem_shared>>) dst(%dma_wait3A_123 : memref<624x128xf32, #tpu.memory_space<hbm>>)
      tpu.yield
    }) : () -> ()
    %eq3A_110 = arith.constant 15 : i32
    %eq3A_111 = arith.cmpi eq, %arg1, %eq3A_110 : i32
    %convert_element_type3A_112 = arith.extui %eq3A_111 : i1 to i32
    %cond3A_113 = arith.constant 0 : i32
    %cond3A_114 = arith.cmpi ne, %convert_element_type3A_112, %cond3A_113 : i32
    scf.if %cond3A_114 {
      "tpu.region"() ({
        %run_scoped3A_115 = tpu.sem_alloc : memref<!tpu.dma_semaphore, #tpu.memory_space<semaphore_mem>>
        %dma_start3A_116 = arith.constant 9984 : i32
        %dma_start3A_117 = arith.constant 0 : i32
        %dma_start3A_118 = tpu.memref_slice %arg6[%arg0, %dma_start3A_116, %dma_start3A_117] : memref<2x10000x128xf32, #tpu.memory_space<hbm>> -> memref<1x16x128xf32, #tpu.memory_space<hbm>>
        %dma_start3A_119 = tpu.memref_squeeze %dma_start3A_118 : memref<1x16x128xf32, #tpu.memory_space<hbm>> -> memref<16x128xf32, #tpu.memory_space<hbm>>
        %dma_start3A_120 = arith.constant 9984 : i32
        %dma_start3A_121 = arith.constant 0 : i32
        %dma_start3A_122 = tpu.memref_slice %arg7[%dma_start3A_120, %dma_start3A_121] : memref<10000x128xf32, #tpu.memory_space<vmem_shared>> -> memref<16x128xf32, #tpu.memory_space<vmem_shared>>
        tpu.enqueue_dma source(%dma_start3A_122 : memref<16x128xf32, #tpu.memory_space<vmem_shared>>) target(%dma_start3A_119 : memref<16x128xf32, #tpu.memory_space<hbm>>) target_semaphore(%run_scoped3A_115 : memref<!tpu.dma_semaphore, #tpu.memory_space<semaphore_mem>>)
        %dma_wait3A_123 = arith.constant 9984 : i32
        %dma_wait3A_124 = arith.constant 0 : i32
        %dma_wait3A_125 = tpu.memref_slice %arg6[%arg0, %dma_wait3A_123, %dma_wait3A_124] : memref<2x10000x128xf32, #tpu.memory_space<hbm>> -> memref<1x16x128xf32, #tpu.memory_space<hbm>>
        %dma_wait3A_126 = tpu.memref_squeeze %dma_wait3A_125 : memref<1x16x128xf32, #tpu.memory_space<hbm>> -> memref<16x128xf32, #tpu.memory_space<hbm>>
        %dma_wait3A_127 = arith.constant 9984 : i32
        %dma_wait3A_128 = arith.constant 0 : i32
        %dma_wait3A_129 = tpu.memref_slice %arg7[%dma_wait3A_127, %dma_wait3A_128] : memref<10000x128xf32, #tpu.memory_space<vmem_shared>> -> memref<16x128xf32, #tpu.memory_space<vmem_shared>>
        tpu.wait_dma2 semaphore(%run_scoped3A_115 : memref<!tpu.dma_semaphore, #tpu.memory_space<semaphore_mem>>) src(%dma_wait3A_129 : memref<16x128xf32, #tpu.memory_space<vmem_shared>>) dst(%dma_wait3A_126 : memref<16x128xf32, #tpu.memory_space<hbm>>)
        tpu.yield
      }) : () -> ()
    } else {
    }
    return
  }
}

#map = affine_map<(d0, d1) -> (0, 0)>
#map1 = affine_map<(d0, d1) -> (0, 0, 0, 0)>
#map2 = affine_map<(d0, d1) -> (0, 0, 0)>
module attributes {stable_mosaic.version = 14 : i64} {
  func.func @_sc_body(%arg0: i32, %arg1: i32, %arg2: memref<10000x128xf32, #tpu.memory_space<hbm>>, %arg3: memref<32x78x2x128xi32, #tpu.memory_space<hbm>>, %arg4: memref<32x2x16xi32, #tpu.memory_space<hbm>>, %arg5: memref<10000x128xf32, #tpu.memory_space<hbm>>, %arg6: memref<2x10000x128xf32, #tpu.memory_space<hbm>>, %arg7: memref<10000x128xf32, #tpu.memory_space<vmem_shared>>, %arg8: memref<2x128xi32, #tpu.memory_space<vmem>>, %arg9: memref<2x128xi32, #tpu.memory_space<vmem>>, %arg10: memref<2x128xi32, #tpu.memory_space<vmem>>, %arg11: memref<2x128xi32, #tpu.memory_space<vmem>>, %arg12: memref<2x128xi32, #tpu.memory_space<vmem>>, %arg13: memref<2x128xi32, #tpu.memory_space<vmem>>, %arg14: memref<2x16xi32, #tpu.memory_space<vmem>>, %arg15: memref<128x128xf32, #tpu.memory_space<vmem>>, %arg16: memref<128x128xf32, #tpu.memory_space<vmem>>, %arg17: memref<128x128xf32, #tpu.memory_space<vmem>>, %arg18: memref<!tpu.dma_semaphore, #tpu.memory_space<semaphore_mem>>, %arg19: memref<!tpu.dma_semaphore, #tpu.memory_space<semaphore_mem>>, %arg20: memref<!tpu.dma_semaphore, #tpu.memory_space<semaphore_mem>>, %arg21: memref<!tpu.dma_semaphore, #tpu.memory_space<semaphore_mem>>, %arg22: memref<!tpu.dma_semaphore, #tpu.memory_space<semaphore_mem>>, %arg23: memref<!tpu.dma_semaphore, #tpu.memory_space<semaphore_mem>>, %arg24: memref<!tpu.dma_semaphore, #tpu.memory_space<semaphore_mem>>, %arg25: memref<!tpu.dma_semaphore, #tpu.memory_space<semaphore_mem>>, %arg26: memref<!tpu.dma_semaphore, #tpu.memory_space<semaphore_mem>>, %arg27: memref<!tpu.dma_semaphore, #tpu.memory_space<semaphore_mem>>, %arg28: memref<!tpu.dma_semaphore, #tpu.memory_space<semaphore_mem>>, %arg29: memref<!tpu.dma_semaphore, #tpu.memory_space<semaphore_mem>>) attributes {dimension_semantics = [#tpu.dimension_semantics<core_parallel>, #tpu.dimension_semantics<subcore_parallel>], iteration_bounds = array<i64: 2, 16>, scalar_prefetch = 0 : i64, scratch_operands = 23 : i64, tpu.core_type = #tpu.core_type<sc_vector_subcore>, window_params = [{transform_indices = #map}, {transform_indices = #map1}, {transform_indices = #map2}, {transform_indices = #map}, {transform_indices = #map2}]} {
    %mul3A = arith.constant 16 : i32
    %mul3A_0 = arith.muli %arg0, %mul3A : i32
    %add3A = arith.addi %mul3A_0, %arg1 : i32
    %mul3A_1 = arith.constant 624 : i32
    %mul3A_2 = arith.muli %arg1, %mul3A_1 : i32
    %mul3A_3 = arith.constant 624 : i32
    %mul3A_4 = arith.muli %arg1, %mul3A_3 : i32
    "tpu.region"() ({
      %run_scoped3A_115 = tpu.sem_alloc : memref<!tpu.dma_semaphore, #tpu.memory_space<semaphore_mem>>
      %dma_start3A_116 = arith.constant 0 : i32
      %dma_start3A_117 = tpu.memref_slice %arg7[%mul3A_4, %dma_start3A_116] : memref<10000x128xf32, #tpu.memory_space<vmem_shared>> -> memref<624x128xf32, #tpu.memory_space<vmem_shared>>
      %dma_start3A_118 = arith.constant 0 : i32
      %dma_start3A_119 = tpu.memref_slice %arg5[%mul3A_2, %dma_start3A_118] : memref<10000x128xf32, #tpu.memory_space<hbm>> -> memref<624x128xf32, #tpu.memory_space<hbm>>
      tpu.enqueue_dma source(%dma_start3A_119 : memref<624x128xf32, #tpu.memory_space<hbm>>) target(%dma_start3A_117 : memref<624x128xf32, #tpu.memory_space<vmem_shared>>) target_semaphore(%run_scoped3A_115 : memref<!tpu.dma_semaphore, #tpu.memory_space<semaphore_mem>>)
      %dma_wait3A_120 = arith.constant 0 : i32
      %dma_wait3A_121 = tpu.memref_slice %arg7[%mul3A_4, %dma_wait3A_120] : memref<10000x128xf32, #tpu.memory_space<vmem_shared>> -> memref<624x128xf32, #tpu.memory_space<vmem_shared>>
      %dma_wait3A_122 = arith.constant 0 : i32
      %dma_wait3A_123 = tpu.memref_slice %arg5[%mul3A_2, %dma_wait3A_122] : memref<10000x128xf32, #tpu.memory_space<hbm>> -> memref<624x128xf32, #tpu.memory_space<hbm>>
      tpu.wait_dma2 semaphore(%run_scoped3A_115 : memref<!tpu.dma_semaphore, #tpu.memory_space<semaphore_mem>>) src(%dma_wait3A_123 : memref<624x128xf32, #tpu.memory_space<hbm>>) dst(%dma_wait3A_121 : memref<624x128xf32, #tpu.memory_space<vmem_shared>>)
      tpu.yield
    }) : () -> ()
    %eq3A = arith.constant 15 : i32
    %eq3A_5 = arith.cmpi eq, %arg1, %eq3A : i32
    %convert_element_type3A = arith.extui %eq3A_5 : i1 to i32
    %cond3A = arith.constant 0 : i32
    %cond3A_6 = arith.cmpi ne, %convert_element_type3A, %cond3A : i32
    scf.if %cond3A_6 {
      "tpu.region"() ({
        %run_scoped3A_115 = tpu.sem_alloc : memref<!tpu.dma_semaphore, #tpu.memory_space<semaphore_mem>>
        %dma_start3A_116 = arith.constant 9984 : i32
        %dma_start3A_117 = arith.constant 0 : i32
        %dma_start3A_118 = tpu.memref_slice %arg7[%dma_start3A_116, %dma_start3A_117] : memref<10000x128xf32, #tpu.memory_space<vmem_shared>> -> memref<16x128xf32, #tpu.memory_space<vmem_shared>>
        %dma_start3A_119 = arith.constant 9984 : i32
        %dma_start3A_120 = arith.constant 0 : i32
        %dma_start3A_121 = tpu.memref_slice %arg5[%dma_start3A_119, %dma_start3A_120] : memref<10000x128xf32, #tpu.memory_space<hbm>> -> memref<16x128xf32, #tpu.memory_space<hbm>>
        tpu.enqueue_dma source(%dma_start3A_121 : memref<16x128xf32, #tpu.memory_space<hbm>>) target(%dma_start3A_118 : memref<16x128xf32, #tpu.memory_space<vmem_shared>>) target_semaphore(%run_scoped3A_115 : memref<!tpu.dma_semaphore, #tpu.memory_space<semaphore_mem>>)
        %dma_wait3A_122 = arith.constant 9984 : i32
        %dma_wait3A_123 = arith.constant 0 : i32
        %dma_wait3A_124 = tpu.memref_slice %arg7[%dma_wait3A_122, %dma_wait3A_123] : memref<10000x128xf32, #tpu.memory_space<vmem_shared>> -> memref<16x128xf32, #tpu.memory_space<vmem_shared>>
        %dma_wait3A_125 = arith.constant 9984 : i32
        %dma_wait3A_126 = arith.constant 0 : i32
        %dma_wait3A_127 = tpu.memref_slice %arg5[%dma_wait3A_125, %dma_wait3A_126] : memref<10000x128xf32, #tpu.memory_space<hbm>> -> memref<16x128xf32, #tpu.memory_space<hbm>>
        tpu.wait_dma2 semaphore(%run_scoped3A_115 : memref<!tpu.dma_semaphore, #tpu.memory_space<semaphore_mem>>) src(%dma_wait3A_127 : memref<16x128xf32, #tpu.memory_space<hbm>>) dst(%dma_wait3A_124 : memref<16x128xf32, #tpu.memory_space<vmem_shared>>)
        tpu.yield
      }) : () -> ()
    } else {
    }
    %barrier3A = arith.constant 0 : index
    tpu.barrier barrier_id(%barrier3A)
    %dma_start3A = arith.constant 0 : i32
    %dma_start3A_7 = arith.constant 0 : i32
    %dma_start3A_8 = arith.constant 0 : i32
    %dma_start3A_9 = tpu.memref_slice %arg3[%add3A, %dma_start3A, %dma_start3A_7, %dma_start3A_8] : memref<32x78x2x128xi32, #tpu.memory_space<hbm>> -> memref<1x1x2x128xi32, #tpu.memory_space<hbm>>
    %dma_start3A_10 = tpu.memref_squeeze %dma_start3A_9 : memref<1x1x2x128xi32, #tpu.memory_space<hbm>> -> memref<2x128xi32, #tpu.memory_space<hbm>>
    %dma_start3A_11 = arith.constant 0 : i32
    %dma_start3A_12 = arith.constant 0 : i32
    %dma_start3A_13 = tpu.memref_slice %arg3[%add3A, %dma_start3A, %dma_start3A_11, %dma_start3A_12] : memref<32x78x2x128xi32, #tpu.memory_space<hbm>> -> memref<1x1x2x128xi32, #tpu.memory_space<hbm>>
    %dma_start3A_14 = tpu.memref_squeeze %dma_start3A_13 : memref<1x1x2x128xi32, #tpu.memory_space<hbm>> -> memref<2x128xi32, #tpu.memory_space<hbm>>
    tpu.enqueue_dma source(%dma_start3A_14 : memref<2x128xi32, #tpu.memory_space<hbm>>) target(%arg8 : memref<2x128xi32, #tpu.memory_space<vmem>>) target_semaphore(%arg18 : memref<!tpu.dma_semaphore, #tpu.memory_space<semaphore_mem>>)
    %dma_start3A_15 = arith.constant 1 : i32
    %dma_start3A_16 = arith.constant 0 : i32
    %dma_start3A_17 = arith.constant 0 : i32
    %dma_start3A_18 = tpu.memref_slice %arg3[%add3A, %dma_start3A_15, %dma_start3A_16, %dma_start3A_17] : memref<32x78x2x128xi32, #tpu.memory_space<hbm>> -> memref<1x1x2x128xi32, #tpu.memory_space<hbm>>
    %dma_start3A_19 = tpu.memref_squeeze %dma_start3A_18 : memref<1x1x2x128xi32, #tpu.memory_space<hbm>> -> memref<2x128xi32, #tpu.memory_space<hbm>>
    %dma_start3A_20 = arith.constant 0 : i32
    %dma_start3A_21 = arith.constant 0 : i32
    %dma_start3A_22 = tpu.memref_slice %arg3[%add3A, %dma_start3A_15, %dma_start3A_20, %dma_start3A_21] : memref<32x78x2x128xi32, #tpu.memory_space<hbm>> -> memref<1x1x2x128xi32, #tpu.memory_space<hbm>>
    %dma_start3A_23 = tpu.memref_squeeze %dma_start3A_22 : memref<1x1x2x128xi32, #tpu.memory_space<hbm>> -> memref<2x128xi32, #tpu.memory_space<hbm>>
    tpu.enqueue_dma source(%dma_start3A_23 : memref<2x128xi32, #tpu.memory_space<hbm>>) target(%arg9 : memref<2x128xi32, #tpu.memory_space<vmem>>) target_semaphore(%arg19 : memref<!tpu.dma_semaphore, #tpu.memory_space<semaphore_mem>>)
    %dma_start3A_24 = arith.constant 2 : i32
    %dma_start3A_25 = arith.constant 0 : i32
    %dma_start3A_26 = arith.constant 0 : i32
    %dma_start3A_27 = tpu.memref_slice %arg3[%add3A, %dma_start3A_24, %dma_start3A_25, %dma_start3A_26] : memref<32x78x2x128xi32, #tpu.memory_space<hbm>> -> memref<1x1x2x128xi32, #tpu.memory_space<hbm>>
    %dma_start3A_28 = tpu.memref_squeeze %dma_start3A_27 : memref<1x1x2x128xi32, #tpu.memory_space<hbm>> -> memref<2x128xi32, #tpu.memory_space<hbm>>
    %dma_start3A_29 = arith.constant 0 : i32
    %dma_start3A_30 = arith.constant 0 : i32
    %dma_start3A_31 = tpu.memref_slice %arg3[%add3A, %dma_start3A_24, %dma_start3A_29, %dma_start3A_30] : memref<32x78x2x128xi32, #tpu.memory_space<hbm>> -> memref<1x1x2x128xi32, #tpu.memory_space<hbm>>
    %dma_start3A_32 = tpu.memref_squeeze %dma_start3A_31 : memref<1x1x2x128xi32, #tpu.memory_space<hbm>> -> memref<2x128xi32, #tpu.memory_space<hbm>>
    tpu.enqueue_dma source(%dma_start3A_32 : memref<2x128xi32, #tpu.memory_space<hbm>>) target(%arg10 : memref<2x128xi32, #tpu.memory_space<vmem>>) target_semaphore(%arg20 : memref<!tpu.dma_semaphore, #tpu.memory_space<semaphore_mem>>)
    %dma_start3A_33 = arith.constant 3 : i32
    %dma_start3A_34 = arith.constant 0 : i32
    %dma_start3A_35 = arith.constant 0 : i32
    %dma_start3A_36 = tpu.memref_slice %arg3[%add3A, %dma_start3A_33, %dma_start3A_34, %dma_start3A_35] : memref<32x78x2x128xi32, #tpu.memory_space<hbm>> -> memref<1x1x2x128xi32, #tpu.memory_space<hbm>>
    %dma_start3A_37 = tpu.memref_squeeze %dma_start3A_36 : memref<1x1x2x128xi32, #tpu.memory_space<hbm>> -> memref<2x128xi32, #tpu.memory_space<hbm>>
    %dma_start3A_38 = arith.constant 0 : i32
    %dma_start3A_39 = arith.constant 0 : i32
    %dma_start3A_40 = tpu.memref_slice %arg3[%add3A, %dma_start3A_33, %dma_start3A_38, %dma_start3A_39] : memref<32x78x2x128xi32, #tpu.memory_space<hbm>> -> memref<1x1x2x128xi32, #tpu.memory_space<hbm>>
    %dma_start3A_41 = tpu.memref_squeeze %dma_start3A_40 : memref<1x1x2x128xi32, #tpu.memory_space<hbm>> -> memref<2x128xi32, #tpu.memory_space<hbm>>
    tpu.enqueue_dma source(%dma_start3A_41 : memref<2x128xi32, #tpu.memory_space<hbm>>) target(%arg11 : memref<2x128xi32, #tpu.memory_space<vmem>>) target_semaphore(%arg21 : memref<!tpu.dma_semaphore, #tpu.memory_space<semaphore_mem>>)
    %dma_wait3A = arith.constant 0 : i32
    %dma_wait3A_42 = arith.constant 0 : i32
    %dma_wait3A_43 = arith.constant 0 : i32
    %dma_wait3A_44 = tpu.memref_slice %arg3[%add3A, %dma_wait3A, %dma_wait3A_42, %dma_wait3A_43] : memref<32x78x2x128xi32, #tpu.memory_space<hbm>> -> memref<1x1x2x128xi32, #tpu.memory_space<hbm>>
    %dma_wait3A_45 = tpu.memref_squeeze %dma_wait3A_44 : memref<1x1x2x128xi32, #tpu.memory_space<hbm>> -> memref<2x128xi32, #tpu.memory_space<hbm>>
    %dma_wait3A_46 = arith.constant 0 : i32
    %dma_wait3A_47 = arith.constant 0 : i32
    %dma_wait3A_48 = tpu.memref_slice %arg3[%add3A, %dma_wait3A, %dma_wait3A_46, %dma_wait3A_47] : memref<32x78x2x128xi32, #tpu.memory_space<hbm>> -> memref<1x1x2x128xi32, #tpu.memory_space<hbm>>
    %dma_wait3A_49 = tpu.memref_squeeze %dma_wait3A_48 : memref<1x1x2x128xi32, #tpu.memory_space<hbm>> -> memref<2x128xi32, #tpu.memory_space<hbm>>
    tpu.wait_dma2 semaphore(%arg18 : memref<!tpu.dma_semaphore, #tpu.memory_space<semaphore_mem>>) src(%dma_wait3A_49 : memref<2x128xi32, #tpu.memory_space<hbm>>) dst(%arg8 : memref<2x128xi32, #tpu.memory_space<vmem>>)
    %dma_start3A_50 = arith.constant 0 : i32
    %dma_start3A_51 = arith.constant 0 : i32
    %dma_start3A_52 = tpu.memref_slice %arg8[%dma_start3A_50, %dma_start3A_51] : memref<2x128xi32, #tpu.memory_space<vmem>> -> memref<1x128xi32, #tpu.memory_space<vmem>>
    %dma_start3A_53 = tpu.memref_squeeze %dma_start3A_52 : memref<1x128xi32, #tpu.memory_space<vmem>> -> memref<128xi32, #tpu.memory_space<vmem>>
    %dma_start3A_54 = arith.constant 0 : i32
    %dma_start3A_55 = arith.constant 0 : i32
    %dma_start3A_56 = tpu.memref_slice %arg2[%dma_start3A_54, %dma_start3A_55] : memref<10000x128xf32, #tpu.memory_space<hbm>> -> memref<10000x128xf32, #tpu.memory_space<hbm>>
    tpu.enqueue_indirect_dma source(%dma_start3A_56 : memref<10000x128xf32, #tpu.memory_space<hbm>>) target(%arg15 : memref<128x128xf32, #tpu.memory_space<vmem>>) offsets(%dma_start3A_53 : memref<128xi32, #tpu.memory_space<vmem>>) semaphore(%arg24 : memref<!tpu.dma_semaphore, #tpu.memory_space<semaphore_mem>>)
    %dma_wait3A_57 = arith.constant 0 : i32
    %dma_wait3A_58 = arith.constant 0 : i32
    %dma_wait3A_59 = arith.constant 0 : i32
    %dma_wait3A_60 = tpu.memref_slice %arg3[%add3A, %dma_wait3A_57, %dma_wait3A_58, %dma_wait3A_59] : memref<32x78x2x128xi32, #tpu.memory_space<hbm>> -> memref<1x1x2x128xi32, #tpu.memory_space<hbm>>
    %dma_wait3A_61 = tpu.memref_squeeze %dma_wait3A_60 : memref<1x1x2x128xi32, #tpu.memory_space<hbm>> -> memref<2x128xi32, #tpu.memory_space<hbm>>
    %dma_wait3A_62 = arith.constant 0 : i32
    %dma_wait3A_63 = arith.constant 0 : i32
    %dma_wait3A_64 = tpu.memref_slice %arg3[%add3A, %dma_wait3A_57, %dma_wait3A_62, %dma_wait3A_63] : memref<32x78x2x128xi32, #tpu.memory_space<hbm>> -> memref<1x1x2x128xi32, #tpu.memory_space<hbm>>
    %dma_wait3A_65 = tpu.memref_squeeze %dma_wait3A_64 : memref<1x1x2x128xi32, #tpu.memory_space<hbm>> -> memref<2x128xi32, #tpu.memory_space<hbm>>
    tpu.wait_dma2 semaphore(%arg19 : memref<!tpu.dma_semaphore, #tpu.memory_space<semaphore_mem>>) src(%dma_wait3A_65 : memref<2x128xi32, #tpu.memory_space<hbm>>) dst(%arg9 : memref<2x128xi32, #tpu.memory_space<vmem>>)
    %dma_start3A_66 = arith.constant 0 : i32
    %dma_start3A_67 = arith.constant 0 : i32
    %dma_start3A_68 = tpu.memref_slice %arg9[%dma_start3A_66, %dma_start3A_67] : memref<2x128xi32, #tpu.memory_space<vmem>> -> memref<1x128xi32, #tpu.memory_space<vmem>>
    %dma_start3A_69 = tpu.memref_squeeze %dma_start3A_68 : memref<1x128xi32, #tpu.memory_space<vmem>> -> memref<128xi32, #tpu.memory_space<vmem>>
    %dma_start3A_70 = arith.constant 0 : i32
    %dma_start3A_71 = arith.constant 0 : i32
    %dma_start3A_72 = tpu.memref_slice %arg2[%dma_start3A_70, %dma_start3A_71] : memref<10000x128xf32, #tpu.memory_space<hbm>> -> memref<10000x128xf32, #tpu.memory_space<hbm>>
    tpu.enqueue_indirect_dma source(%dma_start3A_72 : memref<10000x128xf32, #tpu.memory_space<hbm>>) target(%arg16 : memref<128x128xf32, #tpu.memory_space<vmem>>) offsets(%dma_start3A_69 : memref<128xi32, #tpu.memory_space<vmem>>) semaphore(%arg25 : memref<!tpu.dma_semaphore, #tpu.memory_space<semaphore_mem>>)
    %scan3A = arith.constant 0 : i32
    %scan3A_73 = arith.constant 0 : i32
    %scan3A_74 = arith.constant 13 : i32
    %scan3A_75 = arith.addi %scan3A_73, %scan3A_74 : i32
    %scan3A_76 = arith.constant 1 : i32
    scf.for %scan3A_115 = %scan3A_73 to %scan3A_75 step %scan3A_76  : i32 {
      %mul3A_116 = arith.constant 6 : i32
      %mul3A_117 = arith.muli %mul3A_116, %scan3A_115 : i32
      %add3A_118 = arith.constant 0 : i32
      %add3A_119 = arith.addi %mul3A_117, %add3A_118 : i32
      %dma_wait3A_120 = arith.constant 0 : i32
      %dma_wait3A_121 = arith.constant 0 : i32
      %dma_wait3A_122 = tpu.memref_slice %arg8[%dma_wait3A_120, %dma_wait3A_121] : memref<2x128xi32, #tpu.memory_space<vmem>> -> memref<1x128xi32, #tpu.memory_space<vmem>>
      %dma_wait3A_123 = tpu.memref_squeeze %dma_wait3A_122 : memref<1x128xi32, #tpu.memory_space<vmem>> -> memref<128xi32, #tpu.memory_space<vmem>>
      %dma_wait3A_124 = arith.constant 0 : i32
      %dma_wait3A_125 = arith.constant 0 : i32
      %dma_wait3A_126 = tpu.memref_slice %arg2[%dma_wait3A_124, %dma_wait3A_125] : memref<10000x128xf32, #tpu.memory_space<hbm>> -> memref<10000x128xf32, #tpu.memory_space<hbm>>
      tpu.wait_indirect_dma semaphore(%arg24 : memref<!tpu.dma_semaphore, #tpu.memory_space<semaphore_mem>>) src(%dma_wait3A_126 : memref<10000x128xf32, #tpu.memory_space<hbm>>) dst(%arg15 : memref<128x128xf32, #tpu.memory_space<vmem>>)
      %dma_start3A_127 = arith.constant 1 : i32
      %dma_start3A_128 = arith.constant 0 : i32
      %dma_start3A_129 = tpu.memref_slice %arg8[%dma_start3A_127, %dma_start3A_128] : memref<2x128xi32, #tpu.memory_space<vmem>> -> memref<1x128xi32, #tpu.memory_space<vmem>>
      %dma_start3A_130 = tpu.memref_squeeze %dma_start3A_129 : memref<1x128xi32, #tpu.memory_space<vmem>> -> memref<128xi32, #tpu.memory_space<vmem>>
      %dma_start3A_131 = arith.constant 0 : i32
      %dma_start3A_132 = arith.constant 0 : i32
      %dma_start3A_133 = tpu.memref_slice %arg7[%dma_start3A_131, %dma_start3A_132] : memref<10000x128xf32, #tpu.memory_space<vmem_shared>> -> memref<10000x128xf32, #tpu.memory_space<vmem_shared>>
      tpu.enqueue_indirect_dma source(%arg15 : memref<128x128xf32, #tpu.memory_space<vmem>>) target(%dma_start3A_133 : memref<10000x128xf32, #tpu.memory_space<vmem_shared>>) offsets(%dma_start3A_130 : memref<128xi32, #tpu.memory_space<vmem>>) semaphore(%arg27 : memref<!tpu.dma_semaphore, #tpu.memory_space<semaphore_mem>>) {add = true}
      %ge3A = arith.constant 1 : i32
      %ge3A_134 = arith.cmpi sge, %add3A_119, %ge3A : i32
      %convert_element_type3A_135 = arith.extui %ge3A_134 : i1 to i32
      %cond3A_136 = arith.constant 0 : i32
      %cond3A_137 = arith.cmpi ne, %convert_element_type3A_135, %cond3A_136 : i32
      scf.if %cond3A_137 {
        %dma_wait3A_326 = arith.constant 1 : i32
        %dma_wait3A_327 = arith.constant 0 : i32
        %dma_wait3A_328 = tpu.memref_slice %arg13[%dma_wait3A_326, %dma_wait3A_327] : memref<2x128xi32, #tpu.memory_space<vmem>> -> memref<1x128xi32, #tpu.memory_space<vmem>>
        %dma_wait3A_329 = tpu.memref_squeeze %dma_wait3A_328 : memref<1x128xi32, #tpu.memory_space<vmem>> -> memref<128xi32, #tpu.memory_space<vmem>>
        %dma_wait3A_330 = arith.constant 0 : i32
        %dma_wait3A_331 = arith.constant 0 : i32
        %dma_wait3A_332 = tpu.memref_slice %arg7[%dma_wait3A_330, %dma_wait3A_331] : memref<10000x128xf32, #tpu.memory_space<vmem_shared>> -> memref<10000x128xf32, #tpu.memory_space<vmem_shared>>
        tpu.wait_indirect_dma semaphore(%arg29 : memref<!tpu.dma_semaphore, #tpu.memory_space<semaphore_mem>>) src(%arg17 : memref<128x128xf32, #tpu.memory_space<vmem>>) dst(%dma_wait3A_332 : memref<10000x128xf32, #tpu.memory_space<vmem_shared>>)
      } else {
      }
      %add3A_138 = arith.constant 4 : i32
      %add3A_139 = arith.addi %add3A_119, %add3A_138 : i32
      %lt3A = arith.constant 78 : i32
      %lt3A_140 = arith.cmpi slt, %add3A_139, %lt3A : i32
      %convert_element_type3A_141 = arith.extui %lt3A_140 : i1 to i32
      %cond3A_142 = arith.constant 0 : i32
      %cond3A_143 = arith.cmpi ne, %convert_element_type3A_141, %cond3A_142 : i32
      scf.if %cond3A_143 {
        %add3A_326 = arith.constant 4 : i32
        %add3A_327 = arith.addi %add3A_119, %add3A_326 : i32
        %dma_start3A_328 = arith.constant 0 : i32
        %dma_start3A_329 = arith.constant 0 : i32
        %dma_start3A_330 = tpu.memref_slice %arg3[%add3A, %add3A_327, %dma_start3A_328, %dma_start3A_329] : memref<32x78x2x128xi32, #tpu.memory_space<hbm>> -> memref<1x1x2x128xi32, #tpu.memory_space<hbm>>
        %dma_start3A_331 = tpu.memref_squeeze %dma_start3A_330 : memref<1x1x2x128xi32, #tpu.memory_space<hbm>> -> memref<2x128xi32, #tpu.memory_space<hbm>>
        %dma_start3A_332 = arith.constant 0 : i32
        %dma_start3A_333 = arith.constant 0 : i32
        %dma_start3A_334 = tpu.memref_slice %arg3[%add3A, %add3A_327, %dma_start3A_332, %dma_start3A_333] : memref<32x78x2x128xi32, #tpu.memory_space<hbm>> -> memref<1x1x2x128xi32, #tpu.memory_space<hbm>>
        %dma_start3A_335 = tpu.memref_squeeze %dma_start3A_334 : memref<1x1x2x128xi32, #tpu.memory_space<hbm>> -> memref<2x128xi32, #tpu.memory_space<hbm>>
        tpu.enqueue_dma source(%dma_start3A_335 : memref<2x128xi32, #tpu.memory_space<hbm>>) target(%arg12 : memref<2x128xi32, #tpu.memory_space<vmem>>) target_semaphore(%arg22 : memref<!tpu.dma_semaphore, #tpu.memory_space<semaphore_mem>>)
      } else {
      }
      %add3A_144 = arith.constant 2 : i32
      %add3A_145 = arith.addi %add3A_119, %add3A_144 : i32
      %lt3A_146 = arith.constant 78 : i32
      %lt3A_147 = arith.cmpi slt, %add3A_145, %lt3A_146 : i32
      %convert_element_type3A_148 = arith.extui %lt3A_147 : i1 to i32
      %cond3A_149 = arith.constant 0 : i32
      %cond3A_150 = arith.cmpi ne, %convert_element_type3A_148, %cond3A_149 : i32
      scf.if %cond3A_150 {
        %dma_wait3A_326 = arith.constant 0 : i32
        %dma_wait3A_327 = arith.constant 0 : i32
        %dma_wait3A_328 = arith.constant 0 : i32
        %dma_wait3A_329 = tpu.memref_slice %arg3[%add3A, %dma_wait3A_326, %dma_wait3A_327, %dma_wait3A_328] : memref<32x78x2x128xi32, #tpu.memory_space<hbm>> -> memref<1x1x2x128xi32, #tpu.memory_space<hbm>>
        %dma_wait3A_330 = tpu.memref_squeeze %dma_wait3A_329 : memref<1x1x2x128xi32, #tpu.memory_space<hbm>> -> memref<2x128xi32, #tpu.memory_space<hbm>>
        %dma_wait3A_331 = arith.constant 0 : i32
        %dma_wait3A_332 = arith.constant 0 : i32
        %dma_wait3A_333 = tpu.memref_slice %arg3[%add3A, %dma_wait3A_326, %dma_wait3A_331, %dma_wait3A_332] : memref<32x78x2x128xi32, #tpu.memory_space<hbm>> -> memref<1x1x2x128xi32, #tpu.memory_space<hbm>>
        %dma_wait3A_334 = tpu.memref_squeeze %dma_wait3A_333 : memref<1x1x2x128xi32, #tpu.memory_space<hbm>> -> memref<2x128xi32, #tpu.memory_space<hbm>>
        tpu.wait_dma2 semaphore(%arg20 : memref<!tpu.dma_semaphore, #tpu.memory_space<semaphore_mem>>) src(%dma_wait3A_334 : memref<2x128xi32, #tpu.memory_space<hbm>>) dst(%arg10 : memref<2x128xi32, #tpu.memory_space<vmem>>)
        %add3A_335 = arith.constant 2 : i32
        %add3A_336 = arith.addi %add3A_119, %add3A_335 : i32
        %dma_start3A_337 = arith.constant 0 : i32
        %dma_start3A_338 = arith.constant 0 : i32
        %dma_start3A_339 = tpu.memref_slice %arg10[%dma_start3A_337, %dma_start3A_338] : memref<2x128xi32, #tpu.memory_space<vmem>> -> memref<1x128xi32, #tpu.memory_space<vmem>>
        %dma_start3A_340 = tpu.memref_squeeze %dma_start3A_339 : memref<1x128xi32, #tpu.memory_space<vmem>> -> memref<128xi32, #tpu.memory_space<vmem>>
        %dma_start3A_341 = arith.constant 0 : i32
        %dma_start3A_342 = arith.constant 0 : i32
        %dma_start3A_343 = tpu.memref_slice %arg2[%dma_start3A_341, %dma_start3A_342] : memref<10000x128xf32, #tpu.memory_space<hbm>> -> memref<10000x128xf32, #tpu.memory_space<hbm>>
        tpu.enqueue_indirect_dma source(%dma_start3A_343 : memref<10000x128xf32, #tpu.memory_space<hbm>>) target(%arg17 : memref<128x128xf32, #tpu.memory_space<vmem>>) offsets(%dma_start3A_340 : memref<128xi32, #tpu.memory_space<vmem>>) semaphore(%arg26 : memref<!tpu.dma_semaphore, #tpu.memory_space<semaphore_mem>>)
      } else {
      }
      %add3A_151 = arith.constant 1 : i32
      %add3A_152 = arith.addi %mul3A_117, %add3A_151 : i32
      %dma_wait3A_153 = arith.constant 0 : i32
      %dma_wait3A_154 = arith.constant 0 : i32
      %dma_wait3A_155 = tpu.memref_slice %arg9[%dma_wait3A_153, %dma_wait3A_154] : memref<2x128xi32, #tpu.memory_space<vmem>> -> memref<1x128xi32, #tpu.memory_space<vmem>>
      %dma_wait3A_156 = tpu.memref_squeeze %dma_wait3A_155 : memref<1x128xi32, #tpu.memory_space<vmem>> -> memref<128xi32, #tpu.memory_space<vmem>>
      %dma_wait3A_157 = arith.constant 0 : i32
      %dma_wait3A_158 = arith.constant 0 : i32
      %dma_wait3A_159 = tpu.memref_slice %arg2[%dma_wait3A_157, %dma_wait3A_158] : memref<10000x128xf32, #tpu.memory_space<hbm>> -> memref<10000x128xf32, #tpu.memory_space<hbm>>
      tpu.wait_indirect_dma semaphore(%arg25 : memref<!tpu.dma_semaphore, #tpu.memory_space<semaphore_mem>>) src(%dma_wait3A_159 : memref<10000x128xf32, #tpu.memory_space<hbm>>) dst(%arg16 : memref<128x128xf32, #tpu.memory_space<vmem>>)
      %dma_start3A_160 = arith.constant 1 : i32
      %dma_start3A_161 = arith.constant 0 : i32
      %dma_start3A_162 = tpu.memref_slice %arg9[%dma_start3A_160, %dma_start3A_161] : memref<2x128xi32, #tpu.memory_space<vmem>> -> memref<1x128xi32, #tpu.memory_space<vmem>>
      %dma_start3A_163 = tpu.memref_squeeze %dma_start3A_162 : memref<1x128xi32, #tpu.memory_space<vmem>> -> memref<128xi32, #tpu.memory_space<vmem>>
      %dma_start3A_164 = arith.constant 0 : i32
      %dma_start3A_165 = arith.constant 0 : i32
      %dma_start3A_166 = tpu.memref_slice %arg7[%dma_start3A_164, %dma_start3A_165] : memref<10000x128xf32, #tpu.memory_space<vmem_shared>> -> memref<10000x128xf32, #tpu.memory_space<vmem_shared>>
      tpu.enqueue_indirect_dma source(%arg16 : memref<128x128xf32, #tpu.memory_space<vmem>>) target(%dma_start3A_166 : memref<10000x128xf32, #tpu.memory_space<vmem_shared>>) offsets(%dma_start3A_163 : memref<128xi32, #tpu.memory_space<vmem>>) semaphore(%arg28 : memref<!tpu.dma_semaphore, #tpu.memory_space<semaphore_mem>>) {add = true}
      %ge3A_167 = arith.constant 1 : i32
      %ge3A_168 = arith.cmpi sge, %add3A_152, %ge3A_167 : i32
      %convert_element_type3A_169 = arith.extui %ge3A_168 : i1 to i32
      %cond3A_170 = arith.constant 0 : i32
      %cond3A_171 = arith.cmpi ne, %convert_element_type3A_169, %cond3A_170 : i32
      scf.if %cond3A_171 {
        %dma_wait3A_326 = arith.constant 1 : i32
        %dma_wait3A_327 = arith.constant 0 : i32
        %dma_wait3A_328 = tpu.memref_slice %arg8[%dma_wait3A_326, %dma_wait3A_327] : memref<2x128xi32, #tpu.memory_space<vmem>> -> memref<1x128xi32, #tpu.memory_space<vmem>>
        %dma_wait3A_329 = tpu.memref_squeeze %dma_wait3A_328 : memref<1x128xi32, #tpu.memory_space<vmem>> -> memref<128xi32, #tpu.memory_space<vmem>>
        %dma_wait3A_330 = arith.constant 0 : i32
        %dma_wait3A_331 = arith.constant 0 : i32
        %dma_wait3A_332 = tpu.memref_slice %arg7[%dma_wait3A_330, %dma_wait3A_331] : memref<10000x128xf32, #tpu.memory_space<vmem_shared>> -> memref<10000x128xf32, #tpu.memory_space<vmem_shared>>
        tpu.wait_indirect_dma semaphore(%arg27 : memref<!tpu.dma_semaphore, #tpu.memory_space<semaphore_mem>>) src(%arg15 : memref<128x128xf32, #tpu.memory_space<vmem>>) dst(%dma_wait3A_332 : memref<10000x128xf32, #tpu.memory_space<vmem_shared>>)
      } else {
      }
      %add3A_172 = arith.constant 4 : i32
      %add3A_173 = arith.addi %add3A_152, %add3A_172 : i32
      %lt3A_174 = arith.constant 78 : i32
      %lt3A_175 = arith.cmpi slt, %add3A_173, %lt3A_174 : i32
      %convert_element_type3A_176 = arith.extui %lt3A_175 : i1 to i32
      %cond3A_177 = arith.constant 0 : i32
      %cond3A_178 = arith.cmpi ne, %convert_element_type3A_176, %cond3A_177 : i32
      scf.if %cond3A_178 {
        %add3A_326 = arith.constant 4 : i32
        %add3A_327 = arith.addi %add3A_152, %add3A_326 : i32
        %dma_start3A_328 = arith.constant 0 : i32
        %dma_start3A_329 = arith.constant 0 : i32
        %dma_start3A_330 = tpu.memref_slice %arg3[%add3A, %add3A_327, %dma_start3A_328, %dma_start3A_329] : memref<32x78x2x128xi32, #tpu.memory_space<hbm>> -> memref<1x1x2x128xi32, #tpu.memory_space<hbm>>
        %dma_start3A_331 = tpu.memref_squeeze %dma_start3A_330 : memref<1x1x2x128xi32, #tpu.memory_space<hbm>> -> memref<2x128xi32, #tpu.memory_space<hbm>>
        %dma_start3A_332 = arith.constant 0 : i32
        %dma_start3A_333 = arith.constant 0 : i32
        %dma_start3A_334 = tpu.memref_slice %arg3[%add3A, %add3A_327, %dma_start3A_332, %dma_start3A_333] : memref<32x78x2x128xi32, #tpu.memory_space<hbm>> -> memref<1x1x2x128xi32, #tpu.memory_space<hbm>>
        %dma_start3A_335 = tpu.memref_squeeze %dma_start3A_334 : memref<1x1x2x128xi32, #tpu.memory_space<hbm>> -> memref<2x128xi32, #tpu.memory_space<hbm>>
        tpu.enqueue_dma source(%dma_start3A_335 : memref<2x128xi32, #tpu.memory_space<hbm>>) target(%arg13 : memref<2x128xi32, #tpu.memory_space<vmem>>) target_semaphore(%arg23 : memref<!tpu.dma_semaphore, #tpu.memory_space<semaphore_mem>>)
      } else {
      }
      %add3A_179 = arith.constant 2 : i32
      %add3A_180 = arith.addi %add3A_152, %add3A_179 : i32
      %lt3A_181 = arith.constant 78 : i32
      %lt3A_182 = arith.cmpi slt, %add3A_180, %lt3A_181 : i32
      %convert_element_type3A_183 = arith.extui %lt3A_182 : i1 to i32
      %cond3A_184 = arith.constant 0 : i32
      %cond3A_185 = arith.cmpi ne, %convert_element_type3A_183, %cond3A_184 : i32
      scf.if %cond3A_185 {
        %dma_wait3A_326 = arith.constant 0 : i32
        %dma_wait3A_327 = arith.constant 0 : i32
        %dma_wait3A_328 = arith.constant 0 : i32
        %dma_wait3A_329 = tpu.memref_slice %arg3[%add3A, %dma_wait3A_326, %dma_wait3A_327, %dma_wait3A_328] : memref<32x78x2x128xi32, #tpu.memory_space<hbm>> -> memref<1x1x2x128xi32, #tpu.memory_space<hbm>>
        %dma_wait3A_330 = tpu.memref_squeeze %dma_wait3A_329 : memref<1x1x2x128xi32, #tpu.memory_space<hbm>> -> memref<2x128xi32, #tpu.memory_space<hbm>>
        %dma_wait3A_331 = arith.constant 0 : i32
        %dma_wait3A_332 = arith.constant 0 : i32
        %dma_wait3A_333 = tpu.memref_slice %arg3[%add3A, %dma_wait3A_326, %dma_wait3A_331, %dma_wait3A_332] : memref<32x78x2x128xi32, #tpu.memory_space<hbm>> -> memref<1x1x2x128xi32, #tpu.memory_space<hbm>>
        %dma_wait3A_334 = tpu.memref_squeeze %dma_wait3A_333 : memref<1x1x2x128xi32, #tpu.memory_space<hbm>> -> memref<2x128xi32, #tpu.memory_space<hbm>>
        tpu.wait_dma2 semaphore(%arg21 : memref<!tpu.dma_semaphore, #tpu.memory_space<semaphore_mem>>) src(%dma_wait3A_334 : memref<2x128xi32, #tpu.memory_space<hbm>>) dst(%arg11 : memref<2x128xi32, #tpu.memory_space<vmem>>)
        %add3A_335 = arith.constant 2 : i32
        %add3A_336 = arith.addi %add3A_152, %add3A_335 : i32
        %dma_start3A_337 = arith.constant 0 : i32
        %dma_start3A_338 = arith.constant 0 : i32
        %dma_start3A_339 = tpu.memref_slice %arg11[%dma_start3A_337, %dma_start3A_338] : memref<2x128xi32, #tpu.memory_space<vmem>> -> memref<1x128xi32, #tpu.memory_space<vmem>>
        %dma_start3A_340 = tpu.memref_squeeze %dma_start3A_339 : memref<1x128xi32, #tpu.memory_space<vmem>> -> memref<128xi32, #tpu.memory_space<vmem>>
        %dma_start3A_341 = arith.constant 0 : i32
        %dma_start3A_342 = arith.constant 0 : i32
        %dma_start3A_343 = tpu.memref_slice %arg2[%dma_start3A_341, %dma_start3A_342] : memref<10000x128xf32, #tpu.memory_space<hbm>> -> memref<10000x128xf32, #tpu.memory_space<hbm>>
        tpu.enqueue_indirect_dma source(%dma_start3A_343 : memref<10000x128xf32, #tpu.memory_space<hbm>>) target(%arg15 : memref<128x128xf32, #tpu.memory_space<vmem>>) offsets(%dma_start3A_340 : memref<128xi32, #tpu.memory_space<vmem>>) semaphore(%arg24 : memref<!tpu.dma_semaphore, #tpu.memory_space<semaphore_mem>>)
      } else {
      }
      %add3A_186 = arith.constant 2 : i32
      %add3A_187 = arith.addi %mul3A_117, %add3A_186 : i32
      %dma_wait3A_188 = arith.constant 0 : i32
      %dma_wait3A_189 = arith.constant 0 : i32
      %dma_wait3A_190 = tpu.memref_slice %arg10[%dma_wait3A_188, %dma_wait3A_189] : memref<2x128xi32, #tpu.memory_space<vmem>> -> memref<1x128xi32, #tpu.memory_space<vmem>>
      %dma_wait3A_191 = tpu.memref_squeeze %dma_wait3A_190 : memref<1x128xi32, #tpu.memory_space<vmem>> -> memref<128xi32, #tpu.memory_space<vmem>>
      %dma_wait3A_192 = arith.constant 0 : i32
      %dma_wait3A_193 = arith.constant 0 : i32
      %dma_wait3A_194 = tpu.memref_slice %arg2[%dma_wait3A_192, %dma_wait3A_193] : memref<10000x128xf32, #tpu.memory_space<hbm>> -> memref<10000x128xf32, #tpu.memory_space<hbm>>
      tpu.wait_indirect_dma semaphore(%arg26 : memref<!tpu.dma_semaphore, #tpu.memory_space<semaphore_mem>>) src(%dma_wait3A_194 : memref<10000x128xf32, #tpu.memory_space<hbm>>) dst(%arg17 : memref<128x128xf32, #tpu.memory_space<vmem>>)
      %dma_start3A_195 = arith.constant 1 : i32
      %dma_start3A_196 = arith.constant 0 : i32
      %dma_start3A_197 = tpu.memref_slice %arg10[%dma_start3A_195, %dma_start3A_196] : memref<2x128xi32, #tpu.memory_space<vmem>> -> memref<1x128xi32, #tpu.memory_space<vmem>>
      %dma_start3A_198 = tpu.memref_squeeze %dma_start3A_197 : memref<1x128xi32, #tpu.memory_space<vmem>> -> memref<128xi32, #tpu.memory_space<vmem>>
      %dma_start3A_199 = arith.constant 0 : i32
      %dma_start3A_200 = arith.constant 0 : i32
      %dma_start3A_201 = tpu.memref_slice %arg7[%dma_start3A_199, %dma_start3A_200] : memref<10000x128xf32, #tpu.memory_space<vmem_shared>> -> memref<10000x128xf32, #tpu.memory_space<vmem_shared>>
      tpu.enqueue_indirect_dma source(%arg17 : memref<128x128xf32, #tpu.memory_space<vmem>>) target(%dma_start3A_201 : memref<10000x128xf32, #tpu.memory_space<vmem_shared>>) offsets(%dma_start3A_198 : memref<128xi32, #tpu.memory_space<vmem>>) semaphore(%arg29 : memref<!tpu.dma_semaphore, #tpu.memory_space<semaphore_mem>>) {add = true}
      %ge3A_202 = arith.constant 1 : i32
      %ge3A_203 = arith.cmpi sge, %add3A_187, %ge3A_202 : i32
      %convert_element_type3A_204 = arith.extui %ge3A_203 : i1 to i32
      %cond3A_205 = arith.constant 0 : i32
      %cond3A_206 = arith.cmpi ne, %convert_element_type3A_204, %cond3A_205 : i32
      scf.if %cond3A_206 {
        %dma_wait3A_326 = arith.constant 1 : i32
        %dma_wait3A_327 = arith.constant 0 : i32
        %dma_wait3A_328 = tpu.memref_slice %arg9[%dma_wait3A_326, %dma_wait3A_327] : memref<2x128xi32, #tpu.memory_space<vmem>> -> memref<1x128xi32, #tpu.memory_space<vmem>>
        %dma_wait3A_329 = tpu.memref_squeeze %dma_wait3A_328 : memref<1x128xi32, #tpu.memory_space<vmem>> -> memref<128xi32, #tpu.memory_space<vmem>>
        %dma_wait3A_330 = arith.constant 0 : i32
        %dma_wait3A_331 = arith.constant 0 : i32
        %dma_wait3A_332 = tpu.memref_slice %arg7[%dma_wait3A_330, %dma_wait3A_331] : memref<10000x128xf32, #tpu.memory_space<vmem_shared>> -> memref<10000x128xf32, #tpu.memory_space<vmem_shared>>
        tpu.wait_indirect_dma semaphore(%arg28 : memref<!tpu.dma_semaphore, #tpu.memory_space<semaphore_mem>>) src(%arg16 : memref<128x128xf32, #tpu.memory_space<vmem>>) dst(%dma_wait3A_332 : memref<10000x128xf32, #tpu.memory_space<vmem_shared>>)
      } else {
      }
      %add3A_207 = arith.constant 4 : i32
      %add3A_208 = arith.addi %add3A_187, %add3A_207 : i32
      %lt3A_209 = arith.constant 78 : i32
      %lt3A_210 = arith.cmpi slt, %add3A_208, %lt3A_209 : i32
      %convert_element_type3A_211 = arith.extui %lt3A_210 : i1 to i32
      %cond3A_212 = arith.constant 0 : i32
      %cond3A_213 = arith.cmpi ne, %convert_element_type3A_211, %cond3A_212 : i32
      scf.if %cond3A_213 {
        %add3A_326 = arith.constant 4 : i32
        %add3A_327 = arith.addi %add3A_187, %add3A_326 : i32
        %dma_start3A_328 = arith.constant 0 : i32
        %dma_start3A_329 = arith.constant 0 : i32
        %dma_start3A_330 = tpu.memref_slice %arg3[%add3A, %add3A_327, %dma_start3A_328, %dma_start3A_329] : memref<32x78x2x128xi32, #tpu.memory_space<hbm>> -> memref<1x1x2x128xi32, #tpu.memory_space<hbm>>
        %dma_start3A_331 = tpu.memref_squeeze %dma_start3A_330 : memref<1x1x2x128xi32, #tpu.memory_space<hbm>> -> memref<2x128xi32, #tpu.memory_space<hbm>>
        %dma_start3A_332 = arith.constant 0 : i32
        %dma_start3A_333 = arith.constant 0 : i32
        %dma_start3A_334 = tpu.memref_slice %arg3[%add3A, %add3A_327, %dma_start3A_332, %dma_start3A_333] : memref<32x78x2x128xi32, #tpu.memory_space<hbm>> -> memref<1x1x2x128xi32, #tpu.memory_space<hbm>>
        %dma_start3A_335 = tpu.memref_squeeze %dma_start3A_334 : memref<1x1x2x128xi32, #tpu.memory_space<hbm>> -> memref<2x128xi32, #tpu.memory_space<hbm>>
        tpu.enqueue_dma source(%dma_start3A_335 : memref<2x128xi32, #tpu.memory_space<hbm>>) target(%arg8 : memref<2x128xi32, #tpu.memory_space<vmem>>) target_semaphore(%arg18 : memref<!tpu.dma_semaphore, #tpu.memory_space<semaphore_mem>>)
      } else {
      }
      %add3A_214 = arith.constant 2 : i32
      %add3A_215 = arith.addi %add3A_187, %add3A_214 : i32
      %lt3A_216 = arith.constant 78 : i32
      %lt3A_217 = arith.cmpi slt, %add3A_215, %lt3A_216 : i32
      %convert_element_type3A_218 = arith.extui %lt3A_217 : i1 to i32
      %cond3A_219 = arith.constant 0 : i32
      %cond3A_220 = arith.cmpi ne, %convert_element_type3A_218, %cond3A_219 : i32
      scf.if %cond3A_220 {
        %dma_wait3A_326 = arith.constant 0 : i32
        %dma_wait3A_327 = arith.constant 0 : i32
        %dma_wait3A_328 = arith.constant 0 : i32
        %dma_wait3A_329 = tpu.memref_slice %arg3[%add3A, %dma_wait3A_326, %dma_wait3A_327, %dma_wait3A_328] : memref<32x78x2x128xi32, #tpu.memory_space<hbm>> -> memref<1x1x2x128xi32, #tpu.memory_space<hbm>>
        %dma_wait3A_330 = tpu.memref_squeeze %dma_wait3A_329 : memref<1x1x2x128xi32, #tpu.memory_space<hbm>> -> memref<2x128xi32, #tpu.memory_space<hbm>>
        %dma_wait3A_331 = arith.constant 0 : i32
        %dma_wait3A_332 = arith.constant 0 : i32
        %dma_wait3A_333 = tpu.memref_slice %arg3[%add3A, %dma_wait3A_326, %dma_wait3A_331, %dma_wait3A_332] : memref<32x78x2x128xi32, #tpu.memory_space<hbm>> -> memref<1x1x2x128xi32, #tpu.memory_space<hbm>>
        %dma_wait3A_334 = tpu.memref_squeeze %dma_wait3A_333 : memref<1x1x2x128xi32, #tpu.memory_space<hbm>> -> memref<2x128xi32, #tpu.memory_space<hbm>>
        tpu.wait_dma2 semaphore(%arg22 : memref<!tpu.dma_semaphore, #tpu.memory_space<semaphore_mem>>) src(%dma_wait3A_334 : memref<2x128xi32, #tpu.memory_space<hbm>>) dst(%arg12 : memref<2x128xi32, #tpu.memory_space<vmem>>)
        %add3A_335 = arith.constant 2 : i32
        %add3A_336 = arith.addi %add3A_187, %add3A_335 : i32
        %dma_start3A_337 = arith.constant 0 : i32
        %dma_start3A_338 = arith.constant 0 : i32
        %dma_start3A_339 = tpu.memref_slice %arg12[%dma_start3A_337, %dma_start3A_338] : memref<2x128xi32, #tpu.memory_space<vmem>> -> memref<1x128xi32, #tpu.memory_space<vmem>>
        %dma_start3A_340 = tpu.memref_squeeze %dma_start3A_339 : memref<1x128xi32, #tpu.memory_space<vmem>> -> memref<128xi32, #tpu.memory_space<vmem>>
        %dma_start3A_341 = arith.constant 0 : i32
        %dma_start3A_342 = arith.constant 0 : i32
        %dma_start3A_343 = tpu.memref_slice %arg2[%dma_start3A_341, %dma_start3A_342] : memref<10000x128xf32, #tpu.memory_space<hbm>> -> memref<10000x128xf32, #tpu.memory_space<hbm>>
        tpu.enqueue_indirect_dma source(%dma_start3A_343 : memref<10000x128xf32, #tpu.memory_space<hbm>>) target(%arg16 : memref<128x128xf32, #tpu.memory_space<vmem>>) offsets(%dma_start3A_340 : memref<128xi32, #tpu.memory_space<vmem>>) semaphore(%arg25 : memref<!tpu.dma_semaphore, #tpu.memory_space<semaphore_mem>>)
      } else {
      }
      %add3A_221 = arith.constant 3 : i32
      %add3A_222 = arith.addi %mul3A_117, %add3A_221 : i32
      %dma_wait3A_223 = arith.constant 0 : i32
      %dma_wait3A_224 = arith.constant 0 : i32
      %dma_wait3A_225 = tpu.memref_slice %arg11[%dma_wait3A_223, %dma_wait3A_224] : memref<2x128xi32, #tpu.memory_space<vmem>> -> memref<1x128xi32, #tpu.memory_space<vmem>>
      %dma_wait3A_226 = tpu.memref_squeeze %dma_wait3A_225 : memref<1x128xi32, #tpu.memory_space<vmem>> -> memref<128xi32, #tpu.memory_space<vmem>>
      %dma_wait3A_227 = arith.constant 0 : i32
      %dma_wait3A_228 = arith.constant 0 : i32
      %dma_wait3A_229 = tpu.memref_slice %arg2[%dma_wait3A_227, %dma_wait3A_228] : memref<10000x128xf32, #tpu.memory_space<hbm>> -> memref<10000x128xf32, #tpu.memory_space<hbm>>
      tpu.wait_indirect_dma semaphore(%arg24 : memref<!tpu.dma_semaphore, #tpu.memory_space<semaphore_mem>>) src(%dma_wait3A_229 : memref<10000x128xf32, #tpu.memory_space<hbm>>) dst(%arg15 : memref<128x128xf32, #tpu.memory_space<vmem>>)
      %dma_start3A_230 = arith.constant 1 : i32
      %dma_start3A_231 = arith.constant 0 : i32
      %dma_start3A_232 = tpu.memref_slice %arg11[%dma_start3A_230, %dma_start3A_231] : memref<2x128xi32, #tpu.memory_space<vmem>> -> memref<1x128xi32, #tpu.memory_space<vmem>>
      %dma_start3A_233 = tpu.memref_squeeze %dma_start3A_232 : memref<1x128xi32, #tpu.memory_space<vmem>> -> memref<128xi32, #tpu.memory_space<vmem>>
      %dma_start3A_234 = arith.constant 0 : i32
      %dma_start3A_235 = arith.constant 0 : i32
      %dma_start3A_236 = tpu.memref_slice %arg7[%dma_start3A_234, %dma_start3A_235] : memref<10000x128xf32, #tpu.memory_space<vmem_shared>> -> memref<10000x128xf32, #tpu.memory_space<vmem_shared>>
      tpu.enqueue_indirect_dma source(%arg15 : memref<128x128xf32, #tpu.memory_space<vmem>>) target(%dma_start3A_236 : memref<10000x128xf32, #tpu.memory_space<vmem_shared>>) offsets(%dma_start3A_233 : memref<128xi32, #tpu.memory_space<vmem>>) semaphore(%arg27 : memref<!tpu.dma_semaphore, #tpu.memory_space<semaphore_mem>>) {add = true}
      %ge3A_237 = arith.constant 1 : i32
      %ge3A_238 = arith.cmpi sge, %add3A_222, %ge3A_237 : i32
      %convert_element_type3A_239 = arith.extui %ge3A_238 : i1 to i32
      %cond3A_240 = arith.constant 0 : i32
      %cond3A_241 = arith.cmpi ne, %convert_element_type3A_239, %cond3A_240 : i32
      scf.if %cond3A_241 {
        %dma_wait3A_326 = arith.constant 1 : i32
        %dma_wait3A_327 = arith.constant 0 : i32
        %dma_wait3A_328 = tpu.memref_slice %arg10[%dma_wait3A_326, %dma_wait3A_327] : memref<2x128xi32, #tpu.memory_space<vmem>> -> memref<1x128xi32, #tpu.memory_space<vmem>>
        %dma_wait3A_329 = tpu.memref_squeeze %dma_wait3A_328 : memref<1x128xi32, #tpu.memory_space<vmem>> -> memref<128xi32, #tpu.memory_space<vmem>>
        %dma_wait3A_330 = arith.constant 0 : i32
        %dma_wait3A_331 = arith.constant 0 : i32
        %dma_wait3A_332 = tpu.memref_slice %arg7[%dma_wait3A_330, %dma_wait3A_331] : memref<10000x128xf32, #tpu.memory_space<vmem_shared>> -> memref<10000x128xf32, #tpu.memory_space<vmem_shared>>
        tpu.wait_indirect_dma semaphore(%arg29 : memref<!tpu.dma_semaphore, #tpu.memory_space<semaphore_mem>>) src(%arg17 : memref<128x128xf32, #tpu.memory_space<vmem>>) dst(%dma_wait3A_332 : memref<10000x128xf32, #tpu.memory_space<vmem_shared>>)
      } else {
      }
      %add3A_242 = arith.constant 4 : i32
      %add3A_243 = arith.addi %add3A_222, %add3A_242 : i32
      %lt3A_244 = arith.constant 78 : i32
      %lt3A_245 = arith.cmpi slt, %add3A_243, %lt3A_244 : i32
      %convert_element_type3A_246 = arith.extui %lt3A_245 : i1 to i32
      %cond3A_247 = arith.constant 0 : i32
      %cond3A_248 = arith.cmpi ne, %convert_element_type3A_246, %cond3A_247 : i32
      scf.if %cond3A_248 {
        %add3A_326 = arith.constant 4 : i32
        %add3A_327 = arith.addi %add3A_222, %add3A_326 : i32
        %dma_start3A_328 = arith.constant 0 : i32
        %dma_start3A_329 = arith.constant 0 : i32
        %dma_start3A_330 = tpu.memref_slice %arg3[%add3A, %add3A_327, %dma_start3A_328, %dma_start3A_329] : memref<32x78x2x128xi32, #tpu.memory_space<hbm>> -> memref<1x1x2x128xi32, #tpu.memory_space<hbm>>
        %dma_start3A_331 = tpu.memref_squeeze %dma_start3A_330 : memref<1x1x2x128xi32, #tpu.memory_space<hbm>> -> memref<2x128xi32, #tpu.memory_space<hbm>>
        %dma_start3A_332 = arith.constant 0 : i32
        %dma_start3A_333 = arith.constant 0 : i32
        %dma_start3A_334 = tpu.memref_slice %arg3[%add3A, %add3A_327, %dma_start3A_332, %dma_start3A_333] : memref<32x78x2x128xi32, #tpu.memory_space<hbm>> -> memref<1x1x2x128xi32, #tpu.memory_space<hbm>>
        %dma_start3A_335 = tpu.memref_squeeze %dma_start3A_334 : memref<1x1x2x128xi32, #tpu.memory_space<hbm>> -> memref<2x128xi32, #tpu.memory_space<hbm>>
        tpu.enqueue_dma source(%dma_start3A_335 : memref<2x128xi32, #tpu.memory_space<hbm>>) target(%arg9 : memref<2x128xi32, #tpu.memory_space<vmem>>) target_semaphore(%arg19 : memref<!tpu.dma_semaphore, #tpu.memory_space<semaphore_mem>>)
      } else {
      }
      %add3A_249 = arith.constant 2 : i32
      %add3A_250 = arith.addi %add3A_222, %add3A_249 : i32
      %lt3A_251 = arith.constant 78 : i32
      %lt3A_252 = arith.cmpi slt, %add3A_250, %lt3A_251 : i32
      %convert_element_type3A_253 = arith.extui %lt3A_252 : i1 to i32
      %cond3A_254 = arith.constant 0 : i32
      %cond3A_255 = arith.cmpi ne, %convert_element_type3A_253, %cond3A_254 : i32
      scf.if %cond3A_255 {
        %dma_wait3A_326 = arith.constant 0 : i32
        %dma_wait3A_327 = arith.constant 0 : i32
        %dma_wait3A_328 = arith.constant 0 : i32
        %dma_wait3A_329 = tpu.memref_slice %arg3[%add3A, %dma_wait3A_326, %dma_wait3A_327, %dma_wait3A_328] : memref<32x78x2x128xi32, #tpu.memory_space<hbm>> -> memref<1x1x2x128xi32, #tpu.memory_space<hbm>>
        %dma_wait3A_330 = tpu.memref_squeeze %dma_wait3A_329 : memref<1x1x2x128xi32, #tpu.memory_space<hbm>> -> memref<2x128xi32, #tpu.memory_space<hbm>>
        %dma_wait3A_331 = arith.constant 0 : i32
        %dma_wait3A_332 = arith.constant 0 : i32
        %dma_wait3A_333 = tpu.memref_slice %arg3[%add3A, %dma_wait3A_326, %dma_wait3A_331, %dma_wait3A_332] : memref<32x78x2x128xi32, #tpu.memory_space<hbm>> -> memref<1x1x2x128xi32, #tpu.memory_space<hbm>>
        %dma_wait3A_334 = tpu.memref_squeeze %dma_wait3A_333 : memref<1x1x2x128xi32, #tpu.memory_space<hbm>> -> memref<2x128xi32, #tpu.memory_space<hbm>>
        tpu.wait_dma2 semaphore(%arg23 : memref<!tpu.dma_semaphore, #tpu.memory_space<semaphore_mem>>) src(%dma_wait3A_334 : memref<2x128xi32, #tpu.memory_space<hbm>>) dst(%arg13 : memref<2x128xi32, #tpu.memory_space<vmem>>)
        %add3A_335 = arith.constant 2 : i32
        %add3A_336 = arith.addi %add3A_222, %add3A_335 : i32
        %dma_start3A_337 = arith.constant 0 : i32
        %dma_start3A_338 = arith.constant 0 : i32
        %dma_start3A_339 = tpu.memref_slice %arg13[%dma_start3A_337, %dma_start3A_338] : memref<2x128xi32, #tpu.memory_space<vmem>> -> memref<1x128xi32, #tpu.memory_space<vmem>>
        %dma_start3A_340 = tpu.memref_squeeze %dma_start3A_339 : memref<1x128xi32, #tpu.memory_space<vmem>> -> memref<128xi32, #tpu.memory_space<vmem>>
        %dma_start3A_341 = arith.constant 0 : i32
        %dma_start3A_342 = arith.constant 0 : i32
        %dma_start3A_343 = tpu.memref_slice %arg2[%dma_start3A_341, %dma_start3A_342] : memref<10000x128xf32, #tpu.memory_space<hbm>> -> memref<10000x128xf32, #tpu.memory_space<hbm>>
        tpu.enqueue_indirect_dma source(%dma_start3A_343 : memref<10000x128xf32, #tpu.memory_space<hbm>>) target(%arg17 : memref<128x128xf32, #tpu.memory_space<vmem>>) offsets(%dma_start3A_340 : memref<128xi32, #tpu.memory_space<vmem>>) semaphore(%arg26 : memref<!tpu.dma_semaphore, #tpu.memory_space<semaphore_mem>>)
      } else {
      }
      %add3A_256 = arith.constant 4 : i32
      %add3A_257 = arith.addi %mul3A_117, %add3A_256 : i32
      %dma_wait3A_258 = arith.constant 0 : i32
      %dma_wait3A_259 = arith.constant 0 : i32
      %dma_wait3A_260 = tpu.memref_slice %arg12[%dma_wait3A_258, %dma_wait3A_259] : memref<2x128xi32, #tpu.memory_space<vmem>> -> memref<1x128xi32, #tpu.memory_space<vmem>>
      %dma_wait3A_261 = tpu.memref_squeeze %dma_wait3A_260 : memref<1x128xi32, #tpu.memory_space<vmem>> -> memref<128xi32, #tpu.memory_space<vmem>>
      %dma_wait3A_262 = arith.constant 0 : i32
      %dma_wait3A_263 = arith.constant 0 : i32
      %dma_wait3A_264 = tpu.memref_slice %arg2[%dma_wait3A_262, %dma_wait3A_263] : memref<10000x128xf32, #tpu.memory_space<hbm>> -> memref<10000x128xf32, #tpu.memory_space<hbm>>
      tpu.wait_indirect_dma semaphore(%arg25 : memref<!tpu.dma_semaphore, #tpu.memory_space<semaphore_mem>>) src(%dma_wait3A_264 : memref<10000x128xf32, #tpu.memory_space<hbm>>) dst(%arg16 : memref<128x128xf32, #tpu.memory_space<vmem>>)
      %dma_start3A_265 = arith.constant 1 : i32
      %dma_start3A_266 = arith.constant 0 : i32
      %dma_start3A_267 = tpu.memref_slice %arg12[%dma_start3A_265, %dma_start3A_266] : memref<2x128xi32, #tpu.memory_space<vmem>> -> memref<1x128xi32, #tpu.memory_space<vmem>>
      %dma_start3A_268 = tpu.memref_squeeze %dma_start3A_267 : memref<1x128xi32, #tpu.memory_space<vmem>> -> memref<128xi32, #tpu.memory_space<vmem>>
      %dma_start3A_269 = arith.constant 0 : i32
      %dma_start3A_270 = arith.constant 0 : i32
      %dma_start3A_271 = tpu.memref_slice %arg7[%dma_start3A_269, %dma_start3A_270] : memref<10000x128xf32, #tpu.memory_space<vmem_shared>> -> memref<10000x128xf32, #tpu.memory_space<vmem_shared>>
      tpu.enqueue_indirect_dma source(%arg16 : memref<128x128xf32, #tpu.memory_space<vmem>>) target(%dma_start3A_271 : memref<10000x128xf32, #tpu.memory_space<vmem_shared>>) offsets(%dma_start3A_268 : memref<128xi32, #tpu.memory_space<vmem>>) semaphore(%arg28 : memref<!tpu.dma_semaphore, #tpu.memory_space<semaphore_mem>>) {add = true}
      %ge3A_272 = arith.constant 1 : i32
      %ge3A_273 = arith.cmpi sge, %add3A_257, %ge3A_272 : i32
      %convert_element_type3A_274 = arith.extui %ge3A_273 : i1 to i32
      %cond3A_275 = arith.constant 0 : i32
      %cond3A_276 = arith.cmpi ne, %convert_element_type3A_274, %cond3A_275 : i32
      scf.if %cond3A_276 {
        %dma_wait3A_326 = arith.constant 1 : i32
        %dma_wait3A_327 = arith.constant 0 : i32
        %dma_wait3A_328 = tpu.memref_slice %arg11[%dma_wait3A_326, %dma_wait3A_327] : memref<2x128xi32, #tpu.memory_space<vmem>> -> memref<1x128xi32, #tpu.memory_space<vmem>>
        %dma_wait3A_329 = tpu.memref_squeeze %dma_wait3A_328 : memref<1x128xi32, #tpu.memory_space<vmem>> -> memref<128xi32, #tpu.memory_space<vmem>>
        %dma_wait3A_330 = arith.constant 0 : i32
        %dma_wait3A_331 = arith.constant 0 : i32
        %dma_wait3A_332 = tpu.memref_slice %arg7[%dma_wait3A_330, %dma_wait3A_331] : memref<10000x128xf32, #tpu.memory_space<vmem_shared>> -> memref<10000x128xf32, #tpu.memory_space<vmem_shared>>
        tpu.wait_indirect_dma semaphore(%arg27 : memref<!tpu.dma_semaphore, #tpu.memory_space<semaphore_mem>>) src(%arg15 : memref<128x128xf32, #tpu.memory_space<vmem>>) dst(%dma_wait3A_332 : memref<10000x128xf32, #tpu.memory_space<vmem_shared>>)
      } else {
      }
      %add3A_277 = arith.constant 4 : i32
      %add3A_278 = arith.addi %add3A_257, %add3A_277 : i32
      %lt3A_279 = arith.constant 78 : i32
      %lt3A_280 = arith.cmpi slt, %add3A_278, %lt3A_279 : i32
      %convert_element_type3A_281 = arith.extui %lt3A_280 : i1 to i32
      %cond3A_282 = arith.constant 0 : i32
      %cond3A_283 = arith.cmpi ne, %convert_element_type3A_281, %cond3A_282 : i32
      scf.if %cond3A_283 {
        %add3A_326 = arith.constant 4 : i32
        %add3A_327 = arith.addi %add3A_257, %add3A_326 : i32
        %dma_start3A_328 = arith.constant 0 : i32
        %dma_start3A_329 = arith.constant 0 : i32
        %dma_start3A_330 = tpu.memref_slice %arg3[%add3A, %add3A_327, %dma_start3A_328, %dma_start3A_329] : memref<32x78x2x128xi32, #tpu.memory_space<hbm>> -> memref<1x1x2x128xi32, #tpu.memory_space<hbm>>
        %dma_start3A_331 = tpu.memref_squeeze %dma_start3A_330 : memref<1x1x2x128xi32, #tpu.memory_space<hbm>> -> memref<2x128xi32, #tpu.memory_space<hbm>>
        %dma_start3A_332 = arith.constant 0 : i32
        %dma_start3A_333 = arith.constant 0 : i32
        %dma_start3A_334 = tpu.memref_slice %arg3[%add3A, %add3A_327, %dma_start3A_332, %dma_start3A_333] : memref<32x78x2x128xi32, #tpu.memory_space<hbm>> -> memref<1x1x2x128xi32, #tpu.memory_space<hbm>>
        %dma_start3A_335 = tpu.memref_squeeze %dma_start3A_334 : memref<1x1x2x128xi32, #tpu.memory_space<hbm>> -> memref<2x128xi32, #tpu.memory_space<hbm>>
        tpu.enqueue_dma source(%dma_start3A_335 : memref<2x128xi32, #tpu.memory_space<hbm>>) target(%arg10 : memref<2x128xi32, #tpu.memory_space<vmem>>) target_semaphore(%arg20 : memref<!tpu.dma_semaphore, #tpu.memory_space<semaphore_mem>>)
      } else {
      }
      %add3A_284 = arith.constant 2 : i32
      %add3A_285 = arith.addi %add3A_257, %add3A_284 : i32
      %lt3A_286 = arith.constant 78 : i32
      %lt3A_287 = arith.cmpi slt, %add3A_285, %lt3A_286 : i32
      %convert_element_type3A_288 = arith.extui %lt3A_287 : i1 to i32
      %cond3A_289 = arith.constant 0 : i32
      %cond3A_290 = arith.cmpi ne, %convert_element_type3A_288, %cond3A_289 : i32
      scf.if %cond3A_290 {
        %dma_wait3A_326 = arith.constant 0 : i32
        %dma_wait3A_327 = arith.constant 0 : i32
        %dma_wait3A_328 = arith.constant 0 : i32
        %dma_wait3A_329 = tpu.memref_slice %arg3[%add3A, %dma_wait3A_326, %dma_wait3A_327, %dma_wait3A_328] : memref<32x78x2x128xi32, #tpu.memory_space<hbm>> -> memref<1x1x2x128xi32, #tpu.memory_space<hbm>>
        %dma_wait3A_330 = tpu.memref_squeeze %dma_wait3A_329 : memref<1x1x2x128xi32, #tpu.memory_space<hbm>> -> memref<2x128xi32, #tpu.memory_space<hbm>>
        %dma_wait3A_331 = arith.constant 0 : i32
        %dma_wait3A_332 = arith.constant 0 : i32
        %dma_wait3A_333 = tpu.memref_slice %arg3[%add3A, %dma_wait3A_326, %dma_wait3A_331, %dma_wait3A_332] : memref<32x78x2x128xi32, #tpu.memory_space<hbm>> -> memref<1x1x2x128xi32, #tpu.memory_space<hbm>>
        %dma_wait3A_334 = tpu.memref_squeeze %dma_wait3A_333 : memref<1x1x2x128xi32, #tpu.memory_space<hbm>> -> memref<2x128xi32, #tpu.memory_space<hbm>>
        tpu.wait_dma2 semaphore(%arg18 : memref<!tpu.dma_semaphore, #tpu.memory_space<semaphore_mem>>) src(%dma_wait3A_334 : memref<2x128xi32, #tpu.memory_space<hbm>>) dst(%arg8 : memref<2x128xi32, #tpu.memory_space<vmem>>)
        %add3A_335 = arith.constant 2 : i32
        %add3A_336 = arith.addi %add3A_257, %add3A_335 : i32
        %dma_start3A_337 = arith.constant 0 : i32
        %dma_start3A_338 = arith.constant 0 : i32
        %dma_start3A_339 = tpu.memref_slice %arg8[%dma_start3A_337, %dma_start3A_338] : memref<2x128xi32, #tpu.memory_space<vmem>> -> memref<1x128xi32, #tpu.memory_space<vmem>>
        %dma_start3A_340 = tpu.memref_squeeze %dma_start3A_339 : memref<1x128xi32, #tpu.memory_space<vmem>> -> memref<128xi32, #tpu.memory_space<vmem>>
        %dma_start3A_341 = arith.constant 0 : i32
        %dma_start3A_342 = arith.constant 0 : i32
        %dma_start3A_343 = tpu.memref_slice %arg2[%dma_start3A_341, %dma_start3A_342] : memref<10000x128xf32, #tpu.memory_space<hbm>> -> memref<10000x128xf32, #tpu.memory_space<hbm>>
        tpu.enqueue_indirect_dma source(%dma_start3A_343 : memref<10000x128xf32, #tpu.memory_space<hbm>>) target(%arg15 : memref<128x128xf32, #tpu.memory_space<vmem>>) offsets(%dma_start3A_340 : memref<128xi32, #tpu.memory_space<vmem>>) semaphore(%arg24 : memref<!tpu.dma_semaphore, #tpu.memory_space<semaphore_mem>>)
      } else {
      }
      %add3A_291 = arith.constant 5 : i32
      %add3A_292 = arith.addi %mul3A_117, %add3A_291 : i32
      %dma_wait3A_293 = arith.constant 0 : i32
      %dma_wait3A_294 = arith.constant 0 : i32
      %dma_wait3A_295 = tpu.memref_slice %arg13[%dma_wait3A_293, %dma_wait3A_294] : memref<2x128xi32, #tpu.memory_space<vmem>> -> memref<1x128xi32, #tpu.memory_space<vmem>>
      %dma_wait3A_296 = tpu.memref_squeeze %dma_wait3A_295 : memref<1x128xi32, #tpu.memory_space<vmem>> -> memref<128xi32, #tpu.memory_space<vmem>>
      %dma_wait3A_297 = arith.constant 0 : i32
      %dma_wait3A_298 = arith.constant 0 : i32
      %dma_wait3A_299 = tpu.memref_slice %arg2[%dma_wait3A_297, %dma_wait3A_298] : memref<10000x128xf32, #tpu.memory_space<hbm>> -> memref<10000x128xf32, #tpu.memory_space<hbm>>
      tpu.wait_indirect_dma semaphore(%arg26 : memref<!tpu.dma_semaphore, #tpu.memory_space<semaphore_mem>>) src(%dma_wait3A_299 : memref<10000x128xf32, #tpu.memory_space<hbm>>) dst(%arg17 : memref<128x128xf32, #tpu.memory_space<vmem>>)
      %dma_start3A_300 = arith.constant 1 : i32
      %dma_start3A_301 = arith.constant 0 : i32
      %dma_start3A_302 = tpu.memref_slice %arg13[%dma_start3A_300, %dma_start3A_301] : memref<2x128xi32, #tpu.memory_space<vmem>> -> memref<1x128xi32, #tpu.memory_space<vmem>>
      %dma_start3A_303 = tpu.memref_squeeze %dma_start3A_302 : memref<1x128xi32, #tpu.memory_space<vmem>> -> memref<128xi32, #tpu.memory_space<vmem>>
      %dma_start3A_304 = arith.constant 0 : i32
      %dma_start3A_305 = arith.constant 0 : i32
      %dma_start3A_306 = tpu.memref_slice %arg7[%dma_start3A_304, %dma_start3A_305] : memref<10000x128xf32, #tpu.memory_space<vmem_shared>> -> memref<10000x128xf32, #tpu.memory_space<vmem_shared>>
      tpu.enqueue_indirect_dma source(%arg17 : memref<128x128xf32, #tpu.memory_space<vmem>>) target(%dma_start3A_306 : memref<10000x128xf32, #tpu.memory_space<vmem_shared>>) offsets(%dma_start3A_303 : memref<128xi32, #tpu.memory_space<vmem>>) semaphore(%arg29 : memref<!tpu.dma_semaphore, #tpu.memory_space<semaphore_mem>>) {add = true}
      %ge3A_307 = arith.constant 1 : i32
      %ge3A_308 = arith.cmpi sge, %add3A_292, %ge3A_307 : i32
      %convert_element_type3A_309 = arith.extui %ge3A_308 : i1 to i32
      %cond3A_310 = arith.constant 0 : i32
      %cond3A_311 = arith.cmpi ne, %convert_element_type3A_309, %cond3A_310 : i32
      scf.if %cond3A_311 {
        %dma_wait3A_326 = arith.constant 1 : i32
        %dma_wait3A_327 = arith.constant 0 : i32
        %dma_wait3A_328 = tpu.memref_slice %arg12[%dma_wait3A_326, %dma_wait3A_327] : memref<2x128xi32, #tpu.memory_space<vmem>> -> memref<1x128xi32, #tpu.memory_space<vmem>>
        %dma_wait3A_329 = tpu.memref_squeeze %dma_wait3A_328 : memref<1x128xi32, #tpu.memory_space<vmem>> -> memref<128xi32, #tpu.memory_space<vmem>>
        %dma_wait3A_330 = arith.constant 0 : i32
        %dma_wait3A_331 = arith.constant 0 : i32
        %dma_wait3A_332 = tpu.memref_slice %arg7[%dma_wait3A_330, %dma_wait3A_331] : memref<10000x128xf32, #tpu.memory_space<vmem_shared>> -> memref<10000x128xf32, #tpu.memory_space<vmem_shared>>
        tpu.wait_indirect_dma semaphore(%arg28 : memref<!tpu.dma_semaphore, #tpu.memory_space<semaphore_mem>>) src(%arg16 : memref<128x128xf32, #tpu.memory_space<vmem>>) dst(%dma_wait3A_332 : memref<10000x128xf32, #tpu.memory_space<vmem_shared>>)
      } else {
      }
      %add3A_312 = arith.constant 4 : i32
      %add3A_313 = arith.addi %add3A_292, %add3A_312 : i32
      %lt3A_314 = arith.constant 78 : i32
      %lt3A_315 = arith.cmpi slt, %add3A_313, %lt3A_314 : i32
      %convert_element_type3A_316 = arith.extui %lt3A_315 : i1 to i32
      %cond3A_317 = arith.constant 0 : i32
      %cond3A_318 = arith.cmpi ne, %convert_element_type3A_316, %cond3A_317 : i32
      scf.if %cond3A_318 {
        %add3A_326 = arith.constant 4 : i32
        %add3A_327 = arith.addi %add3A_292, %add3A_326 : i32
        %dma_start3A_328 = arith.constant 0 : i32
        %dma_start3A_329 = arith.constant 0 : i32
        %dma_start3A_330 = tpu.memref_slice %arg3[%add3A, %add3A_327, %dma_start3A_328, %dma_start3A_329] : memref<32x78x2x128xi32, #tpu.memory_space<hbm>> -> memref<1x1x2x128xi32, #tpu.memory_space<hbm>>
        %dma_start3A_331 = tpu.memref_squeeze %dma_start3A_330 : memref<1x1x2x128xi32, #tpu.memory_space<hbm>> -> memref<2x128xi32, #tpu.memory_space<hbm>>
        %dma_start3A_332 = arith.constant 0 : i32
        %dma_start3A_333 = arith.constant 0 : i32
        %dma_start3A_334 = tpu.memref_slice %arg3[%add3A, %add3A_327, %dma_start3A_332, %dma_start3A_333] : memref<32x78x2x128xi32, #tpu.memory_space<hbm>> -> memref<1x1x2x128xi32, #tpu.memory_space<hbm>>
        %dma_start3A_335 = tpu.memref_squeeze %dma_start3A_334 : memref<1x1x2x128xi32, #tpu.memory_space<hbm>> -> memref<2x128xi32, #tpu.memory_space<hbm>>
        tpu.enqueue_dma source(%dma_start3A_335 : memref<2x128xi32, #tpu.memory_space<hbm>>) target(%arg11 : memref<2x128xi32, #tpu.memory_space<vmem>>) target_semaphore(%arg21 : memref<!tpu.dma_semaphore, #tpu.memory_space<semaphore_mem>>)
      } else {
      }
      %add3A_319 = arith.constant 2 : i32
      %add3A_320 = arith.addi %add3A_292, %add3A_319 : i32
      %lt3A_321 = arith.constant 78 : i32
      %lt3A_322 = arith.cmpi slt, %add3A_320, %lt3A_321 : i32
      %convert_element_type3A_323 = arith.extui %lt3A_322 : i1 to i32
      %cond3A_324 = arith.constant 0 : i32
      %cond3A_325 = arith.cmpi ne, %convert_element_type3A_323, %cond3A_324 : i32
      scf.if %cond3A_325 {
        %dma_wait3A_326 = arith.constant 0 : i32
        %dma_wait3A_327 = arith.constant 0 : i32
        %dma_wait3A_328 = arith.constant 0 : i32
        %dma_wait3A_329 = tpu.memref_slice %arg3[%add3A, %dma_wait3A_326, %dma_wait3A_327, %dma_wait3A_328] : memref<32x78x2x128xi32, #tpu.memory_space<hbm>> -> memref<1x1x2x128xi32, #tpu.memory_space<hbm>>
        %dma_wait3A_330 = tpu.memref_squeeze %dma_wait3A_329 : memref<1x1x2x128xi32, #tpu.memory_space<hbm>> -> memref<2x128xi32, #tpu.memory_space<hbm>>
        %dma_wait3A_331 = arith.constant 0 : i32
        %dma_wait3A_332 = arith.constant 0 : i32
        %dma_wait3A_333 = tpu.memref_slice %arg3[%add3A, %dma_wait3A_326, %dma_wait3A_331, %dma_wait3A_332] : memref<32x78x2x128xi32, #tpu.memory_space<hbm>> -> memref<1x1x2x128xi32, #tpu.memory_space<hbm>>
        %dma_wait3A_334 = tpu.memref_squeeze %dma_wait3A_333 : memref<1x1x2x128xi32, #tpu.memory_space<hbm>> -> memref<2x128xi32, #tpu.memory_space<hbm>>
        tpu.wait_dma2 semaphore(%arg19 : memref<!tpu.dma_semaphore, #tpu.memory_space<semaphore_mem>>) src(%dma_wait3A_334 : memref<2x128xi32, #tpu.memory_space<hbm>>) dst(%arg9 : memref<2x128xi32, #tpu.memory_space<vmem>>)
        %add3A_335 = arith.constant 2 : i32
        %add3A_336 = arith.addi %add3A_292, %add3A_335 : i32
        %dma_start3A_337 = arith.constant 0 : i32
        %dma_start3A_338 = arith.constant 0 : i32
        %dma_start3A_339 = tpu.memref_slice %arg9[%dma_start3A_337, %dma_start3A_338] : memref<2x128xi32, #tpu.memory_space<vmem>> -> memref<1x128xi32, #tpu.memory_space<vmem>>
        %dma_start3A_340 = tpu.memref_squeeze %dma_start3A_339 : memref<1x128xi32, #tpu.memory_space<vmem>> -> memref<128xi32, #tpu.memory_space<vmem>>
        %dma_start3A_341 = arith.constant 0 : i32
        %dma_start3A_342 = arith.constant 0 : i32
        %dma_start3A_343 = tpu.memref_slice %arg2[%dma_start3A_341, %dma_start3A_342] : memref<10000x128xf32, #tpu.memory_space<hbm>> -> memref<10000x128xf32, #tpu.memory_space<hbm>>
        tpu.enqueue_indirect_dma source(%dma_start3A_343 : memref<10000x128xf32, #tpu.memory_space<hbm>>) target(%arg16 : memref<128x128xf32, #tpu.memory_space<vmem>>) offsets(%dma_start3A_340 : memref<128xi32, #tpu.memory_space<vmem>>) semaphore(%arg25 : memref<!tpu.dma_semaphore, #tpu.memory_space<semaphore_mem>>)
      } else {
      }
    }
    %scan3A_77 = arith.constant 13 : i32
    %dma_wait3A_78 = arith.constant 1 : i32
    %dma_wait3A_79 = arith.constant 0 : i32
    %dma_wait3A_80 = tpu.memref_slice %arg13[%dma_wait3A_78, %dma_wait3A_79] : memref<2x128xi32, #tpu.memory_space<vmem>> -> memref<1x128xi32, #tpu.memory_space<vmem>>
    %dma_wait3A_81 = tpu.memref_squeeze %dma_wait3A_80 : memref<1x128xi32, #tpu.memory_space<vmem>> -> memref<128xi32, #tpu.memory_space<vmem>>
    %dma_wait3A_82 = arith.constant 0 : i32
    %dma_wait3A_83 = arith.constant 0 : i32
    %dma_wait3A_84 = tpu.memref_slice %arg7[%dma_wait3A_82, %dma_wait3A_83] : memref<10000x128xf32, #tpu.memory_space<vmem_shared>> -> memref<10000x128xf32, #tpu.memory_space<vmem_shared>>
    tpu.wait_indirect_dma semaphore(%arg29 : memref<!tpu.dma_semaphore, #tpu.memory_space<semaphore_mem>>) src(%arg17 : memref<128x128xf32, #tpu.memory_space<vmem>>) dst(%dma_wait3A_84 : memref<10000x128xf32, #tpu.memory_space<vmem_shared>>)
    "tpu.region"() ({
      %run_scoped3A_115 = tpu.sem_alloc : memref<!tpu.dma_semaphore, #tpu.memory_space<semaphore_mem>>
      %dma_start3A_116 = arith.constant 0 : i32
      %dma_start3A_117 = arith.constant 0 : i32
      %dma_start3A_118 = tpu.memref_slice %arg4[%add3A, %dma_start3A_116, %dma_start3A_117] : memref<32x2x16xi32, #tpu.memory_space<hbm>> -> memref<1x2x16xi32, #tpu.memory_space<hbm>>
      %dma_start3A_119 = tpu.memref_squeeze %dma_start3A_118 : memref<1x2x16xi32, #tpu.memory_space<hbm>> -> memref<2x16xi32, #tpu.memory_space<hbm>>
      %dma_start3A_120 = arith.constant 0 : i32
      %dma_start3A_121 = arith.constant 0 : i32
      %dma_start3A_122 = tpu.memref_slice %arg4[%add3A, %dma_start3A_120, %dma_start3A_121] : memref<32x2x16xi32, #tpu.memory_space<hbm>> -> memref<1x2x16xi32, #tpu.memory_space<hbm>>
      %dma_start3A_123 = tpu.memref_squeeze %dma_start3A_122 : memref<1x2x16xi32, #tpu.memory_space<hbm>> -> memref<2x16xi32, #tpu.memory_space<hbm>>
      tpu.enqueue_dma source(%dma_start3A_123 : memref<2x16xi32, #tpu.memory_space<hbm>>) target(%arg14 : memref<2x16xi32, #tpu.memory_space<vmem>>) target_semaphore(%run_scoped3A_115 : memref<!tpu.dma_semaphore, #tpu.memory_space<semaphore_mem>>)
      %dma_wait3A_124 = arith.constant 0 : i32
      %dma_wait3A_125 = arith.constant 0 : i32
      %dma_wait3A_126 = tpu.memref_slice %arg4[%add3A, %dma_wait3A_124, %dma_wait3A_125] : memref<32x2x16xi32, #tpu.memory_space<hbm>> -> memref<1x2x16xi32, #tpu.memory_space<hbm>>
      %dma_wait3A_127 = tpu.memref_squeeze %dma_wait3A_126 : memref<1x2x16xi32, #tpu.memory_space<hbm>> -> memref<2x16xi32, #tpu.memory_space<hbm>>
      %dma_wait3A_128 = arith.constant 0 : i32
      %dma_wait3A_129 = arith.constant 0 : i32
      %dma_wait3A_130 = tpu.memref_slice %arg4[%add3A, %dma_wait3A_128, %dma_wait3A_129] : memref<32x2x16xi32, #tpu.memory_space<hbm>> -> memref<1x2x16xi32, #tpu.memory_space<hbm>>
      %dma_wait3A_131 = tpu.memref_squeeze %dma_wait3A_130 : memref<1x2x16xi32, #tpu.memory_space<hbm>> -> memref<2x16xi32, #tpu.memory_space<hbm>>
      tpu.wait_dma2 semaphore(%run_scoped3A_115 : memref<!tpu.dma_semaphore, #tpu.memory_space<semaphore_mem>>) src(%dma_wait3A_131 : memref<2x16xi32, #tpu.memory_space<hbm>>) dst(%arg14 : memref<2x16xi32, #tpu.memory_space<vmem>>)
      tpu.yield
    }) : () -> ()
    %dma_start3A_85 = arith.constant 0 : i32
    %dma_start3A_86 = arith.constant 0 : i32
    %dma_start3A_87 = arith.constant 0 : i32
    %dma_start3A_88 = tpu.memref_slice %arg15[%dma_start3A_86, %dma_start3A_87] : memref<128x128xf32, #tpu.memory_space<vmem>> -> memref<16x128xf32, #tpu.memory_space<vmem>>
    %dma_start3A_89 = arith.constant 0 : i32
    %dma_start3A_90 = tpu.memref_slice %arg14[%dma_start3A_85, %dma_start3A_89] : memref<2x16xi32, #tpu.memory_space<vmem>> -> memref<1x16xi32, #tpu.memory_space<vmem>>
    %dma_start3A_91 = tpu.memref_squeeze %dma_start3A_90 : memref<1x16xi32, #tpu.memory_space<vmem>> -> memref<16xi32, #tpu.memory_space<vmem>>
    %dma_start3A_92 = arith.constant 0 : i32
    %dma_start3A_93 = arith.constant 0 : i32
    %dma_start3A_94 = tpu.memref_slice %arg2[%dma_start3A_92, %dma_start3A_93] : memref<10000x128xf32, #tpu.memory_space<hbm>> -> memref<10000x128xf32, #tpu.memory_space<hbm>>
    tpu.enqueue_indirect_dma source(%dma_start3A_94 : memref<10000x128xf32, #tpu.memory_space<hbm>>) target(%dma_start3A_88 : memref<16x128xf32, #tpu.memory_space<vmem>>) offsets(%dma_start3A_91 : memref<16xi32, #tpu.memory_space<vmem>>) semaphore(%arg24 : memref<!tpu.dma_semaphore, #tpu.memory_space<semaphore_mem>>)
    %dma_wait3A_95 = arith.constant 0 : i32
    %dma_wait3A_96 = arith.constant 0 : i32
    %dma_wait3A_97 = arith.constant 0 : i32
    %dma_wait3A_98 = tpu.memref_slice %arg15[%dma_wait3A_96, %dma_wait3A_97] : memref<128x128xf32, #tpu.memory_space<vmem>> -> memref<16x128xf32, #tpu.memory_space<vmem>>
    %dma_wait3A_99 = arith.constant 0 : i32
    %dma_wait3A_100 = tpu.memref_slice %arg14[%dma_wait3A_95, %dma_wait3A_99] : memref<2x16xi32, #tpu.memory_space<vmem>> -> memref<1x16xi32, #tpu.memory_space<vmem>>
    %dma_wait3A_101 = tpu.memref_squeeze %dma_wait3A_100 : memref<1x16xi32, #tpu.memory_space<vmem>> -> memref<16xi32, #tpu.memory_space<vmem>>
    %dma_wait3A_102 = arith.constant 0 : i32
    %dma_wait3A_103 = arith.constant 0 : i32
    %dma_wait3A_104 = tpu.memref_slice %arg2[%dma_wait3A_102, %dma_wait3A_103] : memref<10000x128xf32, #tpu.memory_space<hbm>> -> memref<10000x128xf32, #tpu.memory_space<hbm>>
    tpu.wait_indirect_dma semaphore(%arg24 : memref<!tpu.dma_semaphore, #tpu.memory_space<semaphore_mem>>) src(%dma_wait3A_104 : memref<10000x128xf32, #tpu.memory_space<hbm>>) dst(%dma_wait3A_98 : memref<16x128xf32, #tpu.memory_space<vmem>>)
    %run_scoped3A = arith.constant 1 : i32
    "tpu.region"() ({
      %run_scoped3A_115 = tpu.sem_alloc : memref<!tpu.dma_semaphore, #tpu.memory_space<semaphore_mem>>
      %dma_start3A_116 = arith.constant 0 : i32
      %dma_start3A_117 = arith.constant 0 : i32
      %dma_start3A_118 = tpu.memref_slice %arg15[%dma_start3A_116, %dma_start3A_117] : memref<128x128xf32, #tpu.memory_space<vmem>> -> memref<16x128xf32, #tpu.memory_space<vmem>>
      %dma_start3A_119 = arith.constant 0 : i32
      %dma_start3A_120 = tpu.memref_slice %arg14[%run_scoped3A, %dma_start3A_119] : memref<2x16xi32, #tpu.memory_space<vmem>> -> memref<1x16xi32, #tpu.memory_space<vmem>>
      %dma_start3A_121 = tpu.memref_squeeze %dma_start3A_120 : memref<1x16xi32, #tpu.memory_space<vmem>> -> memref<16xi32, #tpu.memory_space<vmem>>
      %dma_start3A_122 = arith.constant 0 : i32
      %dma_start3A_123 = arith.constant 0 : i32
      %dma_start3A_124 = tpu.memref_slice %arg7[%dma_start3A_122, %dma_start3A_123] : memref<10000x128xf32, #tpu.memory_space<vmem_shared>> -> memref<10000x128xf32, #tpu.memory_space<vmem_shared>>
      tpu.enqueue_indirect_dma source(%dma_start3A_118 : memref<16x128xf32, #tpu.memory_space<vmem>>) target(%dma_start3A_124 : memref<10000x128xf32, #tpu.memory_space<vmem_shared>>) offsets(%dma_start3A_121 : memref<16xi32, #tpu.memory_space<vmem>>) semaphore(%run_scoped3A_115 : memref<!tpu.dma_semaphore, #tpu.memory_space<semaphore_mem>>) {add = true}
      %dma_wait3A_125 = arith.constant 0 : i32
      %dma_wait3A_126 = arith.constant 0 : i32
      %dma_wait3A_127 = tpu.memref_slice %arg15[%dma_wait3A_125, %dma_wait3A_126] : memref<128x128xf32, #tpu.memory_space<vmem>> -> memref<16x128xf32, #tpu.memory_space<vmem>>
      %dma_wait3A_128 = arith.constant 0 : i32
      %dma_wait3A_129 = tpu.memref_slice %arg14[%run_scoped3A, %dma_wait3A_128] : memref<2x16xi32, #tpu.memory_space<vmem>> -> memref<1x16xi32, #tpu.memory_space<vmem>>
      %dma_wait3A_130 = tpu.memref_squeeze %dma_wait3A_129 : memref<1x16xi32, #tpu.memory_space<vmem>> -> memref<16xi32, #tpu.memory_space<vmem>>
      %dma_wait3A_131 = arith.constant 0 : i32
      %dma_wait3A_132 = arith.constant 0 : i32
      %dma_wait3A_133 = tpu.memref_slice %arg7[%dma_wait3A_131, %dma_wait3A_132] : memref<10000x128xf32, #tpu.memory_space<vmem_shared>> -> memref<10000x128xf32, #tpu.memory_space<vmem_shared>>
      tpu.wait_indirect_dma semaphore(%run_scoped3A_115 : memref<!tpu.dma_semaphore, #tpu.memory_space<semaphore_mem>>) src(%dma_wait3A_127 : memref<16x128xf32, #tpu.memory_space<vmem>>) dst(%dma_wait3A_133 : memref<10000x128xf32, #tpu.memory_space<vmem_shared>>)
      tpu.yield
    }) : () -> ()
    %barrier3A_105 = arith.constant 0 : index
    tpu.barrier barrier_id(%barrier3A_105)
    %mul3A_106 = arith.constant 624 : i32
    %mul3A_107 = arith.muli %arg1, %mul3A_106 : i32
    %mul3A_108 = arith.constant 624 : i32
    %mul3A_109 = arith.muli %arg1, %mul3A_108 : i32
    "tpu.region"() ({
      %run_scoped3A_115 = tpu.sem_alloc : memref<!tpu.dma_semaphore, #tpu.memory_space<semaphore_mem>>
      %dma_start3A_116 = arith.constant 0 : i32
      %dma_start3A_117 = tpu.memref_slice %arg6[%arg0, %mul3A_109, %dma_start3A_116] : memref<2x10000x128xf32, #tpu.memory_space<hbm>> -> memref<1x624x128xf32, #tpu.memory_space<hbm>>
      %dma_start3A_118 = tpu.memref_squeeze %dma_start3A_117 : memref<1x624x128xf32, #tpu.memory_space<hbm>> -> memref<624x128xf32, #tpu.memory_space<hbm>>
      %dma_start3A_119 = arith.constant 0 : i32
      %dma_start3A_120 = tpu.memref_slice %arg7[%mul3A_107, %dma_start3A_119] : memref<10000x128xf32, #tpu.memory_space<vmem_shared>> -> memref<624x128xf32, #tpu.memory_space<vmem_shared>>
      tpu.enqueue_dma source(%dma_start3A_120 : memref<624x128xf32, #tpu.memory_space<vmem_shared>>) target(%dma_start3A_118 : memref<624x128xf32, #tpu.memory_space<hbm>>) target_semaphore(%run_scoped3A_115 : memref<!tpu.dma_semaphore, #tpu.memory_space<semaphore_mem>>)
      %dma_wait3A_121 = arith.constant 0 : i32
      %dma_wait3A_122 = tpu.memref_slice %arg6[%arg0, %mul3A_109, %dma_wait3A_121] : memref<2x10000x128xf32, #tpu.memory_space<hbm>> -> memref<1x624x128xf32, #tpu.memory_space<hbm>>
      %dma_wait3A_123 = tpu.memref_squeeze %dma_wait3A_122 : memref<1x624x128xf32, #tpu.memory_space<hbm>> -> memref<624x128xf32, #tpu.memory_space<hbm>>
      %dma_wait3A_124 = arith.constant 0 : i32
      %dma_wait3A_125 = tpu.memref_slice %arg7[%mul3A_107, %dma_wait3A_124] : memref<10000x128xf32, #tpu.memory_space<vmem_shared>> -> memref<624x128xf32, #tpu.memory_space<vmem_shared>>
      tpu.wait_dma2 semaphore(%run_scoped3A_115 : memref<!tpu.dma_semaphore, #tpu.memory_space<semaphore_mem>>) src(%dma_wait3A_125 : memref<624x128xf32, #tpu.memory_space<vmem_shared>>) dst(%dma_wait3A_123 : memref<624x128xf32, #tpu.memory_space<hbm>>)
      tpu.yield
    }) : () -> ()
    %eq3A_110 = arith.constant 15 : i32
    %eq3A_111 = arith.cmpi eq, %arg1, %eq3A_110 : i32
    %convert_element_type3A_112 = arith.extui %eq3A_111 : i1 to i32
    %cond3A_113 = arith.constant 0 : i32
    %cond3A_114 = arith.cmpi ne, %convert_element_type3A_112, %cond3A_113 : i32
    scf.if %cond3A_114 {
      "tpu.region"() ({
        %run_scoped3A_115 = tpu.sem_alloc : memref<!tpu.dma_semaphore, #tpu.memory_space<semaphore_mem>>
        %dma_start3A_116 = arith.constant 9984 : i32
        %dma_start3A_117 = arith.constant 0 : i32
        %dma_start3A_118 = tpu.memref_slice %arg6[%arg0, %dma_start3A_116, %dma_start3A_117] : memref<2x10000x128xf32, #tpu.memory_space<hbm>> -> memref<1x16x128xf32, #tpu.memory_space<hbm>>
        %dma_start3A_119 = tpu.memref_squeeze %dma_start3A_118 : memref<1x16x128xf32, #tpu.memory_space<hbm>> -> memref<16x128xf32, #tpu.memory_space<hbm>>
        %dma_start3A_120 = arith.constant 9984 : i32
        %dma_start3A_121 = arith.constant 0 : i32
        %dma_start3A_122 = tpu.memref_slice %arg7[%dma_start3A_120, %dma_start3A_121] : memref<10000x128xf32, #tpu.memory_space<vmem_shared>> -> memref<16x128xf32, #tpu.memory_space<vmem_shared>>
        tpu.enqueue_dma source(%dma_start3A_122 : memref<16x128xf32, #tpu.memory_space<vmem_shared>>) target(%dma_start3A_119 : memref<16x128xf32, #tpu.memory_space<hbm>>) target_semaphore(%run_scoped3A_115 : memref<!tpu.dma_semaphore, #tpu.memory_space<semaphore_mem>>)
        %dma_wait3A_123 = arith.constant 9984 : i32
        %dma_wait3A_124 = arith.constant 0 : i32
        %dma_wait3A_125 = tpu.memref_slice %arg6[%arg0, %dma_wait3A_123, %dma_wait3A_124] : memref<2x10000x128xf32, #tpu.memory_space<hbm>> -> memref<1x16x128xf32, #tpu.memory_space<hbm>>
        %dma_wait3A_126 = tpu.memref_squeeze %dma_wait3A_125 : memref<1x16x128xf32, #tpu.memory_space<hbm>> -> memref<16x128xf32, #tpu.memory_space<hbm>>
        %dma_wait3A_127 = arith.constant 9984 : i32
        %dma_wait3A_128 = arith.constant 0 : i32
        %dma_wait3A_129 = tpu.memref_slice %arg7[%dma_wait3A_127, %dma_wait3A_128] : memref<10000x128xf32, #tpu.memory_space<vmem_shared>> -> memref<16x128xf32, #tpu.memory_space<vmem_shared>>
        tpu.wait_dma2 semaphore(%run_scoped3A_115 : memref<!tpu.dma_semaphore, #tpu.memory_space<semaphore_mem>>) src(%dma_wait3A_129 : memref<16x128xf32, #tpu.memory_space<vmem_shared>>) dst(%dma_wait3A_126 : memref<16x128xf32, #tpu.memory_space<hbm>>)
        tpu.yield
      }) : () -> ()
    } else {
    }
    return
  }
}

#map = affine_map<(d0, d1) -> (0, 0)>
#map1 = affine_map<(d0, d1) -> (0, 0, 0, 0)>
#map2 = affine_map<(d0, d1) -> (0, 0, 0)>
module attributes {stable_mosaic.version = 14 : i64} {
  func.func @_sc_body(%arg0: i32, %arg1: i32, %arg2: memref<10000x128xf32, #tpu.memory_space<hbm>>, %arg3: memref<32x78x2x128xi32, #tpu.memory_space<hbm>>, %arg4: memref<32x2x16xi32, #tpu.memory_space<hbm>>, %arg5: memref<10000x128xf32, #tpu.memory_space<hbm>>, %arg6: memref<2x10000x128xf32, #tpu.memory_space<hbm>>, %arg7: memref<10000x128xf32, #tpu.memory_space<vmem_shared>>, %arg8: memref<2x128xi32, #tpu.memory_space<vmem>>, %arg9: memref<2x128xi32, #tpu.memory_space<vmem>>, %arg10: memref<2x128xi32, #tpu.memory_space<vmem>>, %arg11: memref<2x128xi32, #tpu.memory_space<vmem>>, %arg12: memref<2x128xi32, #tpu.memory_space<vmem>>, %arg13: memref<2x128xi32, #tpu.memory_space<vmem>>, %arg14: memref<2x16xi32, #tpu.memory_space<vmem>>, %arg15: memref<128x128xf32, #tpu.memory_space<vmem>>, %arg16: memref<128x128xf32, #tpu.memory_space<vmem>>, %arg17: memref<128x128xf32, #tpu.memory_space<vmem>>, %arg18: memref<!tpu.dma_semaphore, #tpu.memory_space<semaphore_mem>>, %arg19: memref<!tpu.dma_semaphore, #tpu.memory_space<semaphore_mem>>, %arg20: memref<!tpu.dma_semaphore, #tpu.memory_space<semaphore_mem>>, %arg21: memref<!tpu.dma_semaphore, #tpu.memory_space<semaphore_mem>>, %arg22: memref<!tpu.dma_semaphore, #tpu.memory_space<semaphore_mem>>, %arg23: memref<!tpu.dma_semaphore, #tpu.memory_space<semaphore_mem>>, %arg24: memref<!tpu.dma_semaphore, #tpu.memory_space<semaphore_mem>>, %arg25: memref<!tpu.dma_semaphore, #tpu.memory_space<semaphore_mem>>, %arg26: memref<!tpu.dma_semaphore, #tpu.memory_space<semaphore_mem>>, %arg27: memref<!tpu.dma_semaphore, #tpu.memory_space<semaphore_mem>>, %arg28: memref<!tpu.dma_semaphore, #tpu.memory_space<semaphore_mem>>, %arg29: memref<!tpu.dma_semaphore, #tpu.memory_space<semaphore_mem>>) attributes {dimension_semantics = [#tpu.dimension_semantics<core_parallel>, #tpu.dimension_semantics<subcore_parallel>], iteration_bounds = array<i64: 2, 16>, scalar_prefetch = 0 : i64, scratch_operands = 23 : i64, tpu.core_type = #tpu.core_type<sc_vector_subcore>, window_params = [{transform_indices = #map}, {transform_indices = #map1}, {transform_indices = #map2}, {transform_indices = #map}, {transform_indices = #map2}]} {
    %mul3A = arith.constant 16 : i32
    %mul3A_0 = arith.muli %arg0, %mul3A : i32
    %add3A = arith.addi %mul3A_0, %arg1 : i32
    %mul3A_1 = arith.constant 624 : i32
    %mul3A_2 = arith.muli %arg1, %mul3A_1 : i32
    %mul3A_3 = arith.constant 624 : i32
    %mul3A_4 = arith.muli %arg1, %mul3A_3 : i32
    "tpu.region"() ({
      %run_scoped3A_115 = tpu.sem_alloc : memref<!tpu.dma_semaphore, #tpu.memory_space<semaphore_mem>>
      %dma_start3A_116 = arith.constant 0 : i32
      %dma_start3A_117 = tpu.memref_slice %arg7[%mul3A_4, %dma_start3A_116] : memref<10000x128xf32, #tpu.memory_space<vmem_shared>> -> memref<624x128xf32, #tpu.memory_space<vmem_shared>>
      %dma_start3A_118 = arith.constant 0 : i32
      %dma_start3A_119 = tpu.memref_slice %arg5[%mul3A_2, %dma_start3A_118] : memref<10000x128xf32, #tpu.memory_space<hbm>> -> memref<624x128xf32, #tpu.memory_space<hbm>>
      tpu.enqueue_dma source(%dma_start3A_119 : memref<624x128xf32, #tpu.memory_space<hbm>>) target(%dma_start3A_117 : memref<624x128xf32, #tpu.memory_space<vmem_shared>>) target_semaphore(%run_scoped3A_115 : memref<!tpu.dma_semaphore, #tpu.memory_space<semaphore_mem>>)
      %dma_wait3A_120 = arith.constant 0 : i32
      %dma_wait3A_121 = tpu.memref_slice %arg7[%mul3A_4, %dma_wait3A_120] : memref<10000x128xf32, #tpu.memory_space<vmem_shared>> -> memref<624x128xf32, #tpu.memory_space<vmem_shared>>
      %dma_wait3A_122 = arith.constant 0 : i32
      %dma_wait3A_123 = tpu.memref_slice %arg5[%mul3A_2, %dma_wait3A_122] : memref<10000x128xf32, #tpu.memory_space<hbm>> -> memref<624x128xf32, #tpu.memory_space<hbm>>
      tpu.wait_dma2 semaphore(%run_scoped3A_115 : memref<!tpu.dma_semaphore, #tpu.memory_space<semaphore_mem>>) src(%dma_wait3A_123 : memref<624x128xf32, #tpu.memory_space<hbm>>) dst(%dma_wait3A_121 : memref<624x128xf32, #tpu.memory_space<vmem_shared>>)
      tpu.yield
    }) : () -> ()
    %eq3A = arith.constant 15 : i32
    %eq3A_5 = arith.cmpi eq, %arg1, %eq3A : i32
    %convert_element_type3A = arith.extui %eq3A_5 : i1 to i32
    %cond3A = arith.constant 0 : i32
    %cond3A_6 = arith.cmpi ne, %convert_element_type3A, %cond3A : i32
    scf.if %cond3A_6 {
      "tpu.region"() ({
        %run_scoped3A_115 = tpu.sem_alloc : memref<!tpu.dma_semaphore, #tpu.memory_space<semaphore_mem>>
        %dma_start3A_116 = arith.constant 9984 : i32
        %dma_start3A_117 = arith.constant 0 : i32
        %dma_start3A_118 = tpu.memref_slice %arg7[%dma_start3A_116, %dma_start3A_117] : memref<10000x128xf32, #tpu.memory_space<vmem_shared>> -> memref<16x128xf32, #tpu.memory_space<vmem_shared>>
        %dma_start3A_119 = arith.constant 9984 : i32
        %dma_start3A_120 = arith.constant 0 : i32
        %dma_start3A_121 = tpu.memref_slice %arg5[%dma_start3A_119, %dma_start3A_120] : memref<10000x128xf32, #tpu.memory_space<hbm>> -> memref<16x128xf32, #tpu.memory_space<hbm>>
        tpu.enqueue_dma source(%dma_start3A_121 : memref<16x128xf32, #tpu.memory_space<hbm>>) target(%dma_start3A_118 : memref<16x128xf32, #tpu.memory_space<vmem_shared>>) target_semaphore(%run_scoped3A_115 : memref<!tpu.dma_semaphore, #tpu.memory_space<semaphore_mem>>)
        %dma_wait3A_122 = arith.constant 9984 : i32
        %dma_wait3A_123 = arith.constant 0 : i32
        %dma_wait3A_124 = tpu.memref_slice %arg7[%dma_wait3A_122, %dma_wait3A_123] : memref<10000x128xf32, #tpu.memory_space<vmem_shared>> -> memref<16x128xf32, #tpu.memory_space<vmem_shared>>
        %dma_wait3A_125 = arith.constant 9984 : i32
        %dma_wait3A_126 = arith.constant 0 : i32
        %dma_wait3A_127 = tpu.memref_slice %arg5[%dma_wait3A_125, %dma_wait3A_126] : memref<10000x128xf32, #tpu.memory_space<hbm>> -> memref<16x128xf32, #tpu.memory_space<hbm>>
        tpu.wait_dma2 semaphore(%run_scoped3A_115 : memref<!tpu.dma_semaphore, #tpu.memory_space<semaphore_mem>>) src(%dma_wait3A_127 : memref<16x128xf32, #tpu.memory_space<hbm>>) dst(%dma_wait3A_124 : memref<16x128xf32, #tpu.memory_space<vmem_shared>>)
        tpu.yield
      }) : () -> ()
    } else {
    }
    %barrier3A = arith.constant 0 : index
    tpu.barrier barrier_id(%barrier3A)
    %dma_start3A = arith.constant 0 : i32
    %dma_start3A_7 = arith.constant 0 : i32
    %dma_start3A_8 = arith.constant 0 : i32
    %dma_start3A_9 = tpu.memref_slice %arg3[%add3A, %dma_start3A, %dma_start3A_7, %dma_start3A_8] : memref<32x78x2x128xi32, #tpu.memory_space<hbm>> -> memref<1x1x2x128xi32, #tpu.memory_space<hbm>>
    %dma_start3A_10 = tpu.memref_squeeze %dma_start3A_9 : memref<1x1x2x128xi32, #tpu.memory_space<hbm>> -> memref<2x128xi32, #tpu.memory_space<hbm>>
    %dma_start3A_11 = arith.constant 0 : i32
    %dma_start3A_12 = arith.constant 0 : i32
    %dma_start3A_13 = tpu.memref_slice %arg3[%add3A, %dma_start3A, %dma_start3A_11, %dma_start3A_12] : memref<32x78x2x128xi32, #tpu.memory_space<hbm>> -> memref<1x1x2x128xi32, #tpu.memory_space<hbm>>
    %dma_start3A_14 = tpu.memref_squeeze %dma_start3A_13 : memref<1x1x2x128xi32, #tpu.memory_space<hbm>> -> memref<2x128xi32, #tpu.memory_space<hbm>>
    tpu.enqueue_dma source(%dma_start3A_14 : memref<2x128xi32, #tpu.memory_space<hbm>>) target(%arg8 : memref<2x128xi32, #tpu.memory_space<vmem>>) target_semaphore(%arg18 : memref<!tpu.dma_semaphore, #tpu.memory_space<semaphore_mem>>)
    %dma_start3A_15 = arith.constant 1 : i32
    %dma_start3A_16 = arith.constant 0 : i32
    %dma_start3A_17 = arith.constant 0 : i32
    %dma_start3A_18 = tpu.memref_slice %arg3[%add3A, %dma_start3A_15, %dma_start3A_16, %dma_start3A_17] : memref<32x78x2x128xi32, #tpu.memory_space<hbm>> -> memref<1x1x2x128xi32, #tpu.memory_space<hbm>>
    %dma_start3A_19 = tpu.memref_squeeze %dma_start3A_18 : memref<1x1x2x128xi32, #tpu.memory_space<hbm>> -> memref<2x128xi32, #tpu.memory_space<hbm>>
    %dma_start3A_20 = arith.constant 0 : i32
    %dma_start3A_21 = arith.constant 0 : i32
    %dma_start3A_22 = tpu.memref_slice %arg3[%add3A, %dma_start3A_15, %dma_start3A_20, %dma_start3A_21] : memref<32x78x2x128xi32, #tpu.memory_space<hbm>> -> memref<1x1x2x128xi32, #tpu.memory_space<hbm>>
    %dma_start3A_23 = tpu.memref_squeeze %dma_start3A_22 : memref<1x1x2x128xi32, #tpu.memory_space<hbm>> -> memref<2x128xi32, #tpu.memory_space<hbm>>
    tpu.enqueue_dma source(%dma_start3A_23 : memref<2x128xi32, #tpu.memory_space<hbm>>) target(%arg9 : memref<2x128xi32, #tpu.memory_space<vmem>>) target_semaphore(%arg19 : memref<!tpu.dma_semaphore, #tpu.memory_space<semaphore_mem>>)
    %dma_start3A_24 = arith.constant 2 : i32
    %dma_start3A_25 = arith.constant 0 : i32
    %dma_start3A_26 = arith.constant 0 : i32
    %dma_start3A_27 = tpu.memref_slice %arg3[%add3A, %dma_start3A_24, %dma_start3A_25, %dma_start3A_26] : memref<32x78x2x128xi32, #tpu.memory_space<hbm>> -> memref<1x1x2x128xi32, #tpu.memory_space<hbm>>
    %dma_start3A_28 = tpu.memref_squeeze %dma_start3A_27 : memref<1x1x2x128xi32, #tpu.memory_space<hbm>> -> memref<2x128xi32, #tpu.memory_space<hbm>>
    %dma_start3A_29 = arith.constant 0 : i32
    %dma_start3A_30 = arith.constant 0 : i32
    %dma_start3A_31 = tpu.memref_slice %arg3[%add3A, %dma_start3A_24, %dma_start3A_29, %dma_start3A_30] : memref<32x78x2x128xi32, #tpu.memory_space<hbm>> -> memref<1x1x2x128xi32, #tpu.memory_space<hbm>>
    %dma_start3A_32 = tpu.memref_squeeze %dma_start3A_31 : memref<1x1x2x128xi32, #tpu.memory_space<hbm>> -> memref<2x128xi32, #tpu.memory_space<hbm>>
    tpu.enqueue_dma source(%dma_start3A_32 : memref<2x128xi32, #tpu.memory_space<hbm>>) target(%arg10 : memref<2x128xi32, #tpu.memory_space<vmem>>) target_semaphore(%arg20 : memref<!tpu.dma_semaphore, #tpu.memory_space<semaphore_mem>>)
    %dma_start3A_33 = arith.constant 3 : i32
    %dma_start3A_34 = arith.constant 0 : i32
    %dma_start3A_35 = arith.constant 0 : i32
    %dma_start3A_36 = tpu.memref_slice %arg3[%add3A, %dma_start3A_33, %dma_start3A_34, %dma_start3A_35] : memref<32x78x2x128xi32, #tpu.memory_space<hbm>> -> memref<1x1x2x128xi32, #tpu.memory_space<hbm>>
    %dma_start3A_37 = tpu.memref_squeeze %dma_start3A_36 : memref<1x1x2x128xi32, #tpu.memory_space<hbm>> -> memref<2x128xi32, #tpu.memory_space<hbm>>
    %dma_start3A_38 = arith.constant 0 : i32
    %dma_start3A_39 = arith.constant 0 : i32
    %dma_start3A_40 = tpu.memref_slice %arg3[%add3A, %dma_start3A_33, %dma_start3A_38, %dma_start3A_39] : memref<32x78x2x128xi32, #tpu.memory_space<hbm>> -> memref<1x1x2x128xi32, #tpu.memory_space<hbm>>
    %dma_start3A_41 = tpu.memref_squeeze %dma_start3A_40 : memref<1x1x2x128xi32, #tpu.memory_space<hbm>> -> memref<2x128xi32, #tpu.memory_space<hbm>>
    tpu.enqueue_dma source(%dma_start3A_41 : memref<2x128xi32, #tpu.memory_space<hbm>>) target(%arg11 : memref<2x128xi32, #tpu.memory_space<vmem>>) target_semaphore(%arg21 : memref<!tpu.dma_semaphore, #tpu.memory_space<semaphore_mem>>)
    %dma_wait3A = arith.constant 0 : i32
    %dma_wait3A_42 = arith.constant 0 : i32
    %dma_wait3A_43 = arith.constant 0 : i32
    %dma_wait3A_44 = tpu.memref_slice %arg3[%add3A, %dma_wait3A, %dma_wait3A_42, %dma_wait3A_43] : memref<32x78x2x128xi32, #tpu.memory_space<hbm>> -> memref<1x1x2x128xi32, #tpu.memory_space<hbm>>
    %dma_wait3A_45 = tpu.memref_squeeze %dma_wait3A_44 : memref<1x1x2x128xi32, #tpu.memory_space<hbm>> -> memref<2x128xi32, #tpu.memory_space<hbm>>
    %dma_wait3A_46 = arith.constant 0 : i32
    %dma_wait3A_47 = arith.constant 0 : i32
    %dma_wait3A_48 = tpu.memref_slice %arg3[%add3A, %dma_wait3A, %dma_wait3A_46, %dma_wait3A_47] : memref<32x78x2x128xi32, #tpu.memory_space<hbm>> -> memref<1x1x2x128xi32, #tpu.memory_space<hbm>>
    %dma_wait3A_49 = tpu.memref_squeeze %dma_wait3A_48 : memref<1x1x2x128xi32, #tpu.memory_space<hbm>> -> memref<2x128xi32, #tpu.memory_space<hbm>>
    tpu.wait_dma2 semaphore(%arg18 : memref<!tpu.dma_semaphore, #tpu.memory_space<semaphore_mem>>) src(%dma_wait3A_49 : memref<2x128xi32, #tpu.memory_space<hbm>>) dst(%arg8 : memref<2x128xi32, #tpu.memory_space<vmem>>)
    %dma_start3A_50 = arith.constant 0 : i32
    %dma_start3A_51 = arith.constant 0 : i32
    %dma_start3A_52 = tpu.memref_slice %arg8[%dma_start3A_50, %dma_start3A_51] : memref<2x128xi32, #tpu.memory_space<vmem>> -> memref<1x128xi32, #tpu.memory_space<vmem>>
    %dma_start3A_53 = tpu.memref_squeeze %dma_start3A_52 : memref<1x128xi32, #tpu.memory_space<vmem>> -> memref<128xi32, #tpu.memory_space<vmem>>
    %dma_start3A_54 = arith.constant 0 : i32
    %dma_start3A_55 = arith.constant 0 : i32
    %dma_start3A_56 = tpu.memref_slice %arg2[%dma_start3A_54, %dma_start3A_55] : memref<10000x128xf32, #tpu.memory_space<hbm>> -> memref<10000x128xf32, #tpu.memory_space<hbm>>
    tpu.enqueue_indirect_dma source(%dma_start3A_56 : memref<10000x128xf32, #tpu.memory_space<hbm>>) target(%arg15 : memref<128x128xf32, #tpu.memory_space<vmem>>) offsets(%dma_start3A_53 : memref<128xi32, #tpu.memory_space<vmem>>) semaphore(%arg24 : memref<!tpu.dma_semaphore, #tpu.memory_space<semaphore_mem>>)
    %dma_wait3A_57 = arith.constant 0 : i32
    %dma_wait3A_58 = arith.constant 0 : i32
    %dma_wait3A_59 = arith.constant 0 : i32
    %dma_wait3A_60 = tpu.memref_slice %arg3[%add3A, %dma_wait3A_57, %dma_wait3A_58, %dma_wait3A_59] : memref<32x78x2x128xi32, #tpu.memory_space<hbm>> -> memref<1x1x2x128xi32, #tpu.memory_space<hbm>>
    %dma_wait3A_61 = tpu.memref_squeeze %dma_wait3A_60 : memref<1x1x2x128xi32, #tpu.memory_space<hbm>> -> memref<2x128xi32, #tpu.memory_space<hbm>>
    %dma_wait3A_62 = arith.constant 0 : i32
    %dma_wait3A_63 = arith.constant 0 : i32
    %dma_wait3A_64 = tpu.memref_slice %arg3[%add3A, %dma_wait3A_57, %dma_wait3A_62, %dma_wait3A_63] : memref<32x78x2x128xi32, #tpu.memory_space<hbm>> -> memref<1x1x2x128xi32, #tpu.memory_space<hbm>>
    %dma_wait3A_65 = tpu.memref_squeeze %dma_wait3A_64 : memref<1x1x2x128xi32, #tpu.memory_space<hbm>> -> memref<2x128xi32, #tpu.memory_space<hbm>>
    tpu.wait_dma2 semaphore(%arg19 : memref<!tpu.dma_semaphore, #tpu.memory_space<semaphore_mem>>) src(%dma_wait3A_65 : memref<2x128xi32, #tpu.memory_space<hbm>>) dst(%arg9 : memref<2x128xi32, #tpu.memory_space<vmem>>)
    %dma_start3A_66 = arith.constant 0 : i32
    %dma_start3A_67 = arith.constant 0 : i32
    %dma_start3A_68 = tpu.memref_slice %arg9[%dma_start3A_66, %dma_start3A_67] : memref<2x128xi32, #tpu.memory_space<vmem>> -> memref<1x128xi32, #tpu.memory_space<vmem>>
    %dma_start3A_69 = tpu.memref_squeeze %dma_start3A_68 : memref<1x128xi32, #tpu.memory_space<vmem>> -> memref<128xi32, #tpu.memory_space<vmem>>
    %dma_start3A_70 = arith.constant 0 : i32
    %dma_start3A_71 = arith.constant 0 : i32
    %dma_start3A_72 = tpu.memref_slice %arg2[%dma_start3A_70, %dma_start3A_71] : memref<10000x128xf32, #tpu.memory_space<hbm>> -> memref<10000x128xf32, #tpu.memory_space<hbm>>
    tpu.enqueue_indirect_dma source(%dma_start3A_72 : memref<10000x128xf32, #tpu.memory_space<hbm>>) target(%arg16 : memref<128x128xf32, #tpu.memory_space<vmem>>) offsets(%dma_start3A_69 : memref<128xi32, #tpu.memory_space<vmem>>) semaphore(%arg25 : memref<!tpu.dma_semaphore, #tpu.memory_space<semaphore_mem>>)
    %scan3A = arith.constant 0 : i32
    %scan3A_73 = arith.constant 0 : i32
    %scan3A_74 = arith.constant 13 : i32
    %scan3A_75 = arith.addi %scan3A_73, %scan3A_74 : i32
    %scan3A_76 = arith.constant 1 : i32
    scf.for %scan3A_115 = %scan3A_73 to %scan3A_75 step %scan3A_76  : i32 {
      %mul3A_116 = arith.constant 6 : i32
      %mul3A_117 = arith.muli %mul3A_116, %scan3A_115 : i32
      %add3A_118 = arith.constant 0 : i32
      %add3A_119 = arith.addi %mul3A_117, %add3A_118 : i32
      %dma_wait3A_120 = arith.constant 0 : i32
      %dma_wait3A_121 = arith.constant 0 : i32
      %dma_wait3A_122 = tpu.memref_slice %arg8[%dma_wait3A_120, %dma_wait3A_121] : memref<2x128xi32, #tpu.memory_space<vmem>> -> memref<1x128xi32, #tpu.memory_space<vmem>>
      %dma_wait3A_123 = tpu.memref_squeeze %dma_wait3A_122 : memref<1x128xi32, #tpu.memory_space<vmem>> -> memref<128xi32, #tpu.memory_space<vmem>>
      %dma_wait3A_124 = arith.constant 0 : i32
      %dma_wait3A_125 = arith.constant 0 : i32
      %dma_wait3A_126 = tpu.memref_slice %arg2[%dma_wait3A_124, %dma_wait3A_125] : memref<10000x128xf32, #tpu.memory_space<hbm>> -> memref<10000x128xf32, #tpu.memory_space<hbm>>
      tpu.wait_indirect_dma semaphore(%arg24 : memref<!tpu.dma_semaphore, #tpu.memory_space<semaphore_mem>>) src(%dma_wait3A_126 : memref<10000x128xf32, #tpu.memory_space<hbm>>) dst(%arg15 : memref<128x128xf32, #tpu.memory_space<vmem>>)
      %dma_start3A_127 = arith.constant 1 : i32
      %dma_start3A_128 = arith.constant 0 : i32
      %dma_start3A_129 = tpu.memref_slice %arg8[%dma_start3A_127, %dma_start3A_128] : memref<2x128xi32, #tpu.memory_space<vmem>> -> memref<1x128xi32, #tpu.memory_space<vmem>>
      %dma_start3A_130 = tpu.memref_squeeze %dma_start3A_129 : memref<1x128xi32, #tpu.memory_space<vmem>> -> memref<128xi32, #tpu.memory_space<vmem>>
      %dma_start3A_131 = arith.constant 0 : i32
      %dma_start3A_132 = arith.constant 0 : i32
      %dma_start3A_133 = tpu.memref_slice %arg7[%dma_start3A_131, %dma_start3A_132] : memref<10000x128xf32, #tpu.memory_space<vmem_shared>> -> memref<10000x128xf32, #tpu.memory_space<vmem_shared>>
      tpu.enqueue_indirect_dma source(%arg15 : memref<128x128xf32, #tpu.memory_space<vmem>>) target(%dma_start3A_133 : memref<10000x128xf32, #tpu.memory_space<vmem_shared>>) offsets(%dma_start3A_130 : memref<128xi32, #tpu.memory_space<vmem>>) semaphore(%arg27 : memref<!tpu.dma_semaphore, #tpu.memory_space<semaphore_mem>>) {add = true}
      %ge3A = arith.constant 1 : i32
      %ge3A_134 = arith.cmpi sge, %add3A_119, %ge3A : i32
      %convert_element_type3A_135 = arith.extui %ge3A_134 : i1 to i32
      %cond3A_136 = arith.constant 0 : i32
      %cond3A_137 = arith.cmpi ne, %convert_element_type3A_135, %cond3A_136 : i32
      scf.if %cond3A_137 {
        %dma_wait3A_326 = arith.constant 1 : i32
        %dma_wait3A_327 = arith.constant 0 : i32
        %dma_wait3A_328 = tpu.memref_slice %arg13[%dma_wait3A_326, %dma_wait3A_327] : memref<2x128xi32, #tpu.memory_space<vmem>> -> memref<1x128xi32, #tpu.memory_space<vmem>>
        %dma_wait3A_329 = tpu.memref_squeeze %dma_wait3A_328 : memref<1x128xi32, #tpu.memory_space<vmem>> -> memref<128xi32, #tpu.memory_space<vmem>>
        %dma_wait3A_330 = arith.constant 0 : i32
        %dma_wait3A_331 = arith.constant 0 : i32
        %dma_wait3A_332 = tpu.memref_slice %arg7[%dma_wait3A_330, %dma_wait3A_331] : memref<10000x128xf32, #tpu.memory_space<vmem_shared>> -> memref<10000x128xf32, #tpu.memory_space<vmem_shared>>
        tpu.wait_indirect_dma semaphore(%arg29 : memref<!tpu.dma_semaphore, #tpu.memory_space<semaphore_mem>>) src(%arg17 : memref<128x128xf32, #tpu.memory_space<vmem>>) dst(%dma_wait3A_332 : memref<10000x128xf32, #tpu.memory_space<vmem_shared>>)
      } else {
      }
      %add3A_138 = arith.constant 4 : i32
      %add3A_139 = arith.addi %add3A_119, %add3A_138 : i32
      %lt3A = arith.constant 78 : i32
      %lt3A_140 = arith.cmpi slt, %add3A_139, %lt3A : i32
      %convert_element_type3A_141 = arith.extui %lt3A_140 : i1 to i32
      %cond3A_142 = arith.constant 0 : i32
      %cond3A_143 = arith.cmpi ne, %convert_element_type3A_141, %cond3A_142 : i32
      scf.if %cond3A_143 {
        %add3A_326 = arith.constant 4 : i32
        %add3A_327 = arith.addi %add3A_119, %add3A_326 : i32
        %dma_start3A_328 = arith.constant 0 : i32
        %dma_start3A_329 = arith.constant 0 : i32
        %dma_start3A_330 = tpu.memref_slice %arg3[%add3A, %add3A_327, %dma_start3A_328, %dma_start3A_329] : memref<32x78x2x128xi32, #tpu.memory_space<hbm>> -> memref<1x1x2x128xi32, #tpu.memory_space<hbm>>
        %dma_start3A_331 = tpu.memref_squeeze %dma_start3A_330 : memref<1x1x2x128xi32, #tpu.memory_space<hbm>> -> memref<2x128xi32, #tpu.memory_space<hbm>>
        %dma_start3A_332 = arith.constant 0 : i32
        %dma_start3A_333 = arith.constant 0 : i32
        %dma_start3A_334 = tpu.memref_slice %arg3[%add3A, %add3A_327, %dma_start3A_332, %dma_start3A_333] : memref<32x78x2x128xi32, #tpu.memory_space<hbm>> -> memref<1x1x2x128xi32, #tpu.memory_space<hbm>>
        %dma_start3A_335 = tpu.memref_squeeze %dma_start3A_334 : memref<1x1x2x128xi32, #tpu.memory_space<hbm>> -> memref<2x128xi32, #tpu.memory_space<hbm>>
        tpu.enqueue_dma source(%dma_start3A_335 : memref<2x128xi32, #tpu.memory_space<hbm>>) target(%arg12 : memref<2x128xi32, #tpu.memory_space<vmem>>) target_semaphore(%arg22 : memref<!tpu.dma_semaphore, #tpu.memory_space<semaphore_mem>>)
      } else {
      }
      %add3A_144 = arith.constant 2 : i32
      %add3A_145 = arith.addi %add3A_119, %add3A_144 : i32
      %lt3A_146 = arith.constant 78 : i32
      %lt3A_147 = arith.cmpi slt, %add3A_145, %lt3A_146 : i32
      %convert_element_type3A_148 = arith.extui %lt3A_147 : i1 to i32
      %cond3A_149 = arith.constant 0 : i32
      %cond3A_150 = arith.cmpi ne, %convert_element_type3A_148, %cond3A_149 : i32
      scf.if %cond3A_150 {
        %dma_wait3A_326 = arith.constant 0 : i32
        %dma_wait3A_327 = arith.constant 0 : i32
        %dma_wait3A_328 = arith.constant 0 : i32
        %dma_wait3A_329 = tpu.memref_slice %arg3[%add3A, %dma_wait3A_326, %dma_wait3A_327, %dma_wait3A_328] : memref<32x78x2x128xi32, #tpu.memory_space<hbm>> -> memref<1x1x2x128xi32, #tpu.memory_space<hbm>>
        %dma_wait3A_330 = tpu.memref_squeeze %dma_wait3A_329 : memref<1x1x2x128xi32, #tpu.memory_space<hbm>> -> memref<2x128xi32, #tpu.memory_space<hbm>>
        %dma_wait3A_331 = arith.constant 0 : i32
        %dma_wait3A_332 = arith.constant 0 : i32
        %dma_wait3A_333 = tpu.memref_slice %arg3[%add3A, %dma_wait3A_326, %dma_wait3A_331, %dma_wait3A_332] : memref<32x78x2x128xi32, #tpu.memory_space<hbm>> -> memref<1x1x2x128xi32, #tpu.memory_space<hbm>>
        %dma_wait3A_334 = tpu.memref_squeeze %dma_wait3A_333 : memref<1x1x2x128xi32, #tpu.memory_space<hbm>> -> memref<2x128xi32, #tpu.memory_space<hbm>>
        tpu.wait_dma2 semaphore(%arg20 : memref<!tpu.dma_semaphore, #tpu.memory_space<semaphore_mem>>) src(%dma_wait3A_334 : memref<2x128xi32, #tpu.memory_space<hbm>>) dst(%arg10 : memref<2x128xi32, #tpu.memory_space<vmem>>)
        %add3A_335 = arith.constant 2 : i32
        %add3A_336 = arith.addi %add3A_119, %add3A_335 : i32
        %dma_start3A_337 = arith.constant 0 : i32
        %dma_start3A_338 = arith.constant 0 : i32
        %dma_start3A_339 = tpu.memref_slice %arg10[%dma_start3A_337, %dma_start3A_338] : memref<2x128xi32, #tpu.memory_space<vmem>> -> memref<1x128xi32, #tpu.memory_space<vmem>>
        %dma_start3A_340 = tpu.memref_squeeze %dma_start3A_339 : memref<1x128xi32, #tpu.memory_space<vmem>> -> memref<128xi32, #tpu.memory_space<vmem>>
        %dma_start3A_341 = arith.constant 0 : i32
        %dma_start3A_342 = arith.constant 0 : i32
        %dma_start3A_343 = tpu.memref_slice %arg2[%dma_start3A_341, %dma_start3A_342] : memref<10000x128xf32, #tpu.memory_space<hbm>> -> memref<10000x128xf32, #tpu.memory_space<hbm>>
        tpu.enqueue_indirect_dma source(%dma_start3A_343 : memref<10000x128xf32, #tpu.memory_space<hbm>>) target(%arg17 : memref<128x128xf32, #tpu.memory_space<vmem>>) offsets(%dma_start3A_340 : memref<128xi32, #tpu.memory_space<vmem>>) semaphore(%arg26 : memref<!tpu.dma_semaphore, #tpu.memory_space<semaphore_mem>>)
      } else {
      }
      %add3A_151 = arith.constant 1 : i32
      %add3A_152 = arith.addi %mul3A_117, %add3A_151 : i32
      %dma_wait3A_153 = arith.constant 0 : i32
      %dma_wait3A_154 = arith.constant 0 : i32
      %dma_wait3A_155 = tpu.memref_slice %arg9[%dma_wait3A_153, %dma_wait3A_154] : memref<2x128xi32, #tpu.memory_space<vmem>> -> memref<1x128xi32, #tpu.memory_space<vmem>>
      %dma_wait3A_156 = tpu.memref_squeeze %dma_wait3A_155 : memref<1x128xi32, #tpu.memory_space<vmem>> -> memref<128xi32, #tpu.memory_space<vmem>>
      %dma_wait3A_157 = arith.constant 0 : i32
      %dma_wait3A_158 = arith.constant 0 : i32
      %dma_wait3A_159 = tpu.memref_slice %arg2[%dma_wait3A_157, %dma_wait3A_158] : memref<10000x128xf32, #tpu.memory_space<hbm>> -> memref<10000x128xf32, #tpu.memory_space<hbm>>
      tpu.wait_indirect_dma semaphore(%arg25 : memref<!tpu.dma_semaphore, #tpu.memory_space<semaphore_mem>>) src(%dma_wait3A_159 : memref<10000x128xf32, #tpu.memory_space<hbm>>) dst(%arg16 : memref<128x128xf32, #tpu.memory_space<vmem>>)
      %dma_start3A_160 = arith.constant 1 : i32
      %dma_start3A_161 = arith.constant 0 : i32
      %dma_start3A_162 = tpu.memref_slice %arg9[%dma_start3A_160, %dma_start3A_161] : memref<2x128xi32, #tpu.memory_space<vmem>> -> memref<1x128xi32, #tpu.memory_space<vmem>>
      %dma_start3A_163 = tpu.memref_squeeze %dma_start3A_162 : memref<1x128xi32, #tpu.memory_space<vmem>> -> memref<128xi32, #tpu.memory_space<vmem>>
      %dma_start3A_164 = arith.constant 0 : i32
      %dma_start3A_165 = arith.constant 0 : i32
      %dma_start3A_166 = tpu.memref_slice %arg7[%dma_start3A_164, %dma_start3A_165] : memref<10000x128xf32, #tpu.memory_space<vmem_shared>> -> memref<10000x128xf32, #tpu.memory_space<vmem_shared>>
      tpu.enqueue_indirect_dma source(%arg16 : memref<128x128xf32, #tpu.memory_space<vmem>>) target(%dma_start3A_166 : memref<10000x128xf32, #tpu.memory_space<vmem_shared>>) offsets(%dma_start3A_163 : memref<128xi32, #tpu.memory_space<vmem>>) semaphore(%arg28 : memref<!tpu.dma_semaphore, #tpu.memory_space<semaphore_mem>>) {add = true}
      %ge3A_167 = arith.constant 1 : i32
      %ge3A_168 = arith.cmpi sge, %add3A_152, %ge3A_167 : i32
      %convert_element_type3A_169 = arith.extui %ge3A_168 : i1 to i32
      %cond3A_170 = arith.constant 0 : i32
      %cond3A_171 = arith.cmpi ne, %convert_element_type3A_169, %cond3A_170 : i32
      scf.if %cond3A_171 {
        %dma_wait3A_326 = arith.constant 1 : i32
        %dma_wait3A_327 = arith.constant 0 : i32
        %dma_wait3A_328 = tpu.memref_slice %arg8[%dma_wait3A_326, %dma_wait3A_327] : memref<2x128xi32, #tpu.memory_space<vmem>> -> memref<1x128xi32, #tpu.memory_space<vmem>>
        %dma_wait3A_329 = tpu.memref_squeeze %dma_wait3A_328 : memref<1x128xi32, #tpu.memory_space<vmem>> -> memref<128xi32, #tpu.memory_space<vmem>>
        %dma_wait3A_330 = arith.constant 0 : i32
        %dma_wait3A_331 = arith.constant 0 : i32
        %dma_wait3A_332 = tpu.memref_slice %arg7[%dma_wait3A_330, %dma_wait3A_331] : memref<10000x128xf32, #tpu.memory_space<vmem_shared>> -> memref<10000x128xf32, #tpu.memory_space<vmem_shared>>
        tpu.wait_indirect_dma semaphore(%arg27 : memref<!tpu.dma_semaphore, #tpu.memory_space<semaphore_mem>>) src(%arg15 : memref<128x128xf32, #tpu.memory_space<vmem>>) dst(%dma_wait3A_332 : memref<10000x128xf32, #tpu.memory_space<vmem_shared>>)
      } else {
      }
      %add3A_172 = arith.constant 4 : i32
      %add3A_173 = arith.addi %add3A_152, %add3A_172 : i32
      %lt3A_174 = arith.constant 78 : i32
      %lt3A_175 = arith.cmpi slt, %add3A_173, %lt3A_174 : i32
      %convert_element_type3A_176 = arith.extui %lt3A_175 : i1 to i32
      %cond3A_177 = arith.constant 0 : i32
      %cond3A_178 = arith.cmpi ne, %convert_element_type3A_176, %cond3A_177 : i32
      scf.if %cond3A_178 {
        %add3A_326 = arith.constant 4 : i32
        %add3A_327 = arith.addi %add3A_152, %add3A_326 : i32
        %dma_start3A_328 = arith.constant 0 : i32
        %dma_start3A_329 = arith.constant 0 : i32
        %dma_start3A_330 = tpu.memref_slice %arg3[%add3A, %add3A_327, %dma_start3A_328, %dma_start3A_329] : memref<32x78x2x128xi32, #tpu.memory_space<hbm>> -> memref<1x1x2x128xi32, #tpu.memory_space<hbm>>
        %dma_start3A_331 = tpu.memref_squeeze %dma_start3A_330 : memref<1x1x2x128xi32, #tpu.memory_space<hbm>> -> memref<2x128xi32, #tpu.memory_space<hbm>>
        %dma_start3A_332 = arith.constant 0 : i32
        %dma_start3A_333 = arith.constant 0 : i32
        %dma_start3A_334 = tpu.memref_slice %arg3[%add3A, %add3A_327, %dma_start3A_332, %dma_start3A_333] : memref<32x78x2x128xi32, #tpu.memory_space<hbm>> -> memref<1x1x2x128xi32, #tpu.memory_space<hbm>>
        %dma_start3A_335 = tpu.memref_squeeze %dma_start3A_334 : memref<1x1x2x128xi32, #tpu.memory_space<hbm>> -> memref<2x128xi32, #tpu.memory_space<hbm>>
        tpu.enqueue_dma source(%dma_start3A_335 : memref<2x128xi32, #tpu.memory_space<hbm>>) target(%arg13 : memref<2x128xi32, #tpu.memory_space<vmem>>) target_semaphore(%arg23 : memref<!tpu.dma_semaphore, #tpu.memory_space<semaphore_mem>>)
      } else {
      }
      %add3A_179 = arith.constant 2 : i32
      %add3A_180 = arith.addi %add3A_152, %add3A_179 : i32
      %lt3A_181 = arith.constant 78 : i32
      %lt3A_182 = arith.cmpi slt, %add3A_180, %lt3A_181 : i32
      %convert_element_type3A_183 = arith.extui %lt3A_182 : i1 to i32
      %cond3A_184 = arith.constant 0 : i32
      %cond3A_185 = arith.cmpi ne, %convert_element_type3A_183, %cond3A_184 : i32
      scf.if %cond3A_185 {
        %dma_wait3A_326 = arith.constant 0 : i32
        %dma_wait3A_327 = arith.constant 0 : i32
        %dma_wait3A_328 = arith.constant 0 : i32
        %dma_wait3A_329 = tpu.memref_slice %arg3[%add3A, %dma_wait3A_326, %dma_wait3A_327, %dma_wait3A_328] : memref<32x78x2x128xi32, #tpu.memory_space<hbm>> -> memref<1x1x2x128xi32, #tpu.memory_space<hbm>>
        %dma_wait3A_330 = tpu.memref_squeeze %dma_wait3A_329 : memref<1x1x2x128xi32, #tpu.memory_space<hbm>> -> memref<2x128xi32, #tpu.memory_space<hbm>>
        %dma_wait3A_331 = arith.constant 0 : i32
        %dma_wait3A_332 = arith.constant 0 : i32
        %dma_wait3A_333 = tpu.memref_slice %arg3[%add3A, %dma_wait3A_326, %dma_wait3A_331, %dma_wait3A_332] : memref<32x78x2x128xi32, #tpu.memory_space<hbm>> -> memref<1x1x2x128xi32, #tpu.memory_space<hbm>>
        %dma_wait3A_334 = tpu.memref_squeeze %dma_wait3A_333 : memref<1x1x2x128xi32, #tpu.memory_space<hbm>> -> memref<2x128xi32, #tpu.memory_space<hbm>>
        tpu.wait_dma2 semaphore(%arg21 : memref<!tpu.dma_semaphore, #tpu.memory_space<semaphore_mem>>) src(%dma_wait3A_334 : memref<2x128xi32, #tpu.memory_space<hbm>>) dst(%arg11 : memref<2x128xi32, #tpu.memory_space<vmem>>)
        %add3A_335 = arith.constant 2 : i32
        %add3A_336 = arith.addi %add3A_152, %add3A_335 : i32
        %dma_start3A_337 = arith.constant 0 : i32
        %dma_start3A_338 = arith.constant 0 : i32
        %dma_start3A_339 = tpu.memref_slice %arg11[%dma_start3A_337, %dma_start3A_338] : memref<2x128xi32, #tpu.memory_space<vmem>> -> memref<1x128xi32, #tpu.memory_space<vmem>>
        %dma_start3A_340 = tpu.memref_squeeze %dma_start3A_339 : memref<1x128xi32, #tpu.memory_space<vmem>> -> memref<128xi32, #tpu.memory_space<vmem>>
        %dma_start3A_341 = arith.constant 0 : i32
        %dma_start3A_342 = arith.constant 0 : i32
        %dma_start3A_343 = tpu.memref_slice %arg2[%dma_start3A_341, %dma_start3A_342] : memref<10000x128xf32, #tpu.memory_space<hbm>> -> memref<10000x128xf32, #tpu.memory_space<hbm>>
        tpu.enqueue_indirect_dma source(%dma_start3A_343 : memref<10000x128xf32, #tpu.memory_space<hbm>>) target(%arg15 : memref<128x128xf32, #tpu.memory_space<vmem>>) offsets(%dma_start3A_340 : memref<128xi32, #tpu.memory_space<vmem>>) semaphore(%arg24 : memref<!tpu.dma_semaphore, #tpu.memory_space<semaphore_mem>>)
      } else {
      }
      %add3A_186 = arith.constant 2 : i32
      %add3A_187 = arith.addi %mul3A_117, %add3A_186 : i32
      %dma_wait3A_188 = arith.constant 0 : i32
      %dma_wait3A_189 = arith.constant 0 : i32
      %dma_wait3A_190 = tpu.memref_slice %arg10[%dma_wait3A_188, %dma_wait3A_189] : memref<2x128xi32, #tpu.memory_space<vmem>> -> memref<1x128xi32, #tpu.memory_space<vmem>>
      %dma_wait3A_191 = tpu.memref_squeeze %dma_wait3A_190 : memref<1x128xi32, #tpu.memory_space<vmem>> -> memref<128xi32, #tpu.memory_space<vmem>>
      %dma_wait3A_192 = arith.constant 0 : i32
      %dma_wait3A_193 = arith.constant 0 : i32
      %dma_wait3A_194 = tpu.memref_slice %arg2[%dma_wait3A_192, %dma_wait3A_193] : memref<10000x128xf32, #tpu.memory_space<hbm>> -> memref<10000x128xf32, #tpu.memory_space<hbm>>
      tpu.wait_indirect_dma semaphore(%arg26 : memref<!tpu.dma_semaphore, #tpu.memory_space<semaphore_mem>>) src(%dma_wait3A_194 : memref<10000x128xf32, #tpu.memory_space<hbm>>) dst(%arg17 : memref<128x128xf32, #tpu.memory_space<vmem>>)
      %dma_start3A_195 = arith.constant 1 : i32
      %dma_start3A_196 = arith.constant 0 : i32
      %dma_start3A_197 = tpu.memref_slice %arg10[%dma_start3A_195, %dma_start3A_196] : memref<2x128xi32, #tpu.memory_space<vmem>> -> memref<1x128xi32, #tpu.memory_space<vmem>>
      %dma_start3A_198 = tpu.memref_squeeze %dma_start3A_197 : memref<1x128xi32, #tpu.memory_space<vmem>> -> memref<128xi32, #tpu.memory_space<vmem>>
      %dma_start3A_199 = arith.constant 0 : i32
      %dma_start3A_200 = arith.constant 0 : i32
      %dma_start3A_201 = tpu.memref_slice %arg7[%dma_start3A_199, %dma_start3A_200] : memref<10000x128xf32, #tpu.memory_space<vmem_shared>> -> memref<10000x128xf32, #tpu.memory_space<vmem_shared>>
      tpu.enqueue_indirect_dma source(%arg17 : memref<128x128xf32, #tpu.memory_space<vmem>>) target(%dma_start3A_201 : memref<10000x128xf32, #tpu.memory_space<vmem_shared>>) offsets(%dma_start3A_198 : memref<128xi32, #tpu.memory_space<vmem>>) semaphore(%arg29 : memref<!tpu.dma_semaphore, #tpu.memory_space<semaphore_mem>>) {add = true}
      %ge3A_202 = arith.constant 1 : i32
      %ge3A_203 = arith.cmpi sge, %add3A_187, %ge3A_202 : i32
      %convert_element_type3A_204 = arith.extui %ge3A_203 : i1 to i32
      %cond3A_205 = arith.constant 0 : i32
      %cond3A_206 = arith.cmpi ne, %convert_element_type3A_204, %cond3A_205 : i32
      scf.if %cond3A_206 {
        %dma_wait3A_326 = arith.constant 1 : i32
        %dma_wait3A_327 = arith.constant 0 : i32
        %dma_wait3A_328 = tpu.memref_slice %arg9[%dma_wait3A_326, %dma_wait3A_327] : memref<2x128xi32, #tpu.memory_space<vmem>> -> memref<1x128xi32, #tpu.memory_space<vmem>>
        %dma_wait3A_329 = tpu.memref_squeeze %dma_wait3A_328 : memref<1x128xi32, #tpu.memory_space<vmem>> -> memref<128xi32, #tpu.memory_space<vmem>>
        %dma_wait3A_330 = arith.constant 0 : i32
        %dma_wait3A_331 = arith.constant 0 : i32
        %dma_wait3A_332 = tpu.memref_slice %arg7[%dma_wait3A_330, %dma_wait3A_331] : memref<10000x128xf32, #tpu.memory_space<vmem_shared>> -> memref<10000x128xf32, #tpu.memory_space<vmem_shared>>
        tpu.wait_indirect_dma semaphore(%arg28 : memref<!tpu.dma_semaphore, #tpu.memory_space<semaphore_mem>>) src(%arg16 : memref<128x128xf32, #tpu.memory_space<vmem>>) dst(%dma_wait3A_332 : memref<10000x128xf32, #tpu.memory_space<vmem_shared>>)
      } else {
      }
      %add3A_207 = arith.constant 4 : i32
      %add3A_208 = arith.addi %add3A_187, %add3A_207 : i32
      %lt3A_209 = arith.constant 78 : i32
      %lt3A_210 = arith.cmpi slt, %add3A_208, %lt3A_209 : i32
      %convert_element_type3A_211 = arith.extui %lt3A_210 : i1 to i32
      %cond3A_212 = arith.constant 0 : i32
      %cond3A_213 = arith.cmpi ne, %convert_element_type3A_211, %cond3A_212 : i32
      scf.if %cond3A_213 {
        %add3A_326 = arith.constant 4 : i32
        %add3A_327 = arith.addi %add3A_187, %add3A_326 : i32
        %dma_start3A_328 = arith.constant 0 : i32
        %dma_start3A_329 = arith.constant 0 : i32
        %dma_start3A_330 = tpu.memref_slice %arg3[%add3A, %add3A_327, %dma_start3A_328, %dma_start3A_329] : memref<32x78x2x128xi32, #tpu.memory_space<hbm>> -> memref<1x1x2x128xi32, #tpu.memory_space<hbm>>
        %dma_start3A_331 = tpu.memref_squeeze %dma_start3A_330 : memref<1x1x2x128xi32, #tpu.memory_space<hbm>> -> memref<2x128xi32, #tpu.memory_space<hbm>>
        %dma_start3A_332 = arith.constant 0 : i32
        %dma_start3A_333 = arith.constant 0 : i32
        %dma_start3A_334 = tpu.memref_slice %arg3[%add3A, %add3A_327, %dma_start3A_332, %dma_start3A_333] : memref<32x78x2x128xi32, #tpu.memory_space<hbm>> -> memref<1x1x2x128xi32, #tpu.memory_space<hbm>>
        %dma_start3A_335 = tpu.memref_squeeze %dma_start3A_334 : memref<1x1x2x128xi32, #tpu.memory_space<hbm>> -> memref<2x128xi32, #tpu.memory_space<hbm>>
        tpu.enqueue_dma source(%dma_start3A_335 : memref<2x128xi32, #tpu.memory_space<hbm>>) target(%arg8 : memref<2x128xi32, #tpu.memory_space<vmem>>) target_semaphore(%arg18 : memref<!tpu.dma_semaphore, #tpu.memory_space<semaphore_mem>>)
      } else {
      }
      %add3A_214 = arith.constant 2 : i32
      %add3A_215 = arith.addi %add3A_187, %add3A_214 : i32
      %lt3A_216 = arith.constant 78 : i32
      %lt3A_217 = arith.cmpi slt, %add3A_215, %lt3A_216 : i32
      %convert_element_type3A_218 = arith.extui %lt3A_217 : i1 to i32
      %cond3A_219 = arith.constant 0 : i32
      %cond3A_220 = arith.cmpi ne, %convert_element_type3A_218, %cond3A_219 : i32
      scf.if %cond3A_220 {
        %dma_wait3A_326 = arith.constant 0 : i32
        %dma_wait3A_327 = arith.constant 0 : i32
        %dma_wait3A_328 = arith.constant 0 : i32
        %dma_wait3A_329 = tpu.memref_slice %arg3[%add3A, %dma_wait3A_326, %dma_wait3A_327, %dma_wait3A_328] : memref<32x78x2x128xi32, #tpu.memory_space<hbm>> -> memref<1x1x2x128xi32, #tpu.memory_space<hbm>>
        %dma_wait3A_330 = tpu.memref_squeeze %dma_wait3A_329 : memref<1x1x2x128xi32, #tpu.memory_space<hbm>> -> memref<2x128xi32, #tpu.memory_space<hbm>>
        %dma_wait3A_331 = arith.constant 0 : i32
        %dma_wait3A_332 = arith.constant 0 : i32
        %dma_wait3A_333 = tpu.memref_slice %arg3[%add3A, %dma_wait3A_326, %dma_wait3A_331, %dma_wait3A_332] : memref<32x78x2x128xi32, #tpu.memory_space<hbm>> -> memref<1x1x2x128xi32, #tpu.memory_space<hbm>>
        %dma_wait3A_334 = tpu.memref_squeeze %dma_wait3A_333 : memref<1x1x2x128xi32, #tpu.memory_space<hbm>> -> memref<2x128xi32, #tpu.memory_space<hbm>>
        tpu.wait_dma2 semaphore(%arg22 : memref<!tpu.dma_semaphore, #tpu.memory_space<semaphore_mem>>) src(%dma_wait3A_334 : memref<2x128xi32, #tpu.memory_space<hbm>>) dst(%arg12 : memref<2x128xi32, #tpu.memory_space<vmem>>)
        %add3A_335 = arith.constant 2 : i32
        %add3A_336 = arith.addi %add3A_187, %add3A_335 : i32
        %dma_start3A_337 = arith.constant 0 : i32
        %dma_start3A_338 = arith.constant 0 : i32
        %dma_start3A_339 = tpu.memref_slice %arg12[%dma_start3A_337, %dma_start3A_338] : memref<2x128xi32, #tpu.memory_space<vmem>> -> memref<1x128xi32, #tpu.memory_space<vmem>>
        %dma_start3A_340 = tpu.memref_squeeze %dma_start3A_339 : memref<1x128xi32, #tpu.memory_space<vmem>> -> memref<128xi32, #tpu.memory_space<vmem>>
        %dma_start3A_341 = arith.constant 0 : i32
        %dma_start3A_342 = arith.constant 0 : i32
        %dma_start3A_343 = tpu.memref_slice %arg2[%dma_start3A_341, %dma_start3A_342] : memref<10000x128xf32, #tpu.memory_space<hbm>> -> memref<10000x128xf32, #tpu.memory_space<hbm>>
        tpu.enqueue_indirect_dma source(%dma_start3A_343 : memref<10000x128xf32, #tpu.memory_space<hbm>>) target(%arg16 : memref<128x128xf32, #tpu.memory_space<vmem>>) offsets(%dma_start3A_340 : memref<128xi32, #tpu.memory_space<vmem>>) semaphore(%arg25 : memref<!tpu.dma_semaphore, #tpu.memory_space<semaphore_mem>>)
      } else {
      }
      %add3A_221 = arith.constant 3 : i32
      %add3A_222 = arith.addi %mul3A_117, %add3A_221 : i32
      %dma_wait3A_223 = arith.constant 0 : i32
      %dma_wait3A_224 = arith.constant 0 : i32
      %dma_wait3A_225 = tpu.memref_slice %arg11[%dma_wait3A_223, %dma_wait3A_224] : memref<2x128xi32, #tpu.memory_space<vmem>> -> memref<1x128xi32, #tpu.memory_space<vmem>>
      %dma_wait3A_226 = tpu.memref_squeeze %dma_wait3A_225 : memref<1x128xi32, #tpu.memory_space<vmem>> -> memref<128xi32, #tpu.memory_space<vmem>>
      %dma_wait3A_227 = arith.constant 0 : i32
      %dma_wait3A_228 = arith.constant 0 : i32
      %dma_wait3A_229 = tpu.memref_slice %arg2[%dma_wait3A_227, %dma_wait3A_228] : memref<10000x128xf32, #tpu.memory_space<hbm>> -> memref<10000x128xf32, #tpu.memory_space<hbm>>
      tpu.wait_indirect_dma semaphore(%arg24 : memref<!tpu.dma_semaphore, #tpu.memory_space<semaphore_mem>>) src(%dma_wait3A_229 : memref<10000x128xf32, #tpu.memory_space<hbm>>) dst(%arg15 : memref<128x128xf32, #tpu.memory_space<vmem>>)
      %dma_start3A_230 = arith.constant 1 : i32
      %dma_start3A_231 = arith.constant 0 : i32
      %dma_start3A_232 = tpu.memref_slice %arg11[%dma_start3A_230, %dma_start3A_231] : memref<2x128xi32, #tpu.memory_space<vmem>> -> memref<1x128xi32, #tpu.memory_space<vmem>>
      %dma_start3A_233 = tpu.memref_squeeze %dma_start3A_232 : memref<1x128xi32, #tpu.memory_space<vmem>> -> memref<128xi32, #tpu.memory_space<vmem>>
      %dma_start3A_234 = arith.constant 0 : i32
      %dma_start3A_235 = arith.constant 0 : i32
      %dma_start3A_236 = tpu.memref_slice %arg7[%dma_start3A_234, %dma_start3A_235] : memref<10000x128xf32, #tpu.memory_space<vmem_shared>> -> memref<10000x128xf32, #tpu.memory_space<vmem_shared>>
      tpu.enqueue_indirect_dma source(%arg15 : memref<128x128xf32, #tpu.memory_space<vmem>>) target(%dma_start3A_236 : memref<10000x128xf32, #tpu.memory_space<vmem_shared>>) offsets(%dma_start3A_233 : memref<128xi32, #tpu.memory_space<vmem>>) semaphore(%arg27 : memref<!tpu.dma_semaphore, #tpu.memory_space<semaphore_mem>>) {add = true}
      %ge3A_237 = arith.constant 1 : i32
      %ge3A_238 = arith.cmpi sge, %add3A_222, %ge3A_237 : i32
      %convert_element_type3A_239 = arith.extui %ge3A_238 : i1 to i32
      %cond3A_240 = arith.constant 0 : i32
      %cond3A_241 = arith.cmpi ne, %convert_element_type3A_239, %cond3A_240 : i32
      scf.if %cond3A_241 {
        %dma_wait3A_326 = arith.constant 1 : i32
        %dma_wait3A_327 = arith.constant 0 : i32
        %dma_wait3A_328 = tpu.memref_slice %arg10[%dma_wait3A_326, %dma_wait3A_327] : memref<2x128xi32, #tpu.memory_space<vmem>> -> memref<1x128xi32, #tpu.memory_space<vmem>>
        %dma_wait3A_329 = tpu.memref_squeeze %dma_wait3A_328 : memref<1x128xi32, #tpu.memory_space<vmem>> -> memref<128xi32, #tpu.memory_space<vmem>>
        %dma_wait3A_330 = arith.constant 0 : i32
        %dma_wait3A_331 = arith.constant 0 : i32
        %dma_wait3A_332 = tpu.memref_slice %arg7[%dma_wait3A_330, %dma_wait3A_331] : memref<10000x128xf32, #tpu.memory_space<vmem_shared>> -> memref<10000x128xf32, #tpu.memory_space<vmem_shared>>
        tpu.wait_indirect_dma semaphore(%arg29 : memref<!tpu.dma_semaphore, #tpu.memory_space<semaphore_mem>>) src(%arg17 : memref<128x128xf32, #tpu.memory_space<vmem>>) dst(%dma_wait3A_332 : memref<10000x128xf32, #tpu.memory_space<vmem_shared>>)
      } else {
      }
      %add3A_242 = arith.constant 4 : i32
      %add3A_243 = arith.addi %add3A_222, %add3A_242 : i32
      %lt3A_244 = arith.constant 78 : i32
      %lt3A_245 = arith.cmpi slt, %add3A_243, %lt3A_244 : i32
      %convert_element_type3A_246 = arith.extui %lt3A_245 : i1 to i32
      %cond3A_247 = arith.constant 0 : i32
      %cond3A_248 = arith.cmpi ne, %convert_element_type3A_246, %cond3A_247 : i32
      scf.if %cond3A_248 {
        %add3A_326 = arith.constant 4 : i32
        %add3A_327 = arith.addi %add3A_222, %add3A_326 : i32
        %dma_start3A_328 = arith.constant 0 : i32
        %dma_start3A_329 = arith.constant 0 : i32
        %dma_start3A_330 = tpu.memref_slice %arg3[%add3A, %add3A_327, %dma_start3A_328, %dma_start3A_329] : memref<32x78x2x128xi32, #tpu.memory_space<hbm>> -> memref<1x1x2x128xi32, #tpu.memory_space<hbm>>
        %dma_start3A_331 = tpu.memref_squeeze %dma_start3A_330 : memref<1x1x2x128xi32, #tpu.memory_space<hbm>> -> memref<2x128xi32, #tpu.memory_space<hbm>>
        %dma_start3A_332 = arith.constant 0 : i32
        %dma_start3A_333 = arith.constant 0 : i32
        %dma_start3A_334 = tpu.memref_slice %arg3[%add3A, %add3A_327, %dma_start3A_332, %dma_start3A_333] : memref<32x78x2x128xi32, #tpu.memory_space<hbm>> -> memref<1x1x2x128xi32, #tpu.memory_space<hbm>>
        %dma_start3A_335 = tpu.memref_squeeze %dma_start3A_334 : memref<1x1x2x128xi32, #tpu.memory_space<hbm>> -> memref<2x128xi32, #tpu.memory_space<hbm>>
        tpu.enqueue_dma source(%dma_start3A_335 : memref<2x128xi32, #tpu.memory_space<hbm>>) target(%arg9 : memref<2x128xi32, #tpu.memory_space<vmem>>) target_semaphore(%arg19 : memref<!tpu.dma_semaphore, #tpu.memory_space<semaphore_mem>>)
      } else {
      }
      %add3A_249 = arith.constant 2 : i32
      %add3A_250 = arith.addi %add3A_222, %add3A_249 : i32
      %lt3A_251 = arith.constant 78 : i32
      %lt3A_252 = arith.cmpi slt, %add3A_250, %lt3A_251 : i32
      %convert_element_type3A_253 = arith.extui %lt3A_252 : i1 to i32
      %cond3A_254 = arith.constant 0 : i32
      %cond3A_255 = arith.cmpi ne, %convert_element_type3A_253, %cond3A_254 : i32
      scf.if %cond3A_255 {
        %dma_wait3A_326 = arith.constant 0 : i32
        %dma_wait3A_327 = arith.constant 0 : i32
        %dma_wait3A_328 = arith.constant 0 : i32
        %dma_wait3A_329 = tpu.memref_slice %arg3[%add3A, %dma_wait3A_326, %dma_wait3A_327, %dma_wait3A_328] : memref<32x78x2x128xi32, #tpu.memory_space<hbm>> -> memref<1x1x2x128xi32, #tpu.memory_space<hbm>>
        %dma_wait3A_330 = tpu.memref_squeeze %dma_wait3A_329 : memref<1x1x2x128xi32, #tpu.memory_space<hbm>> -> memref<2x128xi32, #tpu.memory_space<hbm>>
        %dma_wait3A_331 = arith.constant 0 : i32
        %dma_wait3A_332 = arith.constant 0 : i32
        %dma_wait3A_333 = tpu.memref_slice %arg3[%add3A, %dma_wait3A_326, %dma_wait3A_331, %dma_wait3A_332] : memref<32x78x2x128xi32, #tpu.memory_space<hbm>> -> memref<1x1x2x128xi32, #tpu.memory_space<hbm>>
        %dma_wait3A_334 = tpu.memref_squeeze %dma_wait3A_333 : memref<1x1x2x128xi32, #tpu.memory_space<hbm>> -> memref<2x128xi32, #tpu.memory_space<hbm>>
        tpu.wait_dma2 semaphore(%arg23 : memref<!tpu.dma_semaphore, #tpu.memory_space<semaphore_mem>>) src(%dma_wait3A_334 : memref<2x128xi32, #tpu.memory_space<hbm>>) dst(%arg13 : memref<2x128xi32, #tpu.memory_space<vmem>>)
        %add3A_335 = arith.constant 2 : i32
        %add3A_336 = arith.addi %add3A_222, %add3A_335 : i32
        %dma_start3A_337 = arith.constant 0 : i32
        %dma_start3A_338 = arith.constant 0 : i32
        %dma_start3A_339 = tpu.memref_slice %arg13[%dma_start3A_337, %dma_start3A_338] : memref<2x128xi32, #tpu.memory_space<vmem>> -> memref<1x128xi32, #tpu.memory_space<vmem>>
        %dma_start3A_340 = tpu.memref_squeeze %dma_start3A_339 : memref<1x128xi32, #tpu.memory_space<vmem>> -> memref<128xi32, #tpu.memory_space<vmem>>
        %dma_start3A_341 = arith.constant 0 : i32
        %dma_start3A_342 = arith.constant 0 : i32
        %dma_start3A_343 = tpu.memref_slice %arg2[%dma_start3A_341, %dma_start3A_342] : memref<10000x128xf32, #tpu.memory_space<hbm>> -> memref<10000x128xf32, #tpu.memory_space<hbm>>
        tpu.enqueue_indirect_dma source(%dma_start3A_343 : memref<10000x128xf32, #tpu.memory_space<hbm>>) target(%arg17 : memref<128x128xf32, #tpu.memory_space<vmem>>) offsets(%dma_start3A_340 : memref<128xi32, #tpu.memory_space<vmem>>) semaphore(%arg26 : memref<!tpu.dma_semaphore, #tpu.memory_space<semaphore_mem>>)
      } else {
      }
      %add3A_256 = arith.constant 4 : i32
      %add3A_257 = arith.addi %mul3A_117, %add3A_256 : i32
      %dma_wait3A_258 = arith.constant 0 : i32
      %dma_wait3A_259 = arith.constant 0 : i32
      %dma_wait3A_260 = tpu.memref_slice %arg12[%dma_wait3A_258, %dma_wait3A_259] : memref<2x128xi32, #tpu.memory_space<vmem>> -> memref<1x128xi32, #tpu.memory_space<vmem>>
      %dma_wait3A_261 = tpu.memref_squeeze %dma_wait3A_260 : memref<1x128xi32, #tpu.memory_space<vmem>> -> memref<128xi32, #tpu.memory_space<vmem>>
      %dma_wait3A_262 = arith.constant 0 : i32
      %dma_wait3A_263 = arith.constant 0 : i32
      %dma_wait3A_264 = tpu.memref_slice %arg2[%dma_wait3A_262, %dma_wait3A_263] : memref<10000x128xf32, #tpu.memory_space<hbm>> -> memref<10000x128xf32, #tpu.memory_space<hbm>>
      tpu.wait_indirect_dma semaphore(%arg25 : memref<!tpu.dma_semaphore, #tpu.memory_space<semaphore_mem>>) src(%dma_wait3A_264 : memref<10000x128xf32, #tpu.memory_space<hbm>>) dst(%arg16 : memref<128x128xf32, #tpu.memory_space<vmem>>)
      %dma_start3A_265 = arith.constant 1 : i32
      %dma_start3A_266 = arith.constant 0 : i32
      %dma_start3A_267 = tpu.memref_slice %arg12[%dma_start3A_265, %dma_start3A_266] : memref<2x128xi32, #tpu.memory_space<vmem>> -> memref<1x128xi32, #tpu.memory_space<vmem>>
      %dma_start3A_268 = tpu.memref_squeeze %dma_start3A_267 : memref<1x128xi32, #tpu.memory_space<vmem>> -> memref<128xi32, #tpu.memory_space<vmem>>
      %dma_start3A_269 = arith.constant 0 : i32
      %dma_start3A_270 = arith.constant 0 : i32
      %dma_start3A_271 = tpu.memref_slice %arg7[%dma_start3A_269, %dma_start3A_270] : memref<10000x128xf32, #tpu.memory_space<vmem_shared>> -> memref<10000x128xf32, #tpu.memory_space<vmem_shared>>
      tpu.enqueue_indirect_dma source(%arg16 : memref<128x128xf32, #tpu.memory_space<vmem>>) target(%dma_start3A_271 : memref<10000x128xf32, #tpu.memory_space<vmem_shared>>) offsets(%dma_start3A_268 : memref<128xi32, #tpu.memory_space<vmem>>) semaphore(%arg28 : memref<!tpu.dma_semaphore, #tpu.memory_space<semaphore_mem>>) {add = true}
      %ge3A_272 = arith.constant 1 : i32
      %ge3A_273 = arith.cmpi sge, %add3A_257, %ge3A_272 : i32
      %convert_element_type3A_274 = arith.extui %ge3A_273 : i1 to i32
      %cond3A_275 = arith.constant 0 : i32
      %cond3A_276 = arith.cmpi ne, %convert_element_type3A_274, %cond3A_275 : i32
      scf.if %cond3A_276 {
        %dma_wait3A_326 = arith.constant 1 : i32
        %dma_wait3A_327 = arith.constant 0 : i32
        %dma_wait3A_328 = tpu.memref_slice %arg11[%dma_wait3A_326, %dma_wait3A_327] : memref<2x128xi32, #tpu.memory_space<vmem>> -> memref<1x128xi32, #tpu.memory_space<vmem>>
        %dma_wait3A_329 = tpu.memref_squeeze %dma_wait3A_328 : memref<1x128xi32, #tpu.memory_space<vmem>> -> memref<128xi32, #tpu.memory_space<vmem>>
        %dma_wait3A_330 = arith.constant 0 : i32
        %dma_wait3A_331 = arith.constant 0 : i32
        %dma_wait3A_332 = tpu.memref_slice %arg7[%dma_wait3A_330, %dma_wait3A_331] : memref<10000x128xf32, #tpu.memory_space<vmem_shared>> -> memref<10000x128xf32, #tpu.memory_space<vmem_shared>>
        tpu.wait_indirect_dma semaphore(%arg27 : memref<!tpu.dma_semaphore, #tpu.memory_space<semaphore_mem>>) src(%arg15 : memref<128x128xf32, #tpu.memory_space<vmem>>) dst(%dma_wait3A_332 : memref<10000x128xf32, #tpu.memory_space<vmem_shared>>)
      } else {
      }
      %add3A_277 = arith.constant 4 : i32
      %add3A_278 = arith.addi %add3A_257, %add3A_277 : i32
      %lt3A_279 = arith.constant 78 : i32
      %lt3A_280 = arith.cmpi slt, %add3A_278, %lt3A_279 : i32
      %convert_element_type3A_281 = arith.extui %lt3A_280 : i1 to i32
      %cond3A_282 = arith.constant 0 : i32
      %cond3A_283 = arith.cmpi ne, %convert_element_type3A_281, %cond3A_282 : i32
      scf.if %cond3A_283 {
        %add3A_326 = arith.constant 4 : i32
        %add3A_327 = arith.addi %add3A_257, %add3A_326 : i32
        %dma_start3A_328 = arith.constant 0 : i32
        %dma_start3A_329 = arith.constant 0 : i32
        %dma_start3A_330 = tpu.memref_slice %arg3[%add3A, %add3A_327, %dma_start3A_328, %dma_start3A_329] : memref<32x78x2x128xi32, #tpu.memory_space<hbm>> -> memref<1x1x2x128xi32, #tpu.memory_space<hbm>>
        %dma_start3A_331 = tpu.memref_squeeze %dma_start3A_330 : memref<1x1x2x128xi32, #tpu.memory_space<hbm>> -> memref<2x128xi32, #tpu.memory_space<hbm>>
        %dma_start3A_332 = arith.constant 0 : i32
        %dma_start3A_333 = arith.constant 0 : i32
        %dma_start3A_334 = tpu.memref_slice %arg3[%add3A, %add3A_327, %dma_start3A_332, %dma_start3A_333] : memref<32x78x2x128xi32, #tpu.memory_space<hbm>> -> memref<1x1x2x128xi32, #tpu.memory_space<hbm>>
        %dma_start3A_335 = tpu.memref_squeeze %dma_start3A_334 : memref<1x1x2x128xi32, #tpu.memory_space<hbm>> -> memref<2x128xi32, #tpu.memory_space<hbm>>
        tpu.enqueue_dma source(%dma_start3A_335 : memref<2x128xi32, #tpu.memory_space<hbm>>) target(%arg10 : memref<2x128xi32, #tpu.memory_space<vmem>>) target_semaphore(%arg20 : memref<!tpu.dma_semaphore, #tpu.memory_space<semaphore_mem>>)
      } else {
      }
      %add3A_284 = arith.constant 2 : i32
      %add3A_285 = arith.addi %add3A_257, %add3A_284 : i32
      %lt3A_286 = arith.constant 78 : i32
      %lt3A_287 = arith.cmpi slt, %add3A_285, %lt3A_286 : i32
      %convert_element_type3A_288 = arith.extui %lt3A_287 : i1 to i32
      %cond3A_289 = arith.constant 0 : i32
      %cond3A_290 = arith.cmpi ne, %convert_element_type3A_288, %cond3A_289 : i32
      scf.if %cond3A_290 {
        %dma_wait3A_326 = arith.constant 0 : i32
        %dma_wait3A_327 = arith.constant 0 : i32
        %dma_wait3A_328 = arith.constant 0 : i32
        %dma_wait3A_329 = tpu.memref_slice %arg3[%add3A, %dma_wait3A_326, %dma_wait3A_327, %dma_wait3A_328] : memref<32x78x2x128xi32, #tpu.memory_space<hbm>> -> memref<1x1x2x128xi32, #tpu.memory_space<hbm>>
        %dma_wait3A_330 = tpu.memref_squeeze %dma_wait3A_329 : memref<1x1x2x128xi32, #tpu.memory_space<hbm>> -> memref<2x128xi32, #tpu.memory_space<hbm>>
        %dma_wait3A_331 = arith.constant 0 : i32
        %dma_wait3A_332 = arith.constant 0 : i32
        %dma_wait3A_333 = tpu.memref_slice %arg3[%add3A, %dma_wait3A_326, %dma_wait3A_331, %dma_wait3A_332] : memref<32x78x2x128xi32, #tpu.memory_space<hbm>> -> memref<1x1x2x128xi32, #tpu.memory_space<hbm>>
        %dma_wait3A_334 = tpu.memref_squeeze %dma_wait3A_333 : memref<1x1x2x128xi32, #tpu.memory_space<hbm>> -> memref<2x128xi32, #tpu.memory_space<hbm>>
        tpu.wait_dma2 semaphore(%arg18 : memref<!tpu.dma_semaphore, #tpu.memory_space<semaphore_mem>>) src(%dma_wait3A_334 : memref<2x128xi32, #tpu.memory_space<hbm>>) dst(%arg8 : memref<2x128xi32, #tpu.memory_space<vmem>>)
        %add3A_335 = arith.constant 2 : i32
        %add3A_336 = arith.addi %add3A_257, %add3A_335 : i32
        %dma_start3A_337 = arith.constant 0 : i32
        %dma_start3A_338 = arith.constant 0 : i32
        %dma_start3A_339 = tpu.memref_slice %arg8[%dma_start3A_337, %dma_start3A_338] : memref<2x128xi32, #tpu.memory_space<vmem>> -> memref<1x128xi32, #tpu.memory_space<vmem>>
        %dma_start3A_340 = tpu.memref_squeeze %dma_start3A_339 : memref<1x128xi32, #tpu.memory_space<vmem>> -> memref<128xi32, #tpu.memory_space<vmem>>
        %dma_start3A_341 = arith.constant 0 : i32
        %dma_start3A_342 = arith.constant 0 : i32
        %dma_start3A_343 = tpu.memref_slice %arg2[%dma_start3A_341, %dma_start3A_342] : memref<10000x128xf32, #tpu.memory_space<hbm>> -> memref<10000x128xf32, #tpu.memory_space<hbm>>
        tpu.enqueue_indirect_dma source(%dma_start3A_343 : memref<10000x128xf32, #tpu.memory_space<hbm>>) target(%arg15 : memref<128x128xf32, #tpu.memory_space<vmem>>) offsets(%dma_start3A_340 : memref<128xi32, #tpu.memory_space<vmem>>) semaphore(%arg24 : memref<!tpu.dma_semaphore, #tpu.memory_space<semaphore_mem>>)
      } else {
      }
      %add3A_291 = arith.constant 5 : i32
      %add3A_292 = arith.addi %mul3A_117, %add3A_291 : i32
      %dma_wait3A_293 = arith.constant 0 : i32
      %dma_wait3A_294 = arith.constant 0 : i32
      %dma_wait3A_295 = tpu.memref_slice %arg13[%dma_wait3A_293, %dma_wait3A_294] : memref<2x128xi32, #tpu.memory_space<vmem>> -> memref<1x128xi32, #tpu.memory_space<vmem>>
      %dma_wait3A_296 = tpu.memref_squeeze %dma_wait3A_295 : memref<1x128xi32, #tpu.memory_space<vmem>> -> memref<128xi32, #tpu.memory_space<vmem>>
      %dma_wait3A_297 = arith.constant 0 : i32
      %dma_wait3A_298 = arith.constant 0 : i32
      %dma_wait3A_299 = tpu.memref_slice %arg2[%dma_wait3A_297, %dma_wait3A_298] : memref<10000x128xf32, #tpu.memory_space<hbm>> -> memref<10000x128xf32, #tpu.memory_space<hbm>>
      tpu.wait_indirect_dma semaphore(%arg26 : memref<!tpu.dma_semaphore, #tpu.memory_space<semaphore_mem>>) src(%dma_wait3A_299 : memref<10000x128xf32, #tpu.memory_space<hbm>>) dst(%arg17 : memref<128x128xf32, #tpu.memory_space<vmem>>)
      %dma_start3A_300 = arith.constant 1 : i32
      %dma_start3A_301 = arith.constant 0 : i32
      %dma_start3A_302 = tpu.memref_slice %arg13[%dma_start3A_300, %dma_start3A_301] : memref<2x128xi32, #tpu.memory_space<vmem>> -> memref<1x128xi32, #tpu.memory_space<vmem>>
      %dma_start3A_303 = tpu.memref_squeeze %dma_start3A_302 : memref<1x128xi32, #tpu.memory_space<vmem>> -> memref<128xi32, #tpu.memory_space<vmem>>
      %dma_start3A_304 = arith.constant 0 : i32
      %dma_start3A_305 = arith.constant 0 : i32
      %dma_start3A_306 = tpu.memref_slice %arg7[%dma_start3A_304, %dma_start3A_305] : memref<10000x128xf32, #tpu.memory_space<vmem_shared>> -> memref<10000x128xf32, #tpu.memory_space<vmem_shared>>
      tpu.enqueue_indirect_dma source(%arg17 : memref<128x128xf32, #tpu.memory_space<vmem>>) target(%dma_start3A_306 : memref<10000x128xf32, #tpu.memory_space<vmem_shared>>) offsets(%dma_start3A_303 : memref<128xi32, #tpu.memory_space<vmem>>) semaphore(%arg29 : memref<!tpu.dma_semaphore, #tpu.memory_space<semaphore_mem>>) {add = true}
      %ge3A_307 = arith.constant 1 : i32
      %ge3A_308 = arith.cmpi sge, %add3A_292, %ge3A_307 : i32
      %convert_element_type3A_309 = arith.extui %ge3A_308 : i1 to i32
      %cond3A_310 = arith.constant 0 : i32
      %cond3A_311 = arith.cmpi ne, %convert_element_type3A_309, %cond3A_310 : i32
      scf.if %cond3A_311 {
        %dma_wait3A_326 = arith.constant 1 : i32
        %dma_wait3A_327 = arith.constant 0 : i32
        %dma_wait3A_328 = tpu.memref_slice %arg12[%dma_wait3A_326, %dma_wait3A_327] : memref<2x128xi32, #tpu.memory_space<vmem>> -> memref<1x128xi32, #tpu.memory_space<vmem>>
        %dma_wait3A_329 = tpu.memref_squeeze %dma_wait3A_328 : memref<1x128xi32, #tpu.memory_space<vmem>> -> memref<128xi32, #tpu.memory_space<vmem>>
        %dma_wait3A_330 = arith.constant 0 : i32
        %dma_wait3A_331 = arith.constant 0 : i32
        %dma_wait3A_332 = tpu.memref_slice %arg7[%dma_wait3A_330, %dma_wait3A_331] : memref<10000x128xf32, #tpu.memory_space<vmem_shared>> -> memref<10000x128xf32, #tpu.memory_space<vmem_shared>>
        tpu.wait_indirect_dma semaphore(%arg28 : memref<!tpu.dma_semaphore, #tpu.memory_space<semaphore_mem>>) src(%arg16 : memref<128x128xf32, #tpu.memory_space<vmem>>) dst(%dma_wait3A_332 : memref<10000x128xf32, #tpu.memory_space<vmem_shared>>)
      } else {
      }
      %add3A_312 = arith.constant 4 : i32
      %add3A_313 = arith.addi %add3A_292, %add3A_312 : i32
      %lt3A_314 = arith.constant 78 : i32
      %lt3A_315 = arith.cmpi slt, %add3A_313, %lt3A_314 : i32
      %convert_element_type3A_316 = arith.extui %lt3A_315 : i1 to i32
      %cond3A_317 = arith.constant 0 : i32
      %cond3A_318 = arith.cmpi ne, %convert_element_type3A_316, %cond3A_317 : i32
      scf.if %cond3A_318 {
        %add3A_326 = arith.constant 4 : i32
        %add3A_327 = arith.addi %add3A_292, %add3A_326 : i32
        %dma_start3A_328 = arith.constant 0 : i32
        %dma_start3A_329 = arith.constant 0 : i32
        %dma_start3A_330 = tpu.memref_slice %arg3[%add3A, %add3A_327, %dma_start3A_328, %dma_start3A_329] : memref<32x78x2x128xi32, #tpu.memory_space<hbm>> -> memref<1x1x2x128xi32, #tpu.memory_space<hbm>>
        %dma_start3A_331 = tpu.memref_squeeze %dma_start3A_330 : memref<1x1x2x128xi32, #tpu.memory_space<hbm>> -> memref<2x128xi32, #tpu.memory_space<hbm>>
        %dma_start3A_332 = arith.constant 0 : i32
        %dma_start3A_333 = arith.constant 0 : i32
        %dma_start3A_334 = tpu.memref_slice %arg3[%add3A, %add3A_327, %dma_start3A_332, %dma_start3A_333] : memref<32x78x2x128xi32, #tpu.memory_space<hbm>> -> memref<1x1x2x128xi32, #tpu.memory_space<hbm>>
        %dma_start3A_335 = tpu.memref_squeeze %dma_start3A_334 : memref<1x1x2x128xi32, #tpu.memory_space<hbm>> -> memref<2x128xi32, #tpu.memory_space<hbm>>
        tpu.enqueue_dma source(%dma_start3A_335 : memref<2x128xi32, #tpu.memory_space<hbm>>) target(%arg11 : memref<2x128xi32, #tpu.memory_space<vmem>>) target_semaphore(%arg21 : memref<!tpu.dma_semaphore, #tpu.memory_space<semaphore_mem>>)
      } else {
      }
      %add3A_319 = arith.constant 2 : i32
      %add3A_320 = arith.addi %add3A_292, %add3A_319 : i32
      %lt3A_321 = arith.constant 78 : i32
      %lt3A_322 = arith.cmpi slt, %add3A_320, %lt3A_321 : i32
      %convert_element_type3A_323 = arith.extui %lt3A_322 : i1 to i32
      %cond3A_324 = arith.constant 0 : i32
      %cond3A_325 = arith.cmpi ne, %convert_element_type3A_323, %cond3A_324 : i32
      scf.if %cond3A_325 {
        %dma_wait3A_326 = arith.constant 0 : i32
        %dma_wait3A_327 = arith.constant 0 : i32
        %dma_wait3A_328 = arith.constant 0 : i32
        %dma_wait3A_329 = tpu.memref_slice %arg3[%add3A, %dma_wait3A_326, %dma_wait3A_327, %dma_wait3A_328] : memref<32x78x2x128xi32, #tpu.memory_space<hbm>> -> memref<1x1x2x128xi32, #tpu.memory_space<hbm>>
        %dma_wait3A_330 = tpu.memref_squeeze %dma_wait3A_329 : memref<1x1x2x128xi32, #tpu.memory_space<hbm>> -> memref<2x128xi32, #tpu.memory_space<hbm>>
        %dma_wait3A_331 = arith.constant 0 : i32
        %dma_wait3A_332 = arith.constant 0 : i32
        %dma_wait3A_333 = tpu.memref_slice %arg3[%add3A, %dma_wait3A_326, %dma_wait3A_331, %dma_wait3A_332] : memref<32x78x2x128xi32, #tpu.memory_space<hbm>> -> memref<1x1x2x128xi32, #tpu.memory_space<hbm>>
        %dma_wait3A_334 = tpu.memref_squeeze %dma_wait3A_333 : memref<1x1x2x128xi32, #tpu.memory_space<hbm>> -> memref<2x128xi32, #tpu.memory_space<hbm>>
        tpu.wait_dma2 semaphore(%arg19 : memref<!tpu.dma_semaphore, #tpu.memory_space<semaphore_mem>>) src(%dma_wait3A_334 : memref<2x128xi32, #tpu.memory_space<hbm>>) dst(%arg9 : memref<2x128xi32, #tpu.memory_space<vmem>>)
        %add3A_335 = arith.constant 2 : i32
        %add3A_336 = arith.addi %add3A_292, %add3A_335 : i32
        %dma_start3A_337 = arith.constant 0 : i32
        %dma_start3A_338 = arith.constant 0 : i32
        %dma_start3A_339 = tpu.memref_slice %arg9[%dma_start3A_337, %dma_start3A_338] : memref<2x128xi32, #tpu.memory_space<vmem>> -> memref<1x128xi32, #tpu.memory_space<vmem>>
        %dma_start3A_340 = tpu.memref_squeeze %dma_start3A_339 : memref<1x128xi32, #tpu.memory_space<vmem>> -> memref<128xi32, #tpu.memory_space<vmem>>
        %dma_start3A_341 = arith.constant 0 : i32
        %dma_start3A_342 = arith.constant 0 : i32
        %dma_start3A_343 = tpu.memref_slice %arg2[%dma_start3A_341, %dma_start3A_342] : memref<10000x128xf32, #tpu.memory_space<hbm>> -> memref<10000x128xf32, #tpu.memory_space<hbm>>
        tpu.enqueue_indirect_dma source(%dma_start3A_343 : memref<10000x128xf32, #tpu.memory_space<hbm>>) target(%arg16 : memref<128x128xf32, #tpu.memory_space<vmem>>) offsets(%dma_start3A_340 : memref<128xi32, #tpu.memory_space<vmem>>) semaphore(%arg25 : memref<!tpu.dma_semaphore, #tpu.memory_space<semaphore_mem>>)
      } else {
      }
    }
    %scan3A_77 = arith.constant 13 : i32
    %dma_wait3A_78 = arith.constant 1 : i32
    %dma_wait3A_79 = arith.constant 0 : i32
    %dma_wait3A_80 = tpu.memref_slice %arg13[%dma_wait3A_78, %dma_wait3A_79] : memref<2x128xi32, #tpu.memory_space<vmem>> -> memref<1x128xi32, #tpu.memory_space<vmem>>
    %dma_wait3A_81 = tpu.memref_squeeze %dma_wait3A_80 : memref<1x128xi32, #tpu.memory_space<vmem>> -> memref<128xi32, #tpu.memory_space<vmem>>
    %dma_wait3A_82 = arith.constant 0 : i32
    %dma_wait3A_83 = arith.constant 0 : i32
    %dma_wait3A_84 = tpu.memref_slice %arg7[%dma_wait3A_82, %dma_wait3A_83] : memref<10000x128xf32, #tpu.memory_space<vmem_shared>> -> memref<10000x128xf32, #tpu.memory_space<vmem_shared>>
    tpu.wait_indirect_dma semaphore(%arg29 : memref<!tpu.dma_semaphore, #tpu.memory_space<semaphore_mem>>) src(%arg17 : memref<128x128xf32, #tpu.memory_space<vmem>>) dst(%dma_wait3A_84 : memref<10000x128xf32, #tpu.memory_space<vmem_shared>>)
    "tpu.region"() ({
      %run_scoped3A_115 = tpu.sem_alloc : memref<!tpu.dma_semaphore, #tpu.memory_space<semaphore_mem>>
      %dma_start3A_116 = arith.constant 0 : i32
      %dma_start3A_117 = arith.constant 0 : i32
      %dma_start3A_118 = tpu.memref_slice %arg4[%add3A, %dma_start3A_116, %dma_start3A_117] : memref<32x2x16xi32, #tpu.memory_space<hbm>> -> memref<1x2x16xi32, #tpu.memory_space<hbm>>
      %dma_start3A_119 = tpu.memref_squeeze %dma_start3A_118 : memref<1x2x16xi32, #tpu.memory_space<hbm>> -> memref<2x16xi32, #tpu.memory_space<hbm>>
      %dma_start3A_120 = arith.constant 0 : i32
      %dma_start3A_121 = arith.constant 0 : i32
      %dma_start3A_122 = tpu.memref_slice %arg4[%add3A, %dma_start3A_120, %dma_start3A_121] : memref<32x2x16xi32, #tpu.memory_space<hbm>> -> memref<1x2x16xi32, #tpu.memory_space<hbm>>
      %dma_start3A_123 = tpu.memref_squeeze %dma_start3A_122 : memref<1x2x16xi32, #tpu.memory_space<hbm>> -> memref<2x16xi32, #tpu.memory_space<hbm>>
      tpu.enqueue_dma source(%dma_start3A_123 : memref<2x16xi32, #tpu.memory_space<hbm>>) target(%arg14 : memref<2x16xi32, #tpu.memory_space<vmem>>) target_semaphore(%run_scoped3A_115 : memref<!tpu.dma_semaphore, #tpu.memory_space<semaphore_mem>>)
      %dma_wait3A_124 = arith.constant 0 : i32
      %dma_wait3A_125 = arith.constant 0 : i32
      %dma_wait3A_126 = tpu.memref_slice %arg4[%add3A, %dma_wait3A_124, %dma_wait3A_125] : memref<32x2x16xi32, #tpu.memory_space<hbm>> -> memref<1x2x16xi32, #tpu.memory_space<hbm>>
      %dma_wait3A_127 = tpu.memref_squeeze %dma_wait3A_126 : memref<1x2x16xi32, #tpu.memory_space<hbm>> -> memref<2x16xi32, #tpu.memory_space<hbm>>
      %dma_wait3A_128 = arith.constant 0 : i32
      %dma_wait3A_129 = arith.constant 0 : i32
      %dma_wait3A_130 = tpu.memref_slice %arg4[%add3A, %dma_wait3A_128, %dma_wait3A_129] : memref<32x2x16xi32, #tpu.memory_space<hbm>> -> memref<1x2x16xi32, #tpu.memory_space<hbm>>
      %dma_wait3A_131 = tpu.memref_squeeze %dma_wait3A_130 : memref<1x2x16xi32, #tpu.memory_space<hbm>> -> memref<2x16xi32, #tpu.memory_space<hbm>>
      tpu.wait_dma2 semaphore(%run_scoped3A_115 : memref<!tpu.dma_semaphore, #tpu.memory_space<semaphore_mem>>) src(%dma_wait3A_131 : memref<2x16xi32, #tpu.memory_space<hbm>>) dst(%arg14 : memref<2x16xi32, #tpu.memory_space<vmem>>)
      tpu.yield
    }) : () -> ()
    %dma_start3A_85 = arith.constant 0 : i32
    %dma_start3A_86 = arith.constant 0 : i32
    %dma_start3A_87 = arith.constant 0 : i32
    %dma_start3A_88 = tpu.memref_slice %arg15[%dma_start3A_86, %dma_start3A_87] : memref<128x128xf32, #tpu.memory_space<vmem>> -> memref<16x128xf32, #tpu.memory_space<vmem>>
    %dma_start3A_89 = arith.constant 0 : i32
    %dma_start3A_90 = tpu.memref_slice %arg14[%dma_start3A_85, %dma_start3A_89] : memref<2x16xi32, #tpu.memory_space<vmem>> -> memref<1x16xi32, #tpu.memory_space<vmem>>
    %dma_start3A_91 = tpu.memref_squeeze %dma_start3A_90 : memref<1x16xi32, #tpu.memory_space<vmem>> -> memref<16xi32, #tpu.memory_space<vmem>>
    %dma_start3A_92 = arith.constant 0 : i32
    %dma_start3A_93 = arith.constant 0 : i32
    %dma_start3A_94 = tpu.memref_slice %arg2[%dma_start3A_92, %dma_start3A_93] : memref<10000x128xf32, #tpu.memory_space<hbm>> -> memref<10000x128xf32, #tpu.memory_space<hbm>>
    tpu.enqueue_indirect_dma source(%dma_start3A_94 : memref<10000x128xf32, #tpu.memory_space<hbm>>) target(%dma_start3A_88 : memref<16x128xf32, #tpu.memory_space<vmem>>) offsets(%dma_start3A_91 : memref<16xi32, #tpu.memory_space<vmem>>) semaphore(%arg24 : memref<!tpu.dma_semaphore, #tpu.memory_space<semaphore_mem>>)
    %dma_wait3A_95 = arith.constant 0 : i32
    %dma_wait3A_96 = arith.constant 0 : i32
    %dma_wait3A_97 = arith.constant 0 : i32
    %dma_wait3A_98 = tpu.memref_slice %arg15[%dma_wait3A_96, %dma_wait3A_97] : memref<128x128xf32, #tpu.memory_space<vmem>> -> memref<16x128xf32, #tpu.memory_space<vmem>>
    %dma_wait3A_99 = arith.constant 0 : i32
    %dma_wait3A_100 = tpu.memref_slice %arg14[%dma_wait3A_95, %dma_wait3A_99] : memref<2x16xi32, #tpu.memory_space<vmem>> -> memref<1x16xi32, #tpu.memory_space<vmem>>
    %dma_wait3A_101 = tpu.memref_squeeze %dma_wait3A_100 : memref<1x16xi32, #tpu.memory_space<vmem>> -> memref<16xi32, #tpu.memory_space<vmem>>
    %dma_wait3A_102 = arith.constant 0 : i32
    %dma_wait3A_103 = arith.constant 0 : i32
    %dma_wait3A_104 = tpu.memref_slice %arg2[%dma_wait3A_102, %dma_wait3A_103] : memref<10000x128xf32, #tpu.memory_space<hbm>> -> memref<10000x128xf32, #tpu.memory_space<hbm>>
    tpu.wait_indirect_dma semaphore(%arg24 : memref<!tpu.dma_semaphore, #tpu.memory_space<semaphore_mem>>) src(%dma_wait3A_104 : memref<10000x128xf32, #tpu.memory_space<hbm>>) dst(%dma_wait3A_98 : memref<16x128xf32, #tpu.memory_space<vmem>>)
    %run_scoped3A = arith.constant 1 : i32
    "tpu.region"() ({
      %run_scoped3A_115 = tpu.sem_alloc : memref<!tpu.dma_semaphore, #tpu.memory_space<semaphore_mem>>
      %dma_start3A_116 = arith.constant 0 : i32
      %dma_start3A_117 = arith.constant 0 : i32
      %dma_start3A_118 = tpu.memref_slice %arg15[%dma_start3A_116, %dma_start3A_117] : memref<128x128xf32, #tpu.memory_space<vmem>> -> memref<16x128xf32, #tpu.memory_space<vmem>>
      %dma_start3A_119 = arith.constant 0 : i32
      %dma_start3A_120 = tpu.memref_slice %arg14[%run_scoped3A, %dma_start3A_119] : memref<2x16xi32, #tpu.memory_space<vmem>> -> memref<1x16xi32, #tpu.memory_space<vmem>>
      %dma_start3A_121 = tpu.memref_squeeze %dma_start3A_120 : memref<1x16xi32, #tpu.memory_space<vmem>> -> memref<16xi32, #tpu.memory_space<vmem>>
      %dma_start3A_122 = arith.constant 0 : i32
      %dma_start3A_123 = arith.constant 0 : i32
      %dma_start3A_124 = tpu.memref_slice %arg7[%dma_start3A_122, %dma_start3A_123] : memref<10000x128xf32, #tpu.memory_space<vmem_shared>> -> memref<10000x128xf32, #tpu.memory_space<vmem_shared>>
      tpu.enqueue_indirect_dma source(%dma_start3A_118 : memref<16x128xf32, #tpu.memory_space<vmem>>) target(%dma_start3A_124 : memref<10000x128xf32, #tpu.memory_space<vmem_shared>>) offsets(%dma_start3A_121 : memref<16xi32, #tpu.memory_space<vmem>>) semaphore(%run_scoped3A_115 : memref<!tpu.dma_semaphore, #tpu.memory_space<semaphore_mem>>) {add = true}
      %dma_wait3A_125 = arith.constant 0 : i32
      %dma_wait3A_126 = arith.constant 0 : i32
      %dma_wait3A_127 = tpu.memref_slice %arg15[%dma_wait3A_125, %dma_wait3A_126] : memref<128x128xf32, #tpu.memory_space<vmem>> -> memref<16x128xf32, #tpu.memory_space<vmem>>
      %dma_wait3A_128 = arith.constant 0 : i32
      %dma_wait3A_129 = tpu.memref_slice %arg14[%run_scoped3A, %dma_wait3A_128] : memref<2x16xi32, #tpu.memory_space<vmem>> -> memref<1x16xi32, #tpu.memory_space<vmem>>
      %dma_wait3A_130 = tpu.memref_squeeze %dma_wait3A_129 : memref<1x16xi32, #tpu.memory_space<vmem>> -> memref<16xi32, #tpu.memory_space<vmem>>
      %dma_wait3A_131 = arith.constant 0 : i32
      %dma_wait3A_132 = arith.constant 0 : i32
      %dma_wait3A_133 = tpu.memref_slice %arg7[%dma_wait3A_131, %dma_wait3A_132] : memref<10000x128xf32, #tpu.memory_space<vmem_shared>> -> memref<10000x128xf32, #tpu.memory_space<vmem_shared>>
      tpu.wait_indirect_dma semaphore(%run_scoped3A_115 : memref<!tpu.dma_semaphore, #tpu.memory_space<semaphore_mem>>) src(%dma_wait3A_127 : memref<16x128xf32, #tpu.memory_space<vmem>>) dst(%dma_wait3A_133 : memref<10000x128xf32, #tpu.memory_space<vmem_shared>>)
      tpu.yield
    }) : () -> ()
    %barrier3A_105 = arith.constant 0 : index
    tpu.barrier barrier_id(%barrier3A_105)
    %mul3A_106 = arith.constant 624 : i32
    %mul3A_107 = arith.muli %arg1, %mul3A_106 : i32
    %mul3A_108 = arith.constant 624 : i32
    %mul3A_109 = arith.muli %arg1, %mul3A_108 : i32
    "tpu.region"() ({
      %run_scoped3A_115 = tpu.sem_alloc : memref<!tpu.dma_semaphore, #tpu.memory_space<semaphore_mem>>
      %dma_start3A_116 = arith.constant 0 : i32
      %dma_start3A_117 = tpu.memref_slice %arg6[%arg0, %mul3A_109, %dma_start3A_116] : memref<2x10000x128xf32, #tpu.memory_space<hbm>> -> memref<1x624x128xf32, #tpu.memory_space<hbm>>
      %dma_start3A_118 = tpu.memref_squeeze %dma_start3A_117 : memref<1x624x128xf32, #tpu.memory_space<hbm>> -> memref<624x128xf32, #tpu.memory_space<hbm>>
      %dma_start3A_119 = arith.constant 0 : i32
      %dma_start3A_120 = tpu.memref_slice %arg7[%mul3A_107, %dma_start3A_119] : memref<10000x128xf32, #tpu.memory_space<vmem_shared>> -> memref<624x128xf32, #tpu.memory_space<vmem_shared>>
      tpu.enqueue_dma source(%dma_start3A_120 : memref<624x128xf32, #tpu.memory_space<vmem_shared>>) target(%dma_start3A_118 : memref<624x128xf32, #tpu.memory_space<hbm>>) target_semaphore(%run_scoped3A_115 : memref<!tpu.dma_semaphore, #tpu.memory_space<semaphore_mem>>)
      %dma_wait3A_121 = arith.constant 0 : i32
      %dma_wait3A_122 = tpu.memref_slice %arg6[%arg0, %mul3A_109, %dma_wait3A_121] : memref<2x10000x128xf32, #tpu.memory_space<hbm>> -> memref<1x624x128xf32, #tpu.memory_space<hbm>>
      %dma_wait3A_123 = tpu.memref_squeeze %dma_wait3A_122 : memref<1x624x128xf32, #tpu.memory_space<hbm>> -> memref<624x128xf32, #tpu.memory_space<hbm>>
      %dma_wait3A_124 = arith.constant 0 : i32
      %dma_wait3A_125 = tpu.memref_slice %arg7[%mul3A_107, %dma_wait3A_124] : memref<10000x128xf32, #tpu.memory_space<vmem_shared>> -> memref<624x128xf32, #tpu.memory_space<vmem_shared>>
      tpu.wait_dma2 semaphore(%run_scoped3A_115 : memref<!tpu.dma_semaphore, #tpu.memory_space<semaphore_mem>>) src(%dma_wait3A_125 : memref<624x128xf32, #tpu.memory_space<vmem_shared>>) dst(%dma_wait3A_123 : memref<624x128xf32, #tpu.memory_space<hbm>>)
      tpu.yield
    }) : () -> ()
    %eq3A_110 = arith.constant 15 : i32
    %eq3A_111 = arith.cmpi eq, %arg1, %eq3A_110 : i32
    %convert_element_type3A_112 = arith.extui %eq3A_111 : i1 to i32
    %cond3A_113 = arith.constant 0 : i32
    %cond3A_114 = arith.cmpi ne, %convert_element_type3A_112, %cond3A_113 : i32
    scf.if %cond3A_114 {
      "tpu.region"() ({
        %run_scoped3A_115 = tpu.sem_alloc : memref<!tpu.dma_semaphore, #tpu.memory_space<semaphore_mem>>
        %dma_start3A_116 = arith.constant 9984 : i32
        %dma_start3A_117 = arith.constant 0 : i32
        %dma_start3A_118 = tpu.memref_slice %arg6[%arg0, %dma_start3A_116, %dma_start3A_117] : memref<2x10000x128xf32, #tpu.memory_space<hbm>> -> memref<1x16x128xf32, #tpu.memory_space<hbm>>
        %dma_start3A_119 = tpu.memref_squeeze %dma_start3A_118 : memref<1x16x128xf32, #tpu.memory_space<hbm>> -> memref<16x128xf32, #tpu.memory_space<hbm>>
        %dma_start3A_120 = arith.constant 9984 : i32
        %dma_start3A_121 = arith.constant 0 : i32
        %dma_start3A_122 = tpu.memref_slice %arg7[%dma_start3A_120, %dma_start3A_121] : memref<10000x128xf32, #tpu.memory_space<vmem_shared>> -> memref<16x128xf32, #tpu.memory_space<vmem_shared>>
        tpu.enqueue_dma source(%dma_start3A_122 : memref<16x128xf32, #tpu.memory_space<vmem_shared>>) target(%dma_start3A_119 : memref<16x128xf32, #tpu.memory_space<hbm>>) target_semaphore(%run_scoped3A_115 : memref<!tpu.dma_semaphore, #tpu.memory_space<semaphore_mem>>)
        %dma_wait3A_123 = arith.constant 9984 : i32
        %dma_wait3A_124 = arith.constant 0 : i32
        %dma_wait3A_125 = tpu.memref_slice %arg6[%arg0, %dma_wait3A_123, %dma_wait3A_124] : memref<2x10000x128xf32, #tpu.memory_space<hbm>> -> memref<1x16x128xf32, #tpu.memory_space<hbm>>
        %dma_wait3A_126 = tpu.memref_squeeze %dma_wait3A_125 : memref<1x16x128xf32, #tpu.memory_space<hbm>> -> memref<16x128xf32, #tpu.memory_space<hbm>>
        %dma_wait3A_127 = arith.constant 9984 : i32
        %dma_wait3A_128 = arith.constant 0 : i32
        %dma_wait3A_129 = tpu.memref_slice %arg7[%dma_wait3A_127, %dma_wait3A_128] : memref<10000x128xf32, #tpu.memory_space<vmem_shared>> -> memref<16x128xf32, #tpu.memory_space<vmem_shared>>
        tpu.wait_dma2 semaphore(%run_scoped3A_115 : memref<!tpu.dma_semaphore, #tpu.memory_space<semaphore_mem>>) src(%dma_wait3A_129 : memref<16x128xf32, #tpu.memory_space<vmem_shared>>) dst(%dma_wait3A_126 : memref<16x128xf32, #tpu.memory_space<hbm>>)
        tpu.yield
      }) : () -> ()
    } else {
    }
    return
  }
}

module attributes {stable_mosaic.version = 14 : i64} {
  func.func @_mm_body(%arg0: i32, %arg1: memref<2000x128xf32, #tpu.memory_space<vmem>>, %arg2: memref<128x128xf32, #tpu.memory_space<vmem>>, %arg3: memref<2000x128xf32, #tpu.memory_space<vmem>>) attributes {dimension_semantics = [#tpu.dimension_semantics<arbitrary>], iteration_bounds = array<i64: 5>, scalar_prefetch = 0 : i64, scratch_operands = 0 : i64, tpu.core_type = #tpu.core_type<tc>, window_params = [{transform_indices = @transform_0, window_bounds = array<i64: 2000, 128>}, {pipeline_mode = #tpu.pipeline_mode<synchronous>, transform_indices = @transform_1, window_bounds = array<i64: 128, 128>}, {transform_indices = @transform_2, window_bounds = array<i64: 2000, 128>}]} {
    %get3A = arith.constant 0 : index
    %get3A_0 = arith.constant 0 : index
    %get3A_1 = vector.load %arg1[%get3A, %get3A_0] : memref<2000x128xf32, #tpu.memory_space<vmem>>, vector<2000x128xf32>
    %get3A_2 = arith.constant 0 : index
    %get3A_3 = arith.constant 0 : index
    %get3A_4 = vector.load %arg2[%get3A_2, %get3A_3] : memref<128x128xf32, #tpu.memory_space<vmem>>, vector<128x128xf32>
    %dot_general3A = arith.constant dense<0.000000e+00> : vector<2000x128xf32>
    %dot_general3A_5 = tpu.matmul %get3A_1, %get3A_4, %dot_general3A {dimension_numbers = #tpu.dot_dimension_numbers<[1], [0], [0], [1], [0, 0, 1, 1], [], []>, transpose_lhs_hint = false} : vector<2000x128xf32>, vector<128x128xf32>, vector<2000x128xf32> -> vector<2000x128xf32>
    %swap3A = arith.constant 0 : index
    %swap3A_6 = arith.constant 0 : index
    %swap3A_7 = vector.load %arg3[%swap3A, %swap3A_6] : memref<2000x128xf32, #tpu.memory_space<vmem>>, vector<2000x128xf32>
    tpu.vector_store %arg3[%swap3A, %swap3A_6], %dot_general3A_5 {strides = array<i32>} : memref<2000x128xf32, #tpu.memory_space<vmem>>, vector<2000x128xf32>,
    return
  }
  func.func @transform_0(%arg0: i32) -> (i32, i32) {
    %c0_i32 = arith.constant 0 : i32
    %c0_i32_0 = arith.constant 0 : i32
    return %arg0, %c0_i32 : i32, i32
  }
  func.func @transform_1(%arg0: i32) -> (i32, i32) {
    %c0_i32 = arith.constant 0 : i32
    %c0_i32_0 = arith.constant 0 : i32
    %c0_i32_1 = arith.constant 0 : i32
    return %c0_i32, %c0_i32_0 : i32, i32
  }
  func.func @transform_2(%arg0: i32) -> (i32, i32) {
    %c0_i32 = arith.constant 0 : i32
    %c0_i32_0 = arith.constant 0 : i32
    return %arg0, %c0_i32 : i32, i32
  }
}

module attributes {stable_mosaic.version = 14 : i64} {
  func.func @_gru_mm_body(%arg0: i32, %arg1: memref<2000x128xf32, #tpu.memory_space<vmem>>, %arg2: memref<2000x128xf32, #tpu.memory_space<vmem>>, %arg3: memref<2000x128xf32, #tpu.memory_space<vmem>>, %arg4: memref<128x384xf32, #tpu.memory_space<vmem>>, %arg5: memref<128x384xf32, #tpu.memory_space<vmem>>, %arg6: memref<1x384xf32, #tpu.memory_space<vmem>>, %arg7: memref<1x384xf32, #tpu.memory_space<vmem>>, %arg8: memref<128x128xf32, #tpu.memory_space<vmem>>, %arg9: memref<2000x128xf32, #tpu.memory_space<vmem>>, %arg10: memref<2000x128xf32, #tpu.memory_space<vmem>>) attributes {dimension_semantics = [#tpu.dimension_semantics<arbitrary>], iteration_bounds = array<i64: 5>, scalar_prefetch = 0 : i64, scratch_operands = 0 : i64, tpu.core_type = #tpu.core_type<tc>, window_params = [{transform_indices = @transform_0, window_bounds = array<i64: 2000, 128>}, {transform_indices = @transform_1, window_bounds = array<i64: 2000, 128>}, {transform_indices = @transform_2, window_bounds = array<i64: 2000, 128>}, {pipeline_mode = #tpu.pipeline_mode<synchronous>, transform_indices = @transform_3, window_bounds = array<i64: 128, 384>}, {pipeline_mode = #tpu.pipeline_mode<synchronous>, transform_indices = @transform_4, window_bounds = array<i64: 128, 384>}, {pipeline_mode = #tpu.pipeline_mode<synchronous>, transform_indices = @transform_5, window_bounds = array<i64: 1, 384>}, {pipeline_mode = #tpu.pipeline_mode<synchronous>, transform_indices = @transform_6, window_bounds = array<i64: 1, 384>}, {pipeline_mode = #tpu.pipeline_mode<synchronous>, transform_indices = @transform_7, window_bounds = array<i64: 128, 128>}, {transform_indices = @transform_8, window_bounds = array<i64: 2000, 128>}, {transform_indices = @transform_9, window_bounds = array<i64: 2000, 128>}]} {
    %get3A = arith.constant 0 : index
    %get3A_0 = arith.constant 0 : index
    %get3A_1 = vector.load %arg1[%get3A, %get3A_0] : memref<2000x128xf32, #tpu.memory_space<vmem>>, vector<2000x128xf32>
    %get3A_2 = arith.constant 0 : index
    %get3A_3 = arith.constant 0 : index
    %get3A_4 = vector.load %arg2[%get3A_2, %get3A_3] : memref<2000x128xf32, #tpu.memory_space<vmem>>, vector<2000x128xf32>
    %add3A = arith.addf %get3A_1, %get3A_4 : vector<2000x128xf32>
    %get3A_5 = arith.constant 0 : index
    %get3A_6 = arith.constant 0 : index
    %get3A_7 = vector.load %arg3[%get3A_5, %get3A_6] : memref<2000x128xf32, #tpu.memory_space<vmem>>, vector<2000x128xf32>
    %get3A_8 = arith.constant 0 : index
    %get3A_9 = arith.constant 0 : index
    %get3A_10 = vector.load %arg4[%get3A_8, %get3A_9] : memref<128x384xf32, #tpu.memory_space<vmem>>, vector<128x384xf32>
    %dot_general3A = arith.constant dense<0.000000e+00> : vector<2000x384xf32>
    %dot_general3A_11 = tpu.matmul %add3A, %get3A_10, %dot_general3A {dimension_numbers = #tpu.dot_dimension_numbers<[1], [0], [0], [1], [0, 0, 1, 1], [], []>, transpose_lhs_hint = false} : vector<2000x128xf32>, vector<128x384xf32>, vector<2000x384xf32> -> vector<2000x384xf32>
    %get3A_12 = arith.constant 0 : index
    %get3A_13 = arith.constant 0 : index
    %get3A_14 = vector.load %arg6[%get3A_12, %get3A_13] : memref<1x384xf32, #tpu.memory_space<vmem>>, vector<1x384xf32>
    %add3A_15 = vector.broadcast %get3A_14 : vector<1x384xf32> to vector<2000x384xf32>
    %add3A_16 = arith.addf %dot_general3A_11, %add3A_15 : vector<2000x384xf32>
    %get3A_17 = arith.constant 0 : index
    %get3A_18 = arith.constant 0 : index
    %get3A_19 = vector.load %arg5[%get3A_17, %get3A_18] : memref<128x384xf32, #tpu.memory_space<vmem>>, vector<128x384xf32>
    %dot_general3A_20 = arith.constant dense<0.000000e+00> : vector<2000x384xf32>
    %dot_general3A_21 = tpu.matmul %get3A_7, %get3A_19, %dot_general3A_20 {dimension_numbers = #tpu.dot_dimension_numbers<[1], [0], [0], [1], [0, 0, 1, 1], [], []>, transpose_lhs_hint = false} : vector<2000x128xf32>, vector<128x384xf32>, vector<2000x384xf32> -> vector<2000x384xf32>
    %get3A_22 = arith.constant 0 : index
    %get3A_23 = arith.constant 0 : index
    %get3A_24 = vector.load %arg7[%get3A_22, %get3A_23] : memref<1x384xf32, #tpu.memory_space<vmem>>, vector<1x384xf32>
    %add3A_25 = vector.broadcast %get3A_24 : vector<1x384xf32> to vector<2000x384xf32>
    %add3A_26 = arith.addf %dot_general3A_21, %add3A_25 : vector<2000x384xf32>
    %slice3A = vector.extract_strided_slice %add3A_16 {offsets = [0, 0], sizes = [2000, 128], strides = [1, 1]} : vector<2000x384xf32> to vector<2000x128xf32>
    %slice3A_27 = vector.extract_strided_slice %add3A_26 {offsets = [0, 0], sizes = [2000, 128], strides = [1, 1]} : vector<2000x384xf32> to vector<2000x128xf32>
    %add3A_28 = arith.addf %slice3A, %slice3A_27 : vector<2000x128xf32>
    %logistic3A = arith.negf %add3A_28 : vector<2000x128xf32>
    %logistic3A_29 = math.exp %logistic3A : vector<2000x128xf32>
    %logistic3A_30 = arith.constant 1.000000e+00 : f32
    %logistic3A_31 = vector.broadcast %logistic3A_30 : f32 to vector<2000x128xf32>
    %logistic3A_32 = arith.addf %logistic3A_31, %logistic3A_29 : vector<2000x128xf32>
    %logistic3A_33 = arith.divf %logistic3A_31, %logistic3A_32 : vector<2000x128xf32>
    %slice3A_34 = vector.extract_strided_slice %add3A_16 {offsets = [0, 128], sizes = [2000, 128], strides = [1, 1]} : vector<2000x384xf32> to vector<2000x128xf32>
    %slice3A_35 = vector.extract_strided_slice %add3A_26 {offsets = [0, 128], sizes = [2000, 128], strides = [1, 1]} : vector<2000x384xf32> to vector<2000x128xf32>
    %add3A_36 = arith.addf %slice3A_34, %slice3A_35 : vector<2000x128xf32>
    %logistic3A_37 = arith.negf %add3A_36 : vector<2000x128xf32>
    %logistic3A_38 = math.exp %logistic3A_37 : vector<2000x128xf32>
    %logistic3A_39 = arith.constant 1.000000e+00 : f32
    %logistic3A_40 = vector.broadcast %logistic3A_39 : f32 to vector<2000x128xf32>
    %logistic3A_41 = arith.addf %logistic3A_40, %logistic3A_38 : vector<2000x128xf32>
    %logistic3A_42 = arith.divf %logistic3A_40, %logistic3A_41 : vector<2000x128xf32>
    %slice3A_43 = vector.extract_strided_slice %add3A_16 {offsets = [0, 256], sizes = [2000, 128], strides = [1, 1]} : vector<2000x384xf32> to vector<2000x128xf32>
    %slice3A_44 = vector.extract_strided_slice %add3A_26 {offsets = [0, 256], sizes = [2000, 128], strides = [1, 1]} : vector<2000x384xf32> to vector<2000x128xf32>
    %mul3A = arith.mulf %logistic3A_33, %slice3A_44 : vector<2000x128xf32>
    %add3A_45 = arith.addf %slice3A_43, %mul3A : vector<2000x128xf32>
    %tanh3A = math.tanh %add3A_45 : vector<2000x128xf32>
    %sub3A = arith.constant 1.000000e+00 : f32
    %sub3A_46 = vector.broadcast %sub3A : f32 to vector<2000x128xf32>
    %sub3A_47 = arith.subf %sub3A_46, %logistic3A_42 : vector<2000x128xf32>
    %mul3A_48 = arith.mulf %sub3A_47, %tanh3A : vector<2000x128xf32>
    %mul3A_49 = arith.mulf %logistic3A_42, %get3A_7 : vector<2000x128xf32>
    %add3A_50 = arith.addf %mul3A_48, %mul3A_49 : vector<2000x128xf32>
    %swap3A = arith.constant 0 : index
    %swap3A_51 = arith.constant 0 : index
    %swap3A_52 = vector.load %arg9[%swap3A, %swap3A_51] : memref<2000x128xf32, #tpu.memory_space<vmem>>, vector<2000x128xf32>
    tpu.vector_store %arg9[%swap3A, %swap3A_51], %add3A_50 {strides = array<i32>} : memref<2000x128xf32, #tpu.memory_space<vmem>>, vector<2000x128xf32>,
    %get3A_53 = arith.constant 0 : index
    %get3A_54 = arith.constant 0 : index
    %get3A_55 = vector.load %arg8[%get3A_53, %get3A_54] : memref<128x128xf32, #tpu.memory_space<vmem>>, vector<128x128xf32>
    %dot_general3A_56 = arith.constant dense<0.000000e+00> : vector<2000x128xf32>
    %dot_general3A_57 = tpu.matmul %add3A_50, %get3A_55, %dot_general3A_56 {dimension_numbers = #tpu.dot_dimension_numbers<[1], [0], [0], [1], [0, 0, 1, 1], [], []>, transpose_lhs_hint = false} : vector<2000x128xf32>, vector<128x128xf32>, vector<2000x128xf32> -> vector<2000x128xf32>
    %swap3A_58 = arith.constant 0 : index
    %swap3A_59 = arith.constant 0 : index
    %swap3A_60 = vector.load %arg10[%swap3A_58, %swap3A_59] : memref<2000x128xf32, #tpu.memory_space<vmem>>, vector<2000x128xf32>
    tpu.vector_store %arg10[%swap3A_58, %swap3A_59], %dot_general3A_57 {strides = array<i32>} : memref<2000x128xf32, #tpu.memory_space<vmem>>, vector<2000x128xf32>,
    return
  }
  func.func @transform_0(%arg0: i32) -> (i32, i32) {
    %c0_i32 = arith.constant 0 : i32
    %c0_i32_0 = arith.constant 0 : i32
    return %arg0, %c0_i32 : i32, i32
  }
  func.func @transform_1(%arg0: i32) -> (i32, i32) {
    %c0_i32 = arith.constant 0 : i32
    %c0_i32_0 = arith.constant 0 : i32
    return %arg0, %c0_i32 : i32, i32
  }
  func.func @transform_2(%arg0: i32) -> (i32, i32) {
    %c0_i32 = arith.constant 0 : i32
    %c0_i32_0 = arith.constant 0 : i32
    return %arg0, %c0_i32 : i32, i32
  }
  func.func @transform_3(%arg0: i32) -> (i32, i32) {
    %c0_i32 = arith.constant 0 : i32
    %c0_i32_0 = arith.constant 0 : i32
    %c0_i32_1 = arith.constant 0 : i32
    return %c0_i32, %c0_i32_0 : i32, i32
  }
  func.func @transform_4(%arg0: i32) -> (i32, i32) {
    %c0_i32 = arith.constant 0 : i32
    %c0_i32_0 = arith.constant 0 : i32
    %c0_i32_1 = arith.constant 0 : i32
    return %c0_i32, %c0_i32_0 : i32, i32
  }
  func.func @transform_5(%arg0: i32) -> (i32, i32) {
    %c0_i32 = arith.constant 0 : i32
    %c0_i32_0 = arith.constant 0 : i32
    %c0_i32_1 = arith.constant 0 : i32
    return %c0_i32, %c0_i32_0 : i32, i32
  }
  func.func @transform_6(%arg0: i32) -> (i32, i32) {
    %c0_i32 = arith.constant 0 : i32
    %c0_i32_0 = arith.constant 0 : i32
    %c0_i32_1 = arith.constant 0 : i32
    return %c0_i32, %c0_i32_0 : i32, i32
  }
  func.func @transform_7(%arg0: i32) -> (i32, i32) {
    %c0_i32 = arith.constant 0 : i32
    %c0_i32_0 = arith.constant 0 : i32
    %c0_i32_1 = arith.constant 0 : i32
    return %c0_i32, %c0_i32_0 : i32, i32
  }
  func.func @transform_8(%arg0: i32) -> (i32, i32) {
    %c0_i32 = arith.constant 0 : i32
    %c0_i32_0 = arith.constant 0 : i32
    return %arg0, %c0_i32 : i32, i32
  }
  func.func @transform_9(%arg0: i32) -> (i32, i32) {
    %c0_i32 = arith.constant 0 : i32
    %c0_i32_0 = arith.constant 0 : i32
    return %arg0, %c0_i32 : i32, i32
  }
}

module attributes {stable_mosaic.version = 14 : i64} {
  func.func @_gru_body(%arg0: i32, %arg1: memref<2000x128xf32, #tpu.memory_space<vmem>>, %arg2: memref<2000x128xf32, #tpu.memory_space<vmem>>, %arg3: memref<2000x128xf32, #tpu.memory_space<vmem>>, %arg4: memref<128x384xf32, #tpu.memory_space<vmem>>, %arg5: memref<128x384xf32, #tpu.memory_space<vmem>>, %arg6: memref<1x384xf32, #tpu.memory_space<vmem>>, %arg7: memref<1x384xf32, #tpu.memory_space<vmem>>, %arg8: memref<2000x128xf32, #tpu.memory_space<vmem>>) attributes {dimension_semantics = [#tpu.dimension_semantics<arbitrary>], iteration_bounds = array<i64: 5>, scalar_prefetch = 0 : i64, scratch_operands = 0 : i64, tpu.core_type = #tpu.core_type<tc>, window_params = [{transform_indices = @transform_0, window_bounds = array<i64: 2000, 128>}, {transform_indices = @transform_1, window_bounds = array<i64: 2000, 128>}, {transform_indices = @transform_2, window_bounds = array<i64: 2000, 128>}, {pipeline_mode = #tpu.pipeline_mode<synchronous>, transform_indices = @transform_3, window_bounds = array<i64: 128, 384>}, {pipeline_mode = #tpu.pipeline_mode<synchronous>, transform_indices = @transform_4, window_bounds = array<i64: 128, 384>}, {pipeline_mode = #tpu.pipeline_mode<synchronous>, transform_indices = @transform_5, window_bounds = array<i64: 1, 384>}, {pipeline_mode = #tpu.pipeline_mode<synchronous>, transform_indices = @transform_6, window_bounds = array<i64: 1, 384>}, {transform_indices = @transform_7, window_bounds = array<i64: 2000, 128>}]} {
    %get3A = arith.constant 0 : index
    %get3A_0 = arith.constant 0 : index
    %get3A_1 = vector.load %arg1[%get3A, %get3A_0] : memref<2000x128xf32, #tpu.memory_space<vmem>>, vector<2000x128xf32>
    %get3A_2 = arith.constant 0 : index
    %get3A_3 = arith.constant 0 : index
    %get3A_4 = vector.load %arg2[%get3A_2, %get3A_3] : memref<2000x128xf32, #tpu.memory_space<vmem>>, vector<2000x128xf32>
    %add3A = arith.addf %get3A_1, %get3A_4 : vector<2000x128xf32>
    %get3A_5 = arith.constant 0 : index
    %get3A_6 = arith.constant 0 : index
    %get3A_7 = vector.load %arg3[%get3A_5, %get3A_6] : memref<2000x128xf32, #tpu.memory_space<vmem>>, vector<2000x128xf32>
    %get3A_8 = arith.constant 0 : index
    %get3A_9 = arith.constant 0 : index
    %get3A_10 = vector.load %arg4[%get3A_8, %get3A_9] : memref<128x384xf32, #tpu.memory_space<vmem>>, vector<128x384xf32>
    %dot_general3A = arith.constant dense<0.000000e+00> : vector<2000x384xf32>
    %dot_general3A_11 = tpu.matmul %add3A, %get3A_10, %dot_general3A {dimension_numbers = #tpu.dot_dimension_numbers<[1], [0], [0], [1], [0, 0, 1, 1], [], []>, transpose_lhs_hint = false} : vector<2000x128xf32>, vector<128x384xf32>, vector<2000x384xf32> -> vector<2000x384xf32>
    %get3A_12 = arith.constant 0 : index
    %get3A_13 = arith.constant 0 : index
    %get3A_14 = vector.load %arg6[%get3A_12, %get3A_13] : memref<1x384xf32, #tpu.memory_space<vmem>>, vector<1x384xf32>
    %add3A_15 = vector.broadcast %get3A_14 : vector<1x384xf32> to vector<2000x384xf32>
    %add3A_16 = arith.addf %dot_general3A_11, %add3A_15 : vector<2000x384xf32>
    %get3A_17 = arith.constant 0 : index
    %get3A_18 = arith.constant 0 : index
    %get3A_19 = vector.load %arg5[%get3A_17, %get3A_18] : memref<128x384xf32, #tpu.memory_space<vmem>>, vector<128x384xf32>
    %dot_general3A_20 = arith.constant dense<0.000000e+00> : vector<2000x384xf32>
    %dot_general3A_21 = tpu.matmul %get3A_7, %get3A_19, %dot_general3A_20 {dimension_numbers = #tpu.dot_dimension_numbers<[1], [0], [0], [1], [0, 0, 1, 1], [], []>, transpose_lhs_hint = false} : vector<2000x128xf32>, vector<128x384xf32>, vector<2000x384xf32> -> vector<2000x384xf32>
    %get3A_22 = arith.constant 0 : index
    %get3A_23 = arith.constant 0 : index
    %get3A_24 = vector.load %arg7[%get3A_22, %get3A_23] : memref<1x384xf32, #tpu.memory_space<vmem>>, vector<1x384xf32>
    %add3A_25 = vector.broadcast %get3A_24 : vector<1x384xf32> to vector<2000x384xf32>
    %add3A_26 = arith.addf %dot_general3A_21, %add3A_25 : vector<2000x384xf32>
    %slice3A = vector.extract_strided_slice %add3A_16 {offsets = [0, 0], sizes = [2000, 128], strides = [1, 1]} : vector<2000x384xf32> to vector<2000x128xf32>
    %slice3A_27 = vector.extract_strided_slice %add3A_26 {offsets = [0, 0], sizes = [2000, 128], strides = [1, 1]} : vector<2000x384xf32> to vector<2000x128xf32>
    %add3A_28 = arith.addf %slice3A, %slice3A_27 : vector<2000x128xf32>
    %logistic3A = arith.negf %add3A_28 : vector<2000x128xf32>
    %logistic3A_29 = math.exp %logistic3A : vector<2000x128xf32>
    %logistic3A_30 = arith.constant 1.000000e+00 : f32
    %logistic3A_31 = vector.broadcast %logistic3A_30 : f32 to vector<2000x128xf32>
    %logistic3A_32 = arith.addf %logistic3A_31, %logistic3A_29 : vector<2000x128xf32>
    %logistic3A_33 = arith.divf %logistic3A_31, %logistic3A_32 : vector<2000x128xf32>
    %slice3A_34 = vector.extract_strided_slice %add3A_16 {offsets = [0, 128], sizes = [2000, 128], strides = [1, 1]} : vector<2000x384xf32> to vector<2000x128xf32>
    %slice3A_35 = vector.extract_strided_slice %add3A_26 {offsets = [0, 128], sizes = [2000, 128], strides = [1, 1]} : vector<2000x384xf32> to vector<2000x128xf32>
    %add3A_36 = arith.addf %slice3A_34, %slice3A_35 : vector<2000x128xf32>
    %logistic3A_37 = arith.negf %add3A_36 : vector<2000x128xf32>
    %logistic3A_38 = math.exp %logistic3A_37 : vector<2000x128xf32>
    %logistic3A_39 = arith.constant 1.000000e+00 : f32
    %logistic3A_40 = vector.broadcast %logistic3A_39 : f32 to vector<2000x128xf32>
    %logistic3A_41 = arith.addf %logistic3A_40, %logistic3A_38 : vector<2000x128xf32>
    %logistic3A_42 = arith.divf %logistic3A_40, %logistic3A_41 : vector<2000x128xf32>
    %slice3A_43 = vector.extract_strided_slice %add3A_16 {offsets = [0, 256], sizes = [2000, 128], strides = [1, 1]} : vector<2000x384xf32> to vector<2000x128xf32>
    %slice3A_44 = vector.extract_strided_slice %add3A_26 {offsets = [0, 256], sizes = [2000, 128], strides = [1, 1]} : vector<2000x384xf32> to vector<2000x128xf32>
    %mul3A = arith.mulf %logistic3A_33, %slice3A_44 : vector<2000x128xf32>
    %add3A_45 = arith.addf %slice3A_43, %mul3A : vector<2000x128xf32>
    %tanh3A = math.tanh %add3A_45 : vector<2000x128xf32>
    %sub3A = arith.constant 1.000000e+00 : f32
    %sub3A_46 = vector.broadcast %sub3A : f32 to vector<2000x128xf32>
    %sub3A_47 = arith.subf %sub3A_46, %logistic3A_42 : vector<2000x128xf32>
    %mul3A_48 = arith.mulf %sub3A_47, %tanh3A : vector<2000x128xf32>
    %mul3A_49 = arith.mulf %logistic3A_42, %get3A_7 : vector<2000x128xf32>
    %add3A_50 = arith.addf %mul3A_48, %mul3A_49 : vector<2000x128xf32>
    %swap3A = arith.constant 0 : index
    %swap3A_51 = arith.constant 0 : index
    %swap3A_52 = vector.load %arg8[%swap3A, %swap3A_51] : memref<2000x128xf32, #tpu.memory_space<vmem>>, vector<2000x128xf32>
    tpu.vector_store %arg8[%swap3A, %swap3A_51], %add3A_50 {strides = array<i32>} : memref<2000x128xf32, #tpu.memory_space<vmem>>, vector<2000x128xf32>,
    return
  }
  func.func @transform_0(%arg0: i32) -> (i32, i32) {
    %c0_i32 = arith.constant 0 : i32
    %c0_i32_0 = arith.constant 0 : i32
    return %arg0, %c0_i32 : i32, i32
  }
  func.func @transform_1(%arg0: i32) -> (i32, i32) {
    %c0_i32 = arith.constant 0 : i32
    %c0_i32_0 = arith.constant 0 : i32
    return %arg0, %c0_i32 : i32, i32
  }
  func.func @transform_2(%arg0: i32) -> (i32, i32) {
    %c0_i32 = arith.constant 0 : i32
    %c0_i32_0 = arith.constant 0 : i32
    return %arg0, %c0_i32 : i32, i32
  }
  func.func @transform_3(%arg0: i32) -> (i32, i32) {
    %c0_i32 = arith.constant 0 : i32
    %c0_i32_0 = arith.constant 0 : i32
    %c0_i32_1 = arith.constant 0 : i32
    return %c0_i32, %c0_i32_0 : i32, i32
  }
  func.func @transform_4(%arg0: i32) -> (i32, i32) {
    %c0_i32 = arith.constant 0 : i32
    %c0_i32_0 = arith.constant 0 : i32
    %c0_i32_1 = arith.constant 0 : i32
    return %c0_i32, %c0_i32_0 : i32, i32
  }
  func.func @transform_5(%arg0: i32) -> (i32, i32) {
    %c0_i32 = arith.constant 0 : i32
    %c0_i32_0 = arith.constant 0 : i32
    %c0_i32_1 = arith.constant 0 : i32
    return %c0_i32, %c0_i32_0 : i32, i32
  }
  func.func @transform_6(%arg0: i32) -> (i32, i32) {
    %c0_i32 = arith.constant 0 : i32
    %c0_i32_0 = arith.constant 0 : i32
    %c0_i32_1 = arith.constant 0 : i32
    return %c0_i32, %c0_i32_0 : i32, i32
  }
  func.func @transform_7(%arg0: i32) -> (i32, i32) {
    %c0_i32 = arith.constant 0 : i32
    %c0_i32_0 = arith.constant 0 : i32
    return %arg0, %c0_i32 : i32, i32
  }
}

</mosaic_0001>

<sc_bundles>
// kernel: kernel.12.cloned.1.call-start
scs
__scs_entry_jumppad:
0x0: {  	(pc) =	sbr.rel $0x88, $3  }
0x1: {  	(tag) =	ssettag $0x0;
	lr =	simm.s32 $0x1  }
0x2: {  	[smem:$0x3F9A] =	sst lr;
	_ =	strace $0xD0000000  }
0x3: {  	_ = 	snop  }
0x4: {  	_ = 	snop  }
0x5: {  	_ = 	snop  }
0x6: {  	_ = 	snop  }
0x7: {  	_ = 	snop  }
__scs_overlays_trampoline_lowered:
0x8: {  	[smem:$0x3FA9] =	sst s0  }
0x9: {  	[smem:$0x3FAA] =	sst s1  }
0xa: {  	[smem:$0x3FAB] =	sst s2  }
0xb: {  	[smem:$0x3FAC] =	sst s3  }
0xc: {  	[smem:$0x3FAD] =	sst s4  }
0xd: {  	[smem:$0x3FAE] =	sst s5  }
0xe: {  	[smem:$0x3FAF] =	sst s6  }
0xf: {  	[smem:$0x3FB0] =	sst s7  }
0x10: {  	[smem:$0x3FB1] =	sst s8  }
0x11: {  	[smem:$0x3FB2] =	sst s9;
	s0 =	simm.s32 @!p0 $0x0  }
0x12: {  	s1 =	sld [smem:$0x3F98];
	s0 =	simm.s32 @p0 $0x1  }
0x13: {  	[smem:$0x3FB3] =	sst s0;
	s0 =	simm.s32 @!p1 $0x0  }
0x14: {  	s2 =	sld [smem:$0x3F97];
	s0 =	simm.s32 @p1 $0x1  }
0x15: {  	[smem:$0x3FB4] =	sst s0;
	s0 =	simm.s32 @!p2 $0x0  }
0x16: {  	s3 =	sld [smem:$0x3FDB];
	s0 =	simm.s32 @p2 $0x1  }
0x17: {  	s4 =	simm.s32 $0x1BF5;
	[smem:$0x3FB6] =	sst s0  }
0x18: {  	s0 =	sld [smem:$0x3F99];
	_ =	swait.ge [sflag:s4], $0x0  }
0x19: {  	s7 =	sld [smem:$0x3F9A]  }
0x1a: {  	s8 =	sadd.s32 $0xFFFFE003, lr  }
0x1b: {  	s9 =	sadd.s32 $0xFFFFFEF7, lr;
	s5 =	simm.s32 $0xFFFFFFFF;
	p2 =	slt.u32 s8, $0xFFFFF086  }
0x1c: {  	p1 =	slt.u32 s9, $0xF7A;
	s5 =	simm.s32 @!p2 $0x0  }
0x1d: {  	s5 =	simm.s32 @p1 $0x1;
	p0 =	seq.s32 s7, s2  }
0x1e: {  	s7 =	smul.u32 @!p0 $0xF7A, s2;
	p2 =	seq.s32 @!p0 s5, $0x0  }
0x1f: {  	s9 =	smul.u32 $0xF7A, s1;
	s8 =	simm.s32 @!p0 $0x1BF5;
	p2 =	por !p2, p0  }
0x20: {  	[sflag:s8] =	ssyncset.s32 @!p0 $0xFFFFF086;
	s6 =	sadd.s32 @!p0 s3, s7;
	s7 =	simm.s32 @!p0 $0x108  }
0x21: {  	s3 =	sadd.s32 s3, s9;
	s6 =	sadd.s32 @!p0 $0x88, s6;
	s7 =	simm.s32 @p2 $0x1082  }
0x22: {  	[simem:s7], [sflag:s8] =	dma.local @!p0 [hbm:s6], $0xF7A  }
0x23: {  	s9 =	sor.u32 $0xD0000000, s2;
	s6 =	simm.s32 $0x108;
	_ =	swait.ge @!p0 [sflag:s8], $0x0  }
0x24: {  	s3 =	sadd.s32 $0x88, s3;
	s6 =	simm.s32 @!p1 $0x1082;
	[sflag:s4] =	ssyncset.s32 $0xFFFFF086  }
0x25: {  	[simem:s6], [sflag:s4] =	dma.local [hbm:s3], $0xF7A  }
0x26: {  	[smem:$0x3F9A] =	sst s1;
	(tag) =	ssettag s2;
	_ =	strace s9  }
0x27: {  	s1 =	sld [smem:$0x3FAA]  }
0x28: {  	s2 =	sld [smem:$0x3FAB]  }
0x29: {  	s4 =	sld [smem:$0x3FAD]  }
0x2a: {  	p0 =	seq.s32 s5, $0x0;
	s5 =	sld [smem:$0x3FAE]  }
0x2b: {  	s6 =	sld [smem:$0x3FAF]  }
0x2c: {  	s7 =	sld [smem:$0x3FB0]  }
0x2d: {  	s3 =	simm.s32 $0x108;
	s8 =	sld [smem:$0x3FB1]  }
0x2e: {  	s3 =	simm.s32 @!p0 $0x1082;
	s9 =	sld [smem:$0x3FB2]  }
0x2f: {  	lr =	sadd.s32 s0, s3;
	s0 =	sld [smem:$0x3FA9]  }
0x30: {  	s3 =	sld [smem:$0x3FAC]  }
0x31: {  	[smem:$0x3FB5] =	sst s10  }
0x32: {  	s10 =	sld [smem:$0x3FB3];
	_ =	sdelay $0x3  }
0x33: {  	p0 =	seq.s32 s10, $0x1;
	s10 =	sld [smem:$0x3FB5];
	_ =	sdelay $0x3  }
0x34: {  	[smem:$0x3FB5] =	sst s10  }
0x35: {  	s10 =	sld [smem:$0x3FB4];
	_ =	sdelay $0x3  }
0x36: {  	p1 =	seq.s32 s10, $0x1;
	s10 =	sld [smem:$0x3FB5];
	_ =	sdelay $0x3  }
0x37: {  	[smem:$0x3FB5] =	sst s10  }
0x38: {  	s10 =	sld [smem:$0x3FB6]  }
0x39: {  	_ = 	snop;
	(pc) =	sbr.ind lr, $3  }
0x3a: {  	_ = 	snop  }
0x3b: {  	_ = 	snop  }
0x3c: {  	p2 =	seq.s32 s10, $0x1;
	s10 =	sld [smem:$0x3FB5]  }
0x3d: {  	_ =	shalt  }
0x3e: {  	_ =	shalt  }
0x3f: {  	_ =	shalt  }
0x40: {  	_ =	shalt  }
0x41: {  	_ =	shalt  }
0x42: {  	_ =	shalt  }
0x43: {  	_ =	shalt  }
0x44: {  	_ =	shalt  }
0x45: {  	_ =	shalt  }
0x46: {  	_ =	shalt  }
0x47: {  	_ =	shalt  }
0x48: {  	_ =	shalt  }
0x49: {  	_ =	shalt  }
0x4a: {  	_ =	shalt  }
0x4b: {  	_ =	shalt  }
0x4c: {  	_ =	shalt  }
0x4d: {  	_ =	shalt  }
0x4e: {  	_ =	shalt  }
0x4f: {  	_ =	shalt  }
0x50: {  	_ =	shalt  }
0x51: {  	_ =	shalt  }
0x52: {  	_ =	shalt  }
0x53: {  	_ =	shalt  }
0x54: {  	_ =	shalt  }
0x55: {  	_ =	shalt  }
0x56: {  	_ =	shalt  }
0x57: {  	_ =	shalt  }
0x58: {  	_ =	shalt  }
0x59: {  	_ =	shalt  }
0x5a: {  	_ =	shalt  }
0x5b: {  	_ =	shalt  }
0x5c: {  	_ =	shalt  }
0x5d: {  	_ =	shalt  }
0x5e: {  	_ =	shalt  }
0x5f: {  	_ =	shalt  }
0x60: {  	_ =	shalt  }
0x61: {  	_ =	shalt  }
0x62: {  	_ =	shalt  }
0x63: {  	_ =	shalt  }
0x64: {  	_ =	shalt  }
0x65: {  	_ =	shalt  }
0x66: {  	_ =	shalt  }
0x67: {  	_ =	shalt  }
0x68: {  	_ =	shalt  }
0x69: {  	_ =	shalt  }
0x6a: {  	_ =	shalt  }
0x6b: {  	_ =	shalt  }
0x6c: {  	_ =	shalt  }
0x6d: {  	_ =	shalt  }
0x6e: {  	_ =	shalt  }
0x6f: {  	_ =	shalt  }
0x70: {  	_ =	shalt  }
0x71: {  	_ =	shalt  }
0x72: {  	_ =	shalt  }
0x73: {  	_ =	shalt  }
0x74: {  	_ =	shalt  }
0x75: {  	_ =	shalt  }
0x76: {  	_ =	shalt  }
0x77: {  	_ =	shalt  }
0x78: {  	_ =	shalt  }
0x79: {  	_ =	shalt  }
0x7a: {  	_ =	shalt  }
0x7b: {  	_ =	shalt  }
0x7c: {  	_ =	shalt  }
0x7d: {  	_ =	shalt  }
0x7e: {  	_ =	shalt  }
0x7f: {  	_ =	shalt  }
0x80: {  	_ =	shalt  }
0x81: {  	_ =	shalt  }
0x82: {  	_ =	shalt  }
0x83: {  	_ =	shalt  }
0x84: {  	_ =	shalt  }
0x85: {  	_ =	shalt  }
0x86: {  	_ =	shalt  }
0x87: {  	_ =	shalt  }
.Lfunc_end0:
.L_simem_size_0:
called_computation.1_lowered:
.L_overlay_start_0:
0x88: {  	s2 =	sld [smem:$0x3FD9]  }
0x89: {  	s3 =	sld [smem:$0x3FFE];
	_ =	sdelay $0x1  }
0x8a: {  	s1 =	srdreg.scid  }
0x8b: {  	s0 =	sand.u32 $0x1, s1  }
0x8c: {  	s17 =	sshll.u32 s0, $0xA;
	s2 =	sadd.s32 s3, s2  }
0x8d: {  	s2 =	sadd.s32 s2, s17  }
0x8e: {  	[smem:$0x3FC1] =	sst s2  }
0x8f: {  	_ = 	snop  }
0x90: {  	s2 =	sld [smem:$0x3FD0];
	(tm) =	ssettm $0x1  }
0x91: {  	s18 =	sld [smem:$0x3FFB];
	_ =	sdelay $0x3  }
0x92: {  	_ =	strace s18  }
0x93: {  	s3 =	sld [smem:$0x3FFC];
	_ =	sdelay $0x3  }
0x94: {  	_ =	strace s3  }
0x95: {  	s3 =	sld [smem:$0x3FFD];
	_ =	sdelay $0x3  }
0x96: {  	_ =	strace s3  }
0x97: {  	_ =	strace $0x8FFFFFFF  }
0x98: {  	s19 =	sld [smem:$0x3FDB];
	_ =	sdelay $0x1  }
0x99: {  	s4 =	simm.s32 $_scs_section_size  }
0x9a: {  	s5 =	simm.s32 $_size__tile_overlayer_lowered;
	s6 =	simm.s32 $_tile_overlayer_lowered  }
0x9b: {  	s22 =	simm.s32 $0x1BFF;
	s21 =	sshll.u32 s6, $0x1;
	s3 =	sadd.s32 s4, s19  }
0x9c: {  	s7 =	simm.s32 $0x0;
	s20 =	sshll.u32 s5, $0x1;
	s5 =	sadd.s32 s21, s3  }
0x9d: {  	[timem:s7], [sflag:s22] =	dma.local [hbm:s5], s20  }
0x9e: {  	_ =	swait.ge [sflag:s22], s20  }
0x9f: {  	s4 =	ssub.s32 $0x0, s20;
	[sflag:s22] =	ssyncset.done $0x0  }
0xa0: {  	[sflag:s22] =	ssyncadd.s32 s4;
	_ =	sdelay $0x1  }
0xa1: {  	s23 =	simm.s32 $0x1B8B  }
0xa2: {  	_ =	swait.ge [sflag:s23], $0x1  }
0xa3: {  	[sflag:s23] =	ssyncset.done $0x0  }
0xa4: {  	s25 =	simm.s32 $0x1B8E;
	s24 =	sld [smem:$0x3FFE];
	[sflag:s23] =	ssyncadd.s32 $0xFFFFFFFF  }
0xa5: {  	s26 =	simm.s32 $execute0_lowered;
	[smem:$0x3FD2] =	sst s25  }
0xa6: {  	s5 =	sshll.u32 s26, $0x1;
	_ =	strace $0x80000049;
	[dreg:$0x1] =	wrdreg $0xFFFFFFFF  }
0xa7: {  	s28 =	simm.s32 $_size_execute0_lowered;
	s3 =	sadd.s32 s3, s5;
	[dreg:$0x0] =	wrdreg $0x0  }
0xa8: {  	s5 =	sshll.u32 s28, $0x1;
	[dreg:$0x2] =	wrdreg s3  }
0xa9: {  	[dreg:$0x3] =	wrdreg s5  }
0xaa: {  	[dreg:$0x4] =	wrdreg $0xC0  }
0xab: {  	_ =	task [dreg:s7], $0x5FFFF  }
0xac: {  	[dreg:$0x1] =	wrdreg $0xFFFFFFFF  }
0xad: {  	[dreg:$0x0] =	wrdreg $0x60  }
0xae: {  	[dreg:$0x2] =	wrdreg s2  }
0xaf: {  	[dreg:$0x3] =	wrdreg s24  }
0xb0: {  	[dreg:$0x4] =	wrdreg $0x0  }
0xb1: {  	[dreg:$0x5] =	wrdreg $0x9  }
0xb2: {  	_ =	task.clear_ibuf [dreg:s7], $0x6FFFF;
	_ =	strace $0x90000049  }
0xb3: {  	s29 =	simm.s32 $0x9;
	_ =	strace $0x8000004B  }
0xb4: {  	_ =	swait.ge [sflag:s29], $0x1  }
0xb5: {  	[sflag:s29] =	ssyncadd.s32 $0xFFFFFFFF  }
0xb6: {  	_ =	strace $0x9000004B  }
0xb7: {  	_ =	sfence  }
0xb8: {  	s30 =	sld [smem:$0x0];
	_ =	sdelay $0x2  }
0xb9: {  	s31 =	sshll.u32 s1, $0xD;
	s1 =	sshrl.u32 s1, $0x2  }
0xba: {  	s3 =	sand.u32 $0x4000, s31;
	s1 =	sadd.s32 s1, s30  }
0xbb: {  	s0 =	sor.u32 s3, s0;
	s1 =	sshll.u32 s1, $0x11  }
0xbc: {  	s0 =	sor.u32 s1, s0  }
0xbd: {  	s0 =	sadd.s32 $0x8F2B, s0  }
0xbe: {  	[sflag:s0] =	ssyncadd.remote.s32 $0x1  }
0xbf: {  	_ =	sfence.sel $0xFFFF  }
0xc0: {  	[dreg:$0x0] =	wrdreg $0xFFFFFFFF;
	(pc) =	sbr.abs _section_cstart, $3  }
0xc1: {  	[dreg:$0x1] =	wrdreg $0xFFFFFFFF  }
0xc2: {  	_ =	task.clear_ibuf [dreg:s7], $0x2FFFF;
	_ =	strace $0x9FFFFFFF  }
0xc3: {  	(tm) =	ssettm $0x7FFFFFFF  }
tec
execute0_lowered:
.L_overlay_start_1:
0x0: {  	(tag) =	ssettag $0x1  }
0x1: {  	s1 =	rddreg [dreg:$0x0]  }
0x2: {  	s0 =	rddreg [dreg:$0x1]  }
0x3: {  	s3 =	rddreg [dreg:$0x2]  }
0x4: {  	s2 =	srdreg.scid;
	s4 =	simm.s32 $0x0;
	s5 =	stileid.u32  }
0x5: {  	s29 =	simm.s32 $0x13A80;
	s30 =	simm.s32 $0x13B80;
	s31 =	simm.s32 $0x1  }
0x6: {  	s28 =	simm.s32 $0x0;
	s2 =	sand.u32 $0x1, s2;
	s7 =	smul.u32 $0x13800, s5  }
0x7: {  	[smem:$0x7FF] =	sst s4;
	s14 =	sadd.s32 $0x3000, s0;
	s10 =	smul.u32 $0x4E000, s5  }
0x8: {  	s13 =	sadd.s32 $0x65000, s0;
	s23 =	sshll.u32 s5, $0x6;
	s24 =	sadd.s32 $0x138000, s3  }
0x9: {  	s15 =	smul.u32 $0x4E00, s5;
	p0 =	sne.s32 s5, $0xF;
	s6 =	sshll.u32 s2, $0x4  }
0xa: {  	_ =	strace $0x8000004A;
	s11 =	ssub.s32 $0x2, s2;
	s26 =	smul.u32 $0x138800, s2  }
0xb: {  	s19 =	sor.u32 $0x1C0D, s23;
	[dreg:$0x7] =	wrdreg s24;
	s2 =	smul.u32 $0x4E000, s2  }
0xc: {  	s6 =	sor.u32 s5, s6;
	s9 =	sshrl.u32 s7, $0x3;
	s12 =	sshrl.u32 s11, $0x1  }
0xd: {  	s10 =	sshrl.u32 s10, $0x2;
	[dreg:$0x6] =	wrdreg s19;
	s8 =	sshll.u32 s6, $0x5  }
0xe: {  	s9 =	sadd.s32 s9, s0;
	s6 =	smul.u32 $0x4E00, s6;
	s11 =	ssub.s32 s11, s12  }
0xf: {  	s10 =	sadd.s32 s10, s3;
	s12 =	sadd.s32 s7, s26;
	s16 =	sadd.s32 s15, s2  }
0x10: {  	s15 =	simm.s32 $0x8;
	s8 =	sadd.s32 s8, s0;
	[dreg:$0x4] =	wrdreg s10  }
0x11: {  	s9 =	sadd.s32 $0x16C00, s9;
	s0 =	sadd.s32 $0x3DC00, s0;
	s17 =	smax.u32 s11, $0x1  }
0x12: {  	s18 =	sadd.s32 $0x900, s16;
	s20 =	sadd.s32 $0x800, s16;
	s7 =	sadd.s32 $0x700, s16  }
0x13: {  	s23 =	sadd.s32 $0x500, s16;
	s24 =	sadd.s32 $0x400, s16;
	[dreg:$0x5] =	wrdreg s9  }
0x14: {  	s11 =	simm.s32 $0xC;
	s6 =	sshrl.u32 s6, $0x3;
	[dreg:$0x9] =	wrdreg s0  }
0x15: {  	s0 =	sshrl.u32 s26, $0x3;
	s8 =	sadd.s32 $0x16800, s8;
	[dreg:$0x10] =	wrdreg s17  }
0x16: {  	s2 =	sshrl.u32 s18, $0x3;
	s22 =	sshrl.u32 s7, $0x3;
	s26 =	sshrl.u32 s24, $0x3  }
0x17: {  	s7 =	simm.s32 $0x17F80;
	s6 =	sadd.s32 s14, s6;
	[dreg:$0xd] =	wrdreg s8  }
0x18: {  	s9 =	simm.s32 $0x7;
	s2 =	sadd.s32 s2, s14;
	[dreg:$0x8] =	wrdreg s6  }
0x19: {  	s17 =	simm.s32 $0xA;
	s25 =	sadd.s32 $0x20, s6;
	[dreg:$0x11] =	wrdreg s2  }
0x1a: {  	s18 =	simm.s32 $0x13D80;
	s10 =	sadd.s32 $0x40, s6;
	[dreg:$0xa] =	wrdreg s25  }
0x1b: {  	s0 =	sadd.s32 s13, s0;
	s6 =	sadd.s32 $0x60, s6;
	[dreg:$0xb] =	wrdreg s10  }
0x1c: {  	s24 =	sadd.s32 s26, s14;
	s0 =	sadd.s32 $0x27000, s0;
	[dreg:$0xc] =	wrdreg s6  }
0x1d: {  	s26 =	simm.s32 $0x5;
	s2 =	sadd.s32 s22, s14;
	[dreg:$0xf] =	wrdreg s0  }
0x1e: {  	s22 =	simm.s32 $0x9;
	s6 =	sshrl.u32 s12, $0x3;
	[dreg:$0x13] =	wrdreg s2  }
0x1f: {  	s0 =	sadd.s32 $0x600, s16;
	s25 =	sshrl.u32 s23, $0x3;
	s2 =	simm.s32 $0x13F80  }
0x20: {  	s12 =	simm.s32 $0x13C80;
	s10 =	simm.s32 $0x4;
	s16 =	simm.s32 $0x6  }
.Ltmp0:
0x21: {  	s6 =	sadd.s32 s13, s6;
	[dreg:$0x14] =	wrdreg s0;
	(pc) =	sbr.rel .LBB2_1-.Ltmp0, $4  }
0x22: {  	s23 =	sadd.s32 s25, s14;
	s0 =	simm.s32 $0x80;
	s13 =	simm.s32 $0x3  }
0x23: {  	s25 =	simm.s32 $0xB;
	[dreg:$0xe] =	wrdreg s6;
	s6 =	sshrl.u32 s20, $0x3  }
0x24: {  	s20 =	simm.s32 $0xD;
	s21 =	sadd.s32 s6, s14;
	s6 =	simm.s32 $0x2  }
0x25: {  	[dreg:$0x12] =	wrdreg s21;
	s21 =	smov.u32 s14;
	s14 =	simm.s32 $0x1BF80  }
.LBB2_4:
0x26: {  	_ =	swait.ge [sflag:s22], $0x4000  }
0x27: {  	[sflag:s22] =	ssyncset.done $0x0  }
0x28: {  	s5 =	simm.s32 $0x13E00;
	[sflag:s22] =	ssyncadd.s32 $0xFFFFC000  }
0x29: {  	[spmem:s3] =	stream.indirect.scatter.add.f32 [tilespmem:s14], [sflag:$0xC], $0x80, s5, s0, $0xb8;
	[tilespmem:$0x1FF80] =	vst v63  }
0x2a: {  	_ =	swait.ge [sflag:s25], $0x4000  }
0x2b: {  	[sflag:s25] =	ssyncset.done $0x0  }
0x2c: {  	[sflag:s25] =	ssyncadd.s32 $0xFFFFC000  }
0x2d: {  	_ =	swait.ge [sflag:s11], $0x4000  }
0x2e: {  	[sflag:s11] =	ssyncset.done $0x0  }
0x2f: {  	s8 =	simm.s32 $0x13E80;
	s20 =	rddreg [dreg:$0xd];
	[sflag:s11] =	ssyncadd.s32 $0xFFFFC000  }
0x30: {  	[tilespmem:s8], [sflag:$0xD] =	stream.linear.gather [hbm4b:s20+s4], $0x100, $0x38;
	[tilespmem:$0x1FF80] =	vst v63  }
0x31: {  	s20 =	simm.s32 $0xD  }
0x32: {  	_ =	swait.ge [sflag:s20], $0x100  }
0x33: {  	[sflag:s20] =	ssyncset.done $0x0  }
0x34: {  	s5 =	simm.s32 $0x10;
	[sflag:s20] =	ssyncadd.s32 $0xFFFFFF00  }
0x35: {  	[tilespmem:s2], [sflag:$0x7] =	stream.indirect.gather [hbm4b:s1+s5], $0x80, s8, s5, $0xb8;
	[tilespmem:$0x1FF80] =	vst v63  }
0x36: {  	_ =	swait.ge [sflag:s9], $0x800  }
0x37: {  	[sflag:s9] =	ssyncset.done $0x0  }
0x38: {  	s19 =	simm.s32 $0x13F00;
	[sflag:s9] =	ssyncadd.s32 $0xFFFFF800  }
0x39: {  	[spmem:s3] =	stream.indirect.scatter.add.f32 [tilespmem:s2], [sflag:$0xD], $0x80, s19, s5, $0xb8;
	[tilespmem:$0x1FF80] =	vst v63  }
0x3a: {  	_ =	swait.ge [sflag:s20], $0x800  }
0x3b: {  	[sflag:s20] =	ssyncset.done $0x0  }
0x3c: {  	[sflag:s20] =	ssyncadd.s32 $0xFFFFF800  }
0x3d: {  	[bflag:$0x0] =	sbarrier.arrive $0xFFFF  }
0x3e: {  	s19 =	rddreg [dreg:$0x6]  }
0x3f: {  	s5 =	rddreg [dreg:$0xe]  }
0x40: {  	s8 =	rddreg [dreg:$0x16]  }
0x41: {  	[hbm:s5], [sflag:s19] =	dma.local [spmem:s8], $0x2700  }
0x42: {  	_ =	swait.ge [sflag:s20], $0x2700  }
0x43: {  	[sflag:s20] =	ssyncset.done $0x0;
	s5 =	rddreg [dreg:$0xf]  }
0x44: {  	s8 =	rddreg [dreg:$0x17];
	[sflag:s20] =	ssyncadd.s32 $0xFFFFD900  }
0x45: {  	[hbm:s5], [sflag:s19] =	dma.local @!p0 [spmem:s8], $0x100  }
0x46: {  	s5 =	simm.s32 @!p0 $0xD  }
0x47: {  	_ =	swait.ge @!p0 [sflag:s5], $0x100  }
0x48: {  	s28 =	rddreg [dreg:$0x15]  }
0x49: {  	s8 =	rddreg [dreg:$0x10];
	s28 =	sadd.s32 $0x1, s28  }
0x4a: {  	p1 =	sne.s32 s28, s8  }
.Ltmp1:
0x4b: {  	_ = 	snop;
	(pc) =	sbr.rel @!p1 .LBB2_5-.Ltmp1, $3  }
0x4c: {  	_ =	sdelay $0x1  }
0x4d: {  	[sflag:s5] =	ssyncset.done @!p0 $0x0  }
0x4e: {  	[sflag:s5] =	ssyncadd.s32 @!p0 $0xFFFFFF00  }
.LBB2_1:
0x4f: {  	[dreg:$0x15] =	wrdreg s28  }
0x50: {  	s5 =	rddreg [dreg:$0x4]  }
0x51: {  	s8 =	sshrl.u32 s5, $0x3;
	s5 =	rddreg [dreg:$0x5]  }
0x52: {  	[dreg:$0x16] =	wrdreg s8  }
0x53: {  	[spmem:s8], [sflag:s19] =	dma.local [hbm:s5], $0x2700  }
0x54: {  	_ =	swait.ge [sflag:s20], $0x2700  }
0x55: {  	s5 =	rddreg [dreg:$0x7]  }
0x56: {  	[sflag:s20] =	ssyncset.done $0x0;
	s8 =	sshrl.u32 @!p0 s5, $0x3;
	s5 =	rddreg [dreg:$0x9]  }
0x57: {  	[sflag:s20] =	ssyncadd.s32 $0xFFFFD900;
	[dreg:$0x17] =	wrdreg s8  }
0x58: {  	[spmem:s8], [sflag:s19] =	dma.local @!p0 [hbm:s5], $0x100  }
0x59: {  	s8 =	simm.s32 @!p0 $0xD  }
0x5a: {  	_ =	swait.ge @!p0 [sflag:s8], $0x100  }
0x5b: {  	[sflag:s8] =	ssyncset.done @!p0 $0x0  }
0x5c: {  	[sflag:s8] =	ssyncadd.s32 @!p0 $0xFFFFFF00  }
0x5d: {  	[bflag:$0x0] =	sbarrier.arrive $0xFFFF  }
0x5e: {  	s8 =	simm.s32 $0x13880;
	s19 =	rddreg [dreg:$0x8]  }
0x5f: {  	[tilespmem:s8], [sflag:$0x1] =	stream.linear.gather [hbm4b:s19+s4], $0x100, $0x38;
	[tilespmem:$0x1FF80] =	vst v63  }
0x60: {  	s20 =	rddreg [dreg:$0xa];
	s19 =	simm.s32 $0x13980  }
0x61: {  	[tilespmem:s19], [sflag:$0x2] =	stream.linear.gather [hbm4b:s20+s4], $0x100, $0x38;
	[tilespmem:$0x1FF80] =	vst v63  }
0x62: {  	s20 =	rddreg [dreg:$0xb]  }
0x63: {  	[tilespmem:s29], [sflag:$0x3] =	stream.linear.gather [hbm4b:s20+s4], $0x100, $0x38;
	[tilespmem:$0x1FF80] =	vst v63  }
0x64: {  	s20 =	rddreg [dreg:$0xc]  }
0x65: {  	[tilespmem:s30], [sflag:$0x4] =	stream.linear.gather [hbm4b:s20+s4], $0x100, $0x38;
	[tilespmem:$0x1FF80] =	vst v63  }
0x66: {  	_ =	swait.ge [sflag:s31], $0x100  }
0x67: {  	[sflag:s31] =	ssyncset.done $0x0  }
0x68: {  	[sflag:s31] =	ssyncadd.s32 $0xFFFFFF00  }
0x69: {  	[tilespmem:s2], [sflag:$0x7] =	stream.indirect.gather [hbm4b:s1+s0], $0x80, s8, s0, $0xb8;
	[tilespmem:$0x1FF80] =	vst v63  }
0x6a: {  	_ =	swait.ge [sflag:s6], $0x100  }
0x6b: {  	[sflag:s6] =	ssyncset.done $0x0  }
0x6c: {  	s28 =	simm.s32 $0x0;
	s8 =	rddreg [dreg:$0x14];
	[sflag:s6] =	ssyncadd.s32 $0xFFFFFF00  }
0x6d: {  	[tilespmem:s7], [sflag:$0x8] =	stream.indirect.gather [hbm4b:s1+s0], $0x80, s19, s0, $0xb8;
	[tilespmem:$0x1FF80] =	vst v63  }
.LBB2_2:
0x6e: {  	_ =	swait.ge [sflag:s9], $0x4000  }
0x6f: {  	[sflag:s9] =	ssyncset.done $0x0  }
0x70: {  	s5 =	simm.s32 $0x13900;
	p1 =	seq.s32 s28, $0x0;
	[sflag:s9] =	ssyncadd.s32 $0xFFFFC000  }
0x71: {  	[spmem:s3] =	stream.indirect.scatter.add.f32 [tilespmem:s2], [sflag:$0xA], $0x80, s5, s0, $0xb8;
	[tilespmem:$0x1FF80] =	vst v63  }
0x72: {  	s5 =	simm.s32 @!p1 $0xC  }
0x73: {  	_ =	swait.ge @!p1 [sflag:s5], $0x4000  }
0x74: {  	[sflag:s5] =	ssyncset.done @!p1 $0x0  }
0x75: {  	s20 =	sadd.s32 s28, s24;
	[sflag:s5] =	ssyncadd.s32 @!p1 $0xFFFFC000  }
0x76: {  	[tilespmem:s12], [sflag:$0x5] =	stream.linear.gather [hbm4b:s20+s4], $0x100, $0x38;
	[tilespmem:$0x1FF80] =	vst v63  }
0x77: {  	_ =	swait.ge [sflag:s13], $0x100  }
0x78: {  	[sflag:s13] =	ssyncset.done $0x0  }
0x79: {  	[sflag:s13] =	ssyncadd.s32 $0xFFFFFF00  }
0x7a: {  	[tilespmem:s14], [sflag:$0x9] =	stream.indirect.gather [hbm4b:s1+s0], $0x80, s29, s0, $0xb8;
	[tilespmem:$0x1FF80] =	vst v63  }
0x7b: {  	_ =	swait.ge [sflag:s15], $0x4000  }
0x7c: {  	[sflag:s15] =	ssyncset.done $0x0  }
0x7d: {  	s19 =	simm.s32 $0x13A00;
	[sflag:s15] =	ssyncadd.s32 $0xFFFFC000  }
0x7e: {  	[spmem:s3] =	stream.indirect.scatter.add.f32 [tilespmem:s7], [sflag:$0xB], $0x80, s19, s0, $0xb8;
	[tilespmem:$0x1FF80] =	vst v63  }
0x7f: {  	_ =	swait.ge [sflag:s17], $0x4000  }
0x80: {  	[sflag:s17] =	ssyncset.done $0x0  }
0x81: {  	s20 =	sadd.s32 s28, s23;
	[sflag:s17] =	ssyncadd.s32 $0xFFFFC000  }
0x82: {  	[tilespmem:s18], [sflag:$0x6] =	stream.linear.gather [hbm4b:s20+s4], $0x100, $0x38;
	[tilespmem:$0x1FF80] =	vst v63  }
0x83: {  	_ =	swait.ge [sflag:s10], $0x100  }
0x84: {  	[sflag:s10] =	ssyncset.done $0x0  }
0x85: {  	[sflag:s10] =	ssyncadd.s32 $0xFFFFFF00  }
0x86: {  	[tilespmem:s2], [sflag:$0x7] =	stream.indirect.gather [hbm4b:s1+s0], $0x80, s30, s0, $0xb8;
	[tilespmem:$0x1FF80] =	vst v63  }
0x87: {  	_ =	swait.ge [sflag:s22], $0x4000  }
0x88: {  	[sflag:s22] =	ssyncset.done $0x0  }
0x89: {  	p1 =	seq.s32 s28, $0x900;
	s19 =	simm.s32 $0x13B00;
	[sflag:s22] =	ssyncadd.s32 $0xFFFFC000  }
0x8a: {  	[spmem:s3] =	stream.indirect.scatter.add.f32 [tilespmem:s14], [sflag:$0xC], $0x80, s19, s0, $0xb8;
	[tilespmem:$0x1FF80] =	vst v63  }
0x8b: {  	s5 =	sshrl.u32 @!p1 s8, $0x3;
	_ =	swait.ge [sflag:s25], $0x4000  }
0x8c: {  	s5 =	sadd.s32 @!p1 s21, s5;
	[sflag:s25] =	ssyncset.done $0x0  }
0x8d: {  	s20 =	simm.s32 @!p1 $0x13880;
	s19 =	simm.s32 @!p1 $0x0;
	[sflag:s25] =	ssyncadd.s32 $0xFFFFC000  }
0x8e: {  	[tilespmem:s20], [sflag:$0x1] =	stream.linear.gather @!p1 [hbm4b:s5+s19], $0x100, $0x38;
	[tilespmem:$0x1FF80] =	vst v63  }
0x8f: {  	_ =	swait.ge [sflag:s26], $0x100  }
0x90: {  	[sflag:s26] =	ssyncset.done $0x0  }
0x91: {  	[sflag:s26] =	ssyncadd.s32 $0xFFFFFF00  }
0x92: {  	[tilespmem:s7], [sflag:$0x8] =	stream.indirect.gather [hbm4b:s1+s0], $0x80, s12, s0, $0xb8;
	[tilespmem:$0x1FF80] =	vst v63  }
0x93: {  	_ =	swait.ge [sflag:s9], $0x4000  }
0x94: {  	[sflag:s9] =	ssyncset.done $0x0  }
0x95: {  	s20 =	simm.s32 $0x13C00;
	[sflag:s9] =	ssyncadd.s32 $0xFFFFC000  }
0x96: {  	[spmem:s3] =	stream.indirect.scatter.add.f32 [tilespmem:s2], [sflag:$0xA], $0x80, s20, s0, $0xb8;
	[tilespmem:$0x1FF80] =	vst v63  }
0x97: {  	_ =	swait.ge [sflag:s11], $0x4000  }
0x98: {  	[sflag:s11] =	ssyncset.done $0x0;
	s5 =	rddreg [dreg:$0x13]  }
0x99: {  	s20 =	simm.s32 @!p1 $0x13980;
	[sflag:s11] =	ssyncadd.s32 $0xFFFFC000;
	s5 =	sadd.s32 @!p1 s28, s5  }
0x9a: {  	[tilespmem:s20], [sflag:$0x2] =	stream.linear.gather @!p1 [hbm4b:s5+s19], $0x100, $0x38;
	[tilespmem:$0x1FF80] =	vst v63  }
0x9b: {  	_ =	swait.ge [sflag:s16], $0x100  }
0x9c: {  	[sflag:s16] =	ssyncset.done $0x0  }
0x9d: {  	[sflag:s16] =	ssyncadd.s32 $0xFFFFFF00  }
0x9e: {  	[tilespmem:s14], [sflag:$0x9] =	stream.indirect.gather [hbm4b:s1+s0], $0x80, s18, s0, $0xb8;
	[tilespmem:$0x1FF80] =	vst v63  }
0x9f: {  	_ =	swait.ge [sflag:s15], $0x4000  }
0xa0: {  	[sflag:s15] =	ssyncset.done $0x0  }
.Ltmp2:
0xa1: {  	s20 =	simm.s32 $0x13D00;
	[sflag:s15] =	ssyncadd.s32 $0xFFFFC000;
	(pc) =	sbr.rel @p1 .LBB2_4-.Ltmp2, $4  }
0xa2: {  	[spmem:s3] =	stream.indirect.scatter.add.f32 [tilespmem:s7], [sflag:$0xB], $0x80, s20, s0, $0xb8;
	[tilespmem:$0x1FF80] =	vst v63  }
0xa3: {  	_ =	swait.ge [sflag:s17], $0x4000  }
0xa4: {  	[sflag:s17] =	ssyncset.done $0x0  }
0xa5: {  	[sflag:s17] =	ssyncadd.s32 $0xFFFFC000  }
0xa6: {  	s5 =	rddreg [dreg:$0x12]  }
0xa7: {  	s5 =	sadd.s32 s28, s5  }
0xa8: {  	[tilespmem:s29], [sflag:$0x3] =	stream.linear.gather [hbm4b:s5+s4], $0x100, $0x38;
	[tilespmem:$0x1FF80] =	vst v63  }
0xa9: {  	_ =	swait.ge [sflag:s31], $0x100  }
0xaa: {  	[sflag:s31] =	ssyncset.done $0x0  }
0xab: {  	s19 =	simm.s32 $0x13880;
	[sflag:s31] =	ssyncadd.s32 $0xFFFFFF00  }
0xac: {  	[tilespmem:s2], [sflag:$0x7] =	stream.indirect.gather [hbm4b:s1+s0], $0x80, s19, s0, $0xb8;
	[tilespmem:$0x1FF80] =	vst v63  }
0xad: {  	_ =	swait.ge [sflag:s22], $0x4000  }
0xae: {  	[sflag:s22] =	ssyncset.done $0x0  }
0xaf: {  	s20 =	simm.s32 $0x13E00;
	[sflag:s22] =	ssyncadd.s32 $0xFFFFC000  }
0xb0: {  	[spmem:s3] =	stream.indirect.scatter.add.f32 [tilespmem:s14], [sflag:$0xC], $0x80, s20, s0, $0xb8;
	[tilespmem:$0x1FF80] =	vst v63  }
0xb1: {  	_ =	swait.ge [sflag:s25], $0x4000  }
0xb2: {  	[sflag:s25] =	ssyncset.done $0x0;
	s19 =	rddreg [dreg:$0x11]  }
0xb3: {  	[sflag:s25] =	ssyncadd.s32 $0xFFFFC000;
	s5 =	sadd.s32 s28, s19  }
0xb4: {  	[tilespmem:s30], [sflag:$0x4] =	stream.linear.gather [hbm4b:s5+s4], $0x100, $0x38;
	[tilespmem:$0x1FF80] =	vst v63  }
.Ltmp3:
0xb5: {  	_ = 	snop;
	(pc) =	sbr.rel .LBB2_2-.Ltmp3, $4  }
0xb6: {  	_ =	swait.ge [sflag:s6], $0x100  }
0xb7: {  	s8 =	sadd.s32 $0x600, s8;
	[sflag:s6] =	ssyncset.done $0x0  }
0xb8: {  	s20 =	simm.s32 $0x13980;
	s28 =	sadd.s32 $0xC0, s28;
	[sflag:s6] =	ssyncadd.s32 $0xFFFFFF00  }
0xb9: {  	[tilespmem:s7], [sflag:$0x8] =	stream.indirect.gather [hbm4b:s1+s0], $0x80, s20, s0, $0xb8;
	[tilespmem:$0x1FF80] =	vst v63  }
.LBB2_5:
0xba: {  	_ =	sfence.sel $0x180000  }
0xbb: {  	[bflag:$0x0] =	sbarrier.arrive $0xFFFF  }
0xbc: {  	_ =	strace $0x9000004A  }
0xbd: {  	s0 =	stileid.u32;
	[bflag:$0x2] =	sbarrier.arrive $0xFFFF  }
0xbe: {  	p0 =	sne.s32 s0, $0x0;
	s0 =	rddreg [dreg:$0x3]  }
0xbf: {  	s0 =	sadd.s32 @!p0 $0x100000, s0  }
0xc0: {  	[sflag:s0] =	ssyncadd.tile.s32 @!p0 $0x1;
	_ =	shalt  }
.Lfunc_end2:
_tile_overlayer_lowered:
.L_overlay_start_2:
0xc1: {  	(tag) =	ssettag $0x2  }
0xc2: {  	s0 =	rddreg [dreg:$0x0];
	s2 =	stileid.u32  }
0xc3: {  	s1 =	rddreg [dreg:$0x1];
	p0 =	sne.s32 s2, $0x0  }
0xc4: {  	s3 =	rddreg [dreg:$0x2];
	[bflag:$0x3] =	sbarrier.arrive $0xFFFF;
	s2 =	simm.s32 @!p0 $0x1C0D  }
0xc5: {  	[timem:s3], [sflag:s2] =	dma.local @!p0 [hbm:s0], s1  }
0xc6: {  	s0 =	simm.s32 @!p0 $0xD  }
0xc7: {  	_ =	swait.ge @!p0 [sflag:s0], s1  }
0xc8: {  	s1 =	ssub.s32 @!p0 $0x0, s1;
	[sflag:s0] =	ssyncset.done @!p0 $0x0  }
0xc9: {  	[sflag:s0] =	ssyncadd.s32 @!p0 s1  }
0xca: {  	[bflag:$0x3] =	sbarrier.arrive $0xFFFF  }
0xcb: {  	_ =	shalt  }

// kernel: kernel.15.cloned.1.call-start
scs
__scs_entry_jumppad:
0x0: {  	(pc) =	sbr.rel $0x88, $3  }
0x1: {  	(tag) =	ssettag $0x0;
	lr =	simm.s32 $0x1  }
0x2: {  	[smem:$0x3F9A] =	sst lr;
	_ =	strace $0xD0000000  }
0x3: {  	_ = 	snop  }
0x4: {  	_ = 	snop  }
0x5: {  	_ = 	snop  }
0x6: {  	_ = 	snop  }
0x7: {  	_ = 	snop  }
__scs_overlays_trampoline_lowered:
0x8: {  	[smem:$0x3FA9] =	sst s0  }
0x9: {  	[smem:$0x3FAA] =	sst s1  }
0xa: {  	[smem:$0x3FAB] =	sst s2  }
0xb: {  	[smem:$0x3FAC] =	sst s3  }
0xc: {  	[smem:$0x3FAD] =	sst s4  }
0xd: {  	[smem:$0x3FAE] =	sst s5  }
0xe: {  	[smem:$0x3FAF] =	sst s6  }
0xf: {  	[smem:$0x3FB0] =	sst s7  }
0x10: {  	[smem:$0x3FB1] =	sst s8  }
0x11: {  	[smem:$0x3FB2] =	sst s9;
	s0 =	simm.s32 @!p0 $0x0  }
0x12: {  	s1 =	sld [smem:$0x3F98];
	s0 =	simm.s32 @p0 $0x1  }
0x13: {  	[smem:$0x3FB3] =	sst s0;
	s0 =	simm.s32 @!p1 $0x0  }
0x14: {  	s2 =	sld [smem:$0x3F97];
	s0 =	simm.s32 @p1 $0x1  }
0x15: {  	[smem:$0x3FB4] =	sst s0;
	s0 =	simm.s32 @!p2 $0x0  }
0x16: {  	s3 =	sld [smem:$0x3FDB];
	s0 =	simm.s32 @p2 $0x1  }
0x17: {  	s4 =	simm.s32 $0x1BF5;
	[smem:$0x3FB6] =	sst s0  }
0x18: {  	s0 =	sld [smem:$0x3F99];
	_ =	swait.ge [sflag:s4], $0x0  }
0x19: {  	s7 =	sld [smem:$0x3F9A]  }
0x1a: {  	s8 =	sadd.s32 $0xFFFFE003, lr  }
0x1b: {  	s9 =	sadd.s32 $0xFFFFFEF7, lr;
	s5 =	simm.s32 $0xFFFFFFFF;
	p2 =	slt.u32 s8, $0xFFFFF086  }
0x1c: {  	p1 =	slt.u32 s9, $0xF7A;
	s5 =	simm.s32 @!p2 $0x0  }
0x1d: {  	s5 =	simm.s32 @p1 $0x1;
	p0 =	seq.s32 s7, s2  }
0x1e: {  	s7 =	smul.u32 @!p0 $0xF7A, s2;
	p2 =	seq.s32 @!p0 s5, $0x0  }
0x1f: {  	s9 =	smul.u32 $0xF7A, s1;
	s8 =	simm.s32 @!p0 $0x1BF5;
	p2 =	por !p2, p0  }
0x20: {  	[sflag:s8] =	ssyncset.s32 @!p0 $0xFFFFF086;
	s6 =	sadd.s32 @!p0 s3, s7;
	s7 =	simm.s32 @!p0 $0x108  }
0x21: {  	s3 =	sadd.s32 s3, s9;
	s6 =	sadd.s32 @!p0 $0x88, s6;
	s7 =	simm.s32 @p2 $0x1082  }
0x22: {  	[simem:s7], [sflag:s8] =	dma.local @!p0 [hbm:s6], $0xF7A  }
0x23: {  	s9 =	sor.u32 $0xD0000000, s2;
	s6 =	simm.s32 $0x108;
	_ =	swait.ge @!p0 [sflag:s8], $0x0  }
0x24: {  	s3 =	sadd.s32 $0x88, s3;
	s6 =	simm.s32 @!p1 $0x1082;
	[sflag:s4] =	ssyncset.s32 $0xFFFFF086  }
0x25: {  	[simem:s6], [sflag:s4] =	dma.local [hbm:s3], $0xF7A  }
0x26: {  	[smem:$0x3F9A] =	sst s1;
	(tag) =	ssettag s2;
	_ =	strace s9  }
0x27: {  	s1 =	sld [smem:$0x3FAA]  }
0x28: {  	s2 =	sld [smem:$0x3FAB]  }
0x29: {  	s4 =	sld [smem:$0x3FAD]  }
0x2a: {  	p0 =	seq.s32 s5, $0x0;
	s5 =	sld [smem:$0x3FAE]  }
0x2b: {  	s6 =	sld [smem:$0x3FAF]  }
0x2c: {  	s7 =	sld [smem:$0x3FB0]  }
0x2d: {  	s3 =	simm.s32 $0x108;
	s8 =	sld [smem:$0x3FB1]  }
0x2e: {  	s3 =	simm.s32 @!p0 $0x1082;
	s9 =	sld [smem:$0x3FB2]  }
0x2f: {  	lr =	sadd.s32 s0, s3;
	s0 =	sld [smem:$0x3FA9]  }
0x30: {  	s3 =	sld [smem:$0x3FAC]  }
0x31: {  	[smem:$0x3FB5] =	sst s10  }
0x32: {  	s10 =	sld [smem:$0x3FB3];
	_ =	sdelay $0x3  }
0x33: {  	p0 =	seq.s32 s10, $0x1;
	s10 =	sld [smem:$0x3FB5];
	_ =	sdelay $0x3  }
0x34: {  	[smem:$0x3FB5] =	sst s10  }
0x35: {  	s10 =	sld [smem:$0x3FB4];
	_ =	sdelay $0x3  }
0x36: {  	p1 =	seq.s32 s10, $0x1;
	s10 =	sld [smem:$0x3FB5];
	_ =	sdelay $0x3  }
0x37: {  	[smem:$0x3FB5] =	sst s10  }
0x38: {  	s10 =	sld [smem:$0x3FB6]  }
0x39: {  	_ = 	snop;
	(pc) =	sbr.ind lr, $3  }
0x3a: {  	_ = 	snop  }
0x3b: {  	_ = 	snop  }
0x3c: {  	p2 =	seq.s32 s10, $0x1;
	s10 =	sld [smem:$0x3FB5]  }
0x3d: {  	_ =	shalt  }
0x3e: {  	_ =	shalt  }
0x3f: {  	_ =	shalt  }
0x40: {  	_ =	shalt  }
0x41: {  	_ =	shalt  }
0x42: {  	_ =	shalt  }
0x43: {  	_ =	shalt  }
0x44: {  	_ =	shalt  }
0x45: {  	_ =	shalt  }
0x46: {  	_ =	shalt  }
0x47: {  	_ =	shalt  }
0x48: {  	_ =	shalt  }
0x49: {  	_ =	shalt  }
0x4a: {  	_ =	shalt  }
0x4b: {  	_ =	shalt  }
0x4c: {  	_ =	shalt  }
0x4d: {  	_ =	shalt  }
0x4e: {  	_ =	shalt  }
0x4f: {  	_ =	shalt  }
0x50: {  	_ =	shalt  }
0x51: {  	_ =	shalt  }
0x52: {  	_ =	shalt  }
0x53: {  	_ =	shalt  }
0x54: {  	_ =	shalt  }
0x55: {  	_ =	shalt  }
0x56: {  	_ =	shalt  }
0x57: {  	_ =	shalt  }
0x58: {  	_ =	shalt  }
0x59: {  	_ =	shalt  }
0x5a: {  	_ =	shalt  }
0x5b: {  	_ =	shalt  }
0x5c: {  	_ =	shalt  }
0x5d: {  	_ =	shalt  }
0x5e: {  	_ =	shalt  }
0x5f: {  	_ =	shalt  }
0x60: {  	_ =	shalt  }
0x61: {  	_ =	shalt  }
0x62: {  	_ =	shalt  }
0x63: {  	_ =	shalt  }
0x64: {  	_ =	shalt  }
0x65: {  	_ =	shalt  }
0x66: {  	_ =	shalt  }
0x67: {  	_ =	shalt  }
0x68: {  	_ =	shalt  }
0x69: {  	_ =	shalt  }
0x6a: {  	_ =	shalt  }
0x6b: {  	_ =	shalt  }
0x6c: {  	_ =	shalt  }
0x6d: {  	_ =	shalt  }
0x6e: {  	_ =	shalt  }
0x6f: {  	_ =	shalt  }
0x70: {  	_ =	shalt  }
0x71: {  	_ =	shalt  }
0x72: {  	_ =	shalt  }
0x73: {  	_ =	shalt  }
0x74: {  	_ =	shalt  }
0x75: {  	_ =	shalt  }
0x76: {  	_ =	shalt  }
0x77: {  	_ =	shalt  }
0x78: {  	_ =	shalt  }
0x79: {  	_ =	shalt  }
0x7a: {  	_ =	shalt  }
0x7b: {  	_ =	shalt  }
0x7c: {  	_ =	shalt  }
0x7d: {  	_ =	shalt  }
0x7e: {  	_ =	shalt  }
0x7f: {  	_ =	shalt  }
0x80: {  	_ =	shalt  }
0x81: {  	_ =	shalt  }
0x82: {  	_ =	shalt  }
0x83: {  	_ =	shalt  }
0x84: {  	_ =	shalt  }
0x85: {  	_ =	shalt  }
0x86: {  	_ =	shalt  }
0x87: {  	_ =	shalt  }
.Lfunc_end0:
.L_simem_size_0:
called_computation.2_lowered:
.L_overlay_start_0:
0x88: {  	s2 =	sld [smem:$0x3FD9]  }
0x89: {  	s3 =	sld [smem:$0x3FFE];
	_ =	sdelay $0x1  }
0x8a: {  	s1 =	srdreg.scid  }
0x8b: {  	s0 =	sand.u32 $0x1, s1  }
0x8c: {  	s17 =	sshll.u32 s0, $0xA;
	s2 =	sadd.s32 s3, s2  }
0x8d: {  	s2 =	sadd.s32 s2, s17  }
0x8e: {  	[smem:$0x3FC1] =	sst s2  }
0x8f: {  	_ = 	snop  }
0x90: {  	s2 =	sld [smem:$0x3FD0];
	(tm) =	ssettm $0x1  }
0x91: {  	s18 =	sld [smem:$0x3FFB];
	_ =	sdelay $0x3  }
0x92: {  	_ =	strace s18  }
0x93: {  	s3 =	sld [smem:$0x3FFC];
	_ =	sdelay $0x3  }
0x94: {  	_ =	strace s3  }
0x95: {  	s3 =	sld [smem:$0x3FFD];
	_ =	sdelay $0x3  }
0x96: {  	_ =	strace s3  }
0x97: {  	_ =	strace $0x8FFFFFFF  }
0x98: {  	s19 =	sld [smem:$0x3FDB];
	_ =	sdelay $0x1  }
0x99: {  	s4 =	simm.s32 $_scs_section_size  }
0x9a: {  	s5 =	simm.s32 $_size__tile_overlayer_lowered;
	s6 =	simm.s32 $_tile_overlayer_lowered  }
0x9b: {  	s22 =	simm.s32 $0x1BFF;
	s21 =	sshll.u32 s6, $0x1;
	s3 =	sadd.s32 s4, s19  }
0x9c: {  	s7 =	simm.s32 $0x0;
	s20 =	sshll.u32 s5, $0x1;
	s5 =	sadd.s32 s21, s3  }
0x9d: {  	[timem:s7], [sflag:s22] =	dma.local [hbm:s5], s20  }
0x9e: {  	_ =	swait.ge [sflag:s22], s20  }
0x9f: {  	s4 =	ssub.s32 $0x0, s20;
	[sflag:s22] =	ssyncset.done $0x0  }
0xa0: {  	[sflag:s22] =	ssyncadd.s32 s4;
	_ =	sdelay $0x1  }
0xa1: {  	s23 =	simm.s32 $0x1B8B  }
0xa2: {  	_ =	swait.ge [sflag:s23], $0x1  }
0xa3: {  	[sflag:s23] =	ssyncset.done $0x0  }
0xa4: {  	s25 =	simm.s32 $0x1B8E;
	s24 =	sld [smem:$0x3FFE];
	[sflag:s23] =	ssyncadd.s32 $0xFFFFFFFF  }
0xa5: {  	s26 =	simm.s32 $execute0_lowered;
	[smem:$0x3FD2] =	sst s25  }
0xa6: {  	s5 =	sshll.u32 s26, $0x1;
	_ =	strace $0x8000004C;
	[dreg:$0x1] =	wrdreg $0xFFFFFFFF  }
0xa7: {  	s28 =	simm.s32 $_size_execute0_lowered;
	s3 =	sadd.s32 s3, s5;
	[dreg:$0x0] =	wrdreg $0x0  }
0xa8: {  	s5 =	sshll.u32 s28, $0x1;
	[dreg:$0x2] =	wrdreg s3  }
0xa9: {  	[dreg:$0x3] =	wrdreg s5  }
0xaa: {  	[dreg:$0x4] =	wrdreg $0xC0  }
0xab: {  	_ =	task [dreg:s7], $0x5FFFF  }
0xac: {  	[dreg:$0x1] =	wrdreg $0xFFFFFFFF  }
0xad: {  	[dreg:$0x0] =	wrdreg $0x60  }
0xae: {  	[dreg:$0x2] =	wrdreg s2  }
0xaf: {  	[dreg:$0x3] =	wrdreg s24  }
0xb0: {  	[dreg:$0x4] =	wrdreg $0x0  }
0xb1: {  	[dreg:$0x5] =	wrdreg $0x9  }
0xb2: {  	_ =	task.clear_ibuf [dreg:s7], $0x6FFFF;
	_ =	strace $0x9000004C  }
0xb3: {  	s29 =	simm.s32 $0x9;
	_ =	strace $0x8000004E  }
0xb4: {  	_ =	swait.ge [sflag:s29], $0x1  }
0xb5: {  	[sflag:s29] =	ssyncadd.s32 $0xFFFFFFFF  }
0xb6: {  	_ =	strace $0x9000004E  }
0xb7: {  	_ =	sfence  }
0xb8: {  	s30 =	sld [smem:$0x0];
	_ =	sdelay $0x2  }
0xb9: {  	s31 =	sshll.u32 s1, $0xD;
	s1 =	sshrl.u32 s1, $0x2  }
0xba: {  	s3 =	sand.u32 $0x4000, s31;
	s1 =	sadd.s32 s1, s30  }
0xbb: {  	s0 =	sor.u32 s3, s0;
	s1 =	sshll.u32 s1, $0x11  }
0xbc: {  	s0 =	sor.u32 s1, s0  }
0xbd: {  	s0 =	sadd.s32 $0x8F2B, s0  }
0xbe: {  	[sflag:s0] =	ssyncadd.remote.s32 $0x1  }
0xbf: {  	_ =	sfence.sel $0xFFFF  }
0xc0: {  	[dreg:$0x0] =	wrdreg $0xFFFFFFFF;
	(pc) =	sbr.abs _section_cstart, $3  }
0xc1: {  	[dreg:$0x1] =	wrdreg $0xFFFFFFFF  }
0xc2: {  	_ =	task.clear_ibuf [dreg:s7], $0x2FFFF;
	_ =	strace $0x9FFFFFFF  }
0xc3: {  	(tm) =	ssettm $0x7FFFFFFF  }
tec
execute0_lowered:
.L_overlay_start_1:
0x0: {  	(tag) =	ssettag $0x1  }
0x1: {  	s1 =	rddreg [dreg:$0x0]  }
0x2: {  	s0 =	rddreg [dreg:$0x1]  }
0x3: {  	s3 =	rddreg [dreg:$0x2]  }
0x4: {  	s2 =	srdreg.scid;
	s4 =	simm.s32 $0x0;
	s5 =	stileid.u32  }
0x5: {  	s29 =	simm.s32 $0x13A80;
	s30 =	simm.s32 $0x13B80;
	s31 =	simm.s32 $0x1  }
0x6: {  	s28 =	simm.s32 $0x0;
	s2 =	sand.u32 $0x1, s2;
	s7 =	smul.u32 $0x13800, s5  }
0x7: {  	[smem:$0x7FF] =	sst s4;
	s14 =	sadd.s32 $0x3000, s0;
	s10 =	smul.u32 $0x4E000, s5  }
0x8: {  	s13 =	sadd.s32 $0x3DE00, s0;
	s23 =	sshll.u32 s5, $0x6;
	s24 =	sadd.s32 $0x138000, s3  }
0x9: {  	s15 =	smul.u32 $0x4E00, s5;
	p0 =	sne.s32 s5, $0xF;
	s6 =	sshll.u32 s2, $0x4  }
0xa: {  	_ =	strace $0x8000004D;
	s11 =	ssub.s32 $0x2, s2;
	s26 =	smul.u32 $0x138800, s2  }
0xb: {  	s19 =	sor.u32 $0x1C0D, s23;
	[dreg:$0x7] =	wrdreg s24;
	s2 =	smul.u32 $0x4E000, s2  }
0xc: {  	s6 =	sor.u32 s5, s6;
	s9 =	sshrl.u32 s7, $0x3;
	s12 =	sshrl.u32 s11, $0x1  }
0xd: {  	s10 =	sshrl.u32 s10, $0x2;
	[dreg:$0x6] =	wrdreg s19;
	s8 =	sshll.u32 s6, $0x5  }
0xe: {  	s9 =	sadd.s32 s9, s0;
	s6 =	smul.u32 $0x4E00, s6;
	s11 =	ssub.s32 s11, s12  }
0xf: {  	s10 =	sadd.s32 s10, s3;
	s12 =	sadd.s32 s7, s26;
	s16 =	sadd.s32 s15, s2  }
0x10: {  	s15 =	simm.s32 $0x8;
	s8 =	sadd.s32 s8, s0;
	[dreg:$0x4] =	wrdreg s10  }
0x11: {  	s9 =	sadd.s32 $0x16C00, s9;
	s0 =	sadd.s32 $0x3DC00, s0;
	s17 =	smax.u32 s11, $0x1  }
0x12: {  	s18 =	sadd.s32 $0x900, s16;
	s20 =	sadd.s32 $0x800, s16;
	s7 =	sadd.s32 $0x700, s16  }
0x13: {  	s23 =	sadd.s32 $0x500, s16;
	s24 =	sadd.s32 $0x400, s16;
	[dreg:$0x5] =	wrdreg s9  }
0x14: {  	s11 =	simm.s32 $0xC;
	s6 =	sshrl.u32 s6, $0x3;
	[dreg:$0x9] =	wrdreg s0  }
0x15: {  	s0 =	sshrl.u32 s26, $0x3;
	s8 =	sadd.s32 $0x16800, s8;
	[dreg:$0x10] =	wrdreg s17  }
0x16: {  	s2 =	sshrl.u32 s18, $0x3;
	s22 =	sshrl.u32 s7, $0x3;
	s26 =	sshrl.u32 s24, $0x3  }
0x17: {  	s7 =	simm.s32 $0x17F80;
	s6 =	sadd.s32 s14, s6;
	[dreg:$0xd] =	wrdreg s8  }
0x18: {  	s9 =	simm.s32 $0x7;
	s2 =	sadd.s32 s2, s14;
	[dreg:$0x8] =	wrdreg s6  }
0x19: {  	s17 =	simm.s32 $0xA;
	s25 =	sadd.s32 $0x20, s6;
	[dreg:$0x11] =	wrdreg s2  }
0x1a: {  	s18 =	simm.s32 $0x13D80;
	s10 =	sadd.s32 $0x40, s6;
	[dreg:$0xa] =	wrdreg s25  }
0x1b: {  	s0 =	sadd.s32 s13, s0;
	s6 =	sadd.s32 $0x60, s6;
	[dreg:$0xb] =	wrdreg s10  }
0x1c: {  	s24 =	sadd.s32 s26, s14;
	s0 =	sadd.s32 $0x27000, s0;
	[dreg:$0xc] =	wrdreg s6  }
0x1d: {  	s26 =	simm.s32 $0x5;
	s2 =	sadd.s32 s22, s14;
	[dreg:$0xf] =	wrdreg s0  }
0x1e: {  	s22 =	simm.s32 $0x9;
	s6 =	sshrl.u32 s12, $0x3;
	[dreg:$0x13] =	wrdreg s2  }
0x1f: {  	s0 =	sadd.s32 $0x600, s16;
	s25 =	sshrl.u32 s23, $0x3;
	s2 =	simm.s32 $0x13F80  }
0x20: {  	s12 =	simm.s32 $0x13C80;
	s10 =	simm.s32 $0x4;
	s16 =	simm.s32 $0x6  }
.Ltmp0:
0x21: {  	s6 =	sadd.s32 s13, s6;
	[dreg:$0x14] =	wrdreg s0;
	(pc) =	sbr.rel .LBB2_1-.Ltmp0, $4  }
0x22: {  	s23 =	sadd.s32 s25, s14;
	s0 =	simm.s32 $0x80;
	s13 =	simm.s32 $0x3  }
0x23: {  	s25 =	simm.s32 $0xB;
	[dreg:$0xe] =	wrdreg s6;
	s6 =	sshrl.u32 s20, $0x3  }
0x24: {  	s20 =	simm.s32 $0xD;
	s21 =	sadd.s32 s6, s14;
	s6 =	simm.s32 $0x2  }
0x25: {  	[dreg:$0x12] =	wrdreg s21;
	s21 =	smov.u32 s14;
	s14 =	simm.s32 $0x1BF80  }
.LBB2_4:
0x26: {  	_ =	swait.ge [sflag:s22], $0x4000  }
0x27: {  	[sflag:s22] =	ssyncset.done $0x0  }
0x28: {  	s5 =	simm.s32 $0x13E00;
	[sflag:s22] =	ssyncadd.s32 $0xFFFFC000  }
0x29: {  	[spmem:s3] =	stream.indirect.scatter.add.f32 [tilespmem:s14], [sflag:$0xC], $0x80, s5, s0, $0xb8;
	[tilespmem:$0x1FF80] =	vst v63  }
0x2a: {  	_ =	swait.ge [sflag:s25], $0x4000  }
0x2b: {  	[sflag:s25] =	ssyncset.done $0x0  }
0x2c: {  	[sflag:s25] =	ssyncadd.s32 $0xFFFFC000  }
0x2d: {  	_ =	swait.ge [sflag:s11], $0x4000  }
0x2e: {  	[sflag:s11] =	ssyncset.done $0x0  }
0x2f: {  	s8 =	simm.s32 $0x13E80;
	s20 =	rddreg [dreg:$0xd];
	[sflag:s11] =	ssyncadd.s32 $0xFFFFC000  }
0x30: {  	[tilespmem:s8], [sflag:$0xD] =	stream.linear.gather [hbm4b:s20+s4], $0x100, $0x38;
	[tilespmem:$0x1FF80] =	vst v63  }
0x31: {  	s20 =	simm.s32 $0xD  }
0x32: {  	_ =	swait.ge [sflag:s20], $0x100  }
0x33: {  	[sflag:s20] =	ssyncset.done $0x0  }
0x34: {  	s5 =	simm.s32 $0x10;
	[sflag:s20] =	ssyncadd.s32 $0xFFFFFF00  }
0x35: {  	[tilespmem:s2], [sflag:$0x7] =	stream.indirect.gather [hbm4b:s1+s5], $0x80, s8, s5, $0xb8;
	[tilespmem:$0x1FF80] =	vst v63  }
0x36: {  	_ =	swait.ge [sflag:s9], $0x800  }
0x37: {  	[sflag:s9] =	ssyncset.done $0x0  }
0x38: {  	s19 =	simm.s32 $0x13F00;
	[sflag:s9] =	ssyncadd.s32 $0xFFFFF800  }
0x39: {  	[spmem:s3] =	stream.indirect.scatter.add.f32 [tilespmem:s2], [sflag:$0xD], $0x80, s19, s5, $0xb8;
	[tilespmem:$0x1FF80] =	vst v63  }
0x3a: {  	_ =	swait.ge [sflag:s20], $0x800  }
0x3b: {  	[sflag:s20] =	ssyncset.done $0x0  }
0x3c: {  	[sflag:s20] =	ssyncadd.s32 $0xFFFFF800  }
0x3d: {  	[bflag:$0x0] =	sbarrier.arrive $0xFFFF  }
0x3e: {  	s19 =	rddreg [dreg:$0x6]  }
0x3f: {  	s5 =	rddreg [dreg:$0xe]  }
0x40: {  	s8 =	rddreg [dreg:$0x16]  }
0x41: {  	[hbm:s5], [sflag:s19] =	dma.local [spmem:s8], $0x2700  }
0x42: {  	_ =	swait.ge [sflag:s20], $0x2700  }
0x43: {  	[sflag:s20] =	ssyncset.done $0x0;
	s5 =	rddreg [dreg:$0xf]  }
0x44: {  	s8 =	rddreg [dreg:$0x17];
	[sflag:s20] =	ssyncadd.s32 $0xFFFFD900  }
0x45: {  	[hbm:s5], [sflag:s19] =	dma.local @!p0 [spmem:s8], $0x100  }
0x46: {  	s5 =	simm.s32 @!p0 $0xD  }
0x47: {  	_ =	swait.ge @!p0 [sflag:s5], $0x100  }
0x48: {  	s28 =	rddreg [dreg:$0x15]  }
0x49: {  	s8 =	rddreg [dreg:$0x10];
	s28 =	sadd.s32 $0x1, s28  }
0x4a: {  	p1 =	sne.s32 s28, s8  }
.Ltmp1:
0x4b: {  	_ = 	snop;
	(pc) =	sbr.rel @!p1 .LBB2_5-.Ltmp1, $3  }
0x4c: {  	_ =	sdelay $0x1  }
0x4d: {  	[sflag:s5] =	ssyncset.done @!p0 $0x0  }
0x4e: {  	[sflag:s5] =	ssyncadd.s32 @!p0 $0xFFFFFF00  }
.LBB2_1:
0x4f: {  	[dreg:$0x15] =	wrdreg s28  }
0x50: {  	s5 =	rddreg [dreg:$0x4]  }
0x51: {  	s8 =	sshrl.u32 s5, $0x3;
	s5 =	rddreg [dreg:$0x5]  }
0x52: {  	[dreg:$0x16] =	wrdreg s8  }
0x53: {  	[spmem:s8], [sflag:s19] =	dma.local [hbm:s5], $0x2700  }
0x54: {  	_ =	swait.ge [sflag:s20], $0x2700  }
0x55: {  	s5 =	rddreg [dreg:$0x7]  }
0x56: {  	[sflag:s20] =	ssyncset.done $0x0;
	s8 =	sshrl.u32 @!p0 s5, $0x3;
	s5 =	rddreg [dreg:$0x9]  }
0x57: {  	[sflag:s20] =	ssyncadd.s32 $0xFFFFD900;
	[dreg:$0x17] =	wrdreg s8  }
0x58: {  	[spmem:s8], [sflag:s19] =	dma.local @!p0 [hbm:s5], $0x100  }
0x59: {  	s8 =	simm.s32 @!p0 $0xD  }
0x5a: {  	_ =	swait.ge @!p0 [sflag:s8], $0x100  }
0x5b: {  	[sflag:s8] =	ssyncset.done @!p0 $0x0  }
0x5c: {  	[sflag:s8] =	ssyncadd.s32 @!p0 $0xFFFFFF00  }
0x5d: {  	[bflag:$0x0] =	sbarrier.arrive $0xFFFF  }
0x5e: {  	s8 =	simm.s32 $0x13880;
	s19 =	rddreg [dreg:$0x8]  }
0x5f: {  	[tilespmem:s8], [sflag:$0x1] =	stream.linear.gather [hbm4b:s19+s4], $0x100, $0x38;
	[tilespmem:$0x1FF80] =	vst v63  }
0x60: {  	s20 =	rddreg [dreg:$0xa];
	s19 =	simm.s32 $0x13980  }
0x61: {  	[tilespmem:s19], [sflag:$0x2] =	stream.linear.gather [hbm4b:s20+s4], $0x100, $0x38;
	[tilespmem:$0x1FF80] =	vst v63  }
0x62: {  	s20 =	rddreg [dreg:$0xb]  }
0x63: {  	[tilespmem:s29], [sflag:$0x3] =	stream.linear.gather [hbm4b:s20+s4], $0x100, $0x38;
	[tilespmem:$0x1FF80] =	vst v63  }
0x64: {  	s20 =	rddreg [dreg:$0xc]  }
0x65: {  	[tilespmem:s30], [sflag:$0x4] =	stream.linear.gather [hbm4b:s20+s4], $0x100, $0x38;
	[tilespmem:$0x1FF80] =	vst v63  }
0x66: {  	_ =	swait.ge [sflag:s31], $0x100  }
0x67: {  	[sflag:s31] =	ssyncset.done $0x0  }
0x68: {  	[sflag:s31] =	ssyncadd.s32 $0xFFFFFF00  }
0x69: {  	[tilespmem:s2], [sflag:$0x7] =	stream.indirect.gather [hbm4b:s1+s0], $0x80, s8, s0, $0xb8;
	[tilespmem:$0x1FF80] =	vst v63  }
0x6a: {  	_ =	swait.ge [sflag:s6], $0x100  }
0x6b: {  	[sflag:s6] =	ssyncset.done $0x0  }
0x6c: {  	s28 =	simm.s32 $0x0;
	s8 =	rddreg [dreg:$0x14];
	[sflag:s6] =	ssyncadd.s32 $0xFFFFFF00  }
0x6d: {  	[tilespmem:s7], [sflag:$0x8] =	stream.indirect.gather [hbm4b:s1+s0], $0x80, s19, s0, $0xb8;
	[tilespmem:$0x1FF80] =	vst v63  }
.LBB2_2:
0x6e: {  	_ =	swait.ge [sflag:s9], $0x4000  }
0x6f: {  	[sflag:s9] =	ssyncset.done $0x0  }
0x70: {  	s5 =	simm.s32 $0x13900;
	p1 =	seq.s32 s28, $0x0;
	[sflag:s9] =	ssyncadd.s32 $0xFFFFC000  }
0x71: {  	[spmem:s3] =	stream.indirect.scatter.add.f32 [tilespmem:s2], [sflag:$0xA], $0x80, s5, s0, $0xb8;
	[tilespmem:$0x1FF80] =	vst v63  }
0x72: {  	s5 =	simm.s32 @!p1 $0xC  }
0x73: {  	_ =	swait.ge @!p1 [sflag:s5], $0x4000  }
0x74: {  	[sflag:s5] =	ssyncset.done @!p1 $0x0  }
0x75: {  	s20 =	sadd.s32 s28, s24;
	[sflag:s5] =	ssyncadd.s32 @!p1 $0xFFFFC000  }
0x76: {  	[tilespmem:s12], [sflag:$0x5] =	stream.linear.gather [hbm4b:s20+s4], $0x100, $0x38;
	[tilespmem:$0x1FF80] =	vst v63  }
0x77: {  	_ =	swait.ge [sflag:s13], $0x100  }
0x78: {  	[sflag:s13] =	ssyncset.done $0x0  }
0x79: {  	[sflag:s13] =	ssyncadd.s32 $0xFFFFFF00  }
0x7a: {  	[tilespmem:s14], [sflag:$0x9] =	stream.indirect.gather [hbm4b:s1+s0], $0x80, s29, s0, $0xb8;
	[tilespmem:$0x1FF80] =	vst v63  }
0x7b: {  	_ =	swait.ge [sflag:s15], $0x4000  }
0x7c: {  	[sflag:s15] =	ssyncset.done $0x0  }
0x7d: {  	s19 =	simm.s32 $0x13A00;
	[sflag:s15] =	ssyncadd.s32 $0xFFFFC000  }
0x7e: {  	[spmem:s3] =	stream.indirect.scatter.add.f32 [tilespmem:s7], [sflag:$0xB], $0x80, s19, s0, $0xb8;
	[tilespmem:$0x1FF80] =	vst v63  }
0x7f: {  	_ =	swait.ge [sflag:s17], $0x4000  }
0x80: {  	[sflag:s17] =	ssyncset.done $0x0  }
0x81: {  	s20 =	sadd.s32 s28, s23;
	[sflag:s17] =	ssyncadd.s32 $0xFFFFC000  }
0x82: {  	[tilespmem:s18], [sflag:$0x6] =	stream.linear.gather [hbm4b:s20+s4], $0x100, $0x38;
	[tilespmem:$0x1FF80] =	vst v63  }
0x83: {  	_ =	swait.ge [sflag:s10], $0x100  }
0x84: {  	[sflag:s10] =	ssyncset.done $0x0  }
0x85: {  	[sflag:s10] =	ssyncadd.s32 $0xFFFFFF00  }
0x86: {  	[tilespmem:s2], [sflag:$0x7] =	stream.indirect.gather [hbm4b:s1+s0], $0x80, s30, s0, $0xb8;
	[tilespmem:$0x1FF80] =	vst v63  }
0x87: {  	_ =	swait.ge [sflag:s22], $0x4000  }
0x88: {  	[sflag:s22] =	ssyncset.done $0x0  }
0x89: {  	p1 =	seq.s32 s28, $0x900;
	s19 =	simm.s32 $0x13B00;
	[sflag:s22] =	ssyncadd.s32 $0xFFFFC000  }
0x8a: {  	[spmem:s3] =	stream.indirect.scatter.add.f32 [tilespmem:s14], [sflag:$0xC], $0x80, s19, s0, $0xb8;
	[tilespmem:$0x1FF80] =	vst v63  }
0x8b: {  	s5 =	sshrl.u32 @!p1 s8, $0x3;
	_ =	swait.ge [sflag:s25], $0x4000  }
0x8c: {  	s5 =	sadd.s32 @!p1 s21, s5;
	[sflag:s25] =	ssyncset.done $0x0  }
0x8d: {  	s20 =	simm.s32 @!p1 $0x13880;
	s19 =	simm.s32 @!p1 $0x0;
	[sflag:s25] =	ssyncadd.s32 $0xFFFFC000  }
0x8e: {  	[tilespmem:s20], [sflag:$0x1] =	stream.linear.gather @!p1 [hbm4b:s5+s19], $0x100, $0x38;
	[tilespmem:$0x1FF80] =	vst v63  }
0x8f: {  	_ =	swait.ge [sflag:s26], $0x100  }
0x90: {  	[sflag:s26] =	ssyncset.done $0x0  }
0x91: {  	[sflag:s26] =	ssyncadd.s32 $0xFFFFFF00  }
0x92: {  	[tilespmem:s7], [sflag:$0x8] =	stream.indirect.gather [hbm4b:s1+s0], $0x80, s12, s0, $0xb8;
	[tilespmem:$0x1FF80] =	vst v63  }
0x93: {  	_ =	swait.ge [sflag:s9], $0x4000  }
0x94: {  	[sflag:s9] =	ssyncset.done $0x0  }
0x95: {  	s20 =	simm.s32 $0x13C00;
	[sflag:s9] =	ssyncadd.s32 $0xFFFFC000  }
0x96: {  	[spmem:s3] =	stream.indirect.scatter.add.f32 [tilespmem:s2], [sflag:$0xA], $0x80, s20, s0, $0xb8;
	[tilespmem:$0x1FF80] =	vst v63  }
0x97: {  	_ =	swait.ge [sflag:s11], $0x4000  }
0x98: {  	[sflag:s11] =	ssyncset.done $0x0;
	s5 =	rddreg [dreg:$0x13]  }
0x99: {  	s20 =	simm.s32 @!p1 $0x13980;
	[sflag:s11] =	ssyncadd.s32 $0xFFFFC000;
	s5 =	sadd.s32 @!p1 s28, s5  }
0x9a: {  	[tilespmem:s20], [sflag:$0x2] =	stream.linear.gather @!p1 [hbm4b:s5+s19], $0x100, $0x38;
	[tilespmem:$0x1FF80] =	vst v63  }
0x9b: {  	_ =	swait.ge [sflag:s16], $0x100  }
0x9c: {  	[sflag:s16] =	ssyncset.done $0x0  }
0x9d: {  	[sflag:s16] =	ssyncadd.s32 $0xFFFFFF00  }
0x9e: {  	[tilespmem:s14], [sflag:$0x9] =	stream.indirect.gather [hbm4b:s1+s0], $0x80, s18, s0, $0xb8;
	[tilespmem:$0x1FF80] =	vst v63  }
0x9f: {  	_ =	swait.ge [sflag:s15], $0x4000  }
0xa0: {  	[sflag:s15] =	ssyncset.done $0x0  }
.Ltmp2:
0xa1: {  	s20 =	simm.s32 $0x13D00;
	[sflag:s15] =	ssyncadd.s32 $0xFFFFC000;
	(pc) =	sbr.rel @p1 .LBB2_4-.Ltmp2, $4  }
0xa2: {  	[spmem:s3] =	stream.indirect.scatter.add.f32 [tilespmem:s7], [sflag:$0xB], $0x80, s20, s0, $0xb8;
	[tilespmem:$0x1FF80] =	vst v63  }
0xa3: {  	_ =	swait.ge [sflag:s17], $0x4000  }
0xa4: {  	[sflag:s17] =	ssyncset.done $0x0  }
0xa5: {  	[sflag:s17] =	ssyncadd.s32 $0xFFFFC000  }
0xa6: {  	s5 =	rddreg [dreg:$0x12]  }
0xa7: {  	s5 =	sadd.s32 s28, s5  }
0xa8: {  	[tilespmem:s29], [sflag:$0x3] =	stream.linear.gather [hbm4b:s5+s4], $0x100, $0x38;
	[tilespmem:$0x1FF80] =	vst v63  }
0xa9: {  	_ =	swait.ge [sflag:s31], $0x100  }
0xaa: {  	[sflag:s31] =	ssyncset.done $0x0  }
0xab: {  	s19 =	simm.s32 $0x13880;
	[sflag:s31] =	ssyncadd.s32 $0xFFFFFF00  }
0xac: {  	[tilespmem:s2], [sflag:$0x7] =	stream.indirect.gather [hbm4b:s1+s0], $0x80, s19, s0, $0xb8;
	[tilespmem:$0x1FF80] =	vst v63  }
0xad: {  	_ =	swait.ge [sflag:s22], $0x4000  }
0xae: {  	[sflag:s22] =	ssyncset.done $0x0  }
0xaf: {  	s20 =	simm.s32 $0x13E00;
	[sflag:s22] =	ssyncadd.s32 $0xFFFFC000  }
0xb0: {  	[spmem:s3] =	stream.indirect.scatter.add.f32 [tilespmem:s14], [sflag:$0xC], $0x80, s20, s0, $0xb8;
	[tilespmem:$0x1FF80] =	vst v63  }
0xb1: {  	_ =	swait.ge [sflag:s25], $0x4000  }
0xb2: {  	[sflag:s25] =	ssyncset.done $0x0;
	s19 =	rddreg [dreg:$0x11]  }
0xb3: {  	[sflag:s25] =	ssyncadd.s32 $0xFFFFC000;
	s5 =	sadd.s32 s28, s19  }
0xb4: {  	[tilespmem:s30], [sflag:$0x4] =	stream.linear.gather [hbm4b:s5+s4], $0x100, $0x38;
	[tilespmem:$0x1FF80] =	vst v63  }
.Ltmp3:
0xb5: {  	_ = 	snop;
	(pc) =	sbr.rel .LBB2_2-.Ltmp3, $4  }
0xb6: {  	_ =	swait.ge [sflag:s6], $0x100  }
0xb7: {  	s8 =	sadd.s32 $0x600, s8;
	[sflag:s6] =	ssyncset.done $0x0  }
0xb8: {  	s20 =	simm.s32 $0x13980;
	s28 =	sadd.s32 $0xC0, s28;
	[sflag:s6] =	ssyncadd.s32 $0xFFFFFF00  }
0xb9: {  	[tilespmem:s7], [sflag:$0x8] =	stream.indirect.gather [hbm4b:s1+s0], $0x80, s20, s0, $0xb8;
	[tilespmem:$0x1FF80] =	vst v63  }
.LBB2_5:
0xba: {  	_ =	sfence.sel $0x180000  }
0xbb: {  	[bflag:$0x0] =	sbarrier.arrive $0xFFFF  }
0xbc: {  	_ =	strace $0x9000004D  }
0xbd: {  	s0 =	stileid.u32;
	[bflag:$0x2] =	sbarrier.arrive $0xFFFF  }
0xbe: {  	p0 =	sne.s32 s0, $0x0;
	s0 =	rddreg [dreg:$0x3]  }
0xbf: {  	s0 =	sadd.s32 @!p0 $0x100000, s0  }
0xc0: {  	[sflag:s0] =	ssyncadd.tile.s32 @!p0 $0x1;
	_ =	shalt  }
.Lfunc_end2:
_tile_overlayer_lowered:
.L_overlay_start_2:
0xc1: {  	(tag) =	ssettag $0x2  }
0xc2: {  	s0 =	rddreg [dreg:$0x0];
	s2 =	stileid.u32  }
0xc3: {  	s1 =	rddreg [dreg:$0x1];
	p0 =	sne.s32 s2, $0x0  }
0xc4: {  	s3 =	rddreg [dreg:$0x2];
	[bflag:$0x3] =	sbarrier.arrive $0xFFFF;
	s2 =	simm.s32 @!p0 $0x1C0D  }
0xc5: {  	[timem:s3], [sflag:s2] =	dma.local @!p0 [hbm:s0], s1  }
0xc6: {  	s0 =	simm.s32 @!p0 $0xD  }
0xc7: {  	_ =	swait.ge @!p0 [sflag:s0], s1  }
0xc8: {  	s1 =	ssub.s32 @!p0 $0x0, s1;
	[sflag:s0] =	ssyncset.done @!p0 $0x0  }
0xc9: {  	[sflag:s0] =	ssyncadd.s32 @!p0 s1  }
0xca: {  	[bflag:$0x3] =	sbarrier.arrive $0xFFFF  }
0xcb: {  	_ =	shalt  }

// kernel: kernel.9.cloned.1.call-start
scs
__scs_entry_jumppad:
0x0: {  	(pc) =	sbr.rel $0x88, $3  }
0x1: {  	(tag) =	ssettag $0x0;
	lr =	simm.s32 $0x1  }
0x2: {  	[smem:$0x3F9A] =	sst lr;
	_ =	strace $0xD0000000  }
0x3: {  	_ = 	snop  }
0x4: {  	_ = 	snop  }
0x5: {  	_ = 	snop  }
0x6: {  	_ = 	snop  }
0x7: {  	_ = 	snop  }
__scs_overlays_trampoline_lowered:
0x8: {  	[smem:$0x3FA9] =	sst s0  }
0x9: {  	[smem:$0x3FAA] =	sst s1  }
0xa: {  	[smem:$0x3FAB] =	sst s2  }
0xb: {  	[smem:$0x3FAC] =	sst s3  }
0xc: {  	[smem:$0x3FAD] =	sst s4  }
0xd: {  	[smem:$0x3FAE] =	sst s5  }
0xe: {  	[smem:$0x3FAF] =	sst s6  }
0xf: {  	[smem:$0x3FB0] =	sst s7  }
0x10: {  	[smem:$0x3FB1] =	sst s8  }
0x11: {  	[smem:$0x3FB2] =	sst s9;
	s0 =	simm.s32 @!p0 $0x0  }
0x12: {  	s1 =	sld [smem:$0x3F98];
	s0 =	simm.s32 @p0 $0x1  }
0x13: {  	[smem:$0x3FB3] =	sst s0;
	s0 =	simm.s32 @!p1 $0x0  }
0x14: {  	s2 =	sld [smem:$0x3F97];
	s0 =	simm.s32 @p1 $0x1  }
0x15: {  	[smem:$0x3FB4] =	sst s0;
	s0 =	simm.s32 @!p2 $0x0  }
0x16: {  	s3 =	sld [smem:$0x3FDB];
	s0 =	simm.s32 @p2 $0x1  }
0x17: {  	s4 =	simm.s32 $0x1BF5;
	[smem:$0x3FB6] =	sst s0  }
0x18: {  	s0 =	sld [smem:$0x3F99];
	_ =	swait.ge [sflag:s4], $0x0  }
0x19: {  	s7 =	sld [smem:$0x3F9A]  }
0x1a: {  	s8 =	sadd.s32 $0xFFFFE003, lr  }
0x1b: {  	s9 =	sadd.s32 $0xFFFFFEF7, lr;
	s5 =	simm.s32 $0xFFFFFFFF;
	p2 =	slt.u32 s8, $0xFFFFF086  }
0x1c: {  	p1 =	slt.u32 s9, $0xF7A;
	s5 =	simm.s32 @!p2 $0x0  }
0x1d: {  	s5 =	simm.s32 @p1 $0x1;
	p0 =	seq.s32 s7, s2  }
0x1e: {  	s7 =	smul.u32 @!p0 $0xF7A, s2;
	p2 =	seq.s32 @!p0 s5, $0x0  }
0x1f: {  	s9 =	smul.u32 $0xF7A, s1;
	s8 =	simm.s32 @!p0 $0x1BF5;
	p2 =	por !p2, p0  }
0x20: {  	[sflag:s8] =	ssyncset.s32 @!p0 $0xFFFFF086;
	s6 =	sadd.s32 @!p0 s3, s7;
	s7 =	simm.s32 @!p0 $0x108  }
0x21: {  	s3 =	sadd.s32 s3, s9;
	s6 =	sadd.s32 @!p0 $0x88, s6;
	s7 =	simm.s32 @p2 $0x1082  }
0x22: {  	[simem:s7], [sflag:s8] =	dma.local @!p0 [hbm:s6], $0xF7A  }
0x23: {  	s9 =	sor.u32 $0xD0000000, s2;
	s6 =	simm.s32 $0x108;
	_ =	swait.ge @!p0 [sflag:s8], $0x0  }
0x24: {  	s3 =	sadd.s32 $0x88, s3;
	s6 =	simm.s32 @!p1 $0x1082;
	[sflag:s4] =	ssyncset.s32 $0xFFFFF086  }
0x25: {  	[simem:s6], [sflag:s4] =	dma.local [hbm:s3], $0xF7A  }
0x26: {  	[smem:$0x3F9A] =	sst s1;
	(tag) =	ssettag s2;
	_ =	strace s9  }
0x27: {  	s1 =	sld [smem:$0x3FAA]  }
0x28: {  	s2 =	sld [smem:$0x3FAB]  }
0x29: {  	s4 =	sld [smem:$0x3FAD]  }
0x2a: {  	p0 =	seq.s32 s5, $0x0;
	s5 =	sld [smem:$0x3FAE]  }
0x2b: {  	s6 =	sld [smem:$0x3FAF]  }
0x2c: {  	s7 =	sld [smem:$0x3FB0]  }
0x2d: {  	s3 =	simm.s32 $0x108;
	s8 =	sld [smem:$0x3FB1]  }
0x2e: {  	s3 =	simm.s32 @!p0 $0x1082;
	s9 =	sld [smem:$0x3FB2]  }
0x2f: {  	lr =	sadd.s32 s0, s3;
	s0 =	sld [smem:$0x3FA9]  }
0x30: {  	s3 =	sld [smem:$0x3FAC]  }
0x31: {  	[smem:$0x3FB5] =	sst s10  }
0x32: {  	s10 =	sld [smem:$0x3FB3];
	_ =	sdelay $0x3  }
0x33: {  	p0 =	seq.s32 s10, $0x1;
	s10 =	sld [smem:$0x3FB5];
	_ =	sdelay $0x3  }
0x34: {  	[smem:$0x3FB5] =	sst s10  }
0x35: {  	s10 =	sld [smem:$0x3FB4];
	_ =	sdelay $0x3  }
0x36: {  	p1 =	seq.s32 s10, $0x1;
	s10 =	sld [smem:$0x3FB5];
	_ =	sdelay $0x3  }
0x37: {  	[smem:$0x3FB5] =	sst s10  }
0x38: {  	s10 =	sld [smem:$0x3FB6]  }
0x39: {  	_ = 	snop;
	(pc) =	sbr.ind lr, $3  }
0x3a: {  	_ = 	snop  }
0x3b: {  	_ = 	snop  }
0x3c: {  	p2 =	seq.s32 s10, $0x1;
	s10 =	sld [smem:$0x3FB5]  }
0x3d: {  	_ =	shalt  }
0x3e: {  	_ =	shalt  }
0x3f: {  	_ =	shalt  }
0x40: {  	_ =	shalt  }
0x41: {  	_ =	shalt  }
0x42: {  	_ =	shalt  }
0x43: {  	_ =	shalt  }
0x44: {  	_ =	shalt  }
0x45: {  	_ =	shalt  }
0x46: {  	_ =	shalt  }
0x47: {  	_ =	shalt  }
0x48: {  	_ =	shalt  }
0x49: {  	_ =	shalt  }
0x4a: {  	_ =	shalt  }
0x4b: {  	_ =	shalt  }
0x4c: {  	_ =	shalt  }
0x4d: {  	_ =	shalt  }
0x4e: {  	_ =	shalt  }
0x4f: {  	_ =	shalt  }
0x50: {  	_ =	shalt  }
0x51: {  	_ =	shalt  }
0x52: {  	_ =	shalt  }
0x53: {  	_ =	shalt  }
0x54: {  	_ =	shalt  }
0x55: {  	_ =	shalt  }
0x56: {  	_ =	shalt  }
0x57: {  	_ =	shalt  }
0x58: {  	_ =	shalt  }
0x59: {  	_ =	shalt  }
0x5a: {  	_ =	shalt  }
0x5b: {  	_ =	shalt  }
0x5c: {  	_ =	shalt  }
0x5d: {  	_ =	shalt  }
0x5e: {  	_ =	shalt  }
0x5f: {  	_ =	shalt  }
0x60: {  	_ =	shalt  }
0x61: {  	_ =	shalt  }
0x62: {  	_ =	shalt  }
0x63: {  	_ =	shalt  }
0x64: {  	_ =	shalt  }
0x65: {  	_ =	shalt  }
0x66: {  	_ =	shalt  }
0x67: {  	_ =	shalt  }
0x68: {  	_ =	shalt  }
0x69: {  	_ =	shalt  }
0x6a: {  	_ =	shalt  }
0x6b: {  	_ =	shalt  }
0x6c: {  	_ =	shalt  }
0x6d: {  	_ =	shalt  }
0x6e: {  	_ =	shalt  }
0x6f: {  	_ =	shalt  }
0x70: {  	_ =	shalt  }
0x71: {  	_ =	shalt  }
0x72: {  	_ =	shalt  }
0x73: {  	_ =	shalt  }
0x74: {  	_ =	shalt  }
0x75: {  	_ =	shalt  }
0x76: {  	_ =	shalt  }
0x77: {  	_ =	shalt  }
0x78: {  	_ =	shalt  }
0x79: {  	_ =	shalt  }
0x7a: {  	_ =	shalt  }
0x7b: {  	_ =	shalt  }
0x7c: {  	_ =	shalt  }
0x7d: {  	_ =	shalt  }
0x7e: {  	_ =	shalt  }
0x7f: {  	_ =	shalt  }
0x80: {  	_ =	shalt  }
0x81: {  	_ =	shalt  }
0x82: {  	_ =	shalt  }
0x83: {  	_ =	shalt  }
0x84: {  	_ =	shalt  }
0x85: {  	_ =	shalt  }
0x86: {  	_ =	shalt  }
0x87: {  	_ =	shalt  }
.Lfunc_end0:
.L_simem_size_0:
called_computation_lowered:
.L_overlay_start_0:
0x88: {  	s2 =	sld [smem:$0x3FD9]  }
0x89: {  	s3 =	sld [smem:$0x3FFE];
	_ =	sdelay $0x1  }
0x8a: {  	s1 =	srdreg.scid  }
0x8b: {  	s0 =	sand.u32 $0x1, s1  }
0x8c: {  	s17 =	sshll.u32 s0, $0xA;
	s2 =	sadd.s32 s3, s2  }
0x8d: {  	s2 =	sadd.s32 s2, s17  }
0x8e: {  	[smem:$0x3FC1] =	sst s2  }
0x8f: {  	_ = 	snop  }
0x90: {  	s2 =	sld [smem:$0x3FD0];
	(tm) =	ssettm $0x1  }
0x91: {  	s18 =	sld [smem:$0x3FFB];
	_ =	sdelay $0x3  }
0x92: {  	_ =	strace s18  }
0x93: {  	s3 =	sld [smem:$0x3FFC];
	_ =	sdelay $0x3  }
0x94: {  	_ =	strace s3  }
0x95: {  	s3 =	sld [smem:$0x3FFD];
	_ =	sdelay $0x3  }
0x96: {  	_ =	strace s3  }
0x97: {  	_ =	strace $0x8FFFFFFF  }
0x98: {  	s19 =	sld [smem:$0x3FDB];
	_ =	sdelay $0x1  }
0x99: {  	s4 =	simm.s32 $_scs_section_size  }
0x9a: {  	s5 =	simm.s32 $_size__tile_overlayer_lowered;
	s6 =	simm.s32 $_tile_overlayer_lowered  }
0x9b: {  	s22 =	simm.s32 $0x1BFF;
	s21 =	sshll.u32 s6, $0x1;
	s3 =	sadd.s32 s4, s19  }
0x9c: {  	s7 =	simm.s32 $0x0;
	s20 =	sshll.u32 s5, $0x1;
	s5 =	sadd.s32 s21, s3  }
0x9d: {  	[timem:s7], [sflag:s22] =	dma.local [hbm:s5], s20  }
0x9e: {  	_ =	swait.ge [sflag:s22], s20  }
0x9f: {  	s4 =	ssub.s32 $0x0, s20;
	[sflag:s22] =	ssyncset.done $0x0  }
0xa0: {  	[sflag:s22] =	ssyncadd.s32 s4;
	_ =	sdelay $0x1  }
0xa1: {  	s23 =	simm.s32 $0x1B8B  }
0xa2: {  	_ =	swait.ge [sflag:s23], $0x1  }
0xa3: {  	[sflag:s23] =	ssyncset.done $0x0  }
0xa4: {  	s25 =	simm.s32 $0x1B8E;
	s24 =	sld [smem:$0x3FFE];
	[sflag:s23] =	ssyncadd.s32 $0xFFFFFFFF  }
0xa5: {  	s26 =	simm.s32 $execute0_lowered;
	[smem:$0x3FD2] =	sst s25  }
0xa6: {  	s5 =	sshll.u32 s26, $0x1;
	_ =	strace $0x80000046;
	[dreg:$0x1] =	wrdreg $0xFFFFFFFF  }
0xa7: {  	s28 =	simm.s32 $_size_execute0_lowered;
	s3 =	sadd.s32 s3, s5;
	[dreg:$0x0] =	wrdreg $0x0  }
0xa8: {  	s5 =	sshll.u32 s28, $0x1;
	[dreg:$0x2] =	wrdreg s3  }
0xa9: {  	[dreg:$0x3] =	wrdreg s5  }
0xaa: {  	[dreg:$0x4] =	wrdreg $0xC0  }
0xab: {  	_ =	task [dreg:s7], $0x5FFFF  }
0xac: {  	[dreg:$0x1] =	wrdreg $0xFFFFFFFF  }
0xad: {  	[dreg:$0x0] =	wrdreg $0x60  }
0xae: {  	[dreg:$0x2] =	wrdreg s2  }
0xaf: {  	[dreg:$0x3] =	wrdreg s24  }
0xb0: {  	[dreg:$0x4] =	wrdreg $0x0  }
0xb1: {  	[dreg:$0x5] =	wrdreg $0x9  }
0xb2: {  	_ =	task.clear_ibuf [dreg:s7], $0x6FFFF;
	_ =	strace $0x90000046  }
0xb3: {  	s29 =	simm.s32 $0x9;
	_ =	strace $0x80000048  }
0xb4: {  	_ =	swait.ge [sflag:s29], $0x1  }
0xb5: {  	[sflag:s29] =	ssyncadd.s32 $0xFFFFFFFF  }
0xb6: {  	_ =	strace $0x90000048  }
0xb7: {  	_ =	sfence  }
0xb8: {  	s30 =	sld [smem:$0x0];
	_ =	sdelay $0x2  }
0xb9: {  	s31 =	sshll.u32 s1, $0xD;
	s1 =	sshrl.u32 s1, $0x2  }
0xba: {  	s3 =	sand.u32 $0x4000, s31;
	s1 =	sadd.s32 s1, s30  }
0xbb: {  	s0 =	sor.u32 s3, s0;
	s1 =	sshll.u32 s1, $0x11  }
0xbc: {  	s0 =	sor.u32 s1, s0  }
0xbd: {  	s0 =	sadd.s32 $0x8F2B, s0  }
0xbe: {  	[sflag:s0] =	ssyncadd.remote.s32 $0x1  }
0xbf: {  	_ =	sfence.sel $0xFFFF  }
0xc0: {  	[dreg:$0x0] =	wrdreg $0xFFFFFFFF;
	(pc) =	sbr.abs _section_cstart, $3  }
0xc1: {  	[dreg:$0x1] =	wrdreg $0xFFFFFFFF  }
0xc2: {  	_ =	task.clear_ibuf [dreg:s7], $0x2FFFF;
	_ =	strace $0x9FFFFFFF  }
0xc3: {  	(tm) =	ssettm $0x7FFFFFFF  }
tec
execute0_lowered:
.L_overlay_start_1:
0x0: {  	(tag) =	ssettag $0x1  }
0x1: {  	s1 =	rddreg [dreg:$0x0]  }
0x2: {  	s0 =	rddreg [dreg:$0x1]  }
0x3: {  	s3 =	rddreg [dreg:$0x2]  }
0x4: {  	s2 =	srdreg.scid;
	s4 =	simm.s32 $0x0;
	s5 =	stileid.u32  }
0x5: {  	s29 =	simm.s32 $0x13A80;
	s30 =	simm.s32 $0x13B80;
	s31 =	simm.s32 $0x1  }
0x6: {  	s28 =	simm.s32 $0x0;
	s2 =	sand.u32 $0x1, s2;
	s7 =	smul.u32 $0x13800, s5  }
0x7: {  	[smem:$0x7FF] =	sst s4;
	s14 =	sadd.s32 $0x3000, s0;
	s10 =	smul.u32 $0x4E000, s5  }
0x8: {  	s13 =	sadd.s32 $0x3DE00, s0;
	s23 =	sshll.u32 s5, $0x6;
	s24 =	sadd.s32 $0x138000, s3  }
0x9: {  	s15 =	smul.u32 $0x4E00, s5;
	p0 =	sne.s32 s5, $0xF;
	s6 =	sshll.u32 s2, $0x4  }
0xa: {  	_ =	strace $0x80000047;
	s11 =	ssub.s32 $0x2, s2;
	s26 =	smul.u32 $0x138800, s2  }
0xb: {  	s19 =	sor.u32 $0x1C0D, s23;
	[dreg:$0x7] =	wrdreg s24;
	s2 =	smul.u32 $0x4E000, s2  }
0xc: {  	s6 =	sor.u32 s5, s6;
	s9 =	sshrl.u32 s7, $0x3;
	s12 =	sshrl.u32 s11, $0x1  }
0xd: {  	s10 =	sshrl.u32 s10, $0x2;
	[dreg:$0x6] =	wrdreg s19;
	s8 =	sshll.u32 s6, $0x5  }
0xe: {  	s9 =	sadd.s32 s9, s0;
	s6 =	smul.u32 $0x4E00, s6;
	s11 =	ssub.s32 s11, s12  }
0xf: {  	s10 =	sadd.s32 s10, s3;
	s12 =	sadd.s32 s7, s26;
	s16 =	sadd.s32 s15, s2  }
0x10: {  	s15 =	simm.s32 $0x8;
	s8 =	sadd.s32 s8, s0;
	[dreg:$0x4] =	wrdreg s10  }
0x11: {  	s9 =	sadd.s32 $0x16C00, s9;
	s0 =	sadd.s32 $0x3DC00, s0;
	s17 =	smax.u32 s11, $0x1  }
0x12: {  	s18 =	sadd.s32 $0x900, s16;
	s20 =	sadd.s32 $0x800, s16;
	s7 =	sadd.s32 $0x700, s16  }
0x13: {  	s23 =	sadd.s32 $0x500, s16;
	s24 =	sadd.s32 $0x400, s16;
	[dreg:$0x5] =	wrdreg s9  }
0x14: {  	s11 =	simm.s32 $0xC;
	s6 =	sshrl.u32 s6, $0x3;
	[dreg:$0x9] =	wrdreg s0  }
0x15: {  	s0 =	sshrl.u32 s26, $0x3;
	s8 =	sadd.s32 $0x16800, s8;
	[dreg:$0x10] =	wrdreg s17  }
0x16: {  	s2 =	sshrl.u32 s18, $0x3;
	s22 =	sshrl.u32 s7, $0x3;
	s26 =	sshrl.u32 s24, $0x3  }
0x17: {  	s7 =	simm.s32 $0x17F80;
	s6 =	sadd.s32 s14, s6;
	[dreg:$0xd] =	wrdreg s8  }
0x18: {  	s9 =	simm.s32 $0x7;
	s2 =	sadd.s32 s2, s14;
	[dreg:$0x8] =	wrdreg s6  }
0x19: {  	s17 =	simm.s32 $0xA;
	s25 =	sadd.s32 $0x20, s6;
	[dreg:$0x11] =	wrdreg s2  }
0x1a: {  	s18 =	simm.s32 $0x13D80;
	s10 =	sadd.s32 $0x40, s6;
	[dreg:$0xa] =	wrdreg s25  }
0x1b: {  	s0 =	sadd.s32 s13, s0;
	s6 =	sadd.s32 $0x60, s6;
	[dreg:$0xb] =	wrdreg s10  }
0x1c: {  	s24 =	sadd.s32 s26, s14;
	s0 =	sadd.s32 $0x27000, s0;
	[dreg:$0xc] =	wrdreg s6  }
0x1d: {  	s26 =	simm.s32 $0x5;
	s2 =	sadd.s32 s22, s14;
	[dreg:$0xf] =	wrdreg s0  }
0x1e: {  	s22 =	simm.s32 $0x9;
	s6 =	sshrl.u32 s12, $0x3;
	[dreg:$0x13] =	wrdreg s2  }
0x1f: {  	s0 =	sadd.s32 $0x600, s16;
	s25 =	sshrl.u32 s23, $0x3;
	s2 =	simm.s32 $0x13F80  }
0x20: {  	s12 =	simm.s32 $0x13C80;
	s10 =	simm.s32 $0x4;
	s16 =	simm.s32 $0x6  }
.Ltmp0:
0x21: {  	s6 =	sadd.s32 s13, s6;
	[dreg:$0x14] =	wrdreg s0;
	(pc) =	sbr.rel .LBB2_1-.Ltmp0, $4  }
0x22: {  	s23 =	sadd.s32 s25, s14;
	s0 =	simm.s32 $0x80;
	s13 =	simm.s32 $0x3  }
0x23: {  	s25 =	simm.s32 $0xB;
	[dreg:$0xe] =	wrdreg s6;
	s6 =	sshrl.u32 s20, $0x3  }
0x24: {  	s20 =	simm.s32 $0xD;
	s21 =	sadd.s32 s6, s14;
	s6 =	simm.s32 $0x2  }
0x25: {  	[dreg:$0x12] =	wrdreg s21;
	s21 =	smov.u32 s14;
	s14 =	simm.s32 $0x1BF80  }
.LBB2_4:
0x26: {  	_ =	swait.ge [sflag:s22], $0x4000  }
0x27: {  	[sflag:s22] =	ssyncset.done $0x0  }
0x28: {  	s5 =	simm.s32 $0x13E00;
	[sflag:s22] =	ssyncadd.s32 $0xFFFFC000  }
0x29: {  	[spmem:s3] =	stream.indirect.scatter.add.f32 [tilespmem:s14], [sflag:$0xC], $0x80, s5, s0, $0xb8;
	[tilespmem:$0x1FF80] =	vst v63  }
0x2a: {  	_ =	swait.ge [sflag:s25], $0x4000  }
0x2b: {  	[sflag:s25] =	ssyncset.done $0x0  }
0x2c: {  	[sflag:s25] =	ssyncadd.s32 $0xFFFFC000  }
0x2d: {  	_ =	swait.ge [sflag:s11], $0x4000  }
0x2e: {  	[sflag:s11] =	ssyncset.done $0x0  }
0x2f: {  	s8 =	simm.s32 $0x13E80;
	s20 =	rddreg [dreg:$0xd];
	[sflag:s11] =	ssyncadd.s32 $0xFFFFC000  }
0x30: {  	[tilespmem:s8], [sflag:$0xD] =	stream.linear.gather [hbm4b:s20+s4], $0x100, $0x38;
	[tilespmem:$0x1FF80] =	vst v63  }
0x31: {  	s20 =	simm.s32 $0xD  }
0x32: {  	_ =	swait.ge [sflag:s20], $0x100  }
0x33: {  	[sflag:s20] =	ssyncset.done $0x0  }
0x34: {  	s5 =	simm.s32 $0x10;
	[sflag:s20] =	ssyncadd.s32 $0xFFFFFF00  }
0x35: {  	[tilespmem:s2], [sflag:$0x7] =	stream.indirect.gather [hbm4b:s1+s5], $0x80, s8, s5, $0xb8;
	[tilespmem:$0x1FF80] =	vst v63  }
0x36: {  	_ =	swait.ge [sflag:s9], $0x800  }
0x37: {  	[sflag:s9] =	ssyncset.done $0x0  }
0x38: {  	s19 =	simm.s32 $0x13F00;
	[sflag:s9] =	ssyncadd.s32 $0xFFFFF800  }
0x39: {  	[spmem:s3] =	stream.indirect.scatter.add.f32 [tilespmem:s2], [sflag:$0xD], $0x80, s19, s5, $0xb8;
	[tilespmem:$0x1FF80] =	vst v63  }
0x3a: {  	_ =	swait.ge [sflag:s20], $0x800  }
0x3b: {  	[sflag:s20] =	ssyncset.done $0x0  }
0x3c: {  	[sflag:s20] =	ssyncadd.s32 $0xFFFFF800  }
0x3d: {  	[bflag:$0x0] =	sbarrier.arrive $0xFFFF  }
0x3e: {  	s19 =	rddreg [dreg:$0x6]  }
0x3f: {  	s5 =	rddreg [dreg:$0xe]  }
0x40: {  	s8 =	rddreg [dreg:$0x16]  }
0x41: {  	[hbm:s5], [sflag:s19] =	dma.local [spmem:s8], $0x2700  }
0x42: {  	_ =	swait.ge [sflag:s20], $0x2700  }
0x43: {  	[sflag:s20] =	ssyncset.done $0x0;
	s5 =	rddreg [dreg:$0xf]  }
0x44: {  	s8 =	rddreg [dreg:$0x17];
	[sflag:s20] =	ssyncadd.s32 $0xFFFFD900  }
0x45: {  	[hbm:s5], [sflag:s19] =	dma.local @!p0 [spmem:s8], $0x100  }
0x46: {  	s5 =	simm.s32 @!p0 $0xD  }
0x47: {  	_ =	swait.ge @!p0 [sflag:s5], $0x100  }
0x48: {  	s28 =	rddreg [dreg:$0x15]  }
0x49: {  	s8 =	rddreg [dreg:$0x10];
	s28 =	sadd.s32 $0x1, s28  }
0x4a: {  	p1 =	sne.s32 s28, s8  }
.Ltmp1:
0x4b: {  	_ = 	snop;
	(pc) =	sbr.rel @!p1 .LBB2_5-.Ltmp1, $3  }
0x4c: {  	_ =	sdelay $0x1  }
0x4d: {  	[sflag:s5] =	ssyncset.done @!p0 $0x0  }
0x4e: {  	[sflag:s5] =	ssyncadd.s32 @!p0 $0xFFFFFF00  }
.LBB2_1:
0x4f: {  	[dreg:$0x15] =	wrdreg s28  }
0x50: {  	s5 =	rddreg [dreg:$0x4]  }
0x51: {  	s8 =	sshrl.u32 s5, $0x3;
	s5 =	rddreg [dreg:$0x5]  }
0x52: {  	[dreg:$0x16] =	wrdreg s8  }
0x53: {  	[spmem:s8], [sflag:s19] =	dma.local [hbm:s5], $0x2700  }
0x54: {  	_ =	swait.ge [sflag:s20], $0x2700  }
0x55: {  	s5 =	rddreg [dreg:$0x7]  }
0x56: {  	[sflag:s20] =	ssyncset.done $0x0;
	s8 =	sshrl.u32 @!p0 s5, $0x3;
	s5 =	rddreg [dreg:$0x9]  }
0x57: {  	[sflag:s20] =	ssyncadd.s32 $0xFFFFD900;
	[dreg:$0x17] =	wrdreg s8  }
0x58: {  	[spmem:s8], [sflag:s19] =	dma.local @!p0 [hbm:s5], $0x100  }
0x59: {  	s8 =	simm.s32 @!p0 $0xD  }
0x5a: {  	_ =	swait.ge @!p0 [sflag:s8], $0x100  }
0x5b: {  	[sflag:s8] =	ssyncset.done @!p0 $0x0  }
0x5c: {  	[sflag:s8] =	ssyncadd.s32 @!p0 $0xFFFFFF00  }
0x5d: {  	[bflag:$0x0] =	sbarrier.arrive $0xFFFF  }
0x5e: {  	s8 =	simm.s32 $0x13880;
	s19 =	rddreg [dreg:$0x8]  }
0x5f: {  	[tilespmem:s8], [sflag:$0x1] =	stream.linear.gather [hbm4b:s19+s4], $0x100, $0x38;
	[tilespmem:$0x1FF80] =	vst v63  }
0x60: {  	s20 =	rddreg [dreg:$0xa];
	s19 =	simm.s32 $0x13980  }
0x61: {  	[tilespmem:s19], [sflag:$0x2] =	stream.linear.gather [hbm4b:s20+s4], $0x100, $0x38;
	[tilespmem:$0x1FF80] =	vst v63  }
0x62: {  	s20 =	rddreg [dreg:$0xb]  }
0x63: {  	[tilespmem:s29], [sflag:$0x3] =	stream.linear.gather [hbm4b:s20+s4], $0x100, $0x38;
	[tilespmem:$0x1FF80] =	vst v63  }
0x64: {  	s20 =	rddreg [dreg:$0xc]  }
0x65: {  	[tilespmem:s30], [sflag:$0x4] =	stream.linear.gather [hbm4b:s20+s4], $0x100, $0x38;
	[tilespmem:$0x1FF80] =	vst v63  }
0x66: {  	_ =	swait.ge [sflag:s31], $0x100  }
0x67: {  	[sflag:s31] =	ssyncset.done $0x0  }
0x68: {  	[sflag:s31] =	ssyncadd.s32 $0xFFFFFF00  }
0x69: {  	[tilespmem:s2], [sflag:$0x7] =	stream.indirect.gather [hbm4b:s1+s0], $0x80, s8, s0, $0xb8;
	[tilespmem:$0x1FF80] =	vst v63  }
0x6a: {  	_ =	swait.ge [sflag:s6], $0x100  }
0x6b: {  	[sflag:s6] =	ssyncset.done $0x0  }
0x6c: {  	s28 =	simm.s32 $0x0;
	s8 =	rddreg [dreg:$0x14];
	[sflag:s6] =	ssyncadd.s32 $0xFFFFFF00  }
0x6d: {  	[tilespmem:s7], [sflag:$0x8] =	stream.indirect.gather [hbm4b:s1+s0], $0x80, s19, s0, $0xb8;
	[tilespmem:$0x1FF80] =	vst v63  }
.LBB2_2:
0x6e: {  	_ =	swait.ge [sflag:s9], $0x4000  }
0x6f: {  	[sflag:s9] =	ssyncset.done $0x0  }
0x70: {  	s5 =	simm.s32 $0x13900;
	p1 =	seq.s32 s28, $0x0;
	[sflag:s9] =	ssyncadd.s32 $0xFFFFC000  }
0x71: {  	[spmem:s3] =	stream.indirect.scatter.add.f32 [tilespmem:s2], [sflag:$0xA], $0x80, s5, s0, $0xb8;
	[tilespmem:$0x1FF80] =	vst v63  }
0x72: {  	s5 =	simm.s32 @!p1 $0xC  }
0x73: {  	_ =	swait.ge @!p1 [sflag:s5], $0x4000  }
0x74: {  	[sflag:s5] =	ssyncset.done @!p1 $0x0  }
0x75: {  	s20 =	sadd.s32 s28, s24;
	[sflag:s5] =	ssyncadd.s32 @!p1 $0xFFFFC000  }
0x76: {  	[tilespmem:s12], [sflag:$0x5] =	stream.linear.gather [hbm4b:s20+s4], $0x100, $0x38;
	[tilespmem:$0x1FF80] =	vst v63  }
0x77: {  	_ =	swait.ge [sflag:s13], $0x100  }
0x78: {  	[sflag:s13] =	ssyncset.done $0x0  }
0x79: {  	[sflag:s13] =	ssyncadd.s32 $0xFFFFFF00  }
0x7a: {  	[tilespmem:s14], [sflag:$0x9] =	stream.indirect.gather [hbm4b:s1+s0], $0x80, s29, s0, $0xb8;
	[tilespmem:$0x1FF80] =	vst v63  }
0x7b: {  	_ =	swait.ge [sflag:s15], $0x4000  }
0x7c: {  	[sflag:s15] =	ssyncset.done $0x0  }
0x7d: {  	s19 =	simm.s32 $0x13A00;
	[sflag:s15] =	ssyncadd.s32 $0xFFFFC000  }
0x7e: {  	[spmem:s3] =	stream.indirect.scatter.add.f32 [tilespmem:s7], [sflag:$0xB], $0x80, s19, s0, $0xb8;
	[tilespmem:$0x1FF80] =	vst v63  }
0x7f: {  	_ =	swait.ge [sflag:s17], $0x4000  }
0x80: {  	[sflag:s17] =	ssyncset.done $0x0  }
0x81: {  	s20 =	sadd.s32 s28, s23;
	[sflag:s17] =	ssyncadd.s32 $0xFFFFC000  }
0x82: {  	[tilespmem:s18], [sflag:$0x6] =	stream.linear.gather [hbm4b:s20+s4], $0x100, $0x38;
	[tilespmem:$0x1FF80] =	vst v63  }
0x83: {  	_ =	swait.ge [sflag:s10], $0x100  }
0x84: {  	[sflag:s10] =	ssyncset.done $0x0  }
0x85: {  	[sflag:s10] =	ssyncadd.s32 $0xFFFFFF00  }
0x86: {  	[tilespmem:s2], [sflag:$0x7] =	stream.indirect.gather [hbm4b:s1+s0], $0x80, s30, s0, $0xb8;
	[tilespmem:$0x1FF80] =	vst v63  }
0x87: {  	_ =	swait.ge [sflag:s22], $0x4000  }
0x88: {  	[sflag:s22] =	ssyncset.done $0x0  }
0x89: {  	p1 =	seq.s32 s28, $0x900;
	s19 =	simm.s32 $0x13B00;
	[sflag:s22] =	ssyncadd.s32 $0xFFFFC000  }
0x8a: {  	[spmem:s3] =	stream.indirect.scatter.add.f32 [tilespmem:s14], [sflag:$0xC], $0x80, s19, s0, $0xb8;
	[tilespmem:$0x1FF80] =	vst v63  }
0x8b: {  	s5 =	sshrl.u32 @!p1 s8, $0x3;
	_ =	swait.ge [sflag:s25], $0x4000  }
0x8c: {  	s5 =	sadd.s32 @!p1 s21, s5;
	[sflag:s25] =	ssyncset.done $0x0  }
0x8d: {  	s20 =	simm.s32 @!p1 $0x13880;
	s19 =	simm.s32 @!p1 $0x0;
	[sflag:s25] =	ssyncadd.s32 $0xFFFFC000  }
0x8e: {  	[tilespmem:s20], [sflag:$0x1] =	stream.linear.gather @!p1 [hbm4b:s5+s19], $0x100, $0x38;
	[tilespmem:$0x1FF80] =	vst v63  }
0x8f: {  	_ =	swait.ge [sflag:s26], $0x100  }
0x90: {  	[sflag:s26] =	ssyncset.done $0x0  }
0x91: {  	[sflag:s26] =	ssyncadd.s32 $0xFFFFFF00  }
0x92: {  	[tilespmem:s7], [sflag:$0x8] =	stream.indirect.gather [hbm4b:s1+s0], $0x80, s12, s0, $0xb8;
	[tilespmem:$0x1FF80] =	vst v63  }
0x93: {  	_ =	swait.ge [sflag:s9], $0x4000  }
0x94: {  	[sflag:s9] =	ssyncset.done $0x0  }
0x95: {  	s20 =	simm.s32 $0x13C00;
	[sflag:s9] =	ssyncadd.s32 $0xFFFFC000  }
0x96: {  	[spmem:s3] =	stream.indirect.scatter.add.f32 [tilespmem:s2], [sflag:$0xA], $0x80, s20, s0, $0xb8;
	[tilespmem:$0x1FF80] =	vst v63  }
0x97: {  	_ =	swait.ge [sflag:s11], $0x4000  }
0x98: {  	[sflag:s11] =	ssyncset.done $0x0;
	s5 =	rddreg [dreg:$0x13]  }
0x99: {  	s20 =	simm.s32 @!p1 $0x13980;
	[sflag:s11] =	ssyncadd.s32 $0xFFFFC000;
	s5 =	sadd.s32 @!p1 s28, s5  }
0x9a: {  	[tilespmem:s20], [sflag:$0x2] =	stream.linear.gather @!p1 [hbm4b:s5+s19], $0x100, $0x38;
	[tilespmem:$0x1FF80] =	vst v63  }
0x9b: {  	_ =	swait.ge [sflag:s16], $0x100  }
0x9c: {  	[sflag:s16] =	ssyncset.done $0x0  }
0x9d: {  	[sflag:s16] =	ssyncadd.s32 $0xFFFFFF00  }
0x9e: {  	[tilespmem:s14], [sflag:$0x9] =	stream.indirect.gather [hbm4b:s1+s0], $0x80, s18, s0, $0xb8;
	[tilespmem:$0x1FF80] =	vst v63  }
0x9f: {  	_ =	swait.ge [sflag:s15], $0x4000  }
0xa0: {  	[sflag:s15] =	ssyncset.done $0x0  }
.Ltmp2:
0xa1: {  	s20 =	simm.s32 $0x13D00;
	[sflag:s15] =	ssyncadd.s32 $0xFFFFC000;
	(pc) =	sbr.rel @p1 .LBB2_4-.Ltmp2, $4  }
0xa2: {  	[spmem:s3] =	stream.indirect.scatter.add.f32 [tilespmem:s7], [sflag:$0xB], $0x80, s20, s0, $0xb8;
	[tilespmem:$0x1FF80] =	vst v63  }
0xa3: {  	_ =	swait.ge [sflag:s17], $0x4000  }
0xa4: {  	[sflag:s17] =	ssyncset.done $0x0  }
0xa5: {  	[sflag:s17] =	ssyncadd.s32 $0xFFFFC000  }
0xa6: {  	s5 =	rddreg [dreg:$0x12]  }
0xa7: {  	s5 =	sadd.s32 s28, s5  }
0xa8: {  	[tilespmem:s29], [sflag:$0x3] =	stream.linear.gather [hbm4b:s5+s4], $0x100, $0x38;
	[tilespmem:$0x1FF80] =	vst v63  }
0xa9: {  	_ =	swait.ge [sflag:s31], $0x100  }
0xaa: {  	[sflag:s31] =	ssyncset.done $0x0  }
0xab: {  	s19 =	simm.s32 $0x13880;
	[sflag:s31] =	ssyncadd.s32 $0xFFFFFF00  }
0xac: {  	[tilespmem:s2], [sflag:$0x7] =	stream.indirect.gather [hbm4b:s1+s0], $0x80, s19, s0, $0xb8;
	[tilespmem:$0x1FF80] =	vst v63  }
0xad: {  	_ =	swait.ge [sflag:s22], $0x4000  }
0xae: {  	[sflag:s22] =	ssyncset.done $0x0  }
0xaf: {  	s20 =	simm.s32 $0x13E00;
	[sflag:s22] =	ssyncadd.s32 $0xFFFFC000  }
0xb0: {  	[spmem:s3] =	stream.indirect.scatter.add.f32 [tilespmem:s14], [sflag:$0xC], $0x80, s20, s0, $0xb8;
	[tilespmem:$0x1FF80] =	vst v63  }
0xb1: {  	_ =	swait.ge [sflag:s25], $0x4000  }
0xb2: {  	[sflag:s25] =	ssyncset.done $0x0;
	s19 =	rddreg [dreg:$0x11]  }
0xb3: {  	[sflag:s25] =	ssyncadd.s32 $0xFFFFC000;
	s5 =	sadd.s32 s28, s19  }
0xb4: {  	[tilespmem:s30], [sflag:$0x4] =	stream.linear.gather [hbm4b:s5+s4], $0x100, $0x38;
	[tilespmem:$0x1FF80] =	vst v63  }
.Ltmp3:
0xb5: {  	_ = 	snop;
	(pc) =	sbr.rel .LBB2_2-.Ltmp3, $4  }
0xb6: {  	_ =	swait.ge [sflag:s6], $0x100  }
0xb7: {  	s8 =	sadd.s32 $0x600, s8;
	[sflag:s6] =	ssyncset.done $0x0  }
0xb8: {  	s20 =	simm.s32 $0x13980;
	s28 =	sadd.s32 $0xC0, s28;
	[sflag:s6] =	ssyncadd.s32 $0xFFFFFF00  }
0xb9: {  	[tilespmem:s7], [sflag:$0x8] =	stream.indirect.gather [hbm4b:s1+s0], $0x80, s20, s0, $0xb8;
	[tilespmem:$0x1FF80] =	vst v63  }
.LBB2_5:
0xba: {  	_ =	sfence.sel $0x180000  }
0xbb: {  	[bflag:$0x0] =	sbarrier.arrive $0xFFFF  }
0xbc: {  	_ =	strace $0x90000047  }
0xbd: {  	s0 =	stileid.u32;
	[bflag:$0x2] =	sbarrier.arrive $0xFFFF  }
0xbe: {  	p0 =	sne.s32 s0, $0x0;
	s0 =	rddreg [dreg:$0x3]  }
0xbf: {  	s0 =	sadd.s32 @!p0 $0x100000, s0  }
0xc0: {  	[sflag:s0] =	ssyncadd.tile.s32 @!p0 $0x1;
	_ =	shalt  }
.Lfunc_end2:
_tile_overlayer_lowered:
.L_overlay_start_2:
0xc1: {  	(tag) =	ssettag $0x2  }
0xc2: {  	s0 =	rddreg [dreg:$0x0];
	s2 =	stileid.u32  }
0xc3: {  	s1 =	rddreg [dreg:$0x1];
	p0 =	sne.s32 s2, $0x0  }
0xc4: {  	s3 =	rddreg [dreg:$0x2];
	[bflag:$0x3] =	sbarrier.arrive $0xFFFF;
	s2 =	simm.s32 @!p0 $0x1C0D  }
0xc5: {  	[timem:s3], [sflag:s2] =	dma.local @!p0 [hbm:s0], s1  }
0xc6: {  	s0 =	simm.s32 @!p0 $0xD  }
0xc7: {  	_ =	swait.ge @!p0 [sflag:s0], s1  }
0xc8: {  	s1 =	ssub.s32 @!p0 $0x0, s1;
	[sflag:s0] =	ssyncset.done @!p0 $0x0  }
0xc9: {  	[sflag:s0] =	ssyncadd.s32 @!p0 s1  }
0xca: {  	[bflag:$0x3] =	sbarrier.arrive $0xFFFF  }
0xcb: {  	_ =	shalt  }

</sc_bundles>
